<compile_context>
chip_gen: v7x
topology: tpu7x:2x2x1
jax: 0.10.2.dev20260603
libtpu: 0.0.44.dev20260713+nightly
codegen_flags: <defaults>
</compile_context>

<pallas_src>
import functools

import jax
import jax.numpy as jnp
from jax import lax
from jax.experimental import pallas as pl
from jax.experimental.pallas import tpu as pltpu
from jax.experimental.pallas import tpu_sc as plsc

_N = 10000
_E = 320000
_D = 128

_NC = 2
_NS = 16
_NW = _NC * _NS
_CH_SUB = 128
_PER_BLOCK = 10
_BLOCKS = 8
_EW = _CH_SUB * _PER_BLOCK * _BLOCKS
_REAL_LAST_BLOCKS = 2
_E_PAD = _EW * _NW
_N_PAD = 10112
_ZROWS = _N_PAD // _NS

_BLK = 1000


def _sc_agg(de, with_cnt=False):
  mesh = plsc.VectorSubcoreMesh(core_axis_name="c", subcore_axis_name="s")

  out_type = jax.ShapeDtypeStruct((_NC, _N_PAD, de), jnp.float32)
  if with_cnt:
    out_type = [out_type,
                jax.ShapeDtypeStruct((_NC, _N_PAD, 16), jnp.float32)]
  scratch = [
      pltpu.VMEM((_CH_SUB, de), jnp.float32),
      pltpu.VMEM((_CH_SUB, de), jnp.float32),
      pltpu.VMEM((_PER_BLOCK, _CH_SUB), jnp.int32),
      pltpu.VMEM((_PER_BLOCK, _CH_SUB), jnp.int32),
      pltpu.VMEM_SHARED((_N_PAD, de), jnp.float32),
      pltpu.SemaphoreType.DMA,
      pltpu.SemaphoreType.DMA,
      pltpu.SemaphoreType.DMA,
      pltpu.SemaphoreType.DMA,
  ]
  if with_cnt:
    scratch += [pltpu.VMEM((_CH_SUB, 16), jnp.float32),
                pltpu.VMEM_SHARED((_N_PAD, 16), jnp.float32)]

  @functools.partial(
      pl.kernel,
      mesh=mesh,
      compiler_params=pltpu.CompilerParams(use_tc_tiling_on_sc=False),
      out_type=out_type,
      scratch_types=scratch,
  )
  def agg(table_h, edges_h, zeros_h, *rest):
    if with_cnt:
      (ones_h, zeros16_h, part_h, cnt_h, rows0, rows1, src_v, dst_v, acc,
       sem0, sem1, ssem0, ssem1, ones_v, cacc) = rest
    else:
      (part_h, rows0, rows1, src_v, dst_v, acc,
       sem0, sem1, ssem0, ssem1) = rest
    rows = [rows0, rows1]
    sems = [sem0, sem1]
    ssems = [ssem0, ssem1]
    c = lax.axis_index("c")
    s = lax.axis_index("s")
    wid = s * _NC + c

    pltpu.sync_copy(zeros_h.at[pl.ds(s * _ZROWS, _ZROWS)],
                    acc.at[pl.ds(s * _ZROWS, _ZROWS)])
    if with_cnt:
      pltpu.sync_copy(zeros16_h.at[pl.ds(s * _ZROWS, _ZROWS)],
                      cacc.at[pl.ds(s * _ZROWS, _ZROWS)])
      pltpu.sync_copy(ones_h, ones_v)
    plsc.subcore_barrier()

    nb = jnp.where(wid == _NW - 1, _REAL_LAST_BLOCKS, _BLOCKS)

    def body(b, carry):
      row = wid * _BLOCKS + b
      pltpu.sync_copy(edges_h.at[0, row], src_v)
      pltpu.sync_copy(edges_h.at[1, row], dst_v)
      g = [None, None]
      sc = [None, None]
      g[0] = pltpu.async_copy(table_h.at[src_v.at[0]], rows[0], sems[0])
      for d in range(_PER_BLOCK):
        p = d & 1
        if d + 1 < _PER_BLOCK:
          if sc[1 - p] is not None:
            sc[1 - p].wait()
          g[1 - p] = pltpu.async_copy(
              table_h.at[src_v.at[d + 1]], rows[1 - p], sems[1 - p])
        g[p].wait()
        sc[p] = pltpu.async_copy(rows[p], acc.at[dst_v.at[d]], ssems[p],
                                 add=True)
        if with_cnt:
          pltpu.sync_copy(ones_v, cacc.at[dst_v.at[d]], add=True)
      sc[0].wait()
      sc[1].wait()
      return carry

    lax.fori_loop(0, nb, body, 0)
    plsc.subcore_barrier()

    pltpu.sync_copy(acc.at[pl.ds(s * _ZROWS, _ZROWS)],
                    part_h.at[c, pl.ds(s * _ZROWS, _ZROWS)])
    if with_cnt:
      pltpu.sync_copy(cacc.at[pl.ds(s * _ZROWS, _ZROWS)],
                      cnt_h.at[c, pl.ds(s * _ZROWS, _ZROWS)])

  return agg


def _rep(shape):
  return pl.BlockSpec(shape, lambda i: tuple(0 for _ in shape))


def _combine1(p, cnt, x, wl, wr, brow):
  def body(p_ref, c_ref, x_ref, wl_ref, wr_ref, b_ref, h_ref, iv_ref):
    cmax = jnp.maximum(c_ref[0][:, :1] + c_ref[1][:, :1], 1.0)
    a = (p_ref[0] + p_ref[1]) / cmax
    h_ref[...] = jnp.maximum(
        jnp.dot(a, wl_ref[...], preferred_element_type=jnp.float32)
        + b_ref[...]
        + jnp.dot(x_ref[...], wr_ref[...],
                  preferred_element_type=jnp.float32), 0.0)
    iv_ref[...] = jnp.broadcast_to(1.0 / cmax, (cmax.shape[0], 16))

  return pl.pallas_call(
      body,
      grid=(_N // _BLK,),
      in_specs=[
          pl.BlockSpec((_NC, _BLK, _D), lambda i: (0, i, 0)),
          pl.BlockSpec((_NC, _BLK, 16), lambda i: (0, i, 0)),
          pl.BlockSpec((_BLK, _D), lambda i: (i, 0)),
          _rep(wl.shape), _rep(wr.shape), _rep(brow.shape),
      ],
      out_specs=[
          pl.BlockSpec((_BLK, _D), lambda i: (i, 0)),
          pl.BlockSpec((_BLK, 16), lambda i: (i, 0)),
      ],
      out_shape=[
          jax.ShapeDtypeStruct((_N, _D), jnp.float32),
          jax.ShapeDtypeStruct((_N, 16), jnp.float32),
      ],
  )(p, cnt, x, wl, wr, brow)


def _combine2(p, inv16, h1, wl, wr, brow, w3l, w3r, b3row):
  def body(p_ref, iv_ref, h1_ref, wl_ref, wr_ref, b_ref,
           w3l_ref, w3r_ref, b3_ref, t_ref, v_ref):
    a = (p_ref[0] + p_ref[1]) * iv_ref[...][:, :1]
    h2 = jnp.maximum(
        jnp.dot(a, wl_ref[...], preferred_element_type=jnp.float32)
        + b_ref[...]
        + jnp.dot(h1_ref[...], wr_ref[...],
                  preferred_element_type=jnp.float32), 0.0)
    t_ref[...] = jnp.dot(h2, w3l_ref[...],
                         preferred_element_type=jnp.float32,
                         precision=lax.Precision.HIGHEST)
    v_ref[...] = jnp.dot(h2, w3r_ref[...],
                         preferred_element_type=jnp.float32) + b3_ref[...]

  return pl.pallas_call(
      body,
      grid=(_N // _BLK,),
      in_specs=[
          pl.BlockSpec((_NC, _BLK, _D), lambda i: (0, i, 0)),
          pl.BlockSpec((_BLK, 16), lambda i: (i, 0)),
          pl.BlockSpec((_BLK, _D), lambda i: (i, 0)),
          _rep(wl.shape), _rep(wr.shape), _rep(brow.shape),
          _rep(w3l.shape), _rep(w3r.shape), _rep(b3row.shape),
      ],
      out_specs=[
          pl.BlockSpec((_BLK, 32), lambda i: (i, 0)),
          pl.BlockSpec((_BLK, 32), lambda i: (i, 0)),
      ],
      out_shape=[
          jax.ShapeDtypeStruct((_N, 32), jnp.float32),
          jax.ShapeDtypeStruct((_N, 32), jnp.float32),
      ],
  )(p, inv16, h1, wl, wr, brow, w3l, w3r, b3row)


def _dense_last(p, inv16, vprev, wrow, brow):
  din = vprev.shape[1]
  dpe = p.shape[2]

  def body(p_ref, iv_ref, vp_ref, w_ref, b_ref, o_ref):
    sall = p_ref[0] + p_ref[1]
    inv = iv_ref[...][:, :1]
    h = jnp.maximum(sall[:, :din] * inv + vp_ref[...], 0.0)
    hb = h.astype(jnp.bfloat16).astype(jnp.float32)
    wb = w_ref[...].astype(jnp.bfloat16).astype(jnp.float32)
    o_ref[...] = jnp.sum(hb * wb, axis=1, keepdims=True) + b_ref[...]

  return pl.pallas_call(
      body,
      grid=(_N // _BLK,),
      in_specs=[
          pl.BlockSpec((_NC, _BLK, dpe), lambda i: (0, i, 0)),
          pl.BlockSpec((_BLK, 16), lambda i: (i, 0)),
          pl.BlockSpec((_BLK, din), lambda i: (i, 0)),
          _rep(wrow.shape), _rep(brow.shape),
      ],
      out_specs=pl.BlockSpec((_BLK, 1), lambda i: (i, 0)),
      out_shape=jax.ShapeDtypeStruct((_N, 1), jnp.float32),
  )(p, inv16, vprev, wrow, brow)


def kernel(x, edge_index, W1l, b1, W1r, W2l, b2, W2r, W3l, b3, W3r, Wlin, blin):
  f32 = jnp.float32

  e4 = jnp.pad(edge_index, ((0, 0), (0, _E_PAD - _E))).reshape(
      2, _NW * _BLOCKS, _PER_BLOCK, _CH_SUB)
  zeros128 = jnp.zeros((_N_PAD, 128), f32)
  zeros16 = jnp.zeros((_N_PAD, 16), f32)
  zeros32 = jnp.zeros((_N_PAD, 32), f32)
  ones16 = jnp.ones((_CH_SUB, 16), f32)

  p1, cnt = _sc_agg(128, with_cnt=True)(x, e4, zeros128, ones16, zeros16)
  h1, inv16 = _combine1(p1, cnt, x, W1l.T, W1r.T, b1[None, :])
  p2 = _sc_agg(128)(h1, e4, zeros128)
  t3, v3 = _combine2(p2, inv16, h1, W2l.T, W2r.T, b2[None, :],
                     W3l.T, W3r.T, b3[None, :])
  p3 = _sc_agg(32)(t3, e4, zeros32)
  return _dense_last(p3, inv16, v3, Wlin, blin[None, :])

# --- scband reference (transcript-rebuilt; emitter-appended) ---
"""Pipeline reference for scband-graph-sage-566935683317 (READ-ONLY COPY).

The authoritative reference and input builder live on the scoring server;
editing this copy changes nothing except your own understanding.
"""

import jax, jax.numpy as jnp
import numpy as np

N = 10000
E = 320000
D = 128


def setup_inputs(seed: int = 0) -> dict:
    key = jax.random.key(seed)
    ks = jax.random.split(key, 13)
    x = jax.random.normal(ks[0], (N, D), dtype=jnp.float32)
    edge_index = jax.random.randint(ks[1], (2, E), 0, N, dtype=jnp.int32)
    s = 0.05
    W1l = jax.random.normal(ks[2], (128, D), dtype=jnp.float32) * s
    b1 = jnp.zeros((128,), dtype=jnp.float32)
    W1r = jax.random.normal(ks[3], (128, D), dtype=jnp.float32) * s
    W2l = jax.random.normal(ks[4], (128, 128), dtype=jnp.float32) * s
    b2 = jnp.zeros((128,), dtype=jnp.float32)
    W2r = jax.random.normal(ks[5], (128, 128), dtype=jnp.float32) * s
    W3l = jax.random.normal(ks[6], (32, 128), dtype=jnp.float32) * s
    b3 = jnp.zeros((32,), dtype=jnp.float32)
    W3r = jax.random.normal(ks[7], (32, 128), dtype=jnp.float32) * s
    Wlin = jax.random.normal(ks[8], (1, 32), dtype=jnp.float32) * s
    blin = jnp.zeros((1,), dtype=jnp.float32)
    return {"x": x, "edge_index": edge_index, "W1l": W1l, "b1": b1, "W1r": W1r,
            "W2l": W2l, "b2": b2, "W2r": W2r, "W3l": W3l, "b3": b3, "W3r": W3r,
            "Wlin": Wlin, "blin": blin}


def sage_conv(x, edge_index, Wl, bl, Wr):
    # PyG SAGEConv (mean aggregation): out = lin_l(mean_{j in N(i)} x_j) + lin_r(x_i)
    src = edge_index[0]
    dst = edge_index[1]
    msg = jnp.take(x, src, axis=0)
    agg = jax.ops.segment_sum(msg, dst, num_segments=x.shape[0])
    cnt = jax.ops.segment_sum(jnp.ones((edge_index.shape[1],), dtype=x.dtype), dst, num_segments=x.shape[0])
    agg = agg / jnp.maximum(cnt, 1.0)[:, None]
    return agg @ Wl.T + bl + x @ Wr.T


def reference(x, edge_index, W1l, b1, W1r, W2l, b2, W2r, W3l, b3, W3r, Wlin, blin):
    h = jax.nn.relu(sage_conv(x, edge_index, W1l, b1, W1r))
    h = jax.nn.relu(sage_conv(h, edge_index, W2l, b2, W2r))
    h = jax.nn.relu(sage_conv(h, edge_index, W3l, b3, W3r))
    return h @ Wlin.T + blin

if __name__ == "__main__":
    import jax
    _d = setup_inputs()
    print(jax.jit(kernel)(*tuple(_d.values())))

</pallas_src>

<mosaic_0001>
#map = affine_map<(d0, d1) -> (0, 0)>
#map1 = affine_map<(d0, d1) -> (0, 0, 0, 0)>
#map2 = affine_map<(d0, d1) -> (0, 0, 0)>
module attributes {stable_mosaic.version = 14 : i64} {
  func.func @agg(%arg0: i32, %arg1: i32, %arg2: memref<10000x128xf32, #tpu.memory_space<hbm>>, %arg3: memref<2x256x10x128xi32, #tpu.memory_space<hbm>>, %arg4: memref<10112x128xf32, #tpu.memory_space<hbm>>, %arg5: memref<128x16xf32, #tpu.memory_space<hbm>>, %arg6: memref<10112x16xf32, #tpu.memory_space<hbm>>, %arg7: memref<2x10112x128xf32, #tpu.memory_space<hbm>>, %arg8: memref<2x10112x16xf32, #tpu.memory_space<hbm>>, %arg9: memref<128x128xf32, #tpu.memory_space<vmem>>, %arg10: memref<128x128xf32, #tpu.memory_space<vmem>>, %arg11: memref<10x128xi32, #tpu.memory_space<vmem>>, %arg12: memref<10x128xi32, #tpu.memory_space<vmem>>, %arg13: memref<10112x128xf32, #tpu.memory_space<vmem_shared>>, %arg14: memref<!tpu.dma_semaphore, #tpu.memory_space<semaphore_mem>>, %arg15: memref<!tpu.dma_semaphore, #tpu.memory_space<semaphore_mem>>, %arg16: memref<!tpu.dma_semaphore, #tpu.memory_space<semaphore_mem>>, %arg17: memref<!tpu.dma_semaphore, #tpu.memory_space<semaphore_mem>>, %arg18: memref<128x16xf32, #tpu.memory_space<vmem>>, %arg19: memref<10112x16xf32, #tpu.memory_space<vmem_shared>>) attributes {dimension_semantics = [#tpu.dimension_semantics<core_parallel>, #tpu.dimension_semantics<subcore_parallel>], iteration_bounds = array<i64: 2, 16>, scalar_prefetch = 0 : i64, scratch_operands = 11 : i64, tpu.core_type = #tpu.core_type<sc_vector_subcore>, window_params = [{transform_indices = #map}, {transform_indices = #map1}, {transform_indices = #map}, {transform_indices = #map}, {transform_indices = #map}, {transform_indices = #map2}, {transform_indices = #map2}]} {
    %mul3A = arith.constant 2 : i32
    %mul3A_0 = arith.muli %arg1, %mul3A : i32
    %add3A = arith.addi %mul3A_0, %arg0 : i32
    %mul3A_1 = arith.constant 632 : i32
    %mul3A_2 = arith.muli %arg1, %mul3A_1 : i32
    %mul3A_3 = arith.constant 632 : i32
    %mul3A_4 = arith.muli %arg1, %mul3A_3 : i32
    "tpu.region"() ({
      %run_scoped3A = tpu.sem_alloc : memref<!tpu.dma_semaphore, #tpu.memory_space<semaphore_mem>>
      %dma_start3A = arith.constant 0 : i32
      %dma_start3A_29 = tpu.memref_slice %arg13[%mul3A_4, %dma_start3A] : memref<10112x128xf32, #tpu.memory_space<vmem_shared>> -> memref<632x128xf32, #tpu.memory_space<vmem_shared>>
      %dma_start3A_30 = arith.constant 0 : i32
      %dma_start3A_31 = tpu.memref_slice %arg4[%mul3A_2, %dma_start3A_30] : memref<10112x128xf32, #tpu.memory_space<hbm>> -> memref<632x128xf32, #tpu.memory_space<hbm>>
      tpu.enqueue_dma source(%dma_start3A_31 : memref<632x128xf32, #tpu.memory_space<hbm>>) target(%dma_start3A_29 : memref<632x128xf32, #tpu.memory_space<vmem_shared>>) target_semaphore(%run_scoped3A : memref<!tpu.dma_semaphore, #tpu.memory_space<semaphore_mem>>)
      %dma_wait3A = arith.constant 0 : i32
      %dma_wait3A_32 = tpu.memref_slice %arg13[%mul3A_4, %dma_wait3A] : memref<10112x128xf32, #tpu.memory_space<vmem_shared>> -> memref<632x128xf32, #tpu.memory_space<vmem_shared>>
      %dma_wait3A_33 = arith.constant 0 : i32
      %dma_wait3A_34 = tpu.memref_slice %arg4[%mul3A_2, %dma_wait3A_33] : memref<10112x128xf32, #tpu.memory_space<hbm>> -> memref<632x128xf32, #tpu.memory_space<hbm>>
      tpu.wait_dma2 semaphore(%run_scoped3A : memref<!tpu.dma_semaphore, #tpu.memory_space<semaphore_mem>>) src(%dma_wait3A_34 : memref<632x128xf32, #tpu.memory_space<hbm>>) dst(%dma_wait3A_32 : memref<632x128xf32, #tpu.memory_space<vmem_shared>>)
      tpu.yield
    }) : () -> ()
    %mul3A_5 = arith.constant 632 : i32
    %mul3A_6 = arith.muli %arg1, %mul3A_5 : i32
    %mul3A_7 = arith.constant 632 : i32
    %mul3A_8 = arith.muli %arg1, %mul3A_7 : i32
    "tpu.region"() ({
      %run_scoped3A = tpu.sem_alloc : memref<!tpu.dma_semaphore, #tpu.memory_space<semaphore_mem>>
      %dma_start3A = arith.constant 0 : i32
      %dma_start3A_29 = tpu.memref_slice %arg19[%mul3A_8, %dma_start3A] : memref<10112x16xf32, #tpu.memory_space<vmem_shared>> -> memref<632x16xf32, #tpu.memory_space<vmem_shared>>
      %dma_start3A_30 = arith.constant 0 : i32
      %dma_start3A_31 = tpu.memref_slice %arg6[%mul3A_6, %dma_start3A_30] : memref<10112x16xf32, #tpu.memory_space<hbm>> -> memref<632x16xf32, #tpu.memory_space<hbm>>
      tpu.enqueue_dma source(%dma_start3A_31 : memref<632x16xf32, #tpu.memory_space<hbm>>) target(%dma_start3A_29 : memref<632x16xf32, #tpu.memory_space<vmem_shared>>) target_semaphore(%run_scoped3A : memref<!tpu.dma_semaphore, #tpu.memory_space<semaphore_mem>>)
      %dma_wait3A = arith.constant 0 : i32
      %dma_wait3A_32 = tpu.memref_slice %arg19[%mul3A_8, %dma_wait3A] : memref<10112x16xf32, #tpu.memory_space<vmem_shared>> -> memref<632x16xf32, #tpu.memory_space<vmem_shared>>
      %dma_wait3A_33 = arith.constant 0 : i32
      %dma_wait3A_34 = tpu.memref_slice %arg6[%mul3A_6, %dma_wait3A_33] : memref<10112x16xf32, #tpu.memory_space<hbm>> -> memref<632x16xf32, #tpu.memory_space<hbm>>
      tpu.wait_dma2 semaphore(%run_scoped3A : memref<!tpu.dma_semaphore, #tpu.memory_space<semaphore_mem>>) src(%dma_wait3A_34 : memref<632x16xf32, #tpu.memory_space<hbm>>) dst(%dma_wait3A_32 : memref<632x16xf32, #tpu.memory_space<vmem_shared>>)
      tpu.yield
    }) : () -> ()
    "tpu.region"() ({
      %run_scoped3A = tpu.sem_alloc : memref<!tpu.dma_semaphore, #tpu.memory_space<semaphore_mem>>
      tpu.enqueue_dma source(%arg5 : memref<128x16xf32, #tpu.memory_space<hbm>>) target(%arg18 : memref<128x16xf32, #tpu.memory_space<vmem>>) target_semaphore(%run_scoped3A : memref<!tpu.dma_semaphore, #tpu.memory_space<semaphore_mem>>)
      tpu.wait_dma2 semaphore(%run_scoped3A : memref<!tpu.dma_semaphore, #tpu.memory_space<semaphore_mem>>) src(%arg5 : memref<128x16xf32, #tpu.memory_space<hbm>>) dst(%arg18 : memref<128x16xf32, #tpu.memory_space<vmem>>)
      tpu.yield
    }) : () -> ()
    %barrier3A = arith.constant 0 : index
    tpu.barrier barrier_id(%barrier3A)
    %eq3A = arith.constant 31 : i32
    %eq3A_9 = arith.cmpi eq, %add3A, %eq3A : i32
    %jit3A = arith.constant 2 : i32
    %jit3A_10 = arith.constant 8 : i32
    %select_n3A = arith.select %eq3A_9, %jit3A, %jit3A_10 : i32
    %while3A = arith.constant 0 : i32
    %while3A_11 = arith.constant 0 : i32
    %while3A_12 = arith.subi %select_n3A, %while3A_11 : i32
    %while3A_13 = arith.addi %while3A_11, %while3A_12 : i32
    %while3A_14 = arith.constant 1 : i32
    %while3A_15 = arith.divsi %while3A_12, %while3A_14 : i32
    %while3A_16 = arith.muli %while3A_15, %while3A_14 : i32
    %while3A_17 = arith.addi %while3A_11, %while3A_16 : i32
    %while3A_18 = arith.constant 1 : i32
    scf.for %while3A_29 = %while3A_11 to %while3A_17 step %while3A_18  : i32 {
      %mul3A_30 = arith.constant 8 : i32
      %mul3A_31 = arith.muli %add3A, %mul3A_30 : i32
      %add3A_32 = arith.addi %mul3A_31, %while3A_29 : i32
      %run_scoped3A = arith.constant 0 : i32
      "tpu.region"() ({
        %run_scoped3A_322 = tpu.sem_alloc : memref<!tpu.dma_semaphore, #tpu.memory_space<semaphore_mem>>
        %dma_start3A_323 = arith.constant 0 : i32
        %dma_start3A_324 = arith.constant 0 : i32
        %dma_start3A_325 = tpu.memref_slice %arg3[%run_scoped3A, %add3A_32, %dma_start3A_323, %dma_start3A_324] : memref<2x256x10x128xi32, #tpu.memory_space<hbm>> -> memref<1x1x10x128xi32, #tpu.memory_space<hbm>>
        %dma_start3A_326 = tpu.memref_squeeze %dma_start3A_325 : memref<1x1x10x128xi32, #tpu.memory_space<hbm>> -> memref<10x128xi32, #tpu.memory_space<hbm>>
        %dma_start3A_327 = arith.constant 0 : i32
        %dma_start3A_328 = arith.constant 0 : i32
        %dma_start3A_329 = tpu.memref_slice %arg3[%run_scoped3A, %add3A_32, %dma_start3A_327, %dma_start3A_328] : memref<2x256x10x128xi32, #tpu.memory_space<hbm>> -> memref<1x1x10x128xi32, #tpu.memory_space<hbm>>
        %dma_start3A_330 = tpu.memref_squeeze %dma_start3A_329 : memref<1x1x10x128xi32, #tpu.memory_space<hbm>> -> memref<10x128xi32, #tpu.memory_space<hbm>>
        tpu.enqueue_dma source(%dma_start3A_330 : memref<10x128xi32, #tpu.memory_space<hbm>>) target(%arg11 : memref<10x128xi32, #tpu.memory_space<vmem>>) target_semaphore(%run_scoped3A_322 : memref<!tpu.dma_semaphore, #tpu.memory_space<semaphore_mem>>)
        %dma_wait3A_331 = arith.constant 0 : i32
        %dma_wait3A_332 = arith.constant 0 : i32
        %dma_wait3A_333 = tpu.memref_slice %arg3[%run_scoped3A, %add3A_32, %dma_wait3A_331, %dma_wait3A_332] : memref<2x256x10x128xi32, #tpu.memory_space<hbm>> -> memref<1x1x10x128xi32, #tpu.memory_space<hbm>>
        %dma_wait3A_334 = tpu.memref_squeeze %dma_wait3A_333 : memref<1x1x10x128xi32, #tpu.memory_space<hbm>> -> memref<10x128xi32, #tpu.memory_space<hbm>>
        %dma_wait3A_335 = arith.constant 0 : i32
        %dma_wait3A_336 = arith.constant 0 : i32
        %dma_wait3A_337 = tpu.memref_slice %arg3[%run_scoped3A, %add3A_32, %dma_wait3A_335, %dma_wait3A_336] : memref<2x256x10x128xi32, #tpu.memory_space<hbm>> -> memref<1x1x10x128xi32, #tpu.memory_space<hbm>>
        %dma_wait3A_338 = tpu.memref_squeeze %dma_wait3A_337 : memref<1x1x10x128xi32, #tpu.memory_space<hbm>> -> memref<10x128xi32, #tpu.memory_space<hbm>>
        tpu.wait_dma2 semaphore(%run_scoped3A_322 : memref<!tpu.dma_semaphore, #tpu.memory_space<semaphore_mem>>) src(%dma_wait3A_338 : memref<10x128xi32, #tpu.memory_space<hbm>>) dst(%arg11 : memref<10x128xi32, #tpu.memory_space<vmem>>)
        tpu.yield
      }) : () -> ()
      %run_scoped3A_33 = arith.constant 1 : i32
      "tpu.region"() ({
        %run_scoped3A_322 = tpu.sem_alloc : memref<!tpu.dma_semaphore, #tpu.memory_space<semaphore_mem>>
        %dma_start3A_323 = arith.constant 0 : i32
        %dma_start3A_324 = arith.constant 0 : i32
        %dma_start3A_325 = tpu.memref_slice %arg3[%run_scoped3A_33, %add3A_32, %dma_start3A_323, %dma_start3A_324] : memref<2x256x10x128xi32, #tpu.memory_space<hbm>> -> memref<1x1x10x128xi32, #tpu.memory_space<hbm>>
        %dma_start3A_326 = tpu.memref_squeeze %dma_start3A_325 : memref<1x1x10x128xi32, #tpu.memory_space<hbm>> -> memref<10x128xi32, #tpu.memory_space<hbm>>
        %dma_start3A_327 = arith.constant 0 : i32
        %dma_start3A_328 = arith.constant 0 : i32
        %dma_start3A_329 = tpu.memref_slice %arg3[%run_scoped3A_33, %add3A_32, %dma_start3A_327, %dma_start3A_328] : memref<2x256x10x128xi32, #tpu.memory_space<hbm>> -> memref<1x1x10x128xi32, #tpu.memory_space<hbm>>
        %dma_start3A_330 = tpu.memref_squeeze %dma_start3A_329 : memref<1x1x10x128xi32, #tpu.memory_space<hbm>> -> memref<10x128xi32, #tpu.memory_space<hbm>>
        tpu.enqueue_dma source(%dma_start3A_330 : memref<10x128xi32, #tpu.memory_space<hbm>>) target(%arg12 : memref<10x128xi32, #tpu.memory_space<vmem>>) target_semaphore(%run_scoped3A_322 : memref<!tpu.dma_semaphore, #tpu.memory_space<semaphore_mem>>)
        %dma_wait3A_331 = arith.constant 0 : i32
        %dma_wait3A_332 = arith.constant 0 : i32
        %dma_wait3A_333 = tpu.memref_slice %arg3[%run_scoped3A_33, %add3A_32, %dma_wait3A_331, %dma_wait3A_332] : memref<2x256x10x128xi32, #tpu.memory_space<hbm>> -> memref<1x1x10x128xi32, #tpu.memory_space<hbm>>
        %dma_wait3A_334 = tpu.memref_squeeze %dma_wait3A_333 : memref<1x1x10x128xi32, #tpu.memory_space<hbm>> -> memref<10x128xi32, #tpu.memory_space<hbm>>
        %dma_wait3A_335 = arith.constant 0 : i32
        %dma_wait3A_336 = arith.constant 0 : i32
        %dma_wait3A_337 = tpu.memref_slice %arg3[%run_scoped3A_33, %add3A_32, %dma_wait3A_335, %dma_wait3A_336] : memref<2x256x10x128xi32, #tpu.memory_space<hbm>> -> memref<1x1x10x128xi32, #tpu.memory_space<hbm>>
        %dma_wait3A_338 = tpu.memref_squeeze %dma_wait3A_337 : memref<1x1x10x128xi32, #tpu.memory_space<hbm>> -> memref<10x128xi32, #tpu.memory_space<hbm>>
        tpu.wait_dma2 semaphore(%run_scoped3A_322 : memref<!tpu.dma_semaphore, #tpu.memory_space<semaphore_mem>>) src(%dma_wait3A_338 : memref<10x128xi32, #tpu.memory_space<hbm>>) dst(%arg12 : memref<10x128xi32, #tpu.memory_space<vmem>>)
        tpu.yield
      }) : () -> ()
      %dma_start3A = arith.constant 0 : i32
      %dma_start3A_34 = arith.constant 0 : i32
      %dma_start3A_35 = tpu.memref_slice %arg11[%dma_start3A, %dma_start3A_34] : memref<10x128xi32, #tpu.memory_space<vmem>> -> memref<1x128xi32, #tpu.memory_space<vmem>>
      %dma_start3A_36 = tpu.memref_squeeze %dma_start3A_35 : memref<1x128xi32, #tpu.memory_space<vmem>> -> memref<128xi32, #tpu.memory_space<vmem>>
      %dma_start3A_37 = arith.constant 0 : i32
      %dma_start3A_38 = arith.constant 0 : i32
      %dma_start3A_39 = tpu.memref_slice %arg2[%dma_start3A_37, %dma_start3A_38] : memref<10000x128xf32, #tpu.memory_space<hbm>> -> memref<10000x128xf32, #tpu.memory_space<hbm>>
      tpu.enqueue_indirect_dma source(%dma_start3A_39 : memref<10000x128xf32, #tpu.memory_space<hbm>>) target(%arg9 : memref<128x128xf32, #tpu.memory_space<vmem>>) offsets(%dma_start3A_36 : memref<128xi32, #tpu.memory_space<vmem>>) semaphore(%arg14 : memref<!tpu.dma_semaphore, #tpu.memory_space<semaphore_mem>>)
      %dma_start3A_40 = arith.constant 1 : i32
      %dma_start3A_41 = arith.constant 0 : i32
      %dma_start3A_42 = tpu.memref_slice %arg11[%dma_start3A_40, %dma_start3A_41] : memref<10x128xi32, #tpu.memory_space<vmem>> -> memref<1x128xi32, #tpu.memory_space<vmem>>
      %dma_start3A_43 = tpu.memref_squeeze %dma_start3A_42 : memref<1x128xi32, #tpu.memory_space<vmem>> -> memref<128xi32, #tpu.memory_space<vmem>>
      %dma_start3A_44 = arith.constant 0 : i32
      %dma_start3A_45 = arith.constant 0 : i32
      %dma_start3A_46 = tpu.memref_slice %arg2[%dma_start3A_44, %dma_start3A_45] : memref<10000x128xf32, #tpu.memory_space<hbm>> -> memref<10000x128xf32, #tpu.memory_space<hbm>>
      tpu.enqueue_indirect_dma source(%dma_start3A_46 : memref<10000x128xf32, #tpu.memory_space<hbm>>) target(%arg10 : memref<128x128xf32, #tpu.memory_space<vmem>>) offsets(%dma_start3A_43 : memref<128xi32, #tpu.memory_space<vmem>>) semaphore(%arg15 : memref<!tpu.dma_semaphore, #tpu.memory_space<semaphore_mem>>)
      %dma_wait3A = arith.constant 0 : i32
      %dma_wait3A_47 = arith.constant 0 : i32
      %dma_wait3A_48 = tpu.memref_slice %arg11[%dma_wait3A, %dma_wait3A_47] : memref<10x128xi32, #tpu.memory_space<vmem>> -> memref<1x128xi32, #tpu.memory_space<vmem>>
      %dma_wait3A_49 = tpu.memref_squeeze %dma_wait3A_48 : memref<1x128xi32, #tpu.memory_space<vmem>> -> memref<128xi32, #tpu.memory_space<vmem>>
      %dma_wait3A_50 = arith.constant 0 : i32
      %dma_wait3A_51 = arith.constant 0 : i32
      %dma_wait3A_52 = tpu.memref_slice %arg2[%dma_wait3A_50, %dma_wait3A_51] : memref<10000x128xf32, #tpu.memory_space<hbm>> -> memref<10000x128xf32, #tpu.memory_space<hbm>>
      tpu.wait_indirect_dma semaphore(%arg14 : memref<!tpu.dma_semaphore, #tpu.memory_space<semaphore_mem>>) src(%dma_wait3A_52 : memref<10000x128xf32, #tpu.memory_space<hbm>>) dst(%arg9 : memref<128x128xf32, #tpu.memory_space<vmem>>)
      %dma_start3A_53 = arith.constant 0 : i32
      %dma_start3A_54 = arith.constant 0 : i32
      %dma_start3A_55 = tpu.memref_slice %arg12[%dma_start3A_53, %dma_start3A_54] : memref<10x128xi32, #tpu.memory_space<vmem>> -> memref<1x128xi32, #tpu.memory_space<vmem>>
      %dma_start3A_56 = tpu.memref_squeeze %dma_start3A_55 : memref<1x128xi32, #tpu.memory_space<vmem>> -> memref<128xi32, #tpu.memory_space<vmem>>
      %dma_start3A_57 = arith.constant 0 : i32
      %dma_start3A_58 = arith.constant 0 : i32
      %dma_start3A_59 = tpu.memref_slice %arg13[%dma_start3A_57, %dma_start3A_58] : memref<10112x128xf32, #tpu.memory_space<vmem_shared>> -> memref<10112x128xf32, #tpu.memory_space<vmem_shared>>
      tpu.enqueue_indirect_dma source(%arg9 : memref<128x128xf32, #tpu.memory_space<vmem>>) target(%dma_start3A_59 : memref<10112x128xf32, #tpu.memory_space<vmem_shared>>) offsets(%dma_start3A_56 : memref<128xi32, #tpu.memory_space<vmem>>) semaphore(%arg16 : memref<!tpu.dma_semaphore, #tpu.memory_space<semaphore_mem>>) {add = true}
      %run_scoped3A_60 = arith.constant 0 : i32
      "tpu.region"() ({
        %run_scoped3A_322 = tpu.sem_alloc : memref<!tpu.dma_semaphore, #tpu.memory_space<semaphore_mem>>
        %dma_start3A_323 = arith.constant 0 : i32
        %dma_start3A_324 = tpu.memref_slice %arg12[%run_scoped3A_60, %dma_start3A_323] : memref<10x128xi32, #tpu.memory_space<vmem>> -> memref<1x128xi32, #tpu.memory_space<vmem>>
        %dma_start3A_325 = tpu.memref_squeeze %dma_start3A_324 : memref<1x128xi32, #tpu.memory_space<vmem>> -> memref<128xi32, #tpu.memory_space<vmem>>
        %dma_start3A_326 = arith.constant 0 : i32
        %dma_start3A_327 = arith.constant 0 : i32
        %dma_start3A_328 = tpu.memref_slice %arg19[%dma_start3A_326, %dma_start3A_327] : memref<10112x16xf32, #tpu.memory_space<vmem_shared>> -> memref<10112x16xf32, #tpu.memory_space<vmem_shared>>
        tpu.enqueue_indirect_dma source(%arg18 : memref<128x16xf32, #tpu.memory_space<vmem>>) target(%dma_start3A_328 : memref<10112x16xf32, #tpu.memory_space<vmem_shared>>) offsets(%dma_start3A_325 : memref<128xi32, #tpu.memory_space<vmem>>) semaphore(%run_scoped3A_322 : memref<!tpu.dma_semaphore, #tpu.memory_space<semaphore_mem>>) {add = true}
        %dma_wait3A_329 = arith.constant 0 : i32
        %dma_wait3A_330 = tpu.memref_slice %arg12[%run_scoped3A_60, %dma_wait3A_329] : memref<10x128xi32, #tpu.memory_space<vmem>> -> memref<1x128xi32, #tpu.memory_space<vmem>>
        %dma_wait3A_331 = tpu.memref_squeeze %dma_wait3A_330 : memref<1x128xi32, #tpu.memory_space<vmem>> -> memref<128xi32, #tpu.memory_space<vmem>>
        %dma_wait3A_332 = arith.constant 0 : i32
        %dma_wait3A_333 = arith.constant 0 : i32
        %dma_wait3A_334 = tpu.memref_slice %arg19[%dma_wait3A_332, %dma_wait3A_333] : memref<10112x16xf32, #tpu.memory_space<vmem_shared>> -> memref<10112x16xf32, #tpu.memory_space<vmem_shared>>
        tpu.wait_indirect_dma semaphore(%run_scoped3A_322 : memref<!tpu.dma_semaphore, #tpu.memory_space<semaphore_mem>>) src(%arg18 : memref<128x16xf32, #tpu.memory_space<vmem>>) dst(%dma_wait3A_334 : memref<10112x16xf32, #tpu.memory_space<vmem_shared>>)
        tpu.yield
      }) : () -> ()
      %dma_wait3A_61 = arith.constant 0 : i32
      %dma_wait3A_62 = arith.constant 0 : i32
      %dma_wait3A_63 = tpu.memref_slice %arg12[%dma_wait3A_61, %dma_wait3A_62] : memref<10x128xi32, #tpu.memory_space<vmem>> -> memref<1x128xi32, #tpu.memory_space<vmem>>
      %dma_wait3A_64 = tpu.memref_squeeze %dma_wait3A_63 : memref<1x128xi32, #tpu.memory_space<vmem>> -> memref<128xi32, #tpu.memory_space<vmem>>
      %dma_wait3A_65 = arith.constant 0 : i32
      %dma_wait3A_66 = arith.constant 0 : i32
      %dma_wait3A_67 = tpu.memref_slice %arg13[%dma_wait3A_65, %dma_wait3A_66] : memref<10112x128xf32, #tpu.memory_space<vmem_shared>> -> memref<10112x128xf32, #tpu.memory_space<vmem_shared>>
      tpu.wait_indirect_dma semaphore(%arg16 : memref<!tpu.dma_semaphore, #tpu.memory_space<semaphore_mem>>) src(%arg9 : memref<128x128xf32, #tpu.memory_space<vmem>>) dst(%dma_wait3A_67 : memref<10112x128xf32, #tpu.memory_space<vmem_shared>>)
      %dma_start3A_68 = arith.constant 2 : i32
      %dma_start3A_69 = arith.constant 0 : i32
      %dma_start3A_70 = tpu.memref_slice %arg11[%dma_start3A_68, %dma_start3A_69] : memref<10x128xi32, #tpu.memory_space<vmem>> -> memref<1x128xi32, #tpu.memory_space<vmem>>
      %dma_start3A_71 = tpu.memref_squeeze %dma_start3A_70 : memref<1x128xi32, #tpu.memory_space<vmem>> -> memref<128xi32, #tpu.memory_space<vmem>>
      %dma_start3A_72 = arith.constant 0 : i32
      %dma_start3A_73 = arith.constant 0 : i32
      %dma_start3A_74 = tpu.memref_slice %arg2[%dma_start3A_72, %dma_start3A_73] : memref<10000x128xf32, #tpu.memory_space<hbm>> -> memref<10000x128xf32, #tpu.memory_space<hbm>>
      tpu.enqueue_indirect_dma source(%dma_start3A_74 : memref<10000x128xf32, #tpu.memory_space<hbm>>) target(%arg9 : memref<128x128xf32, #tpu.memory_space<vmem>>) offsets(%dma_start3A_71 : memref<128xi32, #tpu.memory_space<vmem>>) semaphore(%arg14 : memref<!tpu.dma_semaphore, #tpu.memory_space<semaphore_mem>>)
      %dma_wait3A_75 = arith.constant 1 : i32
      %dma_wait3A_76 = arith.constant 0 : i32
      %dma_wait3A_77 = tpu.memref_slice %arg11[%dma_wait3A_75, %dma_wait3A_76] : memref<10x128xi32, #tpu.memory_space<vmem>> -> memref<1x128xi32, #tpu.memory_space<vmem>>
      %dma_wait3A_78 = tpu.memref_squeeze %dma_wait3A_77 : memref<1x128xi32, #tpu.memory_space<vmem>> -> memref<128xi32, #tpu.memory_space<vmem>>
      %dma_wait3A_79 = arith.constant 0 : i32
      %dma_wait3A_80 = arith.constant 0 : i32
      %dma_wait3A_81 = tpu.memref_slice %arg2[%dma_wait3A_79, %dma_wait3A_80] : memref<10000x128xf32, #tpu.memory_space<hbm>> -> memref<10000x128xf32, #tpu.memory_space<hbm>>
      tpu.wait_indirect_dma semaphore(%arg15 : memref<!tpu.dma_semaphore, #tpu.memory_space<semaphore_mem>>) src(%dma_wait3A_81 : memref<10000x128xf32, #tpu.memory_space<hbm>>) dst(%arg10 : memref<128x128xf32, #tpu.memory_space<vmem>>)
      %dma_start3A_82 = arith.constant 1 : i32
      %dma_start3A_83 = arith.constant 0 : i32
      %dma_start3A_84 = tpu.memref_slice %arg12[%dma_start3A_82, %dma_start3A_83] : memref<10x128xi32, #tpu.memory_space<vmem>> -> memref<1x128xi32, #tpu.memory_space<vmem>>
      %dma_start3A_85 = tpu.memref_squeeze %dma_start3A_84 : memref<1x128xi32, #tpu.memory_space<vmem>> -> memref<128xi32, #tpu.memory_space<vmem>>
      %dma_start3A_86 = arith.constant 0 : i32
      %dma_start3A_87 = arith.constant 0 : i32
      %dma_start3A_88 = tpu.memref_slice %arg13[%dma_start3A_86, %dma_start3A_87] : memref<10112x128xf32, #tpu.memory_space<vmem_shared>> -> memref<10112x128xf32, #tpu.memory_space<vmem_shared>>
      tpu.enqueue_indirect_dma source(%arg10 : memref<128x128xf32, #tpu.memory_space<vmem>>) target(%dma_start3A_88 : memref<10112x128xf32, #tpu.memory_space<vmem_shared>>) offsets(%dma_start3A_85 : memref<128xi32, #tpu.memory_space<vmem>>) semaphore(%arg17 : memref<!tpu.dma_semaphore, #tpu.memory_space<semaphore_mem>>) {add = true}
      %run_scoped3A_89 = arith.constant 1 : i32
      "tpu.region"() ({
        %run_scoped3A_322 = tpu.sem_alloc : memref<!tpu.dma_semaphore, #tpu.memory_space<semaphore_mem>>
        %dma_start3A_323 = arith.constant 0 : i32
        %dma_start3A_324 = tpu.memref_slice %arg12[%run_scoped3A_89, %dma_start3A_323] : memref<10x128xi32, #tpu.memory_space<vmem>> -> memref<1x128xi32, #tpu.memory_space<vmem>>
        %dma_start3A_325 = tpu.memref_squeeze %dma_start3A_324 : memref<1x128xi32, #tpu.memory_space<vmem>> -> memref<128xi32, #tpu.memory_space<vmem>>
        %dma_start3A_326 = arith.constant 0 : i32
        %dma_start3A_327 = arith.constant 0 : i32
        %dma_start3A_328 = tpu.memref_slice %arg19[%dma_start3A_326, %dma_start3A_327] : memref<10112x16xf32, #tpu.memory_space<vmem_shared>> -> memref<10112x16xf32, #tpu.memory_space<vmem_shared>>
        tpu.enqueue_indirect_dma source(%arg18 : memref<128x16xf32, #tpu.memory_space<vmem>>) target(%dma_start3A_328 : memref<10112x16xf32, #tpu.memory_space<vmem_shared>>) offsets(%dma_start3A_325 : memref<128xi32, #tpu.memory_space<vmem>>) semaphore(%run_scoped3A_322 : memref<!tpu.dma_semaphore, #tpu.memory_space<semaphore_mem>>) {add = true}
        %dma_wait3A_329 = arith.constant 0 : i32
        %dma_wait3A_330 = tpu.memref_slice %arg12[%run_scoped3A_89, %dma_wait3A_329] : memref<10x128xi32, #tpu.memory_space<vmem>> -> memref<1x128xi32, #tpu.memory_space<vmem>>
        %dma_wait3A_331 = tpu.memref_squeeze %dma_wait3A_330 : memref<1x128xi32, #tpu.memory_space<vmem>> -> memref<128xi32, #tpu.memory_space<vmem>>
        %dma_wait3A_332 = arith.constant 0 : i32
        %dma_wait3A_333 = arith.constant 0 : i32
        %dma_wait3A_334 = tpu.memref_slice %arg19[%dma_wait3A_332, %dma_wait3A_333] : memref<10112x16xf32, #tpu.memory_space<vmem_shared>> -> memref<10112x16xf32, #tpu.memory_space<vmem_shared>>
        tpu.wait_indirect_dma semaphore(%run_scoped3A_322 : memref<!tpu.dma_semaphore, #tpu.memory_space<semaphore_mem>>) src(%arg18 : memref<128x16xf32, #tpu.memory_space<vmem>>) dst(%dma_wait3A_334 : memref<10112x16xf32, #tpu.memory_space<vmem_shared>>)
        tpu.yield
      }) : () -> ()
      %dma_wait3A_90 = arith.constant 1 : i32
      %dma_wait3A_91 = arith.constant 0 : i32
      %dma_wait3A_92 = tpu.memref_slice %arg12[%dma_wait3A_90, %dma_wait3A_91] : memref<10x128xi32, #tpu.memory_space<vmem>> -> memref<1x128xi32, #tpu.memory_space<vmem>>
      %dma_wait3A_93 = tpu.memref_squeeze %dma_wait3A_92 : memref<1x128xi32, #tpu.memory_space<vmem>> -> memref<128xi32, #tpu.memory_space<vmem>>
      %dma_wait3A_94 = arith.constant 0 : i32
      %dma_wait3A_95 = arith.constant 0 : i32
      %dma_wait3A_96 = tpu.memref_slice %arg13[%dma_wait3A_94, %dma_wait3A_95] : memref<10112x128xf32, #tpu.memory_space<vmem_shared>> -> memref<10112x128xf32, #tpu.memory_space<vmem_shared>>
      tpu.wait_indirect_dma semaphore(%arg17 : memref<!tpu.dma_semaphore, #tpu.memory_space<semaphore_mem>>) src(%arg10 : memref<128x128xf32, #tpu.memory_space<vmem>>) dst(%dma_wait3A_96 : memref<10112x128xf32, #tpu.memory_space<vmem_shared>>)
      %dma_start3A_97 = arith.constant 3 : i32
      %dma_start3A_98 = arith.constant 0 : i32
      %dma_start3A_99 = tpu.memref_slice %arg11[%dma_start3A_97, %dma_start3A_98] : memref<10x128xi32, #tpu.memory_space<vmem>> -> memref<1x128xi32, #tpu.memory_space<vmem>>
      %dma_start3A_100 = tpu.memref_squeeze %dma_start3A_99 : memref<1x128xi32, #tpu.memory_space<vmem>> -> memref<128xi32, #tpu.memory_space<vmem>>
      %dma_start3A_101 = arith.constant 0 : i32
      %dma_start3A_102 = arith.constant 0 : i32
      %dma_start3A_103 = tpu.memref_slice %arg2[%dma_start3A_101, %dma_start3A_102] : memref<10000x128xf32, #tpu.memory_space<hbm>> -> memref<10000x128xf32, #tpu.memory_space<hbm>>
      tpu.enqueue_indirect_dma source(%dma_start3A_103 : memref<10000x128xf32, #tpu.memory_space<hbm>>) target(%arg10 : memref<128x128xf32, #tpu.memory_space<vmem>>) offsets(%dma_start3A_100 : memref<128xi32, #tpu.memory_space<vmem>>) semaphore(%arg15 : memref<!tpu.dma_semaphore, #tpu.memory_space<semaphore_mem>>)
      %dma_wait3A_104 = arith.constant 2 : i32
      %dma_wait3A_105 = arith.constant 0 : i32
      %dma_wait3A_106 = tpu.memref_slice %arg11[%dma_wait3A_104, %dma_wait3A_105] : memref<10x128xi32, #tpu.memory_space<vmem>> -> memref<1x128xi32, #tpu.memory_space<vmem>>
      %dma_wait3A_107 = tpu.memref_squeeze %dma_wait3A_106 : memref<1x128xi32, #tpu.memory_space<vmem>> -> memref<128xi32, #tpu.memory_space<vmem>>
      %dma_wait3A_108 = arith.constant 0 : i32
      %dma_wait3A_109 = arith.constant 0 : i32
      %dma_wait3A_110 = tpu.memref_slice %arg2[%dma_wait3A_108, %dma_wait3A_109] : memref<10000x128xf32, #tpu.memory_space<hbm>> -> memref<10000x128xf32, #tpu.memory_space<hbm>>
      tpu.wait_indirect_dma semaphore(%arg14 : memref<!tpu.dma_semaphore, #tpu.memory_space<semaphore_mem>>) src(%dma_wait3A_110 : memref<10000x128xf32, #tpu.memory_space<hbm>>) dst(%arg9 : memref<128x128xf32, #tpu.memory_space<vmem>>)
      %dma_start3A_111 = arith.constant 2 : i32
      %dma_start3A_112 = arith.constant 0 : i32
      %dma_start3A_113 = tpu.memref_slice %arg12[%dma_start3A_111, %dma_start3A_112] : memref<10x128xi32, #tpu.memory_space<vmem>> -> memref<1x128xi32, #tpu.memory_space<vmem>>
      %dma_start3A_114 = tpu.memref_squeeze %dma_start3A_113 : memref<1x128xi32, #tpu.memory_space<vmem>> -> memref<128xi32, #tpu.memory_space<vmem>>
      %dma_start3A_115 = arith.constant 0 : i32
      %dma_start3A_116 = arith.constant 0 : i32
      %dma_start3A_117 = tpu.memref_slice %arg13[%dma_start3A_115, %dma_start3A_116] : memref<10112x128xf32, #tpu.memory_space<vmem_shared>> -> memref<10112x128xf32, #tpu.memory_space<vmem_shared>>
      tpu.enqueue_indirect_dma source(%arg9 : memref<128x128xf32, #tpu.memory_space<vmem>>) target(%dma_start3A_117 : memref<10112x128xf32, #tpu.memory_space<vmem_shared>>) offsets(%dma_start3A_114 : memref<128xi32, #tpu.memory_space<vmem>>) semaphore(%arg16 : memref<!tpu.dma_semaphore, #tpu.memory_space<semaphore_mem>>) {add = true}
      %run_scoped3A_118 = arith.constant 2 : i32
      "tpu.region"() ({
        %run_scoped3A_322 = tpu.sem_alloc : memref<!tpu.dma_semaphore, #tpu.memory_space<semaphore_mem>>
        %dma_start3A_323 = arith.constant 0 : i32
        %dma_start3A_324 = tpu.memref_slice %arg12[%run_scoped3A_118, %dma_start3A_323] : memref<10x128xi32, #tpu.memory_space<vmem>> -> memref<1x128xi32, #tpu.memory_space<vmem>>
        %dma_start3A_325 = tpu.memref_squeeze %dma_start3A_324 : memref<1x128xi32, #tpu.memory_space<vmem>> -> memref<128xi32, #tpu.memory_space<vmem>>
        %dma_start3A_326 = arith.constant 0 : i32
        %dma_start3A_327 = arith.constant 0 : i32
        %dma_start3A_328 = tpu.memref_slice %arg19[%dma_start3A_326, %dma_start3A_327] : memref<10112x16xf32, #tpu.memory_space<vmem_shared>> -> memref<10112x16xf32, #tpu.memory_space<vmem_shared>>
        tpu.enqueue_indirect_dma source(%arg18 : memref<128x16xf32, #tpu.memory_space<vmem>>) target(%dma_start3A_328 : memref<10112x16xf32, #tpu.memory_space<vmem_shared>>) offsets(%dma_start3A_325 : memref<128xi32, #tpu.memory_space<vmem>>) semaphore(%run_scoped3A_322 : memref<!tpu.dma_semaphore, #tpu.memory_space<semaphore_mem>>) {add = true}
        %dma_wait3A_329 = arith.constant 0 : i32
        %dma_wait3A_330 = tpu.memref_slice %arg12[%run_scoped3A_118, %dma_wait3A_329] : memref<10x128xi32, #tpu.memory_space<vmem>> -> memref<1x128xi32, #tpu.memory_space<vmem>>
        %dma_wait3A_331 = tpu.memref_squeeze %dma_wait3A_330 : memref<1x128xi32, #tpu.memory_space<vmem>> -> memref<128xi32, #tpu.memory_space<vmem>>
        %dma_wait3A_332 = arith.constant 0 : i32
        %dma_wait3A_333 = arith.constant 0 : i32
        %dma_wait3A_334 = tpu.memref_slice %arg19[%dma_wait3A_332, %dma_wait3A_333] : memref<10112x16xf32, #tpu.memory_space<vmem_shared>> -> memref<10112x16xf32, #tpu.memory_space<vmem_shared>>
        tpu.wait_indirect_dma semaphore(%run_scoped3A_322 : memref<!tpu.dma_semaphore, #tpu.memory_space<semaphore_mem>>) src(%arg18 : memref<128x16xf32, #tpu.memory_space<vmem>>) dst(%dma_wait3A_334 : memref<10112x16xf32, #tpu.memory_space<vmem_shared>>)
        tpu.yield
      }) : () -> ()
      %dma_wait3A_119 = arith.constant 2 : i32
      %dma_wait3A_120 = arith.constant 0 : i32
      %dma_wait3A_121 = tpu.memref_slice %arg12[%dma_wait3A_119, %dma_wait3A_120] : memref<10x128xi32, #tpu.memory_space<vmem>> -> memref<1x128xi32, #tpu.memory_space<vmem>>
      %dma_wait3A_122 = tpu.memref_squeeze %dma_wait3A_121 : memref<1x128xi32, #tpu.memory_space<vmem>> -> memref<128xi32, #tpu.memory_space<vmem>>
      %dma_wait3A_123 = arith.constant 0 : i32
      %dma_wait3A_124 = arith.constant 0 : i32
      %dma_wait3A_125 = tpu.memref_slice %arg13[%dma_wait3A_123, %dma_wait3A_124] : memref<10112x128xf32, #tpu.memory_space<vmem_shared>> -> memref<10112x128xf32, #tpu.memory_space<vmem_shared>>
      tpu.wait_indirect_dma semaphore(%arg16 : memref<!tpu.dma_semaphore, #tpu.memory_space<semaphore_mem>>) src(%arg9 : memref<128x128xf32, #tpu.memory_space<vmem>>) dst(%dma_wait3A_125 : memref<10112x128xf32, #tpu.memory_space<vmem_shared>>)
      %dma_start3A_126 = arith.constant 4 : i32
      %dma_start3A_127 = arith.constant 0 : i32
      %dma_start3A_128 = tpu.memref_slice %arg11[%dma_start3A_126, %dma_start3A_127] : memref<10x128xi32, #tpu.memory_space<vmem>> -> memref<1x128xi32, #tpu.memory_space<vmem>>
      %dma_start3A_129 = tpu.memref_squeeze %dma_start3A_128 : memref<1x128xi32, #tpu.memory_space<vmem>> -> memref<128xi32, #tpu.memory_space<vmem>>
      %dma_start3A_130 = arith.constant 0 : i32
      %dma_start3A_131 = arith.constant 0 : i32
      %dma_start3A_132 = tpu.memref_slice %arg2[%dma_start3A_130, %dma_start3A_131] : memref<10000x128xf32, #tpu.memory_space<hbm>> -> memref<10000x128xf32, #tpu.memory_space<hbm>>
      tpu.enqueue_indirect_dma source(%dma_start3A_132 : memref<10000x128xf32, #tpu.memory_space<hbm>>) target(%arg9 : memref<128x128xf32, #tpu.memory_space<vmem>>) offsets(%dma_start3A_129 : memref<128xi32, #tpu.memory_space<vmem>>) semaphore(%arg14 : memref<!tpu.dma_semaphore, #tpu.memory_space<semaphore_mem>>)
      %dma_wait3A_133 = arith.constant 3 : i32
      %dma_wait3A_134 = arith.constant 0 : i32
      %dma_wait3A_135 = tpu.memref_slice %arg11[%dma_wait3A_133, %dma_wait3A_134] : memref<10x128xi32, #tpu.memory_space<vmem>> -> memref<1x128xi32, #tpu.memory_space<vmem>>
      %dma_wait3A_136 = tpu.memref_squeeze %dma_wait3A_135 : memref<1x128xi32, #tpu.memory_space<vmem>> -> memref<128xi32, #tpu.memory_space<vmem>>
      %dma_wait3A_137 = arith.constant 0 : i32
      %dma_wait3A_138 = arith.constant 0 : i32
      %dma_wait3A_139 = tpu.memref_slice %arg2[%dma_wait3A_137, %dma_wait3A_138] : memref<10000x128xf32, #tpu.memory_space<hbm>> -> memref<10000x128xf32, #tpu.memory_space<hbm>>
      tpu.wait_indirect_dma semaphore(%arg15 : memref<!tpu.dma_semaphore, #tpu.memory_space<semaphore_mem>>) src(%dma_wait3A_139 : memref<10000x128xf32, #tpu.memory_space<hbm>>) dst(%arg10 : memref<128x128xf32, #tpu.memory_space<vmem>>)
      %dma_start3A_140 = arith.constant 3 : i32
      %dma_start3A_141 = arith.constant 0 : i32
      %dma_start3A_142 = tpu.memref_slice %arg12[%dma_start3A_140, %dma_start3A_141] : memref<10x128xi32, #tpu.memory_space<vmem>> -> memref<1x128xi32, #tpu.memory_space<vmem>>
      %dma_start3A_143 = tpu.memref_squeeze %dma_start3A_142 : memref<1x128xi32, #tpu.memory_space<vmem>> -> memref<128xi32, #tpu.memory_space<vmem>>
      %dma_start3A_144 = arith.constant 0 : i32
      %dma_start3A_145 = arith.constant 0 : i32
      %dma_start3A_146 = tpu.memref_slice %arg13[%dma_start3A_144, %dma_start3A_145] : memref<10112x128xf32, #tpu.memory_space<vmem_shared>> -> memref<10112x128xf32, #tpu.memory_space<vmem_shared>>
      tpu.enqueue_indirect_dma source(%arg10 : memref<128x128xf32, #tpu.memory_space<vmem>>) target(%dma_start3A_146 : memref<10112x128xf32, #tpu.memory_space<vmem_shared>>) offsets(%dma_start3A_143 : memref<128xi32, #tpu.memory_space<vmem>>) semaphore(%arg17 : memref<!tpu.dma_semaphore, #tpu.memory_space<semaphore_mem>>) {add = true}
      %run_scoped3A_147 = arith.constant 3 : i32
      "tpu.region"() ({
        %run_scoped3A_322 = tpu.sem_alloc : memref<!tpu.dma_semaphore, #tpu.memory_space<semaphore_mem>>
        %dma_start3A_323 = arith.constant 0 : i32
        %dma_start3A_324 = tpu.memref_slice %arg12[%run_scoped3A_147, %dma_start3A_323] : memref<10x128xi32, #tpu.memory_space<vmem>> -> memref<1x128xi32, #tpu.memory_space<vmem>>
        %dma_start3A_325 = tpu.memref_squeeze %dma_start3A_324 : memref<1x128xi32, #tpu.memory_space<vmem>> -> memref<128xi32, #tpu.memory_space<vmem>>
        %dma_start3A_326 = arith.constant 0 : i32
        %dma_start3A_327 = arith.constant 0 : i32
        %dma_start3A_328 = tpu.memref_slice %arg19[%dma_start3A_326, %dma_start3A_327] : memref<10112x16xf32, #tpu.memory_space<vmem_shared>> -> memref<10112x16xf32, #tpu.memory_space<vmem_shared>>
        tpu.enqueue_indirect_dma source(%arg18 : memref<128x16xf32, #tpu.memory_space<vmem>>) target(%dma_start3A_328 : memref<10112x16xf32, #tpu.memory_space<vmem_shared>>) offsets(%dma_start3A_325 : memref<128xi32, #tpu.memory_space<vmem>>) semaphore(%run_scoped3A_322 : memref<!tpu.dma_semaphore, #tpu.memory_space<semaphore_mem>>) {add = true}
        %dma_wait3A_329 = arith.constant 0 : i32
        %dma_wait3A_330 = tpu.memref_slice %arg12[%run_scoped3A_147, %dma_wait3A_329] : memref<10x128xi32, #tpu.memory_space<vmem>> -> memref<1x128xi32, #tpu.memory_space<vmem>>
        %dma_wait3A_331 = tpu.memref_squeeze %dma_wait3A_330 : memref<1x128xi32, #tpu.memory_space<vmem>> -> memref<128xi32, #tpu.memory_space<vmem>>
        %dma_wait3A_332 = arith.constant 0 : i32
        %dma_wait3A_333 = arith.constant 0 : i32
        %dma_wait3A_334 = tpu.memref_slice %arg19[%dma_wait3A_332, %dma_wait3A_333] : memref<10112x16xf32, #tpu.memory_space<vmem_shared>> -> memref<10112x16xf32, #tpu.memory_space<vmem_shared>>
        tpu.wait_indirect_dma semaphore(%run_scoped3A_322 : memref<!tpu.dma_semaphore, #tpu.memory_space<semaphore_mem>>) src(%arg18 : memref<128x16xf32, #tpu.memory_space<vmem>>) dst(%dma_wait3A_334 : memref<10112x16xf32, #tpu.memory_space<vmem_shared>>)
        tpu.yield
      }) : () -> ()
      %dma_wait3A_148 = arith.constant 3 : i32
      %dma_wait3A_149 = arith.constant 0 : i32
      %dma_wait3A_150 = tpu.memref_slice %arg12[%dma_wait3A_148, %dma_wait3A_149] : memref<10x128xi32, #tpu.memory_space<vmem>> -> memref<1x128xi32, #tpu.memory_space<vmem>>
      %dma_wait3A_151 = tpu.memref_squeeze %dma_wait3A_150 : memref<1x128xi32, #tpu.memory_space<vmem>> -> memref<128xi32, #tpu.memory_space<vmem>>
      %dma_wait3A_152 = arith.constant 0 : i32
      %dma_wait3A_153 = arith.constant 0 : i32
      %dma_wait3A_154 = tpu.memref_slice %arg13[%dma_wait3A_152, %dma_wait3A_153] : memref<10112x128xf32, #tpu.memory_space<vmem_shared>> -> memref<10112x128xf32, #tpu.memory_space<vmem_shared>>
      tpu.wait_indirect_dma semaphore(%arg17 : memref<!tpu.dma_semaphore, #tpu.memory_space<semaphore_mem>>) src(%arg10 : memref<128x128xf32, #tpu.memory_space<vmem>>) dst(%dma_wait3A_154 : memref<10112x128xf32, #tpu.memory_space<vmem_shared>>)
      %dma_start3A_155 = arith.constant 5 : i32
      %dma_start3A_156 = arith.constant 0 : i32
      %dma_start3A_157 = tpu.memref_slice %arg11[%dma_start3A_155, %dma_start3A_156] : memref<10x128xi32, #tpu.memory_space<vmem>> -> memref<1x128xi32, #tpu.memory_space<vmem>>
      %dma_start3A_158 = tpu.memref_squeeze %dma_start3A_157 : memref<1x128xi32, #tpu.memory_space<vmem>> -> memref<128xi32, #tpu.memory_space<vmem>>
      %dma_start3A_159 = arith.constant 0 : i32
      %dma_start3A_160 = arith.constant 0 : i32
      %dma_start3A_161 = tpu.memref_slice %arg2[%dma_start3A_159, %dma_start3A_160] : memref<10000x128xf32, #tpu.memory_space<hbm>> -> memref<10000x128xf32, #tpu.memory_space<hbm>>
      tpu.enqueue_indirect_dma source(%dma_start3A_161 : memref<10000x128xf32, #tpu.memory_space<hbm>>) target(%arg10 : memref<128x128xf32, #tpu.memory_space<vmem>>) offsets(%dma_start3A_158 : memref<128xi32, #tpu.memory_space<vmem>>) semaphore(%arg15 : memref<!tpu.dma_semaphore, #tpu.memory_space<semaphore_mem>>)
      %dma_wait3A_162 = arith.constant 4 : i32
      %dma_wait3A_163 = arith.constant 0 : i32
      %dma_wait3A_164 = tpu.memref_slice %arg11[%dma_wait3A_162, %dma_wait3A_163] : memref<10x128xi32, #tpu.memory_space<vmem>> -> memref<1x128xi32, #tpu.memory_space<vmem>>
      %dma_wait3A_165 = tpu.memref_squeeze %dma_wait3A_164 : memref<1x128xi32, #tpu.memory_space<vmem>> -> memref<128xi32, #tpu.memory_space<vmem>>
      %dma_wait3A_166 = arith.constant 0 : i32
      %dma_wait3A_167 = arith.constant 0 : i32
      %dma_wait3A_168 = tpu.memref_slice %arg2[%dma_wait3A_166, %dma_wait3A_167] : memref<10000x128xf32, #tpu.memory_space<hbm>> -> memref<10000x128xf32, #tpu.memory_space<hbm>>
      tpu.wait_indirect_dma semaphore(%arg14 : memref<!tpu.dma_semaphore, #tpu.memory_space<semaphore_mem>>) src(%dma_wait3A_168 : memref<10000x128xf32, #tpu.memory_space<hbm>>) dst(%arg9 : memref<128x128xf32, #tpu.memory_space<vmem>>)
      %dma_start3A_169 = arith.constant 4 : i32
      %dma_start3A_170 = arith.constant 0 : i32
      %dma_start3A_171 = tpu.memref_slice %arg12[%dma_start3A_169, %dma_start3A_170] : memref<10x128xi32, #tpu.memory_space<vmem>> -> memref<1x128xi32, #tpu.memory_space<vmem>>
      %dma_start3A_172 = tpu.memref_squeeze %dma_start3A_171 : memref<1x128xi32, #tpu.memory_space<vmem>> -> memref<128xi32, #tpu.memory_space<vmem>>
      %dma_start3A_173 = arith.constant 0 : i32
      %dma_start3A_174 = arith.constant 0 : i32
      %dma_start3A_175 = tpu.memref_slice %arg13[%dma_start3A_173, %dma_start3A_174] : memref<10112x128xf32, #tpu.memory_space<vmem_shared>> -> memref<10112x128xf32, #tpu.memory_space<vmem_shared>>
      tpu.enqueue_indirect_dma source(%arg9 : memref<128x128xf32, #tpu.memory_space<vmem>>) target(%dma_start3A_175 : memref<10112x128xf32, #tpu.memory_space<vmem_shared>>) offsets(%dma_start3A_172 : memref<128xi32, #tpu.memory_space<vmem>>) semaphore(%arg16 : memref<!tpu.dma_semaphore, #tpu.memory_space<semaphore_mem>>) {add = true}
      %run_scoped3A_176 = arith.constant 4 : i32
      "tpu.region"() ({
        %run_scoped3A_322 = tpu.sem_alloc : memref<!tpu.dma_semaphore, #tpu.memory_space<semaphore_mem>>
        %dma_start3A_323 = arith.constant 0 : i32
        %dma_start3A_324 = tpu.memref_slice %arg12[%run_scoped3A_176, %dma_start3A_323] : memref<10x128xi32, #tpu.memory_space<vmem>> -> memref<1x128xi32, #tpu.memory_space<vmem>>
        %dma_start3A_325 = tpu.memref_squeeze %dma_start3A_324 : memref<1x128xi32, #tpu.memory_space<vmem>> -> memref<128xi32, #tpu.memory_space<vmem>>
        %dma_start3A_326 = arith.constant 0 : i32
        %dma_start3A_327 = arith.constant 0 : i32
        %dma_start3A_328 = tpu.memref_slice %arg19[%dma_start3A_326, %dma_start3A_327] : memref<10112x16xf32, #tpu.memory_space<vmem_shared>> -> memref<10112x16xf32, #tpu.memory_space<vmem_shared>>
        tpu.enqueue_indirect_dma source(%arg18 : memref<128x16xf32, #tpu.memory_space<vmem>>) target(%dma_start3A_328 : memref<10112x16xf32, #tpu.memory_space<vmem_shared>>) offsets(%dma_start3A_325 : memref<128xi32, #tpu.memory_space<vmem>>) semaphore(%run_scoped3A_322 : memref<!tpu.dma_semaphore, #tpu.memory_space<semaphore_mem>>) {add = true}
        %dma_wait3A_329 = arith.constant 0 : i32
        %dma_wait3A_330 = tpu.memref_slice %arg12[%run_scoped3A_176, %dma_wait3A_329] : memref<10x128xi32, #tpu.memory_space<vmem>> -> memref<1x128xi32, #tpu.memory_space<vmem>>
        %dma_wait3A_331 = tpu.memref_squeeze %dma_wait3A_330 : memref<1x128xi32, #tpu.memory_space<vmem>> -> memref<128xi32, #tpu.memory_space<vmem>>
        %dma_wait3A_332 = arith.constant 0 : i32
        %dma_wait3A_333 = arith.constant 0 : i32
        %dma_wait3A_334 = tpu.memref_slice %arg19[%dma_wait3A_332, %dma_wait3A_333] : memref<10112x16xf32, #tpu.memory_space<vmem_shared>> -> memref<10112x16xf32, #tpu.memory_space<vmem_shared>>
        tpu.wait_indirect_dma semaphore(%run_scoped3A_322 : memref<!tpu.dma_semaphore, #tpu.memory_space<semaphore_mem>>) src(%arg18 : memref<128x16xf32, #tpu.memory_space<vmem>>) dst(%dma_wait3A_334 : memref<10112x16xf32, #tpu.memory_space<vmem_shared>>)
        tpu.yield
      }) : () -> ()
      %dma_wait3A_177 = arith.constant 4 : i32
      %dma_wait3A_178 = arith.constant 0 : i32
      %dma_wait3A_179 = tpu.memref_slice %arg12[%dma_wait3A_177, %dma_wait3A_178] : memref<10x128xi32, #tpu.memory_space<vmem>> -> memref<1x128xi32, #tpu.memory_space<vmem>>
      %dma_wait3A_180 = tpu.memref_squeeze %dma_wait3A_179 : memref<1x128xi32, #tpu.memory_space<vmem>> -> memref<128xi32, #tpu.memory_space<vmem>>
      %dma_wait3A_181 = arith.constant 0 : i32
      %dma_wait3A_182 = arith.constant 0 : i32
      %dma_wait3A_183 = tpu.memref_slice %arg13[%dma_wait3A_181, %dma_wait3A_182] : memref<10112x128xf32, #tpu.memory_space<vmem_shared>> -> memref<10112x128xf32, #tpu.memory_space<vmem_shared>>
      tpu.wait_indirect_dma semaphore(%arg16 : memref<!tpu.dma_semaphore, #tpu.memory_space<semaphore_mem>>) src(%arg9 : memref<128x128xf32, #tpu.memory_space<vmem>>) dst(%dma_wait3A_183 : memref<10112x128xf32, #tpu.memory_space<vmem_shared>>)
      %dma_start3A_184 = arith.constant 6 : i32
      %dma_start3A_185 = arith.constant 0 : i32
      %dma_start3A_186 = tpu.memref_slice %arg11[%dma_start3A_184, %dma_start3A_185] : memref<10x128xi32, #tpu.memory_space<vmem>> -> memref<1x128xi32, #tpu.memory_space<vmem>>
      %dma_start3A_187 = tpu.memref_squeeze %dma_start3A_186 : memref<1x128xi32, #tpu.memory_space<vmem>> -> memref<128xi32, #tpu.memory_space<vmem>>
      %dma_start3A_188 = arith.constant 0 : i32
      %dma_start3A_189 = arith.constant 0 : i32
      %dma_start3A_190 = tpu.memref_slice %arg2[%dma_start3A_188, %dma_start3A_189] : memref<10000x128xf32, #tpu.memory_space<hbm>> -> memref<10000x128xf32, #tpu.memory_space<hbm>>
      tpu.enqueue_indirect_dma source(%dma_start3A_190 : memref<10000x128xf32, #tpu.memory_space<hbm>>) target(%arg9 : memref<128x128xf32, #tpu.memory_space<vmem>>) offsets(%dma_start3A_187 : memref<128xi32, #tpu.memory_space<vmem>>) semaphore(%arg14 : memref<!tpu.dma_semaphore, #tpu.memory_space<semaphore_mem>>)
      %dma_wait3A_191 = arith.constant 5 : i32
      %dma_wait3A_192 = arith.constant 0 : i32
      %dma_wait3A_193 = tpu.memref_slice %arg11[%dma_wait3A_191, %dma_wait3A_192] : memref<10x128xi32, #tpu.memory_space<vmem>> -> memref<1x128xi32, #tpu.memory_space<vmem>>
      %dma_wait3A_194 = tpu.memref_squeeze %dma_wait3A_193 : memref<1x128xi32, #tpu.memory_space<vmem>> -> memref<128xi32, #tpu.memory_space<vmem>>
      %dma_wait3A_195 = arith.constant 0 : i32
      %dma_wait3A_196 = arith.constant 0 : i32
      %dma_wait3A_197 = tpu.memref_slice %arg2[%dma_wait3A_195, %dma_wait3A_196] : memref<10000x128xf32, #tpu.memory_space<hbm>> -> memref<10000x128xf32, #tpu.memory_space<hbm>>
      tpu.wait_indirect_dma semaphore(%arg15 : memref<!tpu.dma_semaphore, #tpu.memory_space<semaphore_mem>>) src(%dma_wait3A_197 : memref<10000x128xf32, #tpu.memory_space<hbm>>) dst(%arg10 : memref<128x128xf32, #tpu.memory_space<vmem>>)
      %dma_start3A_198 = arith.constant 5 : i32
      %dma_start3A_199 = arith.constant 0 : i32
      %dma_start3A_200 = tpu.memref_slice %arg12[%dma_start3A_198, %dma_start3A_199] : memref<10x128xi32, #tpu.memory_space<vmem>> -> memref<1x128xi32, #tpu.memory_space<vmem>>
      %dma_start3A_201 = tpu.memref_squeeze %dma_start3A_200 : memref<1x128xi32, #tpu.memory_space<vmem>> -> memref<128xi32, #tpu.memory_space<vmem>>
      %dma_start3A_202 = arith.constant 0 : i32
      %dma_start3A_203 = arith.constant 0 : i32
      %dma_start3A_204 = tpu.memref_slice %arg13[%dma_start3A_202, %dma_start3A_203] : memref<10112x128xf32, #tpu.memory_space<vmem_shared>> -> memref<10112x128xf32, #tpu.memory_space<vmem_shared>>
      tpu.enqueue_indirect_dma source(%arg10 : memref<128x128xf32, #tpu.memory_space<vmem>>) target(%dma_start3A_204 : memref<10112x128xf32, #tpu.memory_space<vmem_shared>>) offsets(%dma_start3A_201 : memref<128xi32, #tpu.memory_space<vmem>>) semaphore(%arg17 : memref<!tpu.dma_semaphore, #tpu.memory_space<semaphore_mem>>) {add = true}
      %run_scoped3A_205 = arith.constant 5 : i32
      "tpu.region"() ({
        %run_scoped3A_322 = tpu.sem_alloc : memref<!tpu.dma_semaphore, #tpu.memory_space<semaphore_mem>>
        %dma_start3A_323 = arith.constant 0 : i32
        %dma_start3A_324 = tpu.memref_slice %arg12[%run_scoped3A_205, %dma_start3A_323] : memref<10x128xi32, #tpu.memory_space<vmem>> -> memref<1x128xi32, #tpu.memory_space<vmem>>
        %dma_start3A_325 = tpu.memref_squeeze %dma_start3A_324 : memref<1x128xi32, #tpu.memory_space<vmem>> -> memref<128xi32, #tpu.memory_space<vmem>>
        %dma_start3A_326 = arith.constant 0 : i32
        %dma_start3A_327 = arith.constant 0 : i32
        %dma_start3A_328 = tpu.memref_slice %arg19[%dma_start3A_326, %dma_start3A_327] : memref<10112x16xf32, #tpu.memory_space<vmem_shared>> -> memref<10112x16xf32, #tpu.memory_space<vmem_shared>>
        tpu.enqueue_indirect_dma source(%arg18 : memref<128x16xf32, #tpu.memory_space<vmem>>) target(%dma_start3A_328 : memref<10112x16xf32, #tpu.memory_space<vmem_shared>>) offsets(%dma_start3A_325 : memref<128xi32, #tpu.memory_space<vmem>>) semaphore(%run_scoped3A_322 : memref<!tpu.dma_semaphore, #tpu.memory_space<semaphore_mem>>) {add = true}
        %dma_wait3A_329 = arith.constant 0 : i32
        %dma_wait3A_330 = tpu.memref_slice %arg12[%run_scoped3A_205, %dma_wait3A_329] : memref<10x128xi32, #tpu.memory_space<vmem>> -> memref<1x128xi32, #tpu.memory_space<vmem>>
        %dma_wait3A_331 = tpu.memref_squeeze %dma_wait3A_330 : memref<1x128xi32, #tpu.memory_space<vmem>> -> memref<128xi32, #tpu.memory_space<vmem>>
        %dma_wait3A_332 = arith.constant 0 : i32
        %dma_wait3A_333 = arith.constant 0 : i32
        %dma_wait3A_334 = tpu.memref_slice %arg19[%dma_wait3A_332, %dma_wait3A_333] : memref<10112x16xf32, #tpu.memory_space<vmem_shared>> -> memref<10112x16xf32, #tpu.memory_space<vmem_shared>>
        tpu.wait_indirect_dma semaphore(%run_scoped3A_322 : memref<!tpu.dma_semaphore, #tpu.memory_space<semaphore_mem>>) src(%arg18 : memref<128x16xf32, #tpu.memory_space<vmem>>) dst(%dma_wait3A_334 : memref<10112x16xf32, #tpu.memory_space<vmem_shared>>)
        tpu.yield
      }) : () -> ()
      %dma_wait3A_206 = arith.constant 5 : i32
      %dma_wait3A_207 = arith.constant 0 : i32
      %dma_wait3A_208 = tpu.memref_slice %arg12[%dma_wait3A_206, %dma_wait3A_207] : memref<10x128xi32, #tpu.memory_space<vmem>> -> memref<1x128xi32, #tpu.memory_space<vmem>>
      %dma_wait3A_209 = tpu.memref_squeeze %dma_wait3A_208 : memref<1x128xi32, #tpu.memory_space<vmem>> -> memref<128xi32, #tpu.memory_space<vmem>>
      %dma_wait3A_210 = arith.constant 0 : i32
      %dma_wait3A_211 = arith.constant 0 : i32
      %dma_wait3A_212 = tpu.memref_slice %arg13[%dma_wait3A_210, %dma_wait3A_211] : memref<10112x128xf32, #tpu.memory_space<vmem_shared>> -> memref<10112x128xf32, #tpu.memory_space<vmem_shared>>
      tpu.wait_indirect_dma semaphore(%arg17 : memref<!tpu.dma_semaphore, #tpu.memory_space<semaphore_mem>>) src(%arg10 : memref<128x128xf32, #tpu.memory_space<vmem>>) dst(%dma_wait3A_212 : memref<10112x128xf32, #tpu.memory_space<vmem_shared>>)
      %dma_start3A_213 = arith.constant 7 : i32
      %dma_start3A_214 = arith.constant 0 : i32
      %dma_start3A_215 = tpu.memref_slice %arg11[%dma_start3A_213, %dma_start3A_214] : memref<10x128xi32, #tpu.memory_space<vmem>> -> memref<1x128xi32, #tpu.memory_space<vmem>>
      %dma_start3A_216 = tpu.memref_squeeze %dma_start3A_215 : memref<1x128xi32, #tpu.memory_space<vmem>> -> memref<128xi32, #tpu.memory_space<vmem>>
      %dma_start3A_217 = arith.constant 0 : i32
      %dma_start3A_218 = arith.constant 0 : i32
      %dma_start3A_219 = tpu.memref_slice %arg2[%dma_start3A_217, %dma_start3A_218] : memref<10000x128xf32, #tpu.memory_space<hbm>> -> memref<10000x128xf32, #tpu.memory_space<hbm>>
      tpu.enqueue_indirect_dma source(%dma_start3A_219 : memref<10000x128xf32, #tpu.memory_space<hbm>>) target(%arg10 : memref<128x128xf32, #tpu.memory_space<vmem>>) offsets(%dma_start3A_216 : memref<128xi32, #tpu.memory_space<vmem>>) semaphore(%arg15 : memref<!tpu.dma_semaphore, #tpu.memory_space<semaphore_mem>>)
      %dma_wait3A_220 = arith.constant 6 : i32
      %dma_wait3A_221 = arith.constant 0 : i32
      %dma_wait3A_222 = tpu.memref_slice %arg11[%dma_wait3A_220, %dma_wait3A_221] : memref<10x128xi32, #tpu.memory_space<vmem>> -> memref<1x128xi32, #tpu.memory_space<vmem>>
      %dma_wait3A_223 = tpu.memref_squeeze %dma_wait3A_222 : memref<1x128xi32, #tpu.memory_space<vmem>> -> memref<128xi32, #tpu.memory_space<vmem>>
      %dma_wait3A_224 = arith.constant 0 : i32
      %dma_wait3A_225 = arith.constant 0 : i32
      %dma_wait3A_226 = tpu.memref_slice %arg2[%dma_wait3A_224, %dma_wait3A_225] : memref<10000x128xf32, #tpu.memory_space<hbm>> -> memref<10000x128xf32, #tpu.memory_space<hbm>>
      tpu.wait_indirect_dma semaphore(%arg14 : memref<!tpu.dma_semaphore, #tpu.memory_space<semaphore_mem>>) src(%dma_wait3A_226 : memref<10000x128xf32, #tpu.memory_space<hbm>>) dst(%arg9 : memref<128x128xf32, #tpu.memory_space<vmem>>)
      %dma_start3A_227 = arith.constant 6 : i32
      %dma_start3A_228 = arith.constant 0 : i32
      %dma_start3A_229 = tpu.memref_slice %arg12[%dma_start3A_227, %dma_start3A_228] : memref<10x128xi32, #tpu.memory_space<vmem>> -> memref<1x128xi32, #tpu.memory_space<vmem>>
      %dma_start3A_230 = tpu.memref_squeeze %dma_start3A_229 : memref<1x128xi32, #tpu.memory_space<vmem>> -> memref<128xi32, #tpu.memory_space<vmem>>
      %dma_start3A_231 = arith.constant 0 : i32
      %dma_start3A_232 = arith.constant 0 : i32
      %dma_start3A_233 = tpu.memref_slice %arg13[%dma_start3A_231, %dma_start3A_232] : memref<10112x128xf32, #tpu.memory_space<vmem_shared>> -> memref<10112x128xf32, #tpu.memory_space<vmem_shared>>
      tpu.enqueue_indirect_dma source(%arg9 : memref<128x128xf32, #tpu.memory_space<vmem>>) target(%dma_start3A_233 : memref<10112x128xf32, #tpu.memory_space<vmem_shared>>) offsets(%dma_start3A_230 : memref<128xi32, #tpu.memory_space<vmem>>) semaphore(%arg16 : memref<!tpu.dma_semaphore, #tpu.memory_space<semaphore_mem>>) {add = true}
      %run_scoped3A_234 = arith.constant 6 : i32
      "tpu.region"() ({
        %run_scoped3A_322 = tpu.sem_alloc : memref<!tpu.dma_semaphore, #tpu.memory_space<semaphore_mem>>
        %dma_start3A_323 = arith.constant 0 : i32
        %dma_start3A_324 = tpu.memref_slice %arg12[%run_scoped3A_234, %dma_start3A_323] : memref<10x128xi32, #tpu.memory_space<vmem>> -> memref<1x128xi32, #tpu.memory_space<vmem>>
        %dma_start3A_325 = tpu.memref_squeeze %dma_start3A_324 : memref<1x128xi32, #tpu.memory_space<vmem>> -> memref<128xi32, #tpu.memory_space<vmem>>
        %dma_start3A_326 = arith.constant 0 : i32
        %dma_start3A_327 = arith.constant 0 : i32
        %dma_start3A_328 = tpu.memref_slice %arg19[%dma_start3A_326, %dma_start3A_327] : memref<10112x16xf32, #tpu.memory_space<vmem_shared>> -> memref<10112x16xf32, #tpu.memory_space<vmem_shared>>
        tpu.enqueue_indirect_dma source(%arg18 : memref<128x16xf32, #tpu.memory_space<vmem>>) target(%dma_start3A_328 : memref<10112x16xf32, #tpu.memory_space<vmem_shared>>) offsets(%dma_start3A_325 : memref<128xi32, #tpu.memory_space<vmem>>) semaphore(%run_scoped3A_322 : memref<!tpu.dma_semaphore, #tpu.memory_space<semaphore_mem>>) {add = true}
        %dma_wait3A_329 = arith.constant 0 : i32
        %dma_wait3A_330 = tpu.memref_slice %arg12[%run_scoped3A_234, %dma_wait3A_329] : memref<10x128xi32, #tpu.memory_space<vmem>> -> memref<1x128xi32, #tpu.memory_space<vmem>>
        %dma_wait3A_331 = tpu.memref_squeeze %dma_wait3A_330 : memref<1x128xi32, #tpu.memory_space<vmem>> -> memref<128xi32, #tpu.memory_space<vmem>>
        %dma_wait3A_332 = arith.constant 0 : i32
        %dma_wait3A_333 = arith.constant 0 : i32
        %dma_wait3A_334 = tpu.memref_slice %arg19[%dma_wait3A_332, %dma_wait3A_333] : memref<10112x16xf32, #tpu.memory_space<vmem_shared>> -> memref<10112x16xf32, #tpu.memory_space<vmem_shared>>
        tpu.wait_indirect_dma semaphore(%run_scoped3A_322 : memref<!tpu.dma_semaphore, #tpu.memory_space<semaphore_mem>>) src(%arg18 : memref<128x16xf32, #tpu.memory_space<vmem>>) dst(%dma_wait3A_334 : memref<10112x16xf32, #tpu.memory_space<vmem_shared>>)
        tpu.yield
      }) : () -> ()
      %dma_wait3A_235 = arith.constant 6 : i32
      %dma_wait3A_236 = arith.constant 0 : i32
      %dma_wait3A_237 = tpu.memref_slice %arg12[%dma_wait3A_235, %dma_wait3A_236] : memref<10x128xi32, #tpu.memory_space<vmem>> -> memref<1x128xi32, #tpu.memory_space<vmem>>
      %dma_wait3A_238 = tpu.memref_squeeze %dma_wait3A_237 : memref<1x128xi32, #tpu.memory_space<vmem>> -> memref<128xi32, #tpu.memory_space<vmem>>
      %dma_wait3A_239 = arith.constant 0 : i32
      %dma_wait3A_240 = arith.constant 0 : i32
      %dma_wait3A_241 = tpu.memref_slice %arg13[%dma_wait3A_239, %dma_wait3A_240] : memref<10112x128xf32, #tpu.memory_space<vmem_shared>> -> memref<10112x128xf32, #tpu.memory_space<vmem_shared>>
      tpu.wait_indirect_dma semaphore(%arg16 : memref<!tpu.dma_semaphore, #tpu.memory_space<semaphore_mem>>) src(%arg9 : memref<128x128xf32, #tpu.memory_space<vmem>>) dst(%dma_wait3A_241 : memref<10112x128xf32, #tpu.memory_space<vmem_shared>>)
      %dma_start3A_242 = arith.constant 8 : i32
      %dma_start3A_243 = arith.constant 0 : i32
      %dma_start3A_244 = tpu.memref_slice %arg11[%dma_start3A_242, %dma_start3A_243] : memref<10x128xi32, #tpu.memory_space<vmem>> -> memref<1x128xi32, #tpu.memory_space<vmem>>
      %dma_start3A_245 = tpu.memref_squeeze %dma_start3A_244 : memref<1x128xi32, #tpu.memory_space<vmem>> -> memref<128xi32, #tpu.memory_space<vmem>>
      %dma_start3A_246 = arith.constant 0 : i32
      %dma_start3A_247 = arith.constant 0 : i32
      %dma_start3A_248 = tpu.memref_slice %arg2[%dma_start3A_246, %dma_start3A_247] : memref<10000x128xf32, #tpu.memory_space<hbm>> -> memref<10000x128xf32, #tpu.memory_space<hbm>>
      tpu.enqueue_indirect_dma source(%dma_start3A_248 : memref<10000x128xf32, #tpu.memory_space<hbm>>) target(%arg9 : memref<128x128xf32, #tpu.memory_space<vmem>>) offsets(%dma_start3A_245 : memref<128xi32, #tpu.memory_space<vmem>>) semaphore(%arg14 : memref<!tpu.dma_semaphore, #tpu.memory_space<semaphore_mem>>)
      %dma_wait3A_249 = arith.constant 7 : i32
      %dma_wait3A_250 = arith.constant 0 : i32
      %dma_wait3A_251 = tpu.memref_slice %arg11[%dma_wait3A_249, %dma_wait3A_250] : memref<10x128xi32, #tpu.memory_space<vmem>> -> memref<1x128xi32, #tpu.memory_space<vmem>>
      %dma_wait3A_252 = tpu.memref_squeeze %dma_wait3A_251 : memref<1x128xi32, #tpu.memory_space<vmem>> -> memref<128xi32, #tpu.memory_space<vmem>>
      %dma_wait3A_253 = arith.constant 0 : i32
      %dma_wait3A_254 = arith.constant 0 : i32
      %dma_wait3A_255 = tpu.memref_slice %arg2[%dma_wait3A_253, %dma_wait3A_254] : memref<10000x128xf32, #tpu.memory_space<hbm>> -> memref<10000x128xf32, #tpu.memory_space<hbm>>
      tpu.wait_indirect_dma semaphore(%arg15 : memref<!tpu.dma_semaphore, #tpu.memory_space<semaphore_mem>>) src(%dma_wait3A_255 : memref<10000x128xf32, #tpu.memory_space<hbm>>) dst(%arg10 : memref<128x128xf32, #tpu.memory_space<vmem>>)
      %dma_start3A_256 = arith.constant 7 : i32
      %dma_start3A_257 = arith.constant 0 : i32
      %dma_start3A_258 = tpu.memref_slice %arg12[%dma_start3A_256, %dma_start3A_257] : memref<10x128xi32, #tpu.memory_space<vmem>> -> memref<1x128xi32, #tpu.memory_space<vmem>>
      %dma_start3A_259 = tpu.memref_squeeze %dma_start3A_258 : memref<1x128xi32, #tpu.memory_space<vmem>> -> memref<128xi32, #tpu.memory_space<vmem>>
      %dma_start3A_260 = arith.constant 0 : i32
      %dma_start3A_261 = arith.constant 0 : i32
      %dma_start3A_262 = tpu.memref_slice %arg13[%dma_start3A_260, %dma_start3A_261] : memref<10112x128xf32, #tpu.memory_space<vmem_shared>> -> memref<10112x128xf32, #tpu.memory_space<vmem_shared>>
      tpu.enqueue_indirect_dma source(%arg10 : memref<128x128xf32, #tpu.memory_space<vmem>>) target(%dma_start3A_262 : memref<10112x128xf32, #tpu.memory_space<vmem_shared>>) offsets(%dma_start3A_259 : memref<128xi32, #tpu.memory_space<vmem>>) semaphore(%arg17 : memref<!tpu.dma_semaphore, #tpu.memory_space<semaphore_mem>>) {add = true}
      %run_scoped3A_263 = arith.constant 7 : i32
      "tpu.region"() ({
        %run_scoped3A_322 = tpu.sem_alloc : memref<!tpu.dma_semaphore, #tpu.memory_space<semaphore_mem>>
        %dma_start3A_323 = arith.constant 0 : i32
        %dma_start3A_324 = tpu.memref_slice %arg12[%run_scoped3A_263, %dma_start3A_323] : memref<10x128xi32, #tpu.memory_space<vmem>> -> memref<1x128xi32, #tpu.memory_space<vmem>>
        %dma_start3A_325 = tpu.memref_squeeze %dma_start3A_324 : memref<1x128xi32, #tpu.memory_space<vmem>> -> memref<128xi32, #tpu.memory_space<vmem>>
        %dma_start3A_326 = arith.constant 0 : i32
        %dma_start3A_327 = arith.constant 0 : i32
        %dma_start3A_328 = tpu.memref_slice %arg19[%dma_start3A_326, %dma_start3A_327] : memref<10112x16xf32, #tpu.memory_space<vmem_shared>> -> memref<10112x16xf32, #tpu.memory_space<vmem_shared>>
        tpu.enqueue_indirect_dma source(%arg18 : memref<128x16xf32, #tpu.memory_space<vmem>>) target(%dma_start3A_328 : memref<10112x16xf32, #tpu.memory_space<vmem_shared>>) offsets(%dma_start3A_325 : memref<128xi32, #tpu.memory_space<vmem>>) semaphore(%run_scoped3A_322 : memref<!tpu.dma_semaphore, #tpu.memory_space<semaphore_mem>>) {add = true}
        %dma_wait3A_329 = arith.constant 0 : i32
        %dma_wait3A_330 = tpu.memref_slice %arg12[%run_scoped3A_263, %dma_wait3A_329] : memref<10x128xi32, #tpu.memory_space<vmem>> -> memref<1x128xi32, #tpu.memory_space<vmem>>
        %dma_wait3A_331 = tpu.memref_squeeze %dma_wait3A_330 : memref<1x128xi32, #tpu.memory_space<vmem>> -> memref<128xi32, #tpu.memory_space<vmem>>
        %dma_wait3A_332 = arith.constant 0 : i32
        %dma_wait3A_333 = arith.constant 0 : i32
        %dma_wait3A_334 = tpu.memref_slice %arg19[%dma_wait3A_332, %dma_wait3A_333] : memref<10112x16xf32, #tpu.memory_space<vmem_shared>> -> memref<10112x16xf32, #tpu.memory_space<vmem_shared>>
        tpu.wait_indirect_dma semaphore(%run_scoped3A_322 : memref<!tpu.dma_semaphore, #tpu.memory_space<semaphore_mem>>) src(%arg18 : memref<128x16xf32, #tpu.memory_space<vmem>>) dst(%dma_wait3A_334 : memref<10112x16xf32, #tpu.memory_space<vmem_shared>>)
        tpu.yield
      }) : () -> ()
      %dma_wait3A_264 = arith.constant 7 : i32
      %dma_wait3A_265 = arith.constant 0 : i32
      %dma_wait3A_266 = tpu.memref_slice %arg12[%dma_wait3A_264, %dma_wait3A_265] : memref<10x128xi32, #tpu.memory_space<vmem>> -> memref<1x128xi32, #tpu.memory_space<vmem>>
      %dma_wait3A_267 = tpu.memref_squeeze %dma_wait3A_266 : memref<1x128xi32, #tpu.memory_space<vmem>> -> memref<128xi32, #tpu.memory_space<vmem>>
      %dma_wait3A_268 = arith.constant 0 : i32
      %dma_wait3A_269 = arith.constant 0 : i32
      %dma_wait3A_270 = tpu.memref_slice %arg13[%dma_wait3A_268, %dma_wait3A_269] : memref<10112x128xf32, #tpu.memory_space<vmem_shared>> -> memref<10112x128xf32, #tpu.memory_space<vmem_shared>>
      tpu.wait_indirect_dma semaphore(%arg17 : memref<!tpu.dma_semaphore, #tpu.memory_space<semaphore_mem>>) src(%arg10 : memref<128x128xf32, #tpu.memory_space<vmem>>) dst(%dma_wait3A_270 : memref<10112x128xf32, #tpu.memory_space<vmem_shared>>)
      %dma_start3A_271 = arith.constant 9 : i32
      %dma_start3A_272 = arith.constant 0 : i32
      %dma_start3A_273 = tpu.memref_slice %arg11[%dma_start3A_271, %dma_start3A_272] : memref<10x128xi32, #tpu.memory_space<vmem>> -> memref<1x128xi32, #tpu.memory_space<vmem>>
      %dma_start3A_274 = tpu.memref_squeeze %dma_start3A_273 : memref<1x128xi32, #tpu.memory_space<vmem>> -> memref<128xi32, #tpu.memory_space<vmem>>
      %dma_start3A_275 = arith.constant 0 : i32
      %dma_start3A_276 = arith.constant 0 : i32
      %dma_start3A_277 = tpu.memref_slice %arg2[%dma_start3A_275, %dma_start3A_276] : memref<10000x128xf32, #tpu.memory_space<hbm>> -> memref<10000x128xf32, #tpu.memory_space<hbm>>
      tpu.enqueue_indirect_dma source(%dma_start3A_277 : memref<10000x128xf32, #tpu.memory_space<hbm>>) target(%arg10 : memref<128x128xf32, #tpu.memory_space<vmem>>) offsets(%dma_start3A_274 : memref<128xi32, #tpu.memory_space<vmem>>) semaphore(%arg15 : memref<!tpu.dma_semaphore, #tpu.memory_space<semaphore_mem>>)
      %dma_wait3A_278 = arith.constant 8 : i32
      %dma_wait3A_279 = arith.constant 0 : i32
      %dma_wait3A_280 = tpu.memref_slice %arg11[%dma_wait3A_278, %dma_wait3A_279] : memref<10x128xi32, #tpu.memory_space<vmem>> -> memref<1x128xi32, #tpu.memory_space<vmem>>
      %dma_wait3A_281 = tpu.memref_squeeze %dma_wait3A_280 : memref<1x128xi32, #tpu.memory_space<vmem>> -> memref<128xi32, #tpu.memory_space<vmem>>
      %dma_wait3A_282 = arith.constant 0 : i32
      %dma_wait3A_283 = arith.constant 0 : i32
      %dma_wait3A_284 = tpu.memref_slice %arg2[%dma_wait3A_282, %dma_wait3A_283] : memref<10000x128xf32, #tpu.memory_space<hbm>> -> memref<10000x128xf32, #tpu.memory_space<hbm>>
      tpu.wait_indirect_dma semaphore(%arg14 : memref<!tpu.dma_semaphore, #tpu.memory_space<semaphore_mem>>) src(%dma_wait3A_284 : memref<10000x128xf32, #tpu.memory_space<hbm>>) dst(%arg9 : memref<128x128xf32, #tpu.memory_space<vmem>>)
      %dma_start3A_285 = arith.constant 8 : i32
      %dma_start3A_286 = arith.constant 0 : i32
      %dma_start3A_287 = tpu.memref_slice %arg12[%dma_start3A_285, %dma_start3A_286] : memref<10x128xi32, #tpu.memory_space<vmem>> -> memref<1x128xi32, #tpu.memory_space<vmem>>
      %dma_start3A_288 = tpu.memref_squeeze %dma_start3A_287 : memref<1x128xi32, #tpu.memory_space<vmem>> -> memref<128xi32, #tpu.memory_space<vmem>>
      %dma_start3A_289 = arith.constant 0 : i32
      %dma_start3A_290 = arith.constant 0 : i32
      %dma_start3A_291 = tpu.memref_slice %arg13[%dma_start3A_289, %dma_start3A_290] : memref<10112x128xf32, #tpu.memory_space<vmem_shared>> -> memref<10112x128xf32, #tpu.memory_space<vmem_shared>>
      tpu.enqueue_indirect_dma source(%arg9 : memref<128x128xf32, #tpu.memory_space<vmem>>) target(%dma_start3A_291 : memref<10112x128xf32, #tpu.memory_space<vmem_shared>>) offsets(%dma_start3A_288 : memref<128xi32, #tpu.memory_space<vmem>>) semaphore(%arg16 : memref<!tpu.dma_semaphore, #tpu.memory_space<semaphore_mem>>) {add = true}
      %run_scoped3A_292 = arith.constant 8 : i32
      "tpu.region"() ({
        %run_scoped3A_322 = tpu.sem_alloc : memref<!tpu.dma_semaphore, #tpu.memory_space<semaphore_mem>>
        %dma_start3A_323 = arith.constant 0 : i32
        %dma_start3A_324 = tpu.memref_slice %arg12[%run_scoped3A_292, %dma_start3A_323] : memref<10x128xi32, #tpu.memory_space<vmem>> -> memref<1x128xi32, #tpu.memory_space<vmem>>
        %dma_start3A_325 = tpu.memref_squeeze %dma_start3A_324 : memref<1x128xi32, #tpu.memory_space<vmem>> -> memref<128xi32, #tpu.memory_space<vmem>>
        %dma_start3A_326 = arith.constant 0 : i32
        %dma_start3A_327 = arith.constant 0 : i32
        %dma_start3A_328 = tpu.memref_slice %arg19[%dma_start3A_326, %dma_start3A_327] : memref<10112x16xf32, #tpu.memory_space<vmem_shared>> -> memref<10112x16xf32, #tpu.memory_space<vmem_shared>>
        tpu.enqueue_indirect_dma source(%arg18 : memref<128x16xf32, #tpu.memory_space<vmem>>) target(%dma_start3A_328 : memref<10112x16xf32, #tpu.memory_space<vmem_shared>>) offsets(%dma_start3A_325 : memref<128xi32, #tpu.memory_space<vmem>>) semaphore(%run_scoped3A_322 : memref<!tpu.dma_semaphore, #tpu.memory_space<semaphore_mem>>) {add = true}
        %dma_wait3A_329 = arith.constant 0 : i32
        %dma_wait3A_330 = tpu.memref_slice %arg12[%run_scoped3A_292, %dma_wait3A_329] : memref<10x128xi32, #tpu.memory_space<vmem>> -> memref<1x128xi32, #tpu.memory_space<vmem>>
        %dma_wait3A_331 = tpu.memref_squeeze %dma_wait3A_330 : memref<1x128xi32, #tpu.memory_space<vmem>> -> memref<128xi32, #tpu.memory_space<vmem>>
        %dma_wait3A_332 = arith.constant 0 : i32
        %dma_wait3A_333 = arith.constant 0 : i32
        %dma_wait3A_334 = tpu.memref_slice %arg19[%dma_wait3A_332, %dma_wait3A_333] : memref<10112x16xf32, #tpu.memory_space<vmem_shared>> -> memref<10112x16xf32, #tpu.memory_space<vmem_shared>>
        tpu.wait_indirect_dma semaphore(%run_scoped3A_322 : memref<!tpu.dma_semaphore, #tpu.memory_space<semaphore_mem>>) src(%arg18 : memref<128x16xf32, #tpu.memory_space<vmem>>) dst(%dma_wait3A_334 : memref<10112x16xf32, #tpu.memory_space<vmem_shared>>)
        tpu.yield
      }) : () -> ()
      %dma_wait3A_293 = arith.constant 9 : i32
      %dma_wait3A_294 = arith.constant 0 : i32
      %dma_wait3A_295 = tpu.memref_slice %arg11[%dma_wait3A_293, %dma_wait3A_294] : memref<10x128xi32, #tpu.memory_space<vmem>> -> memref<1x128xi32, #tpu.memory_space<vmem>>
      %dma_wait3A_296 = tpu.memref_squeeze %dma_wait3A_295 : memref<1x128xi32, #tpu.memory_space<vmem>> -> memref<128xi32, #tpu.memory_space<vmem>>
      %dma_wait3A_297 = arith.constant 0 : i32
      %dma_wait3A_298 = arith.constant 0 : i32
      %dma_wait3A_299 = tpu.memref_slice %arg2[%dma_wait3A_297, %dma_wait3A_298] : memref<10000x128xf32, #tpu.memory_space<hbm>> -> memref<10000x128xf32, #tpu.memory_space<hbm>>
      tpu.wait_indirect_dma semaphore(%arg15 : memref<!tpu.dma_semaphore, #tpu.memory_space<semaphore_mem>>) src(%dma_wait3A_299 : memref<10000x128xf32, #tpu.memory_space<hbm>>) dst(%arg10 : memref<128x128xf32, #tpu.memory_space<vmem>>)
      %dma_start3A_300 = arith.constant 9 : i32
      %dma_start3A_301 = arith.constant 0 : i32
      %dma_start3A_302 = tpu.memref_slice %arg12[%dma_start3A_300, %dma_start3A_301] : memref<10x128xi32, #tpu.memory_space<vmem>> -> memref<1x128xi32, #tpu.memory_space<vmem>>
      %dma_start3A_303 = tpu.memref_squeeze %dma_start3A_302 : memref<1x128xi32, #tpu.memory_space<vmem>> -> memref<128xi32, #tpu.memory_space<vmem>>
      %dma_start3A_304 = arith.constant 0 : i32
      %dma_start3A_305 = arith.constant 0 : i32
      %dma_start3A_306 = tpu.memref_slice %arg13[%dma_start3A_304, %dma_start3A_305] : memref<10112x128xf32, #tpu.memory_space<vmem_shared>> -> memref<10112x128xf32, #tpu.memory_space<vmem_shared>>
      tpu.enqueue_indirect_dma source(%arg10 : memref<128x128xf32, #tpu.memory_space<vmem>>) target(%dma_start3A_306 : memref<10112x128xf32, #tpu.memory_space<vmem_shared>>) offsets(%dma_start3A_303 : memref<128xi32, #tpu.memory_space<vmem>>) semaphore(%arg17 : memref<!tpu.dma_semaphore, #tpu.memory_space<semaphore_mem>>) {add = true}
      %run_scoped3A_307 = arith.constant 9 : i32
      "tpu.region"() ({
        %run_scoped3A_322 = tpu.sem_alloc : memref<!tpu.dma_semaphore, #tpu.memory_space<semaphore_mem>>
        %dma_start3A_323 = arith.constant 0 : i32
        %dma_start3A_324 = tpu.memref_slice %arg12[%run_scoped3A_307, %dma_start3A_323] : memref<10x128xi32, #tpu.memory_space<vmem>> -> memref<1x128xi32, #tpu.memory_space<vmem>>
        %dma_start3A_325 = tpu.memref_squeeze %dma_start3A_324 : memref<1x128xi32, #tpu.memory_space<vmem>> -> memref<128xi32, #tpu.memory_space<vmem>>
        %dma_start3A_326 = arith.constant 0 : i32
        %dma_start3A_327 = arith.constant 0 : i32
        %dma_start3A_328 = tpu.memref_slice %arg19[%dma_start3A_326, %dma_start3A_327] : memref<10112x16xf32, #tpu.memory_space<vmem_shared>> -> memref<10112x16xf32, #tpu.memory_space<vmem_shared>>
        tpu.enqueue_indirect_dma source(%arg18 : memref<128x16xf32, #tpu.memory_space<vmem>>) target(%dma_start3A_328 : memref<10112x16xf32, #tpu.memory_space<vmem_shared>>) offsets(%dma_start3A_325 : memref<128xi32, #tpu.memory_space<vmem>>) semaphore(%run_scoped3A_322 : memref<!tpu.dma_semaphore, #tpu.memory_space<semaphore_mem>>) {add = true}
        %dma_wait3A_329 = arith.constant 0 : i32
        %dma_wait3A_330 = tpu.memref_slice %arg12[%run_scoped3A_307, %dma_wait3A_329] : memref<10x128xi32, #tpu.memory_space<vmem>> -> memref<1x128xi32, #tpu.memory_space<vmem>>
        %dma_wait3A_331 = tpu.memref_squeeze %dma_wait3A_330 : memref<1x128xi32, #tpu.memory_space<vmem>> -> memref<128xi32, #tpu.memory_space<vmem>>
        %dma_wait3A_332 = arith.constant 0 : i32
        %dma_wait3A_333 = arith.constant 0 : i32
        %dma_wait3A_334 = tpu.memref_slice %arg19[%dma_wait3A_332, %dma_wait3A_333] : memref<10112x16xf32, #tpu.memory_space<vmem_shared>> -> memref<10112x16xf32, #tpu.memory_space<vmem_shared>>
        tpu.wait_indirect_dma semaphore(%run_scoped3A_322 : memref<!tpu.dma_semaphore, #tpu.memory_space<semaphore_mem>>) src(%arg18 : memref<128x16xf32, #tpu.memory_space<vmem>>) dst(%dma_wait3A_334 : memref<10112x16xf32, #tpu.memory_space<vmem_shared>>)
        tpu.yield
      }) : () -> ()
      %dma_wait3A_308 = arith.constant 8 : i32
      %dma_wait3A_309 = arith.constant 0 : i32
      %dma_wait3A_310 = tpu.memref_slice %arg12[%dma_wait3A_308, %dma_wait3A_309] : memref<10x128xi32, #tpu.memory_space<vmem>> -> memref<1x128xi32, #tpu.memory_space<vmem>>
      %dma_wait3A_311 = tpu.memref_squeeze %dma_wait3A_310 : memref<1x128xi32, #tpu.memory_space<vmem>> -> memref<128xi32, #tpu.memory_space<vmem>>
      %dma_wait3A_312 = arith.constant 0 : i32
      %dma_wait3A_313 = arith.constant 0 : i32
      %dma_wait3A_314 = tpu.memref_slice %arg13[%dma_wait3A_312, %dma_wait3A_313] : memref<10112x128xf32, #tpu.memory_space<vmem_shared>> -> memref<10112x128xf32, #tpu.memory_space<vmem_shared>>
      tpu.wait_indirect_dma semaphore(%arg16 : memref<!tpu.dma_semaphore, #tpu.memory_space<semaphore_mem>>) src(%arg9 : memref<128x128xf32, #tpu.memory_space<vmem>>) dst(%dma_wait3A_314 : memref<10112x128xf32, #tpu.memory_space<vmem_shared>>)
      %dma_wait3A_315 = arith.constant 9 : i32
      %dma_wait3A_316 = arith.constant 0 : i32
      %dma_wait3A_317 = tpu.memref_slice %arg12[%dma_wait3A_315, %dma_wait3A_316] : memref<10x128xi32, #tpu.memory_space<vmem>> -> memref<1x128xi32, #tpu.memory_space<vmem>>
      %dma_wait3A_318 = tpu.memref_squeeze %dma_wait3A_317 : memref<1x128xi32, #tpu.memory_space<vmem>> -> memref<128xi32, #tpu.memory_space<vmem>>
      %dma_wait3A_319 = arith.constant 0 : i32
      %dma_wait3A_320 = arith.constant 0 : i32
      %dma_wait3A_321 = tpu.memref_slice %arg13[%dma_wait3A_319, %dma_wait3A_320] : memref<10112x128xf32, #tpu.memory_space<vmem_shared>> -> memref<10112x128xf32, #tpu.memory_space<vmem_shared>>
      tpu.wait_indirect_dma semaphore(%arg17 : memref<!tpu.dma_semaphore, #tpu.memory_space<semaphore_mem>>) src(%arg10 : memref<128x128xf32, #tpu.memory_space<vmem>>) dst(%dma_wait3A_321 : memref<10112x128xf32, #tpu.memory_space<vmem_shared>>)
    }
    %while3A_19 = arith.constant 1 : i32
    scf.for %while3A_29 = %while3A_17 to %while3A_13 step %while3A_19  : i32 {
      %mul3A_30 = arith.constant 8 : i32
      %mul3A_31 = arith.muli %add3A, %mul3A_30 : i32
      %add3A_32 = arith.addi %mul3A_31, %while3A_29 : i32
      %run_scoped3A = arith.constant 0 : i32
      "tpu.region"() ({
        %run_scoped3A_322 = tpu.sem_alloc : memref<!tpu.dma_semaphore, #tpu.memory_space<semaphore_mem>>
        %dma_start3A_323 = arith.constant 0 : i32
        %dma_start3A_324 = arith.constant 0 : i32
        %dma_start3A_325 = tpu.memref_slice %arg3[%run_scoped3A, %add3A_32, %dma_start3A_323, %dma_start3A_324] : memref<2x256x10x128xi32, #tpu.memory_space<hbm>> -> memref<1x1x10x128xi32, #tpu.memory_space<hbm>>
        %dma_start3A_326 = tpu.memref_squeeze %dma_start3A_325 : memref<1x1x10x128xi32, #tpu.memory_space<hbm>> -> memref<10x128xi32, #tpu.memory_space<hbm>>
        %dma_start3A_327 = arith.constant 0 : i32
        %dma_start3A_328 = arith.constant 0 : i32
        %dma_start3A_329 = tpu.memref_slice %arg3[%run_scoped3A, %add3A_32, %dma_start3A_327, %dma_start3A_328] : memref<2x256x10x128xi32, #tpu.memory_space<hbm>> -> memref<1x1x10x128xi32, #tpu.memory_space<hbm>>
        %dma_start3A_330 = tpu.memref_squeeze %dma_start3A_329 : memref<1x1x10x128xi32, #tpu.memory_space<hbm>> -> memref<10x128xi32, #tpu.memory_space<hbm>>
        tpu.enqueue_dma source(%dma_start3A_330 : memref<10x128xi32, #tpu.memory_space<hbm>>) target(%arg11 : memref<10x128xi32, #tpu.memory_space<vmem>>) target_semaphore(%run_scoped3A_322 : memref<!tpu.dma_semaphore, #tpu.memory_space<semaphore_mem>>)
        %dma_wait3A_331 = arith.constant 0 : i32
        %dma_wait3A_332 = arith.constant 0 : i32
        %dma_wait3A_333 = tpu.memref_slice %arg3[%run_scoped3A, %add3A_32, %dma_wait3A_331, %dma_wait3A_332] : memref<2x256x10x128xi32, #tpu.memory_space<hbm>> -> memref<1x1x10x128xi32, #tpu.memory_space<hbm>>
        %dma_wait3A_334 = tpu.memref_squeeze %dma_wait3A_333 : memref<1x1x10x128xi32, #tpu.memory_space<hbm>> -> memref<10x128xi32, #tpu.memory_space<hbm>>
        %dma_wait3A_335 = arith.constant 0 : i32
        %dma_wait3A_336 = arith.constant 0 : i32
        %dma_wait3A_337 = tpu.memref_slice %arg3[%run_scoped3A, %add3A_32, %dma_wait3A_335, %dma_wait3A_336] : memref<2x256x10x128xi32, #tpu.memory_space<hbm>> -> memref<1x1x10x128xi32, #tpu.memory_space<hbm>>
        %dma_wait3A_338 = tpu.memref_squeeze %dma_wait3A_337 : memref<1x1x10x128xi32, #tpu.memory_space<hbm>> -> memref<10x128xi32, #tpu.memory_space<hbm>>
        tpu.wait_dma2 semaphore(%run_scoped3A_322 : memref<!tpu.dma_semaphore, #tpu.memory_space<semaphore_mem>>) src(%dma_wait3A_338 : memref<10x128xi32, #tpu.memory_space<hbm>>) dst(%arg11 : memref<10x128xi32, #tpu.memory_space<vmem>>)
        tpu.yield
      }) : () -> ()
      %run_scoped3A_33 = arith.constant 1 : i32
      "tpu.region"() ({
        %run_scoped3A_322 = tpu.sem_alloc : memref<!tpu.dma_semaphore, #tpu.memory_space<semaphore_mem>>
        %dma_start3A_323 = arith.constant 0 : i32
        %dma_start3A_324 = arith.constant 0 : i32
        %dma_start3A_325 = tpu.memref_slice %arg3[%run_scoped3A_33, %add3A_32, %dma_start3A_323, %dma_start3A_324] : memref<2x256x10x128xi32, #tpu.memory_space<hbm>> -> memref<1x1x10x128xi32, #tpu.memory_space<hbm>>
        %dma_start3A_326 = tpu.memref_squeeze %dma_start3A_325 : memref<1x1x10x128xi32, #tpu.memory_space<hbm>> -> memref<10x128xi32, #tpu.memory_space<hbm>>
        %dma_start3A_327 = arith.constant 0 : i32
        %dma_start3A_328 = arith.constant 0 : i32
        %dma_start3A_329 = tpu.memref_slice %arg3[%run_scoped3A_33, %add3A_32, %dma_start3A_327, %dma_start3A_328] : memref<2x256x10x128xi32, #tpu.memory_space<hbm>> -> memref<1x1x10x128xi32, #tpu.memory_space<hbm>>
        %dma_start3A_330 = tpu.memref_squeeze %dma_start3A_329 : memref<1x1x10x128xi32, #tpu.memory_space<hbm>> -> memref<10x128xi32, #tpu.memory_space<hbm>>
        tpu.enqueue_dma source(%dma_start3A_330 : memref<10x128xi32, #tpu.memory_space<hbm>>) target(%arg12 : memref<10x128xi32, #tpu.memory_space<vmem>>) target_semaphore(%run_scoped3A_322 : memref<!tpu.dma_semaphore, #tpu.memory_space<semaphore_mem>>)
        %dma_wait3A_331 = arith.constant 0 : i32
        %dma_wait3A_332 = arith.constant 0 : i32
        %dma_wait3A_333 = tpu.memref_slice %arg3[%run_scoped3A_33, %add3A_32, %dma_wait3A_331, %dma_wait3A_332] : memref<2x256x10x128xi32, #tpu.memory_space<hbm>> -> memref<1x1x10x128xi32, #tpu.memory_space<hbm>>
        %dma_wait3A_334 = tpu.memref_squeeze %dma_wait3A_333 : memref<1x1x10x128xi32, #tpu.memory_space<hbm>> -> memref<10x128xi32, #tpu.memory_space<hbm>>
        %dma_wait3A_335 = arith.constant 0 : i32
        %dma_wait3A_336 = arith.constant 0 : i32
        %dma_wait3A_337 = tpu.memref_slice %arg3[%run_scoped3A_33, %add3A_32, %dma_wait3A_335, %dma_wait3A_336] : memref<2x256x10x128xi32, #tpu.memory_space<hbm>> -> memref<1x1x10x128xi32, #tpu.memory_space<hbm>>
        %dma_wait3A_338 = tpu.memref_squeeze %dma_wait3A_337 : memref<1x1x10x128xi32, #tpu.memory_space<hbm>> -> memref<10x128xi32, #tpu.memory_space<hbm>>
        tpu.wait_dma2 semaphore(%run_scoped3A_322 : memref<!tpu.dma_semaphore, #tpu.memory_space<semaphore_mem>>) src(%dma_wait3A_338 : memref<10x128xi32, #tpu.memory_space<hbm>>) dst(%arg12 : memref<10x128xi32, #tpu.memory_space<vmem>>)
        tpu.yield
      }) : () -> ()
      %dma_start3A = arith.constant 0 : i32
      %dma_start3A_34 = arith.constant 0 : i32
      %dma_start3A_35 = tpu.memref_slice %arg11[%dma_start3A, %dma_start3A_34] : memref<10x128xi32, #tpu.memory_space<vmem>> -> memref<1x128xi32, #tpu.memory_space<vmem>>
      %dma_start3A_36 = tpu.memref_squeeze %dma_start3A_35 : memref<1x128xi32, #tpu.memory_space<vmem>> -> memref<128xi32, #tpu.memory_space<vmem>>
      %dma_start3A_37 = arith.constant 0 : i32
      %dma_start3A_38 = arith.constant 0 : i32
      %dma_start3A_39 = tpu.memref_slice %arg2[%dma_start3A_37, %dma_start3A_38] : memref<10000x128xf32, #tpu.memory_space<hbm>> -> memref<10000x128xf32, #tpu.memory_space<hbm>>
      tpu.enqueue_indirect_dma source(%dma_start3A_39 : memref<10000x128xf32, #tpu.memory_space<hbm>>) target(%arg9 : memref<128x128xf32, #tpu.memory_space<vmem>>) offsets(%dma_start3A_36 : memref<128xi32, #tpu.memory_space<vmem>>) semaphore(%arg14 : memref<!tpu.dma_semaphore, #tpu.memory_space<semaphore_mem>>)
      %dma_start3A_40 = arith.constant 1 : i32
      %dma_start3A_41 = arith.constant 0 : i32
      %dma_start3A_42 = tpu.memref_slice %arg11[%dma_start3A_40, %dma_start3A_41] : memref<10x128xi32, #tpu.memory_space<vmem>> -> memref<1x128xi32, #tpu.memory_space<vmem>>
      %dma_start3A_43 = tpu.memref_squeeze %dma_start3A_42 : memref<1x128xi32, #tpu.memory_space<vmem>> -> memref<128xi32, #tpu.memory_space<vmem>>
      %dma_start3A_44 = arith.constant 0 : i32
      %dma_start3A_45 = arith.constant 0 : i32
      %dma_start3A_46 = tpu.memref_slice %arg2[%dma_start3A_44, %dma_start3A_45] : memref<10000x128xf32, #tpu.memory_space<hbm>> -> memref<10000x128xf32, #tpu.memory_space<hbm>>
      tpu.enqueue_indirect_dma source(%dma_start3A_46 : memref<10000x128xf32, #tpu.memory_space<hbm>>) target(%arg10 : memref<128x128xf32, #tpu.memory_space<vmem>>) offsets(%dma_start3A_43 : memref<128xi32, #tpu.memory_space<vmem>>) semaphore(%arg15 : memref<!tpu.dma_semaphore, #tpu.memory_space<semaphore_mem>>)
      %dma_wait3A = arith.constant 0 : i32
      %dma_wait3A_47 = arith.constant 0 : i32
      %dma_wait3A_48 = tpu.memref_slice %arg11[%dma_wait3A, %dma_wait3A_47] : memref<10x128xi32, #tpu.memory_space<vmem>> -> memref<1x128xi32, #tpu.memory_space<vmem>>
      %dma_wait3A_49 = tpu.memref_squeeze %dma_wait3A_48 : memref<1x128xi32, #tpu.memory_space<vmem>> -> memref<128xi32, #tpu.memory_space<vmem>>
      %dma_wait3A_50 = arith.constant 0 : i32
      %dma_wait3A_51 = arith.constant 0 : i32
      %dma_wait3A_52 = tpu.memref_slice %arg2[%dma_wait3A_50, %dma_wait3A_51] : memref<10000x128xf32, #tpu.memory_space<hbm>> -> memref<10000x128xf32, #tpu.memory_space<hbm>>
      tpu.wait_indirect_dma semaphore(%arg14 : memref<!tpu.dma_semaphore, #tpu.memory_space<semaphore_mem>>) src(%dma_wait3A_52 : memref<10000x128xf32, #tpu.memory_space<hbm>>) dst(%arg9 : memref<128x128xf32, #tpu.memory_space<vmem>>)
      %dma_start3A_53 = arith.constant 0 : i32
      %dma_start3A_54 = arith.constant 0 : i32
      %dma_start3A_55 = tpu.memref_slice %arg12[%dma_start3A_53, %dma_start3A_54] : memref<10x128xi32, #tpu.memory_space<vmem>> -> memref<1x128xi32, #tpu.memory_space<vmem>>
      %dma_start3A_56 = tpu.memref_squeeze %dma_start3A_55 : memref<1x128xi32, #tpu.memory_space<vmem>> -> memref<128xi32, #tpu.memory_space<vmem>>
      %dma_start3A_57 = arith.constant 0 : i32
      %dma_start3A_58 = arith.constant 0 : i32
      %dma_start3A_59 = tpu.memref_slice %arg13[%dma_start3A_57, %dma_start3A_58] : memref<10112x128xf32, #tpu.memory_space<vmem_shared>> -> memref<10112x128xf32, #tpu.memory_space<vmem_shared>>
      tpu.enqueue_indirect_dma source(%arg9 : memref<128x128xf32, #tpu.memory_space<vmem>>) target(%dma_start3A_59 : memref<10112x128xf32, #tpu.memory_space<vmem_shared>>) offsets(%dma_start3A_56 : memref<128xi32, #tpu.memory_space<vmem>>) semaphore(%arg16 : memref<!tpu.dma_semaphore, #tpu.memory_space<semaphore_mem>>) {add = true}
      %run_scoped3A_60 = arith.constant 0 : i32
      "tpu.region"() ({
        %run_scoped3A_322 = tpu.sem_alloc : memref<!tpu.dma_semaphore, #tpu.memory_space<semaphore_mem>>
        %dma_start3A_323 = arith.constant 0 : i32
        %dma_start3A_324 = tpu.memref_slice %arg12[%run_scoped3A_60, %dma_start3A_323] : memref<10x128xi32, #tpu.memory_space<vmem>> -> memref<1x128xi32, #tpu.memory_space<vmem>>
        %dma_start3A_325 = tpu.memref_squeeze %dma_start3A_324 : memref<1x128xi32, #tpu.memory_space<vmem>> -> memref<128xi32, #tpu.memory_space<vmem>>
        %dma_start3A_326 = arith.constant 0 : i32
        %dma_start3A_327 = arith.constant 0 : i32
        %dma_start3A_328 = tpu.memref_slice %arg19[%dma_start3A_326, %dma_start3A_327] : memref<10112x16xf32, #tpu.memory_space<vmem_shared>> -> memref<10112x16xf32, #tpu.memory_space<vmem_shared>>
        tpu.enqueue_indirect_dma source(%arg18 : memref<128x16xf32, #tpu.memory_space<vmem>>) target(%dma_start3A_328 : memref<10112x16xf32, #tpu.memory_space<vmem_shared>>) offsets(%dma_start3A_325 : memref<128xi32, #tpu.memory_space<vmem>>) semaphore(%run_scoped3A_322 : memref<!tpu.dma_semaphore, #tpu.memory_space<semaphore_mem>>) {add = true}
        %dma_wait3A_329 = arith.constant 0 : i32
        %dma_wait3A_330 = tpu.memref_slice %arg12[%run_scoped3A_60, %dma_wait3A_329] : memref<10x128xi32, #tpu.memory_space<vmem>> -> memref<1x128xi32, #tpu.memory_space<vmem>>
        %dma_wait3A_331 = tpu.memref_squeeze %dma_wait3A_330 : memref<1x128xi32, #tpu.memory_space<vmem>> -> memref<128xi32, #tpu.memory_space<vmem>>
        %dma_wait3A_332 = arith.constant 0 : i32
        %dma_wait3A_333 = arith.constant 0 : i32
        %dma_wait3A_334 = tpu.memref_slice %arg19[%dma_wait3A_332, %dma_wait3A_333] : memref<10112x16xf32, #tpu.memory_space<vmem_shared>> -> memref<10112x16xf32, #tpu.memory_space<vmem_shared>>
        tpu.wait_indirect_dma semaphore(%run_scoped3A_322 : memref<!tpu.dma_semaphore, #tpu.memory_space<semaphore_mem>>) src(%arg18 : memref<128x16xf32, #tpu.memory_space<vmem>>) dst(%dma_wait3A_334 : memref<10112x16xf32, #tpu.memory_space<vmem_shared>>)
        tpu.yield
      }) : () -> ()
      %dma_wait3A_61 = arith.constant 0 : i32
      %dma_wait3A_62 = arith.constant 0 : i32
      %dma_wait3A_63 = tpu.memref_slice %arg12[%dma_wait3A_61, %dma_wait3A_62] : memref<10x128xi32, #tpu.memory_space<vmem>> -> memref<1x128xi32, #tpu.memory_space<vmem>>
      %dma_wait3A_64 = tpu.memref_squeeze %dma_wait3A_63 : memref<1x128xi32, #tpu.memory_space<vmem>> -> memref<128xi32, #tpu.memory_space<vmem>>
      %dma_wait3A_65 = arith.constant 0 : i32
      %dma_wait3A_66 = arith.constant 0 : i32
      %dma_wait3A_67 = tpu.memref_slice %arg13[%dma_wait3A_65, %dma_wait3A_66] : memref<10112x128xf32, #tpu.memory_space<vmem_shared>> -> memref<10112x128xf32, #tpu.memory_space<vmem_shared>>
      tpu.wait_indirect_dma semaphore(%arg16 : memref<!tpu.dma_semaphore, #tpu.memory_space<semaphore_mem>>) src(%arg9 : memref<128x128xf32, #tpu.memory_space<vmem>>) dst(%dma_wait3A_67 : memref<10112x128xf32, #tpu.memory_space<vmem_shared>>)
      %dma_start3A_68 = arith.constant 2 : i32
      %dma_start3A_69 = arith.constant 0 : i32
      %dma_start3A_70 = tpu.memref_slice %arg11[%dma_start3A_68, %dma_start3A_69] : memref<10x128xi32, #tpu.memory_space<vmem>> -> memref<1x128xi32, #tpu.memory_space<vmem>>
      %dma_start3A_71 = tpu.memref_squeeze %dma_start3A_70 : memref<1x128xi32, #tpu.memory_space<vmem>> -> memref<128xi32, #tpu.memory_space<vmem>>
      %dma_start3A_72 = arith.constant 0 : i32
      %dma_start3A_73 = arith.constant 0 : i32
      %dma_start3A_74 = tpu.memref_slice %arg2[%dma_start3A_72, %dma_start3A_73] : memref<10000x128xf32, #tpu.memory_space<hbm>> -> memref<10000x128xf32, #tpu.memory_space<hbm>>
      tpu.enqueue_indirect_dma source(%dma_start3A_74 : memref<10000x128xf32, #tpu.memory_space<hbm>>) target(%arg9 : memref<128x128xf32, #tpu.memory_space<vmem>>) offsets(%dma_start3A_71 : memref<128xi32, #tpu.memory_space<vmem>>) semaphore(%arg14 : memref<!tpu.dma_semaphore, #tpu.memory_space<semaphore_mem>>)
      %dma_wait3A_75 = arith.constant 1 : i32
      %dma_wait3A_76 = arith.constant 0 : i32
      %dma_wait3A_77 = tpu.memref_slice %arg11[%dma_wait3A_75, %dma_wait3A_76] : memref<10x128xi32, #tpu.memory_space<vmem>> -> memref<1x128xi32, #tpu.memory_space<vmem>>
      %dma_wait3A_78 = tpu.memref_squeeze %dma_wait3A_77 : memref<1x128xi32, #tpu.memory_space<vmem>> -> memref<128xi32, #tpu.memory_space<vmem>>
      %dma_wait3A_79 = arith.constant 0 : i32
      %dma_wait3A_80 = arith.constant 0 : i32
      %dma_wait3A_81 = tpu.memref_slice %arg2[%dma_wait3A_79, %dma_wait3A_80] : memref<10000x128xf32, #tpu.memory_space<hbm>> -> memref<10000x128xf32, #tpu.memory_space<hbm>>
      tpu.wait_indirect_dma semaphore(%arg15 : memref<!tpu.dma_semaphore, #tpu.memory_space<semaphore_mem>>) src(%dma_wait3A_81 : memref<10000x128xf32, #tpu.memory_space<hbm>>) dst(%arg10 : memref<128x128xf32, #tpu.memory_space<vmem>>)
      %dma_start3A_82 = arith.constant 1 : i32
      %dma_start3A_83 = arith.constant 0 : i32
      %dma_start3A_84 = tpu.memref_slice %arg12[%dma_start3A_82, %dma_start3A_83] : memref<10x128xi32, #tpu.memory_space<vmem>> -> memref<1x128xi32, #tpu.memory_space<vmem>>
      %dma_start3A_85 = tpu.memref_squeeze %dma_start3A_84 : memref<1x128xi32, #tpu.memory_space<vmem>> -> memref<128xi32, #tpu.memory_space<vmem>>
      %dma_start3A_86 = arith.constant 0 : i32
      %dma_start3A_87 = arith.constant 0 : i32
      %dma_start3A_88 = tpu.memref_slice %arg13[%dma_start3A_86, %dma_start3A_87] : memref<10112x128xf32, #tpu.memory_space<vmem_shared>> -> memref<10112x128xf32, #tpu.memory_space<vmem_shared>>
      tpu.enqueue_indirect_dma source(%arg10 : memref<128x128xf32, #tpu.memory_space<vmem>>) target(%dma_start3A_88 : memref<10112x128xf32, #tpu.memory_space<vmem_shared>>) offsets(%dma_start3A_85 : memref<128xi32, #tpu.memory_space<vmem>>) semaphore(%arg17 : memref<!tpu.dma_semaphore, #tpu.memory_space<semaphore_mem>>) {add = true}
      %run_scoped3A_89 = arith.constant 1 : i32
      "tpu.region"() ({
        %run_scoped3A_322 = tpu.sem_alloc : memref<!tpu.dma_semaphore, #tpu.memory_space<semaphore_mem>>
        %dma_start3A_323 = arith.constant 0 : i32
        %dma_start3A_324 = tpu.memref_slice %arg12[%run_scoped3A_89, %dma_start3A_323] : memref<10x128xi32, #tpu.memory_space<vmem>> -> memref<1x128xi32, #tpu.memory_space<vmem>>
        %dma_start3A_325 = tpu.memref_squeeze %dma_start3A_324 : memref<1x128xi32, #tpu.memory_space<vmem>> -> memref<128xi32, #tpu.memory_space<vmem>>
        %dma_start3A_326 = arith.constant 0 : i32
        %dma_start3A_327 = arith.constant 0 : i32
        %dma_start3A_328 = tpu.memref_slice %arg19[%dma_start3A_326, %dma_start3A_327] : memref<10112x16xf32, #tpu.memory_space<vmem_shared>> -> memref<10112x16xf32, #tpu.memory_space<vmem_shared>>
        tpu.enqueue_indirect_dma source(%arg18 : memref<128x16xf32, #tpu.memory_space<vmem>>) target(%dma_start3A_328 : memref<10112x16xf32, #tpu.memory_space<vmem_shared>>) offsets(%dma_start3A_325 : memref<128xi32, #tpu.memory_space<vmem>>) semaphore(%run_scoped3A_322 : memref<!tpu.dma_semaphore, #tpu.memory_space<semaphore_mem>>) {add = true}
        %dma_wait3A_329 = arith.constant 0 : i32
        %dma_wait3A_330 = tpu.memref_slice %arg12[%run_scoped3A_89, %dma_wait3A_329] : memref<10x128xi32, #tpu.memory_space<vmem>> -> memref<1x128xi32, #tpu.memory_space<vmem>>
        %dma_wait3A_331 = tpu.memref_squeeze %dma_wait3A_330 : memref<1x128xi32, #tpu.memory_space<vmem>> -> memref<128xi32, #tpu.memory_space<vmem>>
        %dma_wait3A_332 = arith.constant 0 : i32
        %dma_wait3A_333 = arith.constant 0 : i32
        %dma_wait3A_334 = tpu.memref_slice %arg19[%dma_wait3A_332, %dma_wait3A_333] : memref<10112x16xf32, #tpu.memory_space<vmem_shared>> -> memref<10112x16xf32, #tpu.memory_space<vmem_shared>>
        tpu.wait_indirect_dma semaphore(%run_scoped3A_322 : memref<!tpu.dma_semaphore, #tpu.memory_space<semaphore_mem>>) src(%arg18 : memref<128x16xf32, #tpu.memory_space<vmem>>) dst(%dma_wait3A_334 : memref<10112x16xf32, #tpu.memory_space<vmem_shared>>)
        tpu.yield
      }) : () -> ()
      %dma_wait3A_90 = arith.constant 1 : i32
      %dma_wait3A_91 = arith.constant 0 : i32
      %dma_wait3A_92 = tpu.memref_slice %arg12[%dma_wait3A_90, %dma_wait3A_91] : memref<10x128xi32, #tpu.memory_space<vmem>> -> memref<1x128xi32, #tpu.memory_space<vmem>>
      %dma_wait3A_93 = tpu.memref_squeeze %dma_wait3A_92 : memref<1x128xi32, #tpu.memory_space<vmem>> -> memref<128xi32, #tpu.memory_space<vmem>>
      %dma_wait3A_94 = arith.constant 0 : i32
      %dma_wait3A_95 = arith.constant 0 : i32
      %dma_wait3A_96 = tpu.memref_slice %arg13[%dma_wait3A_94, %dma_wait3A_95] : memref<10112x128xf32, #tpu.memory_space<vmem_shared>> -> memref<10112x128xf32, #tpu.memory_space<vmem_shared>>
      tpu.wait_indirect_dma semaphore(%arg17 : memref<!tpu.dma_semaphore, #tpu.memory_space<semaphore_mem>>) src(%arg10 : memref<128x128xf32, #tpu.memory_space<vmem>>) dst(%dma_wait3A_96 : memref<10112x128xf32, #tpu.memory_space<vmem_shared>>)
      %dma_start3A_97 = arith.constant 3 : i32
      %dma_start3A_98 = arith.constant 0 : i32
      %dma_start3A_99 = tpu.memref_slice %arg11[%dma_start3A_97, %dma_start3A_98] : memref<10x128xi32, #tpu.memory_space<vmem>> -> memref<1x128xi32, #tpu.memory_space<vmem>>
      %dma_start3A_100 = tpu.memref_squeeze %dma_start3A_99 : memref<1x128xi32, #tpu.memory_space<vmem>> -> memref<128xi32, #tpu.memory_space<vmem>>
      %dma_start3A_101 = arith.constant 0 : i32
      %dma_start3A_102 = arith.constant 0 : i32
      %dma_start3A_103 = tpu.memref_slice %arg2[%dma_start3A_101, %dma_start3A_102] : memref<10000x128xf32, #tpu.memory_space<hbm>> -> memref<10000x128xf32, #tpu.memory_space<hbm>>
      tpu.enqueue_indirect_dma source(%dma_start3A_103 : memref<10000x128xf32, #tpu.memory_space<hbm>>) target(%arg10 : memref<128x128xf32, #tpu.memory_space<vmem>>) offsets(%dma_start3A_100 : memref<128xi32, #tpu.memory_space<vmem>>) semaphore(%arg15 : memref<!tpu.dma_semaphore, #tpu.memory_space<semaphore_mem>>)
      %dma_wait3A_104 = arith.constant 2 : i32
      %dma_wait3A_105 = arith.constant 0 : i32
      %dma_wait3A_106 = tpu.memref_slice %arg11[%dma_wait3A_104, %dma_wait3A_105] : memref<10x128xi32, #tpu.memory_space<vmem>> -> memref<1x128xi32, #tpu.memory_space<vmem>>
      %dma_wait3A_107 = tpu.memref_squeeze %dma_wait3A_106 : memref<1x128xi32, #tpu.memory_space<vmem>> -> memref<128xi32, #tpu.memory_space<vmem>>
      %dma_wait3A_108 = arith.constant 0 : i32
      %dma_wait3A_109 = arith.constant 0 : i32
      %dma_wait3A_110 = tpu.memref_slice %arg2[%dma_wait3A_108, %dma_wait3A_109] : memref<10000x128xf32, #tpu.memory_space<hbm>> -> memref<10000x128xf32, #tpu.memory_space<hbm>>
      tpu.wait_indirect_dma semaphore(%arg14 : memref<!tpu.dma_semaphore, #tpu.memory_space<semaphore_mem>>) src(%dma_wait3A_110 : memref<10000x128xf32, #tpu.memory_space<hbm>>) dst(%arg9 : memref<128x128xf32, #tpu.memory_space<vmem>>)
      %dma_start3A_111 = arith.constant 2 : i32
      %dma_start3A_112 = arith.constant 0 : i32
      %dma_start3A_113 = tpu.memref_slice %arg12[%dma_start3A_111, %dma_start3A_112] : memref<10x128xi32, #tpu.memory_space<vmem>> -> memref<1x128xi32, #tpu.memory_space<vmem>>
      %dma_start3A_114 = tpu.memref_squeeze %dma_start3A_113 : memref<1x128xi32, #tpu.memory_space<vmem>> -> memref<128xi32, #tpu.memory_space<vmem>>
      %dma_start3A_115 = arith.constant 0 : i32
      %dma_start3A_116 = arith.constant 0 : i32
      %dma_start3A_117 = tpu.memref_slice %arg13[%dma_start3A_115, %dma_start3A_116] : memref<10112x128xf32, #tpu.memory_space<vmem_shared>> -> memref<10112x128xf32, #tpu.memory_space<vmem_shared>>
      tpu.enqueue_indirect_dma source(%arg9 : memref<128x128xf32, #tpu.memory_space<vmem>>) target(%dma_start3A_117 : memref<10112x128xf32, #tpu.memory_space<vmem_shared>>) offsets(%dma_start3A_114 : memref<128xi32, #tpu.memory_space<vmem>>) semaphore(%arg16 : memref<!tpu.dma_semaphore, #tpu.memory_space<semaphore_mem>>) {add = true}
      %run_scoped3A_118 = arith.constant 2 : i32
      "tpu.region"() ({
        %run_scoped3A_322 = tpu.sem_alloc : memref<!tpu.dma_semaphore, #tpu.memory_space<semaphore_mem>>
        %dma_start3A_323 = arith.constant 0 : i32
        %dma_start3A_324 = tpu.memref_slice %arg12[%run_scoped3A_118, %dma_start3A_323] : memref<10x128xi32, #tpu.memory_space<vmem>> -> memref<1x128xi32, #tpu.memory_space<vmem>>
        %dma_start3A_325 = tpu.memref_squeeze %dma_start3A_324 : memref<1x128xi32, #tpu.memory_space<vmem>> -> memref<128xi32, #tpu.memory_space<vmem>>
        %dma_start3A_326 = arith.constant 0 : i32
        %dma_start3A_327 = arith.constant 0 : i32
        %dma_start3A_328 = tpu.memref_slice %arg19[%dma_start3A_326, %dma_start3A_327] : memref<10112x16xf32, #tpu.memory_space<vmem_shared>> -> memref<10112x16xf32, #tpu.memory_space<vmem_shared>>
        tpu.enqueue_indirect_dma source(%arg18 : memref<128x16xf32, #tpu.memory_space<vmem>>) target(%dma_start3A_328 : memref<10112x16xf32, #tpu.memory_space<vmem_shared>>) offsets(%dma_start3A_325 : memref<128xi32, #tpu.memory_space<vmem>>) semaphore(%run_scoped3A_322 : memref<!tpu.dma_semaphore, #tpu.memory_space<semaphore_mem>>) {add = true}
        %dma_wait3A_329 = arith.constant 0 : i32
        %dma_wait3A_330 = tpu.memref_slice %arg12[%run_scoped3A_118, %dma_wait3A_329] : memref<10x128xi32, #tpu.memory_space<vmem>> -> memref<1x128xi32, #tpu.memory_space<vmem>>
        %dma_wait3A_331 = tpu.memref_squeeze %dma_wait3A_330 : memref<1x128xi32, #tpu.memory_space<vmem>> -> memref<128xi32, #tpu.memory_space<vmem>>
        %dma_wait3A_332 = arith.constant 0 : i32
        %dma_wait3A_333 = arith.constant 0 : i32
        %dma_wait3A_334 = tpu.memref_slice %arg19[%dma_wait3A_332, %dma_wait3A_333] : memref<10112x16xf32, #tpu.memory_space<vmem_shared>> -> memref<10112x16xf32, #tpu.memory_space<vmem_shared>>
        tpu.wait_indirect_dma semaphore(%run_scoped3A_322 : memref<!tpu.dma_semaphore, #tpu.memory_space<semaphore_mem>>) src(%arg18 : memref<128x16xf32, #tpu.memory_space<vmem>>) dst(%dma_wait3A_334 : memref<10112x16xf32, #tpu.memory_space<vmem_shared>>)
        tpu.yield
      }) : () -> ()
      %dma_wait3A_119 = arith.constant 2 : i32
      %dma_wait3A_120 = arith.constant 0 : i32
      %dma_wait3A_121 = tpu.memref_slice %arg12[%dma_wait3A_119, %dma_wait3A_120] : memref<10x128xi32, #tpu.memory_space<vmem>> -> memref<1x128xi32, #tpu.memory_space<vmem>>
      %dma_wait3A_122 = tpu.memref_squeeze %dma_wait3A_121 : memref<1x128xi32, #tpu.memory_space<vmem>> -> memref<128xi32, #tpu.memory_space<vmem>>
      %dma_wait3A_123 = arith.constant 0 : i32
      %dma_wait3A_124 = arith.constant 0 : i32
      %dma_wait3A_125 = tpu.memref_slice %arg13[%dma_wait3A_123, %dma_wait3A_124] : memref<10112x128xf32, #tpu.memory_space<vmem_shared>> -> memref<10112x128xf32, #tpu.memory_space<vmem_shared>>
      tpu.wait_indirect_dma semaphore(%arg16 : memref<!tpu.dma_semaphore, #tpu.memory_space<semaphore_mem>>) src(%arg9 : memref<128x128xf32, #tpu.memory_space<vmem>>) dst(%dma_wait3A_125 : memref<10112x128xf32, #tpu.memory_space<vmem_shared>>)
      %dma_start3A_126 = arith.constant 4 : i32
      %dma_start3A_127 = arith.constant 0 : i32
      %dma_start3A_128 = tpu.memref_slice %arg11[%dma_start3A_126, %dma_start3A_127] : memref<10x128xi32, #tpu.memory_space<vmem>> -> memref<1x128xi32, #tpu.memory_space<vmem>>
      %dma_start3A_129 = tpu.memref_squeeze %dma_start3A_128 : memref<1x128xi32, #tpu.memory_space<vmem>> -> memref<128xi32, #tpu.memory_space<vmem>>
      %dma_start3A_130 = arith.constant 0 : i32
      %dma_start3A_131 = arith.constant 0 : i32
      %dma_start3A_132 = tpu.memref_slice %arg2[%dma_start3A_130, %dma_start3A_131] : memref<10000x128xf32, #tpu.memory_space<hbm>> -> memref<10000x128xf32, #tpu.memory_space<hbm>>
      tpu.enqueue_indirect_dma source(%dma_start3A_132 : memref<10000x128xf32, #tpu.memory_space<hbm>>) target(%arg9 : memref<128x128xf32, #tpu.memory_space<vmem>>) offsets(%dma_start3A_129 : memref<128xi32, #tpu.memory_space<vmem>>) semaphore(%arg14 : memref<!tpu.dma_semaphore, #tpu.memory_space<semaphore_mem>>)
      %dma_wait3A_133 = arith.constant 3 : i32
      %dma_wait3A_134 = arith.constant 0 : i32
      %dma_wait3A_135 = tpu.memref_slice %arg11[%dma_wait3A_133, %dma_wait3A_134] : memref<10x128xi32, #tpu.memory_space<vmem>> -> memref<1x128xi32, #tpu.memory_space<vmem>>
      %dma_wait3A_136 = tpu.memref_squeeze %dma_wait3A_135 : memref<1x128xi32, #tpu.memory_space<vmem>> -> memref<128xi32, #tpu.memory_space<vmem>>
      %dma_wait3A_137 = arith.constant 0 : i32
      %dma_wait3A_138 = arith.constant 0 : i32
      %dma_wait3A_139 = tpu.memref_slice %arg2[%dma_wait3A_137, %dma_wait3A_138] : memref<10000x128xf32, #tpu.memory_space<hbm>> -> memref<10000x128xf32, #tpu.memory_space<hbm>>
      tpu.wait_indirect_dma semaphore(%arg15 : memref<!tpu.dma_semaphore, #tpu.memory_space<semaphore_mem>>) src(%dma_wait3A_139 : memref<10000x128xf32, #tpu.memory_space<hbm>>) dst(%arg10 : memref<128x128xf32, #tpu.memory_space<vmem>>)
      %dma_start3A_140 = arith.constant 3 : i32
      %dma_start3A_141 = arith.constant 0 : i32
      %dma_start3A_142 = tpu.memref_slice %arg12[%dma_start3A_140, %dma_start3A_141] : memref<10x128xi32, #tpu.memory_space<vmem>> -> memref<1x128xi32, #tpu.memory_space<vmem>>
      %dma_start3A_143 = tpu.memref_squeeze %dma_start3A_142 : memref<1x128xi32, #tpu.memory_space<vmem>> -> memref<128xi32, #tpu.memory_space<vmem>>
      %dma_start3A_144 = arith.constant 0 : i32
      %dma_start3A_145 = arith.constant 0 : i32
      %dma_start3A_146 = tpu.memref_slice %arg13[%dma_start3A_144, %dma_start3A_145] : memref<10112x128xf32, #tpu.memory_space<vmem_shared>> -> memref<10112x128xf32, #tpu.memory_space<vmem_shared>>
      tpu.enqueue_indirect_dma source(%arg10 : memref<128x128xf32, #tpu.memory_space<vmem>>) target(%dma_start3A_146 : memref<10112x128xf32, #tpu.memory_space<vmem_shared>>) offsets(%dma_start3A_143 : memref<128xi32, #tpu.memory_space<vmem>>) semaphore(%arg17 : memref<!tpu.dma_semaphore, #tpu.memory_space<semaphore_mem>>) {add = true}
      %run_scoped3A_147 = arith.constant 3 : i32
      "tpu.region"() ({
        %run_scoped3A_322 = tpu.sem_alloc : memref<!tpu.dma_semaphore, #tpu.memory_space<semaphore_mem>>
        %dma_start3A_323 = arith.constant 0 : i32
        %dma_start3A_324 = tpu.memref_slice %arg12[%run_scoped3A_147, %dma_start3A_323] : memref<10x128xi32, #tpu.memory_space<vmem>> -> memref<1x128xi32, #tpu.memory_space<vmem>>
        %dma_start3A_325 = tpu.memref_squeeze %dma_start3A_324 : memref<1x128xi32, #tpu.memory_space<vmem>> -> memref<128xi32, #tpu.memory_space<vmem>>
        %dma_start3A_326 = arith.constant 0 : i32
        %dma_start3A_327 = arith.constant 0 : i32
        %dma_start3A_328 = tpu.memref_slice %arg19[%dma_start3A_326, %dma_start3A_327] : memref<10112x16xf32, #tpu.memory_space<vmem_shared>> -> memref<10112x16xf32, #tpu.memory_space<vmem_shared>>
        tpu.enqueue_indirect_dma source(%arg18 : memref<128x16xf32, #tpu.memory_space<vmem>>) target(%dma_start3A_328 : memref<10112x16xf32, #tpu.memory_space<vmem_shared>>) offsets(%dma_start3A_325 : memref<128xi32, #tpu.memory_space<vmem>>) semaphore(%run_scoped3A_322 : memref<!tpu.dma_semaphore, #tpu.memory_space<semaphore_mem>>) {add = true}
        %dma_wait3A_329 = arith.constant 0 : i32
        %dma_wait3A_330 = tpu.memref_slice %arg12[%run_scoped3A_147, %dma_wait3A_329] : memref<10x128xi32, #tpu.memory_space<vmem>> -> memref<1x128xi32, #tpu.memory_space<vmem>>
        %dma_wait3A_331 = tpu.memref_squeeze %dma_wait3A_330 : memref<1x128xi32, #tpu.memory_space<vmem>> -> memref<128xi32, #tpu.memory_space<vmem>>
        %dma_wait3A_332 = arith.constant 0 : i32
        %dma_wait3A_333 = arith.constant 0 : i32
        %dma_wait3A_334 = tpu.memref_slice %arg19[%dma_wait3A_332, %dma_wait3A_333] : memref<10112x16xf32, #tpu.memory_space<vmem_shared>> -> memref<10112x16xf32, #tpu.memory_space<vmem_shared>>
        tpu.wait_indirect_dma semaphore(%run_scoped3A_322 : memref<!tpu.dma_semaphore, #tpu.memory_space<semaphore_mem>>) src(%arg18 : memref<128x16xf32, #tpu.memory_space<vmem>>) dst(%dma_wait3A_334 : memref<10112x16xf32, #tpu.memory_space<vmem_shared>>)
        tpu.yield
      }) : () -> ()
      %dma_wait3A_148 = arith.constant 3 : i32
      %dma_wait3A_149 = arith.constant 0 : i32
      %dma_wait3A_150 = tpu.memref_slice %arg12[%dma_wait3A_148, %dma_wait3A_149] : memref<10x128xi32, #tpu.memory_space<vmem>> -> memref<1x128xi32, #tpu.memory_space<vmem>>
      %dma_wait3A_151 = tpu.memref_squeeze %dma_wait3A_150 : memref<1x128xi32, #tpu.memory_space<vmem>> -> memref<128xi32, #tpu.memory_space<vmem>>
      %dma_wait3A_152 = arith.constant 0 : i32
      %dma_wait3A_153 = arith.constant 0 : i32
      %dma_wait3A_154 = tpu.memref_slice %arg13[%dma_wait3A_152, %dma_wait3A_153] : memref<10112x128xf32, #tpu.memory_space<vmem_shared>> -> memref<10112x128xf32, #tpu.memory_space<vmem_shared>>
      tpu.wait_indirect_dma semaphore(%arg17 : memref<!tpu.dma_semaphore, #tpu.memory_space<semaphore_mem>>) src(%arg10 : memref<128x128xf32, #tpu.memory_space<vmem>>) dst(%dma_wait3A_154 : memref<10112x128xf32, #tpu.memory_space<vmem_shared>>)
      %dma_start3A_155 = arith.constant 5 : i32
      %dma_start3A_156 = arith.constant 0 : i32
      %dma_start3A_157 = tpu.memref_slice %arg11[%dma_start3A_155, %dma_start3A_156] : memref<10x128xi32, #tpu.memory_space<vmem>> -> memref<1x128xi32, #tpu.memory_space<vmem>>
      %dma_start3A_158 = tpu.memref_squeeze %dma_start3A_157 : memref<1x128xi32, #tpu.memory_space<vmem>> -> memref<128xi32, #tpu.memory_space<vmem>>
      %dma_start3A_159 = arith.constant 0 : i32
      %dma_start3A_160 = arith.constant 0 : i32
      %dma_start3A_161 = tpu.memref_slice %arg2[%dma_start3A_159, %dma_start3A_160] : memref<10000x128xf32, #tpu.memory_space<hbm>> -> memref<10000x128xf32, #tpu.memory_space<hbm>>
      tpu.enqueue_indirect_dma source(%dma_start3A_161 : memref<10000x128xf32, #tpu.memory_space<hbm>>) target(%arg10 : memref<128x128xf32, #tpu.memory_space<vmem>>) offsets(%dma_start3A_158 : memref<128xi32, #tpu.memory_space<vmem>>) semaphore(%arg15 : memref<!tpu.dma_semaphore, #tpu.memory_space<semaphore_mem>>)
      %dma_wait3A_162 = arith.constant 4 : i32
      %dma_wait3A_163 = arith.constant 0 : i32
      %dma_wait3A_164 = tpu.memref_slice %arg11[%dma_wait3A_162, %dma_wait3A_163] : memref<10x128xi32, #tpu.memory_space<vmem>> -> memref<1x128xi32, #tpu.memory_space<vmem>>
      %dma_wait3A_165 = tpu.memref_squeeze %dma_wait3A_164 : memref<1x128xi32, #tpu.memory_space<vmem>> -> memref<128xi32, #tpu.memory_space<vmem>>
      %dma_wait3A_166 = arith.constant 0 : i32
      %dma_wait3A_167 = arith.constant 0 : i32
      %dma_wait3A_168 = tpu.memref_slice %arg2[%dma_wait3A_166, %dma_wait3A_167] : memref<10000x128xf32, #tpu.memory_space<hbm>> -> memref<10000x128xf32, #tpu.memory_space<hbm>>
      tpu.wait_indirect_dma semaphore(%arg14 : memref<!tpu.dma_semaphore, #tpu.memory_space<semaphore_mem>>) src(%dma_wait3A_168 : memref<10000x128xf32, #tpu.memory_space<hbm>>) dst(%arg9 : memref<128x128xf32, #tpu.memory_space<vmem>>)
      %dma_start3A_169 = arith.constant 4 : i32
      %dma_start3A_170 = arith.constant 0 : i32
      %dma_start3A_171 = tpu.memref_slice %arg12[%dma_start3A_169, %dma_start3A_170] : memref<10x128xi32, #tpu.memory_space<vmem>> -> memref<1x128xi32, #tpu.memory_space<vmem>>
      %dma_start3A_172 = tpu.memref_squeeze %dma_start3A_171 : memref<1x128xi32, #tpu.memory_space<vmem>> -> memref<128xi32, #tpu.memory_space<vmem>>
      %dma_start3A_173 = arith.constant 0 : i32
      %dma_start3A_174 = arith.constant 0 : i32
      %dma_start3A_175 = tpu.memref_slice %arg13[%dma_start3A_173, %dma_start3A_174] : memref<10112x128xf32, #tpu.memory_space<vmem_shared>> -> memref<10112x128xf32, #tpu.memory_space<vmem_shared>>
      tpu.enqueue_indirect_dma source(%arg9 : memref<128x128xf32, #tpu.memory_space<vmem>>) target(%dma_start3A_175 : memref<10112x128xf32, #tpu.memory_space<vmem_shared>>) offsets(%dma_start3A_172 : memref<128xi32, #tpu.memory_space<vmem>>) semaphore(%arg16 : memref<!tpu.dma_semaphore, #tpu.memory_space<semaphore_mem>>) {add = true}
      %run_scoped3A_176 = arith.constant 4 : i32
      "tpu.region"() ({
        %run_scoped3A_322 = tpu.sem_alloc : memref<!tpu.dma_semaphore, #tpu.memory_space<semaphore_mem>>
        %dma_start3A_323 = arith.constant 0 : i32
        %dma_start3A_324 = tpu.memref_slice %arg12[%run_scoped3A_176, %dma_start3A_323] : memref<10x128xi32, #tpu.memory_space<vmem>> -> memref<1x128xi32, #tpu.memory_space<vmem>>
        %dma_start3A_325 = tpu.memref_squeeze %dma_start3A_324 : memref<1x128xi32, #tpu.memory_space<vmem>> -> memref<128xi32, #tpu.memory_space<vmem>>
        %dma_start3A_326 = arith.constant 0 : i32
        %dma_start3A_327 = arith.constant 0 : i32
        %dma_start3A_328 = tpu.memref_slice %arg19[%dma_start3A_326, %dma_start3A_327] : memref<10112x16xf32, #tpu.memory_space<vmem_shared>> -> memref<10112x16xf32, #tpu.memory_space<vmem_shared>>
        tpu.enqueue_indirect_dma source(%arg18 : memref<128x16xf32, #tpu.memory_space<vmem>>) target(%dma_start3A_328 : memref<10112x16xf32, #tpu.memory_space<vmem_shared>>) offsets(%dma_start3A_325 : memref<128xi32, #tpu.memory_space<vmem>>) semaphore(%run_scoped3A_322 : memref<!tpu.dma_semaphore, #tpu.memory_space<semaphore_mem>>) {add = true}
        %dma_wait3A_329 = arith.constant 0 : i32
        %dma_wait3A_330 = tpu.memref_slice %arg12[%run_scoped3A_176, %dma_wait3A_329] : memref<10x128xi32, #tpu.memory_space<vmem>> -> memref<1x128xi32, #tpu.memory_space<vmem>>
        %dma_wait3A_331 = tpu.memref_squeeze %dma_wait3A_330 : memref<1x128xi32, #tpu.memory_space<vmem>> -> memref<128xi32, #tpu.memory_space<vmem>>
        %dma_wait3A_332 = arith.constant 0 : i32
        %dma_wait3A_333 = arith.constant 0 : i32
        %dma_wait3A_334 = tpu.memref_slice %arg19[%dma_wait3A_332, %dma_wait3A_333] : memref<10112x16xf32, #tpu.memory_space<vmem_shared>> -> memref<10112x16xf32, #tpu.memory_space<vmem_shared>>
        tpu.wait_indirect_dma semaphore(%run_scoped3A_322 : memref<!tpu.dma_semaphore, #tpu.memory_space<semaphore_mem>>) src(%arg18 : memref<128x16xf32, #tpu.memory_space<vmem>>) dst(%dma_wait3A_334 : memref<10112x16xf32, #tpu.memory_space<vmem_shared>>)
        tpu.yield
      }) : () -> ()
      %dma_wait3A_177 = arith.constant 4 : i32
      %dma_wait3A_178 = arith.constant 0 : i32
      %dma_wait3A_179 = tpu.memref_slice %arg12[%dma_wait3A_177, %dma_wait3A_178] : memref<10x128xi32, #tpu.memory_space<vmem>> -> memref<1x128xi32, #tpu.memory_space<vmem>>
      %dma_wait3A_180 = tpu.memref_squeeze %dma_wait3A_179 : memref<1x128xi32, #tpu.memory_space<vmem>> -> memref<128xi32, #tpu.memory_space<vmem>>
      %dma_wait3A_181 = arith.constant 0 : i32
      %dma_wait3A_182 = arith.constant 0 : i32
      %dma_wait3A_183 = tpu.memref_slice %arg13[%dma_wait3A_181, %dma_wait3A_182] : memref<10112x128xf32, #tpu.memory_space<vmem_shared>> -> memref<10112x128xf32, #tpu.memory_space<vmem_shared>>
      tpu.wait_indirect_dma semaphore(%arg16 : memref<!tpu.dma_semaphore, #tpu.memory_space<semaphore_mem>>) src(%arg9 : memref<128x128xf32, #tpu.memory_space<vmem>>) dst(%dma_wait3A_183 : memref<10112x128xf32, #tpu.memory_space<vmem_shared>>)
      %dma_start3A_184 = arith.constant 6 : i32
      %dma_start3A_185 = arith.constant 0 : i32
      %dma_start3A_186 = tpu.memref_slice %arg11[%dma_start3A_184, %dma_start3A_185] : memref<10x128xi32, #tpu.memory_space<vmem>> -> memref<1x128xi32, #tpu.memory_space<vmem>>
      %dma_start3A_187 = tpu.memref_squeeze %dma_start3A_186 : memref<1x128xi32, #tpu.memory_space<vmem>> -> memref<128xi32, #tpu.memory_space<vmem>>
      %dma_start3A_188 = arith.constant 0 : i32
      %dma_start3A_189 = arith.constant 0 : i32
      %dma_start3A_190 = tpu.memref_slice %arg2[%dma_start3A_188, %dma_start3A_189] : memref<10000x128xf32, #tpu.memory_space<hbm>> -> memref<10000x128xf32, #tpu.memory_space<hbm>>
      tpu.enqueue_indirect_dma source(%dma_start3A_190 : memref<10000x128xf32, #tpu.memory_space<hbm>>) target(%arg9 : memref<128x128xf32, #tpu.memory_space<vmem>>) offsets(%dma_start3A_187 : memref<128xi32, #tpu.memory_space<vmem>>) semaphore(%arg14 : memref<!tpu.dma_semaphore, #tpu.memory_space<semaphore_mem>>)
      %dma_wait3A_191 = arith.constant 5 : i32
      %dma_wait3A_192 = arith.constant 0 : i32
      %dma_wait3A_193 = tpu.memref_slice %arg11[%dma_wait3A_191, %dma_wait3A_192] : memref<10x128xi32, #tpu.memory_space<vmem>> -> memref<1x128xi32, #tpu.memory_space<vmem>>
      %dma_wait3A_194 = tpu.memref_squeeze %dma_wait3A_193 : memref<1x128xi32, #tpu.memory_space<vmem>> -> memref<128xi32, #tpu.memory_space<vmem>>
      %dma_wait3A_195 = arith.constant 0 : i32
      %dma_wait3A_196 = arith.constant 0 : i32
      %dma_wait3A_197 = tpu.memref_slice %arg2[%dma_wait3A_195, %dma_wait3A_196] : memref<10000x128xf32, #tpu.memory_space<hbm>> -> memref<10000x128xf32, #tpu.memory_space<hbm>>
      tpu.wait_indirect_dma semaphore(%arg15 : memref<!tpu.dma_semaphore, #tpu.memory_space<semaphore_mem>>) src(%dma_wait3A_197 : memref<10000x128xf32, #tpu.memory_space<hbm>>) dst(%arg10 : memref<128x128xf32, #tpu.memory_space<vmem>>)
      %dma_start3A_198 = arith.constant 5 : i32
      %dma_start3A_199 = arith.constant 0 : i32
      %dma_start3A_200 = tpu.memref_slice %arg12[%dma_start3A_198, %dma_start3A_199] : memref<10x128xi32, #tpu.memory_space<vmem>> -> memref<1x128xi32, #tpu.memory_space<vmem>>
      %dma_start3A_201 = tpu.memref_squeeze %dma_start3A_200 : memref<1x128xi32, #tpu.memory_space<vmem>> -> memref<128xi32, #tpu.memory_space<vmem>>
      %dma_start3A_202 = arith.constant 0 : i32
      %dma_start3A_203 = arith.constant 0 : i32
      %dma_start3A_204 = tpu.memref_slice %arg13[%dma_start3A_202, %dma_start3A_203] : memref<10112x128xf32, #tpu.memory_space<vmem_shared>> -> memref<10112x128xf32, #tpu.memory_space<vmem_shared>>
      tpu.enqueue_indirect_dma source(%arg10 : memref<128x128xf32, #tpu.memory_space<vmem>>) target(%dma_start3A_204 : memref<10112x128xf32, #tpu.memory_space<vmem_shared>>) offsets(%dma_start3A_201 : memref<128xi32, #tpu.memory_space<vmem>>) semaphore(%arg17 : memref<!tpu.dma_semaphore, #tpu.memory_space<semaphore_mem>>) {add = true}
      %run_scoped3A_205 = arith.constant 5 : i32
      "tpu.region"() ({
        %run_scoped3A_322 = tpu.sem_alloc : memref<!tpu.dma_semaphore, #tpu.memory_space<semaphore_mem>>
        %dma_start3A_323 = arith.constant 0 : i32
        %dma_start3A_324 = tpu.memref_slice %arg12[%run_scoped3A_205, %dma_start3A_323] : memref<10x128xi32, #tpu.memory_space<vmem>> -> memref<1x128xi32, #tpu.memory_space<vmem>>
        %dma_start3A_325 = tpu.memref_squeeze %dma_start3A_324 : memref<1x128xi32, #tpu.memory_space<vmem>> -> memref<128xi32, #tpu.memory_space<vmem>>
        %dma_start3A_326 = arith.constant 0 : i32
        %dma_start3A_327 = arith.constant 0 : i32
        %dma_start3A_328 = tpu.memref_slice %arg19[%dma_start3A_326, %dma_start3A_327] : memref<10112x16xf32, #tpu.memory_space<vmem_shared>> -> memref<10112x16xf32, #tpu.memory_space<vmem_shared>>
        tpu.enqueue_indirect_dma source(%arg18 : memref<128x16xf32, #tpu.memory_space<vmem>>) target(%dma_start3A_328 : memref<10112x16xf32, #tpu.memory_space<vmem_shared>>) offsets(%dma_start3A_325 : memref<128xi32, #tpu.memory_space<vmem>>) semaphore(%run_scoped3A_322 : memref<!tpu.dma_semaphore, #tpu.memory_space<semaphore_mem>>) {add = true}
        %dma_wait3A_329 = arith.constant 0 : i32
        %dma_wait3A_330 = tpu.memref_slice %arg12[%run_scoped3A_205, %dma_wait3A_329] : memref<10x128xi32, #tpu.memory_space<vmem>> -> memref<1x128xi32, #tpu.memory_space<vmem>>
        %dma_wait3A_331 = tpu.memref_squeeze %dma_wait3A_330 : memref<1x128xi32, #tpu.memory_space<vmem>> -> memref<128xi32, #tpu.memory_space<vmem>>
        %dma_wait3A_332 = arith.constant 0 : i32
        %dma_wait3A_333 = arith.constant 0 : i32
        %dma_wait3A_334 = tpu.memref_slice %arg19[%dma_wait3A_332, %dma_wait3A_333] : memref<10112x16xf32, #tpu.memory_space<vmem_shared>> -> memref<10112x16xf32, #tpu.memory_space<vmem_shared>>
        tpu.wait_indirect_dma semaphore(%run_scoped3A_322 : memref<!tpu.dma_semaphore, #tpu.memory_space<semaphore_mem>>) src(%arg18 : memref<128x16xf32, #tpu.memory_space<vmem>>) dst(%dma_wait3A_334 : memref<10112x16xf32, #tpu.memory_space<vmem_shared>>)
        tpu.yield
      }) : () -> ()
      %dma_wait3A_206 = arith.constant 5 : i32
      %dma_wait3A_207 = arith.constant 0 : i32
      %dma_wait3A_208 = tpu.memref_slice %arg12[%dma_wait3A_206, %dma_wait3A_207] : memref<10x128xi32, #tpu.memory_space<vmem>> -> memref<1x128xi32, #tpu.memory_space<vmem>>
      %dma_wait3A_209 = tpu.memref_squeeze %dma_wait3A_208 : memref<1x128xi32, #tpu.memory_space<vmem>> -> memref<128xi32, #tpu.memory_space<vmem>>
      %dma_wait3A_210 = arith.constant 0 : i32
      %dma_wait3A_211 = arith.constant 0 : i32
      %dma_wait3A_212 = tpu.memref_slice %arg13[%dma_wait3A_210, %dma_wait3A_211] : memref<10112x128xf32, #tpu.memory_space<vmem_shared>> -> memref<10112x128xf32, #tpu.memory_space<vmem_shared>>
      tpu.wait_indirect_dma semaphore(%arg17 : memref<!tpu.dma_semaphore, #tpu.memory_space<semaphore_mem>>) src(%arg10 : memref<128x128xf32, #tpu.memory_space<vmem>>) dst(%dma_wait3A_212 : memref<10112x128xf32, #tpu.memory_space<vmem_shared>>)
      %dma_start3A_213 = arith.constant 7 : i32
      %dma_start3A_214 = arith.constant 0 : i32
      %dma_start3A_215 = tpu.memref_slice %arg11[%dma_start3A_213, %dma_start3A_214] : memref<10x128xi32, #tpu.memory_space<vmem>> -> memref<1x128xi32, #tpu.memory_space<vmem>>
      %dma_start3A_216 = tpu.memref_squeeze %dma_start3A_215 : memref<1x128xi32, #tpu.memory_space<vmem>> -> memref<128xi32, #tpu.memory_space<vmem>>
      %dma_start3A_217 = arith.constant 0 : i32
      %dma_start3A_218 = arith.constant 0 : i32
      %dma_start3A_219 = tpu.memref_slice %arg2[%dma_start3A_217, %dma_start3A_218] : memref<10000x128xf32, #tpu.memory_space<hbm>> -> memref<10000x128xf32, #tpu.memory_space<hbm>>
      tpu.enqueue_indirect_dma source(%dma_start3A_219 : memref<10000x128xf32, #tpu.memory_space<hbm>>) target(%arg10 : memref<128x128xf32, #tpu.memory_space<vmem>>) offsets(%dma_start3A_216 : memref<128xi32, #tpu.memory_space<vmem>>) semaphore(%arg15 : memref<!tpu.dma_semaphore, #tpu.memory_space<semaphore_mem>>)
      %dma_wait3A_220 = arith.constant 6 : i32
      %dma_wait3A_221 = arith.constant 0 : i32
      %dma_wait3A_222 = tpu.memref_slice %arg11[%dma_wait3A_220, %dma_wait3A_221] : memref<10x128xi32, #tpu.memory_space<vmem>> -> memref<1x128xi32, #tpu.memory_space<vmem>>
      %dma_wait3A_223 = tpu.memref_squeeze %dma_wait3A_222 : memref<1x128xi32, #tpu.memory_space<vmem>> -> memref<128xi32, #tpu.memory_space<vmem>>
      %dma_wait3A_224 = arith.constant 0 : i32
      %dma_wait3A_225 = arith.constant 0 : i32
      %dma_wait3A_226 = tpu.memref_slice %arg2[%dma_wait3A_224, %dma_wait3A_225] : memref<10000x128xf32, #tpu.memory_space<hbm>> -> memref<10000x128xf32, #tpu.memory_space<hbm>>
      tpu.wait_indirect_dma semaphore(%arg14 : memref<!tpu.dma_semaphore, #tpu.memory_space<semaphore_mem>>) src(%dma_wait3A_226 : memref<10000x128xf32, #tpu.memory_space<hbm>>) dst(%arg9 : memref<128x128xf32, #tpu.memory_space<vmem>>)
      %dma_start3A_227 = arith.constant 6 : i32
      %dma_start3A_228 = arith.constant 0 : i32
      %dma_start3A_229 = tpu.memref_slice %arg12[%dma_start3A_227, %dma_start3A_228] : memref<10x128xi32, #tpu.memory_space<vmem>> -> memref<1x128xi32, #tpu.memory_space<vmem>>
      %dma_start3A_230 = tpu.memref_squeeze %dma_start3A_229 : memref<1x128xi32, #tpu.memory_space<vmem>> -> memref<128xi32, #tpu.memory_space<vmem>>
      %dma_start3A_231 = arith.constant 0 : i32
      %dma_start3A_232 = arith.constant 0 : i32
      %dma_start3A_233 = tpu.memref_slice %arg13[%dma_start3A_231, %dma_start3A_232] : memref<10112x128xf32, #tpu.memory_space<vmem_shared>> -> memref<10112x128xf32, #tpu.memory_space<vmem_shared>>
      tpu.enqueue_indirect_dma source(%arg9 : memref<128x128xf32, #tpu.memory_space<vmem>>) target(%dma_start3A_233 : memref<10112x128xf32, #tpu.memory_space<vmem_shared>>) offsets(%dma_start3A_230 : memref<128xi32, #tpu.memory_space<vmem>>) semaphore(%arg16 : memref<!tpu.dma_semaphore, #tpu.memory_space<semaphore_mem>>) {add = true}
      %run_scoped3A_234 = arith.constant 6 : i32
      "tpu.region"() ({
        %run_scoped3A_322 = tpu.sem_alloc : memref<!tpu.dma_semaphore, #tpu.memory_space<semaphore_mem>>
        %dma_start3A_323 = arith.constant 0 : i32
        %dma_start3A_324 = tpu.memref_slice %arg12[%run_scoped3A_234, %dma_start3A_323] : memref<10x128xi32, #tpu.memory_space<vmem>> -> memref<1x128xi32, #tpu.memory_space<vmem>>
        %dma_start3A_325 = tpu.memref_squeeze %dma_start3A_324 : memref<1x128xi32, #tpu.memory_space<vmem>> -> memref<128xi32, #tpu.memory_space<vmem>>
        %dma_start3A_326 = arith.constant 0 : i32
        %dma_start3A_327 = arith.constant 0 : i32
        %dma_start3A_328 = tpu.memref_slice %arg19[%dma_start3A_326, %dma_start3A_327] : memref<10112x16xf32, #tpu.memory_space<vmem_shared>> -> memref<10112x16xf32, #tpu.memory_space<vmem_shared>>
        tpu.enqueue_indirect_dma source(%arg18 : memref<128x16xf32, #tpu.memory_space<vmem>>) target(%dma_start3A_328 : memref<10112x16xf32, #tpu.memory_space<vmem_shared>>) offsets(%dma_start3A_325 : memref<128xi32, #tpu.memory_space<vmem>>) semaphore(%run_scoped3A_322 : memref<!tpu.dma_semaphore, #tpu.memory_space<semaphore_mem>>) {add = true}
        %dma_wait3A_329 = arith.constant 0 : i32
        %dma_wait3A_330 = tpu.memref_slice %arg12[%run_scoped3A_234, %dma_wait3A_329] : memref<10x128xi32, #tpu.memory_space<vmem>> -> memref<1x128xi32, #tpu.memory_space<vmem>>
        %dma_wait3A_331 = tpu.memref_squeeze %dma_wait3A_330 : memref<1x128xi32, #tpu.memory_space<vmem>> -> memref<128xi32, #tpu.memory_space<vmem>>
        %dma_wait3A_332 = arith.constant 0 : i32
        %dma_wait3A_333 = arith.constant 0 : i32
        %dma_wait3A_334 = tpu.memref_slice %arg19[%dma_wait3A_332, %dma_wait3A_333] : memref<10112x16xf32, #tpu.memory_space<vmem_shared>> -> memref<10112x16xf32, #tpu.memory_space<vmem_shared>>
        tpu.wait_indirect_dma semaphore(%run_scoped3A_322 : memref<!tpu.dma_semaphore, #tpu.memory_space<semaphore_mem>>) src(%arg18 : memref<128x16xf32, #tpu.memory_space<vmem>>) dst(%dma_wait3A_334 : memref<10112x16xf32, #tpu.memory_space<vmem_shared>>)
        tpu.yield
      }) : () -> ()
      %dma_wait3A_235 = arith.constant 6 : i32
      %dma_wait3A_236 = arith.constant 0 : i32
      %dma_wait3A_237 = tpu.memref_slice %arg12[%dma_wait3A_235, %dma_wait3A_236] : memref<10x128xi32, #tpu.memory_space<vmem>> -> memref<1x128xi32, #tpu.memory_space<vmem>>
      %dma_wait3A_238 = tpu.memref_squeeze %dma_wait3A_237 : memref<1x128xi32, #tpu.memory_space<vmem>> -> memref<128xi32, #tpu.memory_space<vmem>>
      %dma_wait3A_239 = arith.constant 0 : i32
      %dma_wait3A_240 = arith.constant 0 : i32
      %dma_wait3A_241 = tpu.memref_slice %arg13[%dma_wait3A_239, %dma_wait3A_240] : memref<10112x128xf32, #tpu.memory_space<vmem_shared>> -> memref<10112x128xf32, #tpu.memory_space<vmem_shared>>
      tpu.wait_indirect_dma semaphore(%arg16 : memref<!tpu.dma_semaphore, #tpu.memory_space<semaphore_mem>>) src(%arg9 : memref<128x128xf32, #tpu.memory_space<vmem>>) dst(%dma_wait3A_241 : memref<10112x128xf32, #tpu.memory_space<vmem_shared>>)
      %dma_start3A_242 = arith.constant 8 : i32
      %dma_start3A_243 = arith.constant 0 : i32
      %dma_start3A_244 = tpu.memref_slice %arg11[%dma_start3A_242, %dma_start3A_243] : memref<10x128xi32, #tpu.memory_space<vmem>> -> memref<1x128xi32, #tpu.memory_space<vmem>>
      %dma_start3A_245 = tpu.memref_squeeze %dma_start3A_244 : memref<1x128xi32, #tpu.memory_space<vmem>> -> memref<128xi32, #tpu.memory_space<vmem>>
      %dma_start3A_246 = arith.constant 0 : i32
      %dma_start3A_247 = arith.constant 0 : i32
      %dma_start3A_248 = tpu.memref_slice %arg2[%dma_start3A_246, %dma_start3A_247] : memref<10000x128xf32, #tpu.memory_space<hbm>> -> memref<10000x128xf32, #tpu.memory_space<hbm>>
      tpu.enqueue_indirect_dma source(%dma_start3A_248 : memref<10000x128xf32, #tpu.memory_space<hbm>>) target(%arg9 : memref<128x128xf32, #tpu.memory_space<vmem>>) offsets(%dma_start3A_245 : memref<128xi32, #tpu.memory_space<vmem>>) semaphore(%arg14 : memref<!tpu.dma_semaphore, #tpu.memory_space<semaphore_mem>>)
      %dma_wait3A_249 = arith.constant 7 : i32
      %dma_wait3A_250 = arith.constant 0 : i32
      %dma_wait3A_251 = tpu.memref_slice %arg11[%dma_wait3A_249, %dma_wait3A_250] : memref<10x128xi32, #tpu.memory_space<vmem>> -> memref<1x128xi32, #tpu.memory_space<vmem>>
      %dma_wait3A_252 = tpu.memref_squeeze %dma_wait3A_251 : memref<1x128xi32, #tpu.memory_space<vmem>> -> memref<128xi32, #tpu.memory_space<vmem>>
      %dma_wait3A_253 = arith.constant 0 : i32
      %dma_wait3A_254 = arith.constant 0 : i32
      %dma_wait3A_255 = tpu.memref_slice %arg2[%dma_wait3A_253, %dma_wait3A_254] : memref<10000x128xf32, #tpu.memory_space<hbm>> -> memref<10000x128xf32, #tpu.memory_space<hbm>>
      tpu.wait_indirect_dma semaphore(%arg15 : memref<!tpu.dma_semaphore, #tpu.memory_space<semaphore_mem>>) src(%dma_wait3A_255 : memref<10000x128xf32, #tpu.memory_space<hbm>>) dst(%arg10 : memref<128x128xf32, #tpu.memory_space<vmem>>)
      %dma_start3A_256 = arith.constant 7 : i32
      %dma_start3A_257 = arith.constant 0 : i32
      %dma_start3A_258 = tpu.memref_slice %arg12[%dma_start3A_256, %dma_start3A_257] : memref<10x128xi32, #tpu.memory_space<vmem>> -> memref<1x128xi32, #tpu.memory_space<vmem>>
      %dma_start3A_259 = tpu.memref_squeeze %dma_start3A_258 : memref<1x128xi32, #tpu.memory_space<vmem>> -> memref<128xi32, #tpu.memory_space<vmem>>
      %dma_start3A_260 = arith.constant 0 : i32
      %dma_start3A_261 = arith.constant 0 : i32
      %dma_start3A_262 = tpu.memref_slice %arg13[%dma_start3A_260, %dma_start3A_261] : memref<10112x128xf32, #tpu.memory_space<vmem_shared>> -> memref<10112x128xf32, #tpu.memory_space<vmem_shared>>
      tpu.enqueue_indirect_dma source(%arg10 : memref<128x128xf32, #tpu.memory_space<vmem>>) target(%dma_start3A_262 : memref<10112x128xf32, #tpu.memory_space<vmem_shared>>) offsets(%dma_start3A_259 : memref<128xi32, #tpu.memory_space<vmem>>) semaphore(%arg17 : memref<!tpu.dma_semaphore, #tpu.memory_space<semaphore_mem>>) {add = true}
      %run_scoped3A_263 = arith.constant 7 : i32
      "tpu.region"() ({
        %run_scoped3A_322 = tpu.sem_alloc : memref<!tpu.dma_semaphore, #tpu.memory_space<semaphore_mem>>
        %dma_start3A_323 = arith.constant 0 : i32
        %dma_start3A_324 = tpu.memref_slice %arg12[%run_scoped3A_263, %dma_start3A_323] : memref<10x128xi32, #tpu.memory_space<vmem>> -> memref<1x128xi32, #tpu.memory_space<vmem>>
        %dma_start3A_325 = tpu.memref_squeeze %dma_start3A_324 : memref<1x128xi32, #tpu.memory_space<vmem>> -> memref<128xi32, #tpu.memory_space<vmem>>
        %dma_start3A_326 = arith.constant 0 : i32
        %dma_start3A_327 = arith.constant 0 : i32
        %dma_start3A_328 = tpu.memref_slice %arg19[%dma_start3A_326, %dma_start3A_327] : memref<10112x16xf32, #tpu.memory_space<vmem_shared>> -> memref<10112x16xf32, #tpu.memory_space<vmem_shared>>
        tpu.enqueue_indirect_dma source(%arg18 : memref<128x16xf32, #tpu.memory_space<vmem>>) target(%dma_start3A_328 : memref<10112x16xf32, #tpu.memory_space<vmem_shared>>) offsets(%dma_start3A_325 : memref<128xi32, #tpu.memory_space<vmem>>) semaphore(%run_scoped3A_322 : memref<!tpu.dma_semaphore, #tpu.memory_space<semaphore_mem>>) {add = true}
        %dma_wait3A_329 = arith.constant 0 : i32
        %dma_wait3A_330 = tpu.memref_slice %arg12[%run_scoped3A_263, %dma_wait3A_329] : memref<10x128xi32, #tpu.memory_space<vmem>> -> memref<1x128xi32, #tpu.memory_space<vmem>>
        %dma_wait3A_331 = tpu.memref_squeeze %dma_wait3A_330 : memref<1x128xi32, #tpu.memory_space<vmem>> -> memref<128xi32, #tpu.memory_space<vmem>>
        %dma_wait3A_332 = arith.constant 0 : i32
        %dma_wait3A_333 = arith.constant 0 : i32
        %dma_wait3A_334 = tpu.memref_slice %arg19[%dma_wait3A_332, %dma_wait3A_333] : memref<10112x16xf32, #tpu.memory_space<vmem_shared>> -> memref<10112x16xf32, #tpu.memory_space<vmem_shared>>
        tpu.wait_indirect_dma semaphore(%run_scoped3A_322 : memref<!tpu.dma_semaphore, #tpu.memory_space<semaphore_mem>>) src(%arg18 : memref<128x16xf32, #tpu.memory_space<vmem>>) dst(%dma_wait3A_334 : memref<10112x16xf32, #tpu.memory_space<vmem_shared>>)
        tpu.yield
      }) : () -> ()
      %dma_wait3A_264 = arith.constant 7 : i32
      %dma_wait3A_265 = arith.constant 0 : i32
      %dma_wait3A_266 = tpu.memref_slice %arg12[%dma_wait3A_264, %dma_wait3A_265] : memref<10x128xi32, #tpu.memory_space<vmem>> -> memref<1x128xi32, #tpu.memory_space<vmem>>
      %dma_wait3A_267 = tpu.memref_squeeze %dma_wait3A_266 : memref<1x128xi32, #tpu.memory_space<vmem>> -> memref<128xi32, #tpu.memory_space<vmem>>
      %dma_wait3A_268 = arith.constant 0 : i32
      %dma_wait3A_269 = arith.constant 0 : i32
      %dma_wait3A_270 = tpu.memref_slice %arg13[%dma_wait3A_268, %dma_wait3A_269] : memref<10112x128xf32, #tpu.memory_space<vmem_shared>> -> memref<10112x128xf32, #tpu.memory_space<vmem_shared>>
      tpu.wait_indirect_dma semaphore(%arg17 : memref<!tpu.dma_semaphore, #tpu.memory_space<semaphore_mem>>) src(%arg10 : memref<128x128xf32, #tpu.memory_space<vmem>>) dst(%dma_wait3A_270 : memref<10112x128xf32, #tpu.memory_space<vmem_shared>>)
      %dma_start3A_271 = arith.constant 9 : i32
      %dma_start3A_272 = arith.constant 0 : i32
      %dma_start3A_273 = tpu.memref_slice %arg11[%dma_start3A_271, %dma_start3A_272] : memref<10x128xi32, #tpu.memory_space<vmem>> -> memref<1x128xi32, #tpu.memory_space<vmem>>
      %dma_start3A_274 = tpu.memref_squeeze %dma_start3A_273 : memref<1x128xi32, #tpu.memory_space<vmem>> -> memref<128xi32, #tpu.memory_space<vmem>>
      %dma_start3A_275 = arith.constant 0 : i32
      %dma_start3A_276 = arith.constant 0 : i32
      %dma_start3A_277 = tpu.memref_slice %arg2[%dma_start3A_275, %dma_start3A_276] : memref<10000x128xf32, #tpu.memory_space<hbm>> -> memref<10000x128xf32, #tpu.memory_space<hbm>>
      tpu.enqueue_indirect_dma source(%dma_start3A_277 : memref<10000x128xf32, #tpu.memory_space<hbm>>) target(%arg10 : memref<128x128xf32, #tpu.memory_space<vmem>>) offsets(%dma_start3A_274 : memref<128xi32, #tpu.memory_space<vmem>>) semaphore(%arg15 : memref<!tpu.dma_semaphore, #tpu.memory_space<semaphore_mem>>)
      %dma_wait3A_278 = arith.constant 8 : i32
      %dma_wait3A_279 = arith.constant 0 : i32
      %dma_wait3A_280 = tpu.memref_slice %arg11[%dma_wait3A_278, %dma_wait3A_279] : memref<10x128xi32, #tpu.memory_space<vmem>> -> memref<1x128xi32, #tpu.memory_space<vmem>>
      %dma_wait3A_281 = tpu.memref_squeeze %dma_wait3A_280 : memref<1x128xi32, #tpu.memory_space<vmem>> -> memref<128xi32, #tpu.memory_space<vmem>>
      %dma_wait3A_282 = arith.constant 0 : i32
      %dma_wait3A_283 = arith.constant 0 : i32
      %dma_wait3A_284 = tpu.memref_slice %arg2[%dma_wait3A_282, %dma_wait3A_283] : memref<10000x128xf32, #tpu.memory_space<hbm>> -> memref<10000x128xf32, #tpu.memory_space<hbm>>
      tpu.wait_indirect_dma semaphore(%arg14 : memref<!tpu.dma_semaphore, #tpu.memory_space<semaphore_mem>>) src(%dma_wait3A_284 : memref<10000x128xf32, #tpu.memory_space<hbm>>) dst(%arg9 : memref<128x128xf32, #tpu.memory_space<vmem>>)
      %dma_start3A_285 = arith.constant 8 : i32
      %dma_start3A_286 = arith.constant 0 : i32
      %dma_start3A_287 = tpu.memref_slice %arg12[%dma_start3A_285, %dma_start3A_286] : memref<10x128xi32, #tpu.memory_space<vmem>> -> memref<1x128xi32, #tpu.memory_space<vmem>>
      %dma_start3A_288 = tpu.memref_squeeze %dma_start3A_287 : memref<1x128xi32, #tpu.memory_space<vmem>> -> memref<128xi32, #tpu.memory_space<vmem>>
      %dma_start3A_289 = arith.constant 0 : i32
      %dma_start3A_290 = arith.constant 0 : i32
      %dma_start3A_291 = tpu.memref_slice %arg13[%dma_start3A_289, %dma_start3A_290] : memref<10112x128xf32, #tpu.memory_space<vmem_shared>> -> memref<10112x128xf32, #tpu.memory_space<vmem_shared>>
      tpu.enqueue_indirect_dma source(%arg9 : memref<128x128xf32, #tpu.memory_space<vmem>>) target(%dma_start3A_291 : memref<10112x128xf32, #tpu.memory_space<vmem_shared>>) offsets(%dma_start3A_288 : memref<128xi32, #tpu.memory_space<vmem>>) semaphore(%arg16 : memref<!tpu.dma_semaphore, #tpu.memory_space<semaphore_mem>>) {add = true}
      %run_scoped3A_292 = arith.constant 8 : i32
      "tpu.region"() ({
        %run_scoped3A_322 = tpu.sem_alloc : memref<!tpu.dma_semaphore, #tpu.memory_space<semaphore_mem>>
        %dma_start3A_323 = arith.constant 0 : i32
        %dma_start3A_324 = tpu.memref_slice %arg12[%run_scoped3A_292, %dma_start3A_323] : memref<10x128xi32, #tpu.memory_space<vmem>> -> memref<1x128xi32, #tpu.memory_space<vmem>>
        %dma_start3A_325 = tpu.memref_squeeze %dma_start3A_324 : memref<1x128xi32, #tpu.memory_space<vmem>> -> memref<128xi32, #tpu.memory_space<vmem>>
        %dma_start3A_326 = arith.constant 0 : i32
        %dma_start3A_327 = arith.constant 0 : i32
        %dma_start3A_328 = tpu.memref_slice %arg19[%dma_start3A_326, %dma_start3A_327] : memref<10112x16xf32, #tpu.memory_space<vmem_shared>> -> memref<10112x16xf32, #tpu.memory_space<vmem_shared>>
        tpu.enqueue_indirect_dma source(%arg18 : memref<128x16xf32, #tpu.memory_space<vmem>>) target(%dma_start3A_328 : memref<10112x16xf32, #tpu.memory_space<vmem_shared>>) offsets(%dma_start3A_325 : memref<128xi32, #tpu.memory_space<vmem>>) semaphore(%run_scoped3A_322 : memref<!tpu.dma_semaphore, #tpu.memory_space<semaphore_mem>>) {add = true}
        %dma_wait3A_329 = arith.constant 0 : i32
        %dma_wait3A_330 = tpu.memref_slice %arg12[%run_scoped3A_292, %dma_wait3A_329] : memref<10x128xi32, #tpu.memory_space<vmem>> -> memref<1x128xi32, #tpu.memory_space<vmem>>
        %dma_wait3A_331 = tpu.memref_squeeze %dma_wait3A_330 : memref<1x128xi32, #tpu.memory_space<vmem>> -> memref<128xi32, #tpu.memory_space<vmem>>
        %dma_wait3A_332 = arith.constant 0 : i32
        %dma_wait3A_333 = arith.constant 0 : i32
        %dma_wait3A_334 = tpu.memref_slice %arg19[%dma_wait3A_332, %dma_wait3A_333] : memref<10112x16xf32, #tpu.memory_space<vmem_shared>> -> memref<10112x16xf32, #tpu.memory_space<vmem_shared>>
        tpu.wait_indirect_dma semaphore(%run_scoped3A_322 : memref<!tpu.dma_semaphore, #tpu.memory_space<semaphore_mem>>) src(%arg18 : memref<128x16xf32, #tpu.memory_space<vmem>>) dst(%dma_wait3A_334 : memref<10112x16xf32, #tpu.memory_space<vmem_shared>>)
        tpu.yield
      }) : () -> ()
      %dma_wait3A_293 = arith.constant 9 : i32
      %dma_wait3A_294 = arith.constant 0 : i32
      %dma_wait3A_295 = tpu.memref_slice %arg11[%dma_wait3A_293, %dma_wait3A_294] : memref<10x128xi32, #tpu.memory_space<vmem>> -> memref<1x128xi32, #tpu.memory_space<vmem>>
      %dma_wait3A_296 = tpu.memref_squeeze %dma_wait3A_295 : memref<1x128xi32, #tpu.memory_space<vmem>> -> memref<128xi32, #tpu.memory_space<vmem>>
      %dma_wait3A_297 = arith.constant 0 : i32
      %dma_wait3A_298 = arith.constant 0 : i32
      %dma_wait3A_299 = tpu.memref_slice %arg2[%dma_wait3A_297, %dma_wait3A_298] : memref<10000x128xf32, #tpu.memory_space<hbm>> -> memref<10000x128xf32, #tpu.memory_space<hbm>>
      tpu.wait_indirect_dma semaphore(%arg15 : memref<!tpu.dma_semaphore, #tpu.memory_space<semaphore_mem>>) src(%dma_wait3A_299 : memref<10000x128xf32, #tpu.memory_space<hbm>>) dst(%arg10 : memref<128x128xf32, #tpu.memory_space<vmem>>)
      %dma_start3A_300 = arith.constant 9 : i32
      %dma_start3A_301 = arith.constant 0 : i32
      %dma_start3A_302 = tpu.memref_slice %arg12[%dma_start3A_300, %dma_start3A_301] : memref<10x128xi32, #tpu.memory_space<vmem>> -> memref<1x128xi32, #tpu.memory_space<vmem>>
      %dma_start3A_303 = tpu.memref_squeeze %dma_start3A_302 : memref<1x128xi32, #tpu.memory_space<vmem>> -> memref<128xi32, #tpu.memory_space<vmem>>
      %dma_start3A_304 = arith.constant 0 : i32
      %dma_start3A_305 = arith.constant 0 : i32
      %dma_start3A_306 = tpu.memref_slice %arg13[%dma_start3A_304, %dma_start3A_305] : memref<10112x128xf32, #tpu.memory_space<vmem_shared>> -> memref<10112x128xf32, #tpu.memory_space<vmem_shared>>
      tpu.enqueue_indirect_dma source(%arg10 : memref<128x128xf32, #tpu.memory_space<vmem>>) target(%dma_start3A_306 : memref<10112x128xf32, #tpu.memory_space<vmem_shared>>) offsets(%dma_start3A_303 : memref<128xi32, #tpu.memory_space<vmem>>) semaphore(%arg17 : memref<!tpu.dma_semaphore, #tpu.memory_space<semaphore_mem>>) {add = true}
      %run_scoped3A_307 = arith.constant 9 : i32
      "tpu.region"() ({
        %run_scoped3A_322 = tpu.sem_alloc : memref<!tpu.dma_semaphore, #tpu.memory_space<semaphore_mem>>
        %dma_start3A_323 = arith.constant 0 : i32
        %dma_start3A_324 = tpu.memref_slice %arg12[%run_scoped3A_307, %dma_start3A_323] : memref<10x128xi32, #tpu.memory_space<vmem>> -> memref<1x128xi32, #tpu.memory_space<vmem>>
        %dma_start3A_325 = tpu.memref_squeeze %dma_start3A_324 : memref<1x128xi32, #tpu.memory_space<vmem>> -> memref<128xi32, #tpu.memory_space<vmem>>
        %dma_start3A_326 = arith.constant 0 : i32
        %dma_start3A_327 = arith.constant 0 : i32
        %dma_start3A_328 = tpu.memref_slice %arg19[%dma_start3A_326, %dma_start3A_327] : memref<10112x16xf32, #tpu.memory_space<vmem_shared>> -> memref<10112x16xf32, #tpu.memory_space<vmem_shared>>
        tpu.enqueue_indirect_dma source(%arg18 : memref<128x16xf32, #tpu.memory_space<vmem>>) target(%dma_start3A_328 : memref<10112x16xf32, #tpu.memory_space<vmem_shared>>) offsets(%dma_start3A_325 : memref<128xi32, #tpu.memory_space<vmem>>) semaphore(%run_scoped3A_322 : memref<!tpu.dma_semaphore, #tpu.memory_space<semaphore_mem>>) {add = true}
        %dma_wait3A_329 = arith.constant 0 : i32
        %dma_wait3A_330 = tpu.memref_slice %arg12[%run_scoped3A_307, %dma_wait3A_329] : memref<10x128xi32, #tpu.memory_space<vmem>> -> memref<1x128xi32, #tpu.memory_space<vmem>>
        %dma_wait3A_331 = tpu.memref_squeeze %dma_wait3A_330 : memref<1x128xi32, #tpu.memory_space<vmem>> -> memref<128xi32, #tpu.memory_space<vmem>>
        %dma_wait3A_332 = arith.constant 0 : i32
        %dma_wait3A_333 = arith.constant 0 : i32
        %dma_wait3A_334 = tpu.memref_slice %arg19[%dma_wait3A_332, %dma_wait3A_333] : memref<10112x16xf32, #tpu.memory_space<vmem_shared>> -> memref<10112x16xf32, #tpu.memory_space<vmem_shared>>
        tpu.wait_indirect_dma semaphore(%run_scoped3A_322 : memref<!tpu.dma_semaphore, #tpu.memory_space<semaphore_mem>>) src(%arg18 : memref<128x16xf32, #tpu.memory_space<vmem>>) dst(%dma_wait3A_334 : memref<10112x16xf32, #tpu.memory_space<vmem_shared>>)
        tpu.yield
      }) : () -> ()
      %dma_wait3A_308 = arith.constant 8 : i32
      %dma_wait3A_309 = arith.constant 0 : i32
      %dma_wait3A_310 = tpu.memref_slice %arg12[%dma_wait3A_308, %dma_wait3A_309] : memref<10x128xi32, #tpu.memory_space<vmem>> -> memref<1x128xi32, #tpu.memory_space<vmem>>
      %dma_wait3A_311 = tpu.memref_squeeze %dma_wait3A_310 : memref<1x128xi32, #tpu.memory_space<vmem>> -> memref<128xi32, #tpu.memory_space<vmem>>
      %dma_wait3A_312 = arith.constant 0 : i32
      %dma_wait3A_313 = arith.constant 0 : i32
      %dma_wait3A_314 = tpu.memref_slice %arg13[%dma_wait3A_312, %dma_wait3A_313] : memref<10112x128xf32, #tpu.memory_space<vmem_shared>> -> memref<10112x128xf32, #tpu.memory_space<vmem_shared>>
      tpu.wait_indirect_dma semaphore(%arg16 : memref<!tpu.dma_semaphore, #tpu.memory_space<semaphore_mem>>) src(%arg9 : memref<128x128xf32, #tpu.memory_space<vmem>>) dst(%dma_wait3A_314 : memref<10112x128xf32, #tpu.memory_space<vmem_shared>>)
      %dma_wait3A_315 = arith.constant 9 : i32
      %dma_wait3A_316 = arith.constant 0 : i32
      %dma_wait3A_317 = tpu.memref_slice %arg12[%dma_wait3A_315, %dma_wait3A_316] : memref<10x128xi32, #tpu.memory_space<vmem>> -> memref<1x128xi32, #tpu.memory_space<vmem>>
      %dma_wait3A_318 = tpu.memref_squeeze %dma_wait3A_317 : memref<1x128xi32, #tpu.memory_space<vmem>> -> memref<128xi32, #tpu.memory_space<vmem>>
      %dma_wait3A_319 = arith.constant 0 : i32
      %dma_wait3A_320 = arith.constant 0 : i32
      %dma_wait3A_321 = tpu.memref_slice %arg13[%dma_wait3A_319, %dma_wait3A_320] : memref<10112x128xf32, #tpu.memory_space<vmem_shared>> -> memref<10112x128xf32, #tpu.memory_space<vmem_shared>>
      tpu.wait_indirect_dma semaphore(%arg17 : memref<!tpu.dma_semaphore, #tpu.memory_space<semaphore_mem>>) src(%arg10 : memref<128x128xf32, #tpu.memory_space<vmem>>) dst(%dma_wait3A_321 : memref<10112x128xf32, #tpu.memory_space<vmem_shared>>)
    }
    %barrier3A_20 = arith.constant 0 : index
    tpu.barrier barrier_id(%barrier3A_20)
    %mul3A_21 = arith.constant 632 : i32
    %mul3A_22 = arith.muli %arg1, %mul3A_21 : i32
    %mul3A_23 = arith.constant 632 : i32
    %mul3A_24 = arith.muli %arg1, %mul3A_23 : i32
    "tpu.region"() ({
      %run_scoped3A = tpu.sem_alloc : memref<!tpu.dma_semaphore, #tpu.memory_space<semaphore_mem>>
      %dma_start3A = arith.constant 0 : i32
      %dma_start3A_29 = tpu.memref_slice %arg7[%arg0, %mul3A_24, %dma_start3A] : memref<2x10112x128xf32, #tpu.memory_space<hbm>> -> memref<1x632x128xf32, #tpu.memory_space<hbm>>
      %dma_start3A_30 = tpu.memref_squeeze %dma_start3A_29 : memref<1x632x128xf32, #tpu.memory_space<hbm>> -> memref<632x128xf32, #tpu.memory_space<hbm>>
      %dma_start3A_31 = arith.constant 0 : i32
      %dma_start3A_32 = tpu.memref_slice %arg13[%mul3A_22, %dma_start3A_31] : memref<10112x128xf32, #tpu.memory_space<vmem_shared>> -> memref<632x128xf32, #tpu.memory_space<vmem_shared>>
      tpu.enqueue_dma source(%dma_start3A_32 : memref<632x128xf32, #tpu.memory_space<vmem_shared>>) target(%dma_start3A_30 : memref<632x128xf32, #tpu.memory_space<hbm>>) target_semaphore(%run_scoped3A : memref<!tpu.dma_semaphore, #tpu.memory_space<semaphore_mem>>)
      %dma_wait3A = arith.constant 0 : i32
      %dma_wait3A_33 = tpu.memref_slice %arg7[%arg0, %mul3A_24, %dma_wait3A] : memref<2x10112x128xf32, #tpu.memory_space<hbm>> -> memref<1x632x128xf32, #tpu.memory_space<hbm>>
      %dma_wait3A_34 = tpu.memref_squeeze %dma_wait3A_33 : memref<1x632x128xf32, #tpu.memory_space<hbm>> -> memref<632x128xf32, #tpu.memory_space<hbm>>
      %dma_wait3A_35 = arith.constant 0 : i32
      %dma_wait3A_36 = tpu.memref_slice %arg13[%mul3A_22, %dma_wait3A_35] : memref<10112x128xf32, #tpu.memory_space<vmem_shared>> -> memref<632x128xf32, #tpu.memory_space<vmem_shared>>
      tpu.wait_dma2 semaphore(%run_scoped3A : memref<!tpu.dma_semaphore, #tpu.memory_space<semaphore_mem>>) src(%dma_wait3A_36 : memref<632x128xf32, #tpu.memory_space<vmem_shared>>) dst(%dma_wait3A_34 : memref<632x128xf32, #tpu.memory_space<hbm>>)
      tpu.yield
    }) : () -> ()
    %mul3A_25 = arith.constant 632 : i32
    %mul3A_26 = arith.muli %arg1, %mul3A_25 : i32
    %mul3A_27 = arith.constant 632 : i32
    %mul3A_28 = arith.muli %arg1, %mul3A_27 : i32
    "tpu.region"() ({
      %run_scoped3A = tpu.sem_alloc : memref<!tpu.dma_semaphore, #tpu.memory_space<semaphore_mem>>
      %dma_start3A = arith.constant 0 : i32
      %dma_start3A_29 = tpu.memref_slice %arg8[%arg0, %mul3A_28, %dma_start3A] : memref<2x10112x16xf32, #tpu.memory_space<hbm>> -> memref<1x632x16xf32, #tpu.memory_space<hbm>>
      %dma_start3A_30 = tpu.memref_squeeze %dma_start3A_29 : memref<1x632x16xf32, #tpu.memory_space<hbm>> -> memref<632x16xf32, #tpu.memory_space<hbm>>
      %dma_start3A_31 = arith.constant 0 : i32
      %dma_start3A_32 = tpu.memref_slice %arg19[%mul3A_26, %dma_start3A_31] : memref<10112x16xf32, #tpu.memory_space<vmem_shared>> -> memref<632x16xf32, #tpu.memory_space<vmem_shared>>
      tpu.enqueue_dma source(%dma_start3A_32 : memref<632x16xf32, #tpu.memory_space<vmem_shared>>) target(%dma_start3A_30 : memref<632x16xf32, #tpu.memory_space<hbm>>) target_semaphore(%run_scoped3A : memref<!tpu.dma_semaphore, #tpu.memory_space<semaphore_mem>>)
      %dma_wait3A = arith.constant 0 : i32
      %dma_wait3A_33 = tpu.memref_slice %arg8[%arg0, %mul3A_28, %dma_wait3A] : memref<2x10112x16xf32, #tpu.memory_space<hbm>> -> memref<1x632x16xf32, #tpu.memory_space<hbm>>
      %dma_wait3A_34 = tpu.memref_squeeze %dma_wait3A_33 : memref<1x632x16xf32, #tpu.memory_space<hbm>> -> memref<632x16xf32, #tpu.memory_space<hbm>>
      %dma_wait3A_35 = arith.constant 0 : i32
      %dma_wait3A_36 = tpu.memref_slice %arg19[%mul3A_26, %dma_wait3A_35] : memref<10112x16xf32, #tpu.memory_space<vmem_shared>> -> memref<632x16xf32, #tpu.memory_space<vmem_shared>>
      tpu.wait_dma2 semaphore(%run_scoped3A : memref<!tpu.dma_semaphore, #tpu.memory_space<semaphore_mem>>) src(%dma_wait3A_36 : memref<632x16xf32, #tpu.memory_space<vmem_shared>>) dst(%dma_wait3A_34 : memref<632x16xf32, #tpu.memory_space<hbm>>)
      tpu.yield
    }) : () -> ()
    return
  }
}

#map = affine_map<(d0, d1) -> (0, 0)>
#map1 = affine_map<(d0, d1) -> (0, 0, 0, 0)>
#map2 = affine_map<(d0, d1) -> (0, 0, 0)>
module attributes {stable_mosaic.version = 14 : i64} {
  func.func @agg(%arg0: i32, %arg1: i32, %arg2: memref<10000x128xf32, #tpu.memory_space<hbm>>, %arg3: memref<2x256x10x128xi32, #tpu.memory_space<hbm>>, %arg4: memref<10112x128xf32, #tpu.memory_space<hbm>>, %arg5: memref<2x10112x128xf32, #tpu.memory_space<hbm>>, %arg6: memref<128x128xf32, #tpu.memory_space<vmem>>, %arg7: memref<128x128xf32, #tpu.memory_space<vmem>>, %arg8: memref<10x128xi32, #tpu.memory_space<vmem>>, %arg9: memref<10x128xi32, #tpu.memory_space<vmem>>, %arg10: memref<10112x128xf32, #tpu.memory_space<vmem_shared>>, %arg11: memref<!tpu.dma_semaphore, #tpu.memory_space<semaphore_mem>>, %arg12: memref<!tpu.dma_semaphore, #tpu.memory_space<semaphore_mem>>, %arg13: memref<!tpu.dma_semaphore, #tpu.memory_space<semaphore_mem>>, %arg14: memref<!tpu.dma_semaphore, #tpu.memory_space<semaphore_mem>>) attributes {dimension_semantics = [#tpu.dimension_semantics<core_parallel>, #tpu.dimension_semantics<subcore_parallel>], iteration_bounds = array<i64: 2, 16>, scalar_prefetch = 0 : i64, scratch_operands = 9 : i64, tpu.core_type = #tpu.core_type<sc_vector_subcore>, window_params = [{transform_indices = #map}, {transform_indices = #map1}, {transform_indices = #map}, {transform_indices = #map2}]} {
    %mul3A = arith.constant 2 : i32
    %mul3A_0 = arith.muli %arg1, %mul3A : i32
    %add3A = arith.addi %mul3A_0, %arg0 : i32
    %mul3A_1 = arith.constant 632 : i32
    %mul3A_2 = arith.muli %arg1, %mul3A_1 : i32
    %mul3A_3 = arith.constant 632 : i32
    %mul3A_4 = arith.muli %arg1, %mul3A_3 : i32
    "tpu.region"() ({
      %run_scoped3A = tpu.sem_alloc : memref<!tpu.dma_semaphore, #tpu.memory_space<semaphore_mem>>
      %dma_start3A = arith.constant 0 : i32
      %dma_start3A_21 = tpu.memref_slice %arg10[%mul3A_4, %dma_start3A] : memref<10112x128xf32, #tpu.memory_space<vmem_shared>> -> memref<632x128xf32, #tpu.memory_space<vmem_shared>>
      %dma_start3A_22 = arith.constant 0 : i32
      %dma_start3A_23 = tpu.memref_slice %arg4[%mul3A_2, %dma_start3A_22] : memref<10112x128xf32, #tpu.memory_space<hbm>> -> memref<632x128xf32, #tpu.memory_space<hbm>>
      tpu.enqueue_dma source(%dma_start3A_23 : memref<632x128xf32, #tpu.memory_space<hbm>>) target(%dma_start3A_21 : memref<632x128xf32, #tpu.memory_space<vmem_shared>>) target_semaphore(%run_scoped3A : memref<!tpu.dma_semaphore, #tpu.memory_space<semaphore_mem>>)
      %dma_wait3A = arith.constant 0 : i32
      %dma_wait3A_24 = tpu.memref_slice %arg10[%mul3A_4, %dma_wait3A] : memref<10112x128xf32, #tpu.memory_space<vmem_shared>> -> memref<632x128xf32, #tpu.memory_space<vmem_shared>>
      %dma_wait3A_25 = arith.constant 0 : i32
      %dma_wait3A_26 = tpu.memref_slice %arg4[%mul3A_2, %dma_wait3A_25] : memref<10112x128xf32, #tpu.memory_space<hbm>> -> memref<632x128xf32, #tpu.memory_space<hbm>>
      tpu.wait_dma2 semaphore(%run_scoped3A : memref<!tpu.dma_semaphore, #tpu.memory_space<semaphore_mem>>) src(%dma_wait3A_26 : memref<632x128xf32, #tpu.memory_space<hbm>>) dst(%dma_wait3A_24 : memref<632x128xf32, #tpu.memory_space<vmem_shared>>)
      tpu.yield
    }) : () -> ()
    %barrier3A = arith.constant 0 : index
    tpu.barrier barrier_id(%barrier3A)
    %eq3A = arith.constant 31 : i32
    %eq3A_5 = arith.cmpi eq, %add3A, %eq3A : i32
    %jit3A = arith.constant 2 : i32
    %jit3A_6 = arith.constant 8 : i32
    %select_n3A = arith.select %eq3A_5, %jit3A, %jit3A_6 : i32
    %while3A = arith.constant 0 : i32
    %while3A_7 = arith.constant 0 : i32
    %while3A_8 = arith.subi %select_n3A, %while3A_7 : i32
    %while3A_9 = arith.addi %while3A_7, %while3A_8 : i32
    %while3A_10 = arith.constant 1 : i32
    %while3A_11 = arith.divsi %while3A_8, %while3A_10 : i32
    %while3A_12 = arith.muli %while3A_11, %while3A_10 : i32
    %while3A_13 = arith.addi %while3A_7, %while3A_12 : i32
    %while3A_14 = arith.constant 1 : i32
    scf.for %while3A_21 = %while3A_7 to %while3A_13 step %while3A_14  : i32 {
      %mul3A_22 = arith.constant 8 : i32
      %mul3A_23 = arith.muli %add3A, %mul3A_22 : i32
      %add3A_24 = arith.addi %mul3A_23, %while3A_21 : i32
      %run_scoped3A = arith.constant 0 : i32
      "tpu.region"() ({
        %run_scoped3A_304 = tpu.sem_alloc : memref<!tpu.dma_semaphore, #tpu.memory_space<semaphore_mem>>
        %dma_start3A_305 = arith.constant 0 : i32
        %dma_start3A_306 = arith.constant 0 : i32
        %dma_start3A_307 = tpu.memref_slice %arg3[%run_scoped3A, %add3A_24, %dma_start3A_305, %dma_start3A_306] : memref<2x256x10x128xi32, #tpu.memory_space<hbm>> -> memref<1x1x10x128xi32, #tpu.memory_space<hbm>>
        %dma_start3A_308 = tpu.memref_squeeze %dma_start3A_307 : memref<1x1x10x128xi32, #tpu.memory_space<hbm>> -> memref<10x128xi32, #tpu.memory_space<hbm>>
        %dma_start3A_309 = arith.constant 0 : i32
        %dma_start3A_310 = arith.constant 0 : i32
        %dma_start3A_311 = tpu.memref_slice %arg3[%run_scoped3A, %add3A_24, %dma_start3A_309, %dma_start3A_310] : memref<2x256x10x128xi32, #tpu.memory_space<hbm>> -> memref<1x1x10x128xi32, #tpu.memory_space<hbm>>
        %dma_start3A_312 = tpu.memref_squeeze %dma_start3A_311 : memref<1x1x10x128xi32, #tpu.memory_space<hbm>> -> memref<10x128xi32, #tpu.memory_space<hbm>>
        tpu.enqueue_dma source(%dma_start3A_312 : memref<10x128xi32, #tpu.memory_space<hbm>>) target(%arg8 : memref<10x128xi32, #tpu.memory_space<vmem>>) target_semaphore(%run_scoped3A_304 : memref<!tpu.dma_semaphore, #tpu.memory_space<semaphore_mem>>)
        %dma_wait3A_313 = arith.constant 0 : i32
        %dma_wait3A_314 = arith.constant 0 : i32
        %dma_wait3A_315 = tpu.memref_slice %arg3[%run_scoped3A, %add3A_24, %dma_wait3A_313, %dma_wait3A_314] : memref<2x256x10x128xi32, #tpu.memory_space<hbm>> -> memref<1x1x10x128xi32, #tpu.memory_space<hbm>>
        %dma_wait3A_316 = tpu.memref_squeeze %dma_wait3A_315 : memref<1x1x10x128xi32, #tpu.memory_space<hbm>> -> memref<10x128xi32, #tpu.memory_space<hbm>>
        %dma_wait3A_317 = arith.constant 0 : i32
        %dma_wait3A_318 = arith.constant 0 : i32
        %dma_wait3A_319 = tpu.memref_slice %arg3[%run_scoped3A, %add3A_24, %dma_wait3A_317, %dma_wait3A_318] : memref<2x256x10x128xi32, #tpu.memory_space<hbm>> -> memref<1x1x10x128xi32, #tpu.memory_space<hbm>>
        %dma_wait3A_320 = tpu.memref_squeeze %dma_wait3A_319 : memref<1x1x10x128xi32, #tpu.memory_space<hbm>> -> memref<10x128xi32, #tpu.memory_space<hbm>>
        tpu.wait_dma2 semaphore(%run_scoped3A_304 : memref<!tpu.dma_semaphore, #tpu.memory_space<semaphore_mem>>) src(%dma_wait3A_320 : memref<10x128xi32, #tpu.memory_space<hbm>>) dst(%arg8 : memref<10x128xi32, #tpu.memory_space<vmem>>)
        tpu.yield
      }) : () -> ()
      %run_scoped3A_25 = arith.constant 1 : i32
      "tpu.region"() ({
        %run_scoped3A_304 = tpu.sem_alloc : memref<!tpu.dma_semaphore, #tpu.memory_space<semaphore_mem>>
        %dma_start3A_305 = arith.constant 0 : i32
        %dma_start3A_306 = arith.constant 0 : i32
        %dma_start3A_307 = tpu.memref_slice %arg3[%run_scoped3A_25, %add3A_24, %dma_start3A_305, %dma_start3A_306] : memref<2x256x10x128xi32, #tpu.memory_space<hbm>> -> memref<1x1x10x128xi32, #tpu.memory_space<hbm>>
        %dma_start3A_308 = tpu.memref_squeeze %dma_start3A_307 : memref<1x1x10x128xi32, #tpu.memory_space<hbm>> -> memref<10x128xi32, #tpu.memory_space<hbm>>
        %dma_start3A_309 = arith.constant 0 : i32
        %dma_start3A_310 = arith.constant 0 : i32
        %dma_start3A_311 = tpu.memref_slice %arg3[%run_scoped3A_25, %add3A_24, %dma_start3A_309, %dma_start3A_310] : memref<2x256x10x128xi32, #tpu.memory_space<hbm>> -> memref<1x1x10x128xi32, #tpu.memory_space<hbm>>
        %dma_start3A_312 = tpu.memref_squeeze %dma_start3A_311 : memref<1x1x10x128xi32, #tpu.memory_space<hbm>> -> memref<10x128xi32, #tpu.memory_space<hbm>>
        tpu.enqueue_dma source(%dma_start3A_312 : memref<10x128xi32, #tpu.memory_space<hbm>>) target(%arg9 : memref<10x128xi32, #tpu.memory_space<vmem>>) target_semaphore(%run_scoped3A_304 : memref<!tpu.dma_semaphore, #tpu.memory_space<semaphore_mem>>)
        %dma_wait3A_313 = arith.constant 0 : i32
        %dma_wait3A_314 = arith.constant 0 : i32
        %dma_wait3A_315 = tpu.memref_slice %arg3[%run_scoped3A_25, %add3A_24, %dma_wait3A_313, %dma_wait3A_314] : memref<2x256x10x128xi32, #tpu.memory_space<hbm>> -> memref<1x1x10x128xi32, #tpu.memory_space<hbm>>
        %dma_wait3A_316 = tpu.memref_squeeze %dma_wait3A_315 : memref<1x1x10x128xi32, #tpu.memory_space<hbm>> -> memref<10x128xi32, #tpu.memory_space<hbm>>
        %dma_wait3A_317 = arith.constant 0 : i32
        %dma_wait3A_318 = arith.constant 0 : i32
        %dma_wait3A_319 = tpu.memref_slice %arg3[%run_scoped3A_25, %add3A_24, %dma_wait3A_317, %dma_wait3A_318] : memref<2x256x10x128xi32, #tpu.memory_space<hbm>> -> memref<1x1x10x128xi32, #tpu.memory_space<hbm>>
        %dma_wait3A_320 = tpu.memref_squeeze %dma_wait3A_319 : memref<1x1x10x128xi32, #tpu.memory_space<hbm>> -> memref<10x128xi32, #tpu.memory_space<hbm>>
        tpu.wait_dma2 semaphore(%run_scoped3A_304 : memref<!tpu.dma_semaphore, #tpu.memory_space<semaphore_mem>>) src(%dma_wait3A_320 : memref<10x128xi32, #tpu.memory_space<hbm>>) dst(%arg9 : memref<10x128xi32, #tpu.memory_space<vmem>>)
        tpu.yield
      }) : () -> ()
      %dma_start3A = arith.constant 0 : i32
      %dma_start3A_26 = arith.constant 0 : i32
      %dma_start3A_27 = tpu.memref_slice %arg8[%dma_start3A, %dma_start3A_26] : memref<10x128xi32, #tpu.memory_space<vmem>> -> memref<1x128xi32, #tpu.memory_space<vmem>>
      %dma_start3A_28 = tpu.memref_squeeze %dma_start3A_27 : memref<1x128xi32, #tpu.memory_space<vmem>> -> memref<128xi32, #tpu.memory_space<vmem>>
      %dma_start3A_29 = arith.constant 0 : i32
      %dma_start3A_30 = arith.constant 0 : i32
      %dma_start3A_31 = tpu.memref_slice %arg2[%dma_start3A_29, %dma_start3A_30] : memref<10000x128xf32, #tpu.memory_space<hbm>> -> memref<10000x128xf32, #tpu.memory_space<hbm>>
      tpu.enqueue_indirect_dma source(%dma_start3A_31 : memref<10000x128xf32, #tpu.memory_space<hbm>>) target(%arg6 : memref<128x128xf32, #tpu.memory_space<vmem>>) offsets(%dma_start3A_28 : memref<128xi32, #tpu.memory_space<vmem>>) semaphore(%arg11 : memref<!tpu.dma_semaphore, #tpu.memory_space<semaphore_mem>>)
      %dma_start3A_32 = arith.constant 1 : i32
      %dma_start3A_33 = arith.constant 0 : i32
      %dma_start3A_34 = tpu.memref_slice %arg8[%dma_start3A_32, %dma_start3A_33] : memref<10x128xi32, #tpu.memory_space<vmem>> -> memref<1x128xi32, #tpu.memory_space<vmem>>
      %dma_start3A_35 = tpu.memref_squeeze %dma_start3A_34 : memref<1x128xi32, #tpu.memory_space<vmem>> -> memref<128xi32, #tpu.memory_space<vmem>>
      %dma_start3A_36 = arith.constant 0 : i32
      %dma_start3A_37 = arith.constant 0 : i32
      %dma_start3A_38 = tpu.memref_slice %arg2[%dma_start3A_36, %dma_start3A_37] : memref<10000x128xf32, #tpu.memory_space<hbm>> -> memref<10000x128xf32, #tpu.memory_space<hbm>>
      tpu.enqueue_indirect_dma source(%dma_start3A_38 : memref<10000x128xf32, #tpu.memory_space<hbm>>) target(%arg7 : memref<128x128xf32, #tpu.memory_space<vmem>>) offsets(%dma_start3A_35 : memref<128xi32, #tpu.memory_space<vmem>>) semaphore(%arg12 : memref<!tpu.dma_semaphore, #tpu.memory_space<semaphore_mem>>)
      %dma_wait3A = arith.constant 0 : i32
      %dma_wait3A_39 = arith.constant 0 : i32
      %dma_wait3A_40 = tpu.memref_slice %arg8[%dma_wait3A, %dma_wait3A_39] : memref<10x128xi32, #tpu.memory_space<vmem>> -> memref<1x128xi32, #tpu.memory_space<vmem>>
      %dma_wait3A_41 = tpu.memref_squeeze %dma_wait3A_40 : memref<1x128xi32, #tpu.memory_space<vmem>> -> memref<128xi32, #tpu.memory_space<vmem>>
      %dma_wait3A_42 = arith.constant 0 : i32
      %dma_wait3A_43 = arith.constant 0 : i32
      %dma_wait3A_44 = tpu.memref_slice %arg2[%dma_wait3A_42, %dma_wait3A_43] : memref<10000x128xf32, #tpu.memory_space<hbm>> -> memref<10000x128xf32, #tpu.memory_space<hbm>>
      tpu.wait_indirect_dma semaphore(%arg11 : memref<!tpu.dma_semaphore, #tpu.memory_space<semaphore_mem>>) src(%dma_wait3A_44 : memref<10000x128xf32, #tpu.memory_space<hbm>>) dst(%arg6 : memref<128x128xf32, #tpu.memory_space<vmem>>)
      %dma_start3A_45 = arith.constant 0 : i32
      %dma_start3A_46 = arith.constant 0 : i32
      %dma_start3A_47 = tpu.memref_slice %arg9[%dma_start3A_45, %dma_start3A_46] : memref<10x128xi32, #tpu.memory_space<vmem>> -> memref<1x128xi32, #tpu.memory_space<vmem>>
      %dma_start3A_48 = tpu.memref_squeeze %dma_start3A_47 : memref<1x128xi32, #tpu.memory_space<vmem>> -> memref<128xi32, #tpu.memory_space<vmem>>
      %dma_start3A_49 = arith.constant 0 : i32
      %dma_start3A_50 = arith.constant 0 : i32
      %dma_start3A_51 = tpu.memref_slice %arg10[%dma_start3A_49, %dma_start3A_50] : memref<10112x128xf32, #tpu.memory_space<vmem_shared>> -> memref<10112x128xf32, #tpu.memory_space<vmem_shared>>
      tpu.enqueue_indirect_dma source(%arg6 : memref<128x128xf32, #tpu.memory_space<vmem>>) target(%dma_start3A_51 : memref<10112x128xf32, #tpu.memory_space<vmem_shared>>) offsets(%dma_start3A_48 : memref<128xi32, #tpu.memory_space<vmem>>) semaphore(%arg13 : memref<!tpu.dma_semaphore, #tpu.memory_space<semaphore_mem>>) {add = true}
      %dma_wait3A_52 = arith.constant 0 : i32
      %dma_wait3A_53 = arith.constant 0 : i32
      %dma_wait3A_54 = tpu.memref_slice %arg9[%dma_wait3A_52, %dma_wait3A_53] : memref<10x128xi32, #tpu.memory_space<vmem>> -> memref<1x128xi32, #tpu.memory_space<vmem>>
      %dma_wait3A_55 = tpu.memref_squeeze %dma_wait3A_54 : memref<1x128xi32, #tpu.memory_space<vmem>> -> memref<128xi32, #tpu.memory_space<vmem>>
      %dma_wait3A_56 = arith.constant 0 : i32
      %dma_wait3A_57 = arith.constant 0 : i32
      %dma_wait3A_58 = tpu.memref_slice %arg10[%dma_wait3A_56, %dma_wait3A_57] : memref<10112x128xf32, #tpu.memory_space<vmem_shared>> -> memref<10112x128xf32, #tpu.memory_space<vmem_shared>>
      tpu.wait_indirect_dma semaphore(%arg13 : memref<!tpu.dma_semaphore, #tpu.memory_space<semaphore_mem>>) src(%arg6 : memref<128x128xf32, #tpu.memory_space<vmem>>) dst(%dma_wait3A_58 : memref<10112x128xf32, #tpu.memory_space<vmem_shared>>)
      %dma_start3A_59 = arith.constant 2 : i32
      %dma_start3A_60 = arith.constant 0 : i32
      %dma_start3A_61 = tpu.memref_slice %arg8[%dma_start3A_59, %dma_start3A_60] : memref<10x128xi32, #tpu.memory_space<vmem>> -> memref<1x128xi32, #tpu.memory_space<vmem>>
      %dma_start3A_62 = tpu.memref_squeeze %dma_start3A_61 : memref<1x128xi32, #tpu.memory_space<vmem>> -> memref<128xi32, #tpu.memory_space<vmem>>
      %dma_start3A_63 = arith.constant 0 : i32
      %dma_start3A_64 = arith.constant 0 : i32
      %dma_start3A_65 = tpu.memref_slice %arg2[%dma_start3A_63, %dma_start3A_64] : memref<10000x128xf32, #tpu.memory_space<hbm>> -> memref<10000x128xf32, #tpu.memory_space<hbm>>
      tpu.enqueue_indirect_dma source(%dma_start3A_65 : memref<10000x128xf32, #tpu.memory_space<hbm>>) target(%arg6 : memref<128x128xf32, #tpu.memory_space<vmem>>) offsets(%dma_start3A_62 : memref<128xi32, #tpu.memory_space<vmem>>) semaphore(%arg11 : memref<!tpu.dma_semaphore, #tpu.memory_space<semaphore_mem>>)
      %dma_wait3A_66 = arith.constant 1 : i32
      %dma_wait3A_67 = arith.constant 0 : i32
      %dma_wait3A_68 = tpu.memref_slice %arg8[%dma_wait3A_66, %dma_wait3A_67] : memref<10x128xi32, #tpu.memory_space<vmem>> -> memref<1x128xi32, #tpu.memory_space<vmem>>
      %dma_wait3A_69 = tpu.memref_squeeze %dma_wait3A_68 : memref<1x128xi32, #tpu.memory_space<vmem>> -> memref<128xi32, #tpu.memory_space<vmem>>
      %dma_wait3A_70 = arith.constant 0 : i32
      %dma_wait3A_71 = arith.constant 0 : i32
      %dma_wait3A_72 = tpu.memref_slice %arg2[%dma_wait3A_70, %dma_wait3A_71] : memref<10000x128xf32, #tpu.memory_space<hbm>> -> memref<10000x128xf32, #tpu.memory_space<hbm>>
      tpu.wait_indirect_dma semaphore(%arg12 : memref<!tpu.dma_semaphore, #tpu.memory_space<semaphore_mem>>) src(%dma_wait3A_72 : memref<10000x128xf32, #tpu.memory_space<hbm>>) dst(%arg7 : memref<128x128xf32, #tpu.memory_space<vmem>>)
      %dma_start3A_73 = arith.constant 1 : i32
      %dma_start3A_74 = arith.constant 0 : i32
      %dma_start3A_75 = tpu.memref_slice %arg9[%dma_start3A_73, %dma_start3A_74] : memref<10x128xi32, #tpu.memory_space<vmem>> -> memref<1x128xi32, #tpu.memory_space<vmem>>
      %dma_start3A_76 = tpu.memref_squeeze %dma_start3A_75 : memref<1x128xi32, #tpu.memory_space<vmem>> -> memref<128xi32, #tpu.memory_space<vmem>>
      %dma_start3A_77 = arith.constant 0 : i32
      %dma_start3A_78 = arith.constant 0 : i32
      %dma_start3A_79 = tpu.memref_slice %arg10[%dma_start3A_77, %dma_start3A_78] : memref<10112x128xf32, #tpu.memory_space<vmem_shared>> -> memref<10112x128xf32, #tpu.memory_space<vmem_shared>>
      tpu.enqueue_indirect_dma source(%arg7 : memref<128x128xf32, #tpu.memory_space<vmem>>) target(%dma_start3A_79 : memref<10112x128xf32, #tpu.memory_space<vmem_shared>>) offsets(%dma_start3A_76 : memref<128xi32, #tpu.memory_space<vmem>>) semaphore(%arg14 : memref<!tpu.dma_semaphore, #tpu.memory_space<semaphore_mem>>) {add = true}
      %dma_wait3A_80 = arith.constant 1 : i32
      %dma_wait3A_81 = arith.constant 0 : i32
      %dma_wait3A_82 = tpu.memref_slice %arg9[%dma_wait3A_80, %dma_wait3A_81] : memref<10x128xi32, #tpu.memory_space<vmem>> -> memref<1x128xi32, #tpu.memory_space<vmem>>
      %dma_wait3A_83 = tpu.memref_squeeze %dma_wait3A_82 : memref<1x128xi32, #tpu.memory_space<vmem>> -> memref<128xi32, #tpu.memory_space<vmem>>
      %dma_wait3A_84 = arith.constant 0 : i32
      %dma_wait3A_85 = arith.constant 0 : i32
      %dma_wait3A_86 = tpu.memref_slice %arg10[%dma_wait3A_84, %dma_wait3A_85] : memref<10112x128xf32, #tpu.memory_space<vmem_shared>> -> memref<10112x128xf32, #tpu.memory_space<vmem_shared>>
      tpu.wait_indirect_dma semaphore(%arg14 : memref<!tpu.dma_semaphore, #tpu.memory_space<semaphore_mem>>) src(%arg7 : memref<128x128xf32, #tpu.memory_space<vmem>>) dst(%dma_wait3A_86 : memref<10112x128xf32, #tpu.memory_space<vmem_shared>>)
      %dma_start3A_87 = arith.constant 3 : i32
      %dma_start3A_88 = arith.constant 0 : i32
      %dma_start3A_89 = tpu.memref_slice %arg8[%dma_start3A_87, %dma_start3A_88] : memref<10x128xi32, #tpu.memory_space<vmem>> -> memref<1x128xi32, #tpu.memory_space<vmem>>
      %dma_start3A_90 = tpu.memref_squeeze %dma_start3A_89 : memref<1x128xi32, #tpu.memory_space<vmem>> -> memref<128xi32, #tpu.memory_space<vmem>>
      %dma_start3A_91 = arith.constant 0 : i32
      %dma_start3A_92 = arith.constant 0 : i32
      %dma_start3A_93 = tpu.memref_slice %arg2[%dma_start3A_91, %dma_start3A_92] : memref<10000x128xf32, #tpu.memory_space<hbm>> -> memref<10000x128xf32, #tpu.memory_space<hbm>>
      tpu.enqueue_indirect_dma source(%dma_start3A_93 : memref<10000x128xf32, #tpu.memory_space<hbm>>) target(%arg7 : memref<128x128xf32, #tpu.memory_space<vmem>>) offsets(%dma_start3A_90 : memref<128xi32, #tpu.memory_space<vmem>>) semaphore(%arg12 : memref<!tpu.dma_semaphore, #tpu.memory_space<semaphore_mem>>)
      %dma_wait3A_94 = arith.constant 2 : i32
      %dma_wait3A_95 = arith.constant 0 : i32
      %dma_wait3A_96 = tpu.memref_slice %arg8[%dma_wait3A_94, %dma_wait3A_95] : memref<10x128xi32, #tpu.memory_space<vmem>> -> memref<1x128xi32, #tpu.memory_space<vmem>>
      %dma_wait3A_97 = tpu.memref_squeeze %dma_wait3A_96 : memref<1x128xi32, #tpu.memory_space<vmem>> -> memref<128xi32, #tpu.memory_space<vmem>>
      %dma_wait3A_98 = arith.constant 0 : i32
      %dma_wait3A_99 = arith.constant 0 : i32
      %dma_wait3A_100 = tpu.memref_slice %arg2[%dma_wait3A_98, %dma_wait3A_99] : memref<10000x128xf32, #tpu.memory_space<hbm>> -> memref<10000x128xf32, #tpu.memory_space<hbm>>
      tpu.wait_indirect_dma semaphore(%arg11 : memref<!tpu.dma_semaphore, #tpu.memory_space<semaphore_mem>>) src(%dma_wait3A_100 : memref<10000x128xf32, #tpu.memory_space<hbm>>) dst(%arg6 : memref<128x128xf32, #tpu.memory_space<vmem>>)
      %dma_start3A_101 = arith.constant 2 : i32
      %dma_start3A_102 = arith.constant 0 : i32
      %dma_start3A_103 = tpu.memref_slice %arg9[%dma_start3A_101, %dma_start3A_102] : memref<10x128xi32, #tpu.memory_space<vmem>> -> memref<1x128xi32, #tpu.memory_space<vmem>>
      %dma_start3A_104 = tpu.memref_squeeze %dma_start3A_103 : memref<1x128xi32, #tpu.memory_space<vmem>> -> memref<128xi32, #tpu.memory_space<vmem>>
      %dma_start3A_105 = arith.constant 0 : i32
      %dma_start3A_106 = arith.constant 0 : i32
      %dma_start3A_107 = tpu.memref_slice %arg10[%dma_start3A_105, %dma_start3A_106] : memref<10112x128xf32, #tpu.memory_space<vmem_shared>> -> memref<10112x128xf32, #tpu.memory_space<vmem_shared>>
      tpu.enqueue_indirect_dma source(%arg6 : memref<128x128xf32, #tpu.memory_space<vmem>>) target(%dma_start3A_107 : memref<10112x128xf32, #tpu.memory_space<vmem_shared>>) offsets(%dma_start3A_104 : memref<128xi32, #tpu.memory_space<vmem>>) semaphore(%arg13 : memref<!tpu.dma_semaphore, #tpu.memory_space<semaphore_mem>>) {add = true}
      %dma_wait3A_108 = arith.constant 2 : i32
      %dma_wait3A_109 = arith.constant 0 : i32
      %dma_wait3A_110 = tpu.memref_slice %arg9[%dma_wait3A_108, %dma_wait3A_109] : memref<10x128xi32, #tpu.memory_space<vmem>> -> memref<1x128xi32, #tpu.memory_space<vmem>>
      %dma_wait3A_111 = tpu.memref_squeeze %dma_wait3A_110 : memref<1x128xi32, #tpu.memory_space<vmem>> -> memref<128xi32, #tpu.memory_space<vmem>>
      %dma_wait3A_112 = arith.constant 0 : i32
      %dma_wait3A_113 = arith.constant 0 : i32
      %dma_wait3A_114 = tpu.memref_slice %arg10[%dma_wait3A_112, %dma_wait3A_113] : memref<10112x128xf32, #tpu.memory_space<vmem_shared>> -> memref<10112x128xf32, #tpu.memory_space<vmem_shared>>
      tpu.wait_indirect_dma semaphore(%arg13 : memref<!tpu.dma_semaphore, #tpu.memory_space<semaphore_mem>>) src(%arg6 : memref<128x128xf32, #tpu.memory_space<vmem>>) dst(%dma_wait3A_114 : memref<10112x128xf32, #tpu.memory_space<vmem_shared>>)
      %dma_start3A_115 = arith.constant 4 : i32
      %dma_start3A_116 = arith.constant 0 : i32
      %dma_start3A_117 = tpu.memref_slice %arg8[%dma_start3A_115, %dma_start3A_116] : memref<10x128xi32, #tpu.memory_space<vmem>> -> memref<1x128xi32, #tpu.memory_space<vmem>>
      %dma_start3A_118 = tpu.memref_squeeze %dma_start3A_117 : memref<1x128xi32, #tpu.memory_space<vmem>> -> memref<128xi32, #tpu.memory_space<vmem>>
      %dma_start3A_119 = arith.constant 0 : i32
      %dma_start3A_120 = arith.constant 0 : i32
      %dma_start3A_121 = tpu.memref_slice %arg2[%dma_start3A_119, %dma_start3A_120] : memref<10000x128xf32, #tpu.memory_space<hbm>> -> memref<10000x128xf32, #tpu.memory_space<hbm>>
      tpu.enqueue_indirect_dma source(%dma_start3A_121 : memref<10000x128xf32, #tpu.memory_space<hbm>>) target(%arg6 : memref<128x128xf32, #tpu.memory_space<vmem>>) offsets(%dma_start3A_118 : memref<128xi32, #tpu.memory_space<vmem>>) semaphore(%arg11 : memref<!tpu.dma_semaphore, #tpu.memory_space<semaphore_mem>>)
      %dma_wait3A_122 = arith.constant 3 : i32
      %dma_wait3A_123 = arith.constant 0 : i32
      %dma_wait3A_124 = tpu.memref_slice %arg8[%dma_wait3A_122, %dma_wait3A_123] : memref<10x128xi32, #tpu.memory_space<vmem>> -> memref<1x128xi32, #tpu.memory_space<vmem>>
      %dma_wait3A_125 = tpu.memref_squeeze %dma_wait3A_124 : memref<1x128xi32, #tpu.memory_space<vmem>> -> memref<128xi32, #tpu.memory_space<vmem>>
      %dma_wait3A_126 = arith.constant 0 : i32
      %dma_wait3A_127 = arith.constant 0 : i32
      %dma_wait3A_128 = tpu.memref_slice %arg2[%dma_wait3A_126, %dma_wait3A_127] : memref<10000x128xf32, #tpu.memory_space<hbm>> -> memref<10000x128xf32, #tpu.memory_space<hbm>>
      tpu.wait_indirect_dma semaphore(%arg12 : memref<!tpu.dma_semaphore, #tpu.memory_space<semaphore_mem>>) src(%dma_wait3A_128 : memref<10000x128xf32, #tpu.memory_space<hbm>>) dst(%arg7 : memref<128x128xf32, #tpu.memory_space<vmem>>)
      %dma_start3A_129 = arith.constant 3 : i32
      %dma_start3A_130 = arith.constant 0 : i32
      %dma_start3A_131 = tpu.memref_slice %arg9[%dma_start3A_129, %dma_start3A_130] : memref<10x128xi32, #tpu.memory_space<vmem>> -> memref<1x128xi32, #tpu.memory_space<vmem>>
      %dma_start3A_132 = tpu.memref_squeeze %dma_start3A_131 : memref<1x128xi32, #tpu.memory_space<vmem>> -> memref<128xi32, #tpu.memory_space<vmem>>
      %dma_start3A_133 = arith.constant 0 : i32
      %dma_start3A_134 = arith.constant 0 : i32
      %dma_start3A_135 = tpu.memref_slice %arg10[%dma_start3A_133, %dma_start3A_134] : memref<10112x128xf32, #tpu.memory_space<vmem_shared>> -> memref<10112x128xf32, #tpu.memory_space<vmem_shared>>
      tpu.enqueue_indirect_dma source(%arg7 : memref<128x128xf32, #tpu.memory_space<vmem>>) target(%dma_start3A_135 : memref<10112x128xf32, #tpu.memory_space<vmem_shared>>) offsets(%dma_start3A_132 : memref<128xi32, #tpu.memory_space<vmem>>) semaphore(%arg14 : memref<!tpu.dma_semaphore, #tpu.memory_space<semaphore_mem>>) {add = true}
      %dma_wait3A_136 = arith.constant 3 : i32
      %dma_wait3A_137 = arith.constant 0 : i32
      %dma_wait3A_138 = tpu.memref_slice %arg9[%dma_wait3A_136, %dma_wait3A_137] : memref<10x128xi32, #tpu.memory_space<vmem>> -> memref<1x128xi32, #tpu.memory_space<vmem>>
      %dma_wait3A_139 = tpu.memref_squeeze %dma_wait3A_138 : memref<1x128xi32, #tpu.memory_space<vmem>> -> memref<128xi32, #tpu.memory_space<vmem>>
      %dma_wait3A_140 = arith.constant 0 : i32
      %dma_wait3A_141 = arith.constant 0 : i32
      %dma_wait3A_142 = tpu.memref_slice %arg10[%dma_wait3A_140, %dma_wait3A_141] : memref<10112x128xf32, #tpu.memory_space<vmem_shared>> -> memref<10112x128xf32, #tpu.memory_space<vmem_shared>>
      tpu.wait_indirect_dma semaphore(%arg14 : memref<!tpu.dma_semaphore, #tpu.memory_space<semaphore_mem>>) src(%arg7 : memref<128x128xf32, #tpu.memory_space<vmem>>) dst(%dma_wait3A_142 : memref<10112x128xf32, #tpu.memory_space<vmem_shared>>)
      %dma_start3A_143 = arith.constant 5 : i32
      %dma_start3A_144 = arith.constant 0 : i32
      %dma_start3A_145 = tpu.memref_slice %arg8[%dma_start3A_143, %dma_start3A_144] : memref<10x128xi32, #tpu.memory_space<vmem>> -> memref<1x128xi32, #tpu.memory_space<vmem>>
      %dma_start3A_146 = tpu.memref_squeeze %dma_start3A_145 : memref<1x128xi32, #tpu.memory_space<vmem>> -> memref<128xi32, #tpu.memory_space<vmem>>
      %dma_start3A_147 = arith.constant 0 : i32
      %dma_start3A_148 = arith.constant 0 : i32
      %dma_start3A_149 = tpu.memref_slice %arg2[%dma_start3A_147, %dma_start3A_148] : memref<10000x128xf32, #tpu.memory_space<hbm>> -> memref<10000x128xf32, #tpu.memory_space<hbm>>
      tpu.enqueue_indirect_dma source(%dma_start3A_149 : memref<10000x128xf32, #tpu.memory_space<hbm>>) target(%arg7 : memref<128x128xf32, #tpu.memory_space<vmem>>) offsets(%dma_start3A_146 : memref<128xi32, #tpu.memory_space<vmem>>) semaphore(%arg12 : memref<!tpu.dma_semaphore, #tpu.memory_space<semaphore_mem>>)
      %dma_wait3A_150 = arith.constant 4 : i32
      %dma_wait3A_151 = arith.constant 0 : i32
      %dma_wait3A_152 = tpu.memref_slice %arg8[%dma_wait3A_150, %dma_wait3A_151] : memref<10x128xi32, #tpu.memory_space<vmem>> -> memref<1x128xi32, #tpu.memory_space<vmem>>
      %dma_wait3A_153 = tpu.memref_squeeze %dma_wait3A_152 : memref<1x128xi32, #tpu.memory_space<vmem>> -> memref<128xi32, #tpu.memory_space<vmem>>
      %dma_wait3A_154 = arith.constant 0 : i32
      %dma_wait3A_155 = arith.constant 0 : i32
      %dma_wait3A_156 = tpu.memref_slice %arg2[%dma_wait3A_154, %dma_wait3A_155] : memref<10000x128xf32, #tpu.memory_space<hbm>> -> memref<10000x128xf32, #tpu.memory_space<hbm>>
      tpu.wait_indirect_dma semaphore(%arg11 : memref<!tpu.dma_semaphore, #tpu.memory_space<semaphore_mem>>) src(%dma_wait3A_156 : memref<10000x128xf32, #tpu.memory_space<hbm>>) dst(%arg6 : memref<128x128xf32, #tpu.memory_space<vmem>>)
      %dma_start3A_157 = arith.constant 4 : i32
      %dma_start3A_158 = arith.constant 0 : i32
      %dma_start3A_159 = tpu.memref_slice %arg9[%dma_start3A_157, %dma_start3A_158] : memref<10x128xi32, #tpu.memory_space<vmem>> -> memref<1x128xi32, #tpu.memory_space<vmem>>
      %dma_start3A_160 = tpu.memref_squeeze %dma_start3A_159 : memref<1x128xi32, #tpu.memory_space<vmem>> -> memref<128xi32, #tpu.memory_space<vmem>>
      %dma_start3A_161 = arith.constant 0 : i32
      %dma_start3A_162 = arith.constant 0 : i32
      %dma_start3A_163 = tpu.memref_slice %arg10[%dma_start3A_161, %dma_start3A_162] : memref<10112x128xf32, #tpu.memory_space<vmem_shared>> -> memref<10112x128xf32, #tpu.memory_space<vmem_shared>>
      tpu.enqueue_indirect_dma source(%arg6 : memref<128x128xf32, #tpu.memory_space<vmem>>) target(%dma_start3A_163 : memref<10112x128xf32, #tpu.memory_space<vmem_shared>>) offsets(%dma_start3A_160 : memref<128xi32, #tpu.memory_space<vmem>>) semaphore(%arg13 : memref<!tpu.dma_semaphore, #tpu.memory_space<semaphore_mem>>) {add = true}
      %dma_wait3A_164 = arith.constant 4 : i32
      %dma_wait3A_165 = arith.constant 0 : i32
      %dma_wait3A_166 = tpu.memref_slice %arg9[%dma_wait3A_164, %dma_wait3A_165] : memref<10x128xi32, #tpu.memory_space<vmem>> -> memref<1x128xi32, #tpu.memory_space<vmem>>
      %dma_wait3A_167 = tpu.memref_squeeze %dma_wait3A_166 : memref<1x128xi32, #tpu.memory_space<vmem>> -> memref<128xi32, #tpu.memory_space<vmem>>
      %dma_wait3A_168 = arith.constant 0 : i32
      %dma_wait3A_169 = arith.constant 0 : i32
      %dma_wait3A_170 = tpu.memref_slice %arg10[%dma_wait3A_168, %dma_wait3A_169] : memref<10112x128xf32, #tpu.memory_space<vmem_shared>> -> memref<10112x128xf32, #tpu.memory_space<vmem_shared>>
      tpu.wait_indirect_dma semaphore(%arg13 : memref<!tpu.dma_semaphore, #tpu.memory_space<semaphore_mem>>) src(%arg6 : memref<128x128xf32, #tpu.memory_space<vmem>>) dst(%dma_wait3A_170 : memref<10112x128xf32, #tpu.memory_space<vmem_shared>>)
      %dma_start3A_171 = arith.constant 6 : i32
      %dma_start3A_172 = arith.constant 0 : i32
      %dma_start3A_173 = tpu.memref_slice %arg8[%dma_start3A_171, %dma_start3A_172] : memref<10x128xi32, #tpu.memory_space<vmem>> -> memref<1x128xi32, #tpu.memory_space<vmem>>
      %dma_start3A_174 = tpu.memref_squeeze %dma_start3A_173 : memref<1x128xi32, #tpu.memory_space<vmem>> -> memref<128xi32, #tpu.memory_space<vmem>>
      %dma_start3A_175 = arith.constant 0 : i32
      %dma_start3A_176 = arith.constant 0 : i32
      %dma_start3A_177 = tpu.memref_slice %arg2[%dma_start3A_175, %dma_start3A_176] : memref<10000x128xf32, #tpu.memory_space<hbm>> -> memref<10000x128xf32, #tpu.memory_space<hbm>>
      tpu.enqueue_indirect_dma source(%dma_start3A_177 : memref<10000x128xf32, #tpu.memory_space<hbm>>) target(%arg6 : memref<128x128xf32, #tpu.memory_space<vmem>>) offsets(%dma_start3A_174 : memref<128xi32, #tpu.memory_space<vmem>>) semaphore(%arg11 : memref<!tpu.dma_semaphore, #tpu.memory_space<semaphore_mem>>)
      %dma_wait3A_178 = arith.constant 5 : i32
      %dma_wait3A_179 = arith.constant 0 : i32
      %dma_wait3A_180 = tpu.memref_slice %arg8[%dma_wait3A_178, %dma_wait3A_179] : memref<10x128xi32, #tpu.memory_space<vmem>> -> memref<1x128xi32, #tpu.memory_space<vmem>>
      %dma_wait3A_181 = tpu.memref_squeeze %dma_wait3A_180 : memref<1x128xi32, #tpu.memory_space<vmem>> -> memref<128xi32, #tpu.memory_space<vmem>>
      %dma_wait3A_182 = arith.constant 0 : i32
      %dma_wait3A_183 = arith.constant 0 : i32
      %dma_wait3A_184 = tpu.memref_slice %arg2[%dma_wait3A_182, %dma_wait3A_183] : memref<10000x128xf32, #tpu.memory_space<hbm>> -> memref<10000x128xf32, #tpu.memory_space<hbm>>
      tpu.wait_indirect_dma semaphore(%arg12 : memref<!tpu.dma_semaphore, #tpu.memory_space<semaphore_mem>>) src(%dma_wait3A_184 : memref<10000x128xf32, #tpu.memory_space<hbm>>) dst(%arg7 : memref<128x128xf32, #tpu.memory_space<vmem>>)
      %dma_start3A_185 = arith.constant 5 : i32
      %dma_start3A_186 = arith.constant 0 : i32
      %dma_start3A_187 = tpu.memref_slice %arg9[%dma_start3A_185, %dma_start3A_186] : memref<10x128xi32, #tpu.memory_space<vmem>> -> memref<1x128xi32, #tpu.memory_space<vmem>>
      %dma_start3A_188 = tpu.memref_squeeze %dma_start3A_187 : memref<1x128xi32, #tpu.memory_space<vmem>> -> memref<128xi32, #tpu.memory_space<vmem>>
      %dma_start3A_189 = arith.constant 0 : i32
      %dma_start3A_190 = arith.constant 0 : i32
      %dma_start3A_191 = tpu.memref_slice %arg10[%dma_start3A_189, %dma_start3A_190] : memref<10112x128xf32, #tpu.memory_space<vmem_shared>> -> memref<10112x128xf32, #tpu.memory_space<vmem_shared>>
      tpu.enqueue_indirect_dma source(%arg7 : memref<128x128xf32, #tpu.memory_space<vmem>>) target(%dma_start3A_191 : memref<10112x128xf32, #tpu.memory_space<vmem_shared>>) offsets(%dma_start3A_188 : memref<128xi32, #tpu.memory_space<vmem>>) semaphore(%arg14 : memref<!tpu.dma_semaphore, #tpu.memory_space<semaphore_mem>>) {add = true}
      %dma_wait3A_192 = arith.constant 5 : i32
      %dma_wait3A_193 = arith.constant 0 : i32
      %dma_wait3A_194 = tpu.memref_slice %arg9[%dma_wait3A_192, %dma_wait3A_193] : memref<10x128xi32, #tpu.memory_space<vmem>> -> memref<1x128xi32, #tpu.memory_space<vmem>>
      %dma_wait3A_195 = tpu.memref_squeeze %dma_wait3A_194 : memref<1x128xi32, #tpu.memory_space<vmem>> -> memref<128xi32, #tpu.memory_space<vmem>>
      %dma_wait3A_196 = arith.constant 0 : i32
      %dma_wait3A_197 = arith.constant 0 : i32
      %dma_wait3A_198 = tpu.memref_slice %arg10[%dma_wait3A_196, %dma_wait3A_197] : memref<10112x128xf32, #tpu.memory_space<vmem_shared>> -> memref<10112x128xf32, #tpu.memory_space<vmem_shared>>
      tpu.wait_indirect_dma semaphore(%arg14 : memref<!tpu.dma_semaphore, #tpu.memory_space<semaphore_mem>>) src(%arg7 : memref<128x128xf32, #tpu.memory_space<vmem>>) dst(%dma_wait3A_198 : memref<10112x128xf32, #tpu.memory_space<vmem_shared>>)
      %dma_start3A_199 = arith.constant 7 : i32
      %dma_start3A_200 = arith.constant 0 : i32
      %dma_start3A_201 = tpu.memref_slice %arg8[%dma_start3A_199, %dma_start3A_200] : memref<10x128xi32, #tpu.memory_space<vmem>> -> memref<1x128xi32, #tpu.memory_space<vmem>>
      %dma_start3A_202 = tpu.memref_squeeze %dma_start3A_201 : memref<1x128xi32, #tpu.memory_space<vmem>> -> memref<128xi32, #tpu.memory_space<vmem>>
      %dma_start3A_203 = arith.constant 0 : i32
      %dma_start3A_204 = arith.constant 0 : i32
      %dma_start3A_205 = tpu.memref_slice %arg2[%dma_start3A_203, %dma_start3A_204] : memref<10000x128xf32, #tpu.memory_space<hbm>> -> memref<10000x128xf32, #tpu.memory_space<hbm>>
      tpu.enqueue_indirect_dma source(%dma_start3A_205 : memref<10000x128xf32, #tpu.memory_space<hbm>>) target(%arg7 : memref<128x128xf32, #tpu.memory_space<vmem>>) offsets(%dma_start3A_202 : memref<128xi32, #tpu.memory_space<vmem>>) semaphore(%arg12 : memref<!tpu.dma_semaphore, #tpu.memory_space<semaphore_mem>>)
      %dma_wait3A_206 = arith.constant 6 : i32
      %dma_wait3A_207 = arith.constant 0 : i32
      %dma_wait3A_208 = tpu.memref_slice %arg8[%dma_wait3A_206, %dma_wait3A_207] : memref<10x128xi32, #tpu.memory_space<vmem>> -> memref<1x128xi32, #tpu.memory_space<vmem>>
      %dma_wait3A_209 = tpu.memref_squeeze %dma_wait3A_208 : memref<1x128xi32, #tpu.memory_space<vmem>> -> memref<128xi32, #tpu.memory_space<vmem>>
      %dma_wait3A_210 = arith.constant 0 : i32
      %dma_wait3A_211 = arith.constant 0 : i32
      %dma_wait3A_212 = tpu.memref_slice %arg2[%dma_wait3A_210, %dma_wait3A_211] : memref<10000x128xf32, #tpu.memory_space<hbm>> -> memref<10000x128xf32, #tpu.memory_space<hbm>>
      tpu.wait_indirect_dma semaphore(%arg11 : memref<!tpu.dma_semaphore, #tpu.memory_space<semaphore_mem>>) src(%dma_wait3A_212 : memref<10000x128xf32, #tpu.memory_space<hbm>>) dst(%arg6 : memref<128x128xf32, #tpu.memory_space<vmem>>)
      %dma_start3A_213 = arith.constant 6 : i32
      %dma_start3A_214 = arith.constant 0 : i32
      %dma_start3A_215 = tpu.memref_slice %arg9[%dma_start3A_213, %dma_start3A_214] : memref<10x128xi32, #tpu.memory_space<vmem>> -> memref<1x128xi32, #tpu.memory_space<vmem>>
      %dma_start3A_216 = tpu.memref_squeeze %dma_start3A_215 : memref<1x128xi32, #tpu.memory_space<vmem>> -> memref<128xi32, #tpu.memory_space<vmem>>
      %dma_start3A_217 = arith.constant 0 : i32
      %dma_start3A_218 = arith.constant 0 : i32
      %dma_start3A_219 = tpu.memref_slice %arg10[%dma_start3A_217, %dma_start3A_218] : memref<10112x128xf32, #tpu.memory_space<vmem_shared>> -> memref<10112x128xf32, #tpu.memory_space<vmem_shared>>
      tpu.enqueue_indirect_dma source(%arg6 : memref<128x128xf32, #tpu.memory_space<vmem>>) target(%dma_start3A_219 : memref<10112x128xf32, #tpu.memory_space<vmem_shared>>) offsets(%dma_start3A_216 : memref<128xi32, #tpu.memory_space<vmem>>) semaphore(%arg13 : memref<!tpu.dma_semaphore, #tpu.memory_space<semaphore_mem>>) {add = true}
      %dma_wait3A_220 = arith.constant 6 : i32
      %dma_wait3A_221 = arith.constant 0 : i32
      %dma_wait3A_222 = tpu.memref_slice %arg9[%dma_wait3A_220, %dma_wait3A_221] : memref<10x128xi32, #tpu.memory_space<vmem>> -> memref<1x128xi32, #tpu.memory_space<vmem>>
      %dma_wait3A_223 = tpu.memref_squeeze %dma_wait3A_222 : memref<1x128xi32, #tpu.memory_space<vmem>> -> memref<128xi32, #tpu.memory_space<vmem>>
      %dma_wait3A_224 = arith.constant 0 : i32
      %dma_wait3A_225 = arith.constant 0 : i32
      %dma_wait3A_226 = tpu.memref_slice %arg10[%dma_wait3A_224, %dma_wait3A_225] : memref<10112x128xf32, #tpu.memory_space<vmem_shared>> -> memref<10112x128xf32, #tpu.memory_space<vmem_shared>>
      tpu.wait_indirect_dma semaphore(%arg13 : memref<!tpu.dma_semaphore, #tpu.memory_space<semaphore_mem>>) src(%arg6 : memref<128x128xf32, #tpu.memory_space<vmem>>) dst(%dma_wait3A_226 : memref<10112x128xf32, #tpu.memory_space<vmem_shared>>)
      %dma_start3A_227 = arith.constant 8 : i32
      %dma_start3A_228 = arith.constant 0 : i32
      %dma_start3A_229 = tpu.memref_slice %arg8[%dma_start3A_227, %dma_start3A_228] : memref<10x128xi32, #tpu.memory_space<vmem>> -> memref<1x128xi32, #tpu.memory_space<vmem>>
      %dma_start3A_230 = tpu.memref_squeeze %dma_start3A_229 : memref<1x128xi32, #tpu.memory_space<vmem>> -> memref<128xi32, #tpu.memory_space<vmem>>
      %dma_start3A_231 = arith.constant 0 : i32
      %dma_start3A_232 = arith.constant 0 : i32
      %dma_start3A_233 = tpu.memref_slice %arg2[%dma_start3A_231, %dma_start3A_232] : memref<10000x128xf32, #tpu.memory_space<hbm>> -> memref<10000x128xf32, #tpu.memory_space<hbm>>
      tpu.enqueue_indirect_dma source(%dma_start3A_233 : memref<10000x128xf32, #tpu.memory_space<hbm>>) target(%arg6 : memref<128x128xf32, #tpu.memory_space<vmem>>) offsets(%dma_start3A_230 : memref<128xi32, #tpu.memory_space<vmem>>) semaphore(%arg11 : memref<!tpu.dma_semaphore, #tpu.memory_space<semaphore_mem>>)
      %dma_wait3A_234 = arith.constant 7 : i32
      %dma_wait3A_235 = arith.constant 0 : i32
      %dma_wait3A_236 = tpu.memref_slice %arg8[%dma_wait3A_234, %dma_wait3A_235] : memref<10x128xi32, #tpu.memory_space<vmem>> -> memref<1x128xi32, #tpu.memory_space<vmem>>
      %dma_wait3A_237 = tpu.memref_squeeze %dma_wait3A_236 : memref<1x128xi32, #tpu.memory_space<vmem>> -> memref<128xi32, #tpu.memory_space<vmem>>
      %dma_wait3A_238 = arith.constant 0 : i32
      %dma_wait3A_239 = arith.constant 0 : i32
      %dma_wait3A_240 = tpu.memref_slice %arg2[%dma_wait3A_238, %dma_wait3A_239] : memref<10000x128xf32, #tpu.memory_space<hbm>> -> memref<10000x128xf32, #tpu.memory_space<hbm>>
      tpu.wait_indirect_dma semaphore(%arg12 : memref<!tpu.dma_semaphore, #tpu.memory_space<semaphore_mem>>) src(%dma_wait3A_240 : memref<10000x128xf32, #tpu.memory_space<hbm>>) dst(%arg7 : memref<128x128xf32, #tpu.memory_space<vmem>>)
      %dma_start3A_241 = arith.constant 7 : i32
      %dma_start3A_242 = arith.constant 0 : i32
      %dma_start3A_243 = tpu.memref_slice %arg9[%dma_start3A_241, %dma_start3A_242] : memref<10x128xi32, #tpu.memory_space<vmem>> -> memref<1x128xi32, #tpu.memory_space<vmem>>
      %dma_start3A_244 = tpu.memref_squeeze %dma_start3A_243 : memref<1x128xi32, #tpu.memory_space<vmem>> -> memref<128xi32, #tpu.memory_space<vmem>>
      %dma_start3A_245 = arith.constant 0 : i32
      %dma_start3A_246 = arith.constant 0 : i32
      %dma_start3A_247 = tpu.memref_slice %arg10[%dma_start3A_245, %dma_start3A_246] : memref<10112x128xf32, #tpu.memory_space<vmem_shared>> -> memref<10112x128xf32, #tpu.memory_space<vmem_shared>>
      tpu.enqueue_indirect_dma source(%arg7 : memref<128x128xf32, #tpu.memory_space<vmem>>) target(%dma_start3A_247 : memref<10112x128xf32, #tpu.memory_space<vmem_shared>>) offsets(%dma_start3A_244 : memref<128xi32, #tpu.memory_space<vmem>>) semaphore(%arg14 : memref<!tpu.dma_semaphore, #tpu.memory_space<semaphore_mem>>) {add = true}
      %dma_wait3A_248 = arith.constant 7 : i32
      %dma_wait3A_249 = arith.constant 0 : i32
      %dma_wait3A_250 = tpu.memref_slice %arg9[%dma_wait3A_248, %dma_wait3A_249] : memref<10x128xi32, #tpu.memory_space<vmem>> -> memref<1x128xi32, #tpu.memory_space<vmem>>
      %dma_wait3A_251 = tpu.memref_squeeze %dma_wait3A_250 : memref<1x128xi32, #tpu.memory_space<vmem>> -> memref<128xi32, #tpu.memory_space<vmem>>
      %dma_wait3A_252 = arith.constant 0 : i32
      %dma_wait3A_253 = arith.constant 0 : i32
      %dma_wait3A_254 = tpu.memref_slice %arg10[%dma_wait3A_252, %dma_wait3A_253] : memref<10112x128xf32, #tpu.memory_space<vmem_shared>> -> memref<10112x128xf32, #tpu.memory_space<vmem_shared>>
      tpu.wait_indirect_dma semaphore(%arg14 : memref<!tpu.dma_semaphore, #tpu.memory_space<semaphore_mem>>) src(%arg7 : memref<128x128xf32, #tpu.memory_space<vmem>>) dst(%dma_wait3A_254 : memref<10112x128xf32, #tpu.memory_space<vmem_shared>>)
      %dma_start3A_255 = arith.constant 9 : i32
      %dma_start3A_256 = arith.constant 0 : i32
      %dma_start3A_257 = tpu.memref_slice %arg8[%dma_start3A_255, %dma_start3A_256] : memref<10x128xi32, #tpu.memory_space<vmem>> -> memref<1x128xi32, #tpu.memory_space<vmem>>
      %dma_start3A_258 = tpu.memref_squeeze %dma_start3A_257 : memref<1x128xi32, #tpu.memory_space<vmem>> -> memref<128xi32, #tpu.memory_space<vmem>>
      %dma_start3A_259 = arith.constant 0 : i32
      %dma_start3A_260 = arith.constant 0 : i32
      %dma_start3A_261 = tpu.memref_slice %arg2[%dma_start3A_259, %dma_start3A_260] : memref<10000x128xf32, #tpu.memory_space<hbm>> -> memref<10000x128xf32, #tpu.memory_space<hbm>>
      tpu.enqueue_indirect_dma source(%dma_start3A_261 : memref<10000x128xf32, #tpu.memory_space<hbm>>) target(%arg7 : memref<128x128xf32, #tpu.memory_space<vmem>>) offsets(%dma_start3A_258 : memref<128xi32, #tpu.memory_space<vmem>>) semaphore(%arg12 : memref<!tpu.dma_semaphore, #tpu.memory_space<semaphore_mem>>)
      %dma_wait3A_262 = arith.constant 8 : i32
      %dma_wait3A_263 = arith.constant 0 : i32
      %dma_wait3A_264 = tpu.memref_slice %arg8[%dma_wait3A_262, %dma_wait3A_263] : memref<10x128xi32, #tpu.memory_space<vmem>> -> memref<1x128xi32, #tpu.memory_space<vmem>>
      %dma_wait3A_265 = tpu.memref_squeeze %dma_wait3A_264 : memref<1x128xi32, #tpu.memory_space<vmem>> -> memref<128xi32, #tpu.memory_space<vmem>>
      %dma_wait3A_266 = arith.constant 0 : i32
      %dma_wait3A_267 = arith.constant 0 : i32
      %dma_wait3A_268 = tpu.memref_slice %arg2[%dma_wait3A_266, %dma_wait3A_267] : memref<10000x128xf32, #tpu.memory_space<hbm>> -> memref<10000x128xf32, #tpu.memory_space<hbm>>
      tpu.wait_indirect_dma semaphore(%arg11 : memref<!tpu.dma_semaphore, #tpu.memory_space<semaphore_mem>>) src(%dma_wait3A_268 : memref<10000x128xf32, #tpu.memory_space<hbm>>) dst(%arg6 : memref<128x128xf32, #tpu.memory_space<vmem>>)
      %dma_start3A_269 = arith.constant 8 : i32
      %dma_start3A_270 = arith.constant 0 : i32
      %dma_start3A_271 = tpu.memref_slice %arg9[%dma_start3A_269, %dma_start3A_270] : memref<10x128xi32, #tpu.memory_space<vmem>> -> memref<1x128xi32, #tpu.memory_space<vmem>>
      %dma_start3A_272 = tpu.memref_squeeze %dma_start3A_271 : memref<1x128xi32, #tpu.memory_space<vmem>> -> memref<128xi32, #tpu.memory_space<vmem>>
      %dma_start3A_273 = arith.constant 0 : i32
      %dma_start3A_274 = arith.constant 0 : i32
      %dma_start3A_275 = tpu.memref_slice %arg10[%dma_start3A_273, %dma_start3A_274] : memref<10112x128xf32, #tpu.memory_space<vmem_shared>> -> memref<10112x128xf32, #tpu.memory_space<vmem_shared>>
      tpu.enqueue_indirect_dma source(%arg6 : memref<128x128xf32, #tpu.memory_space<vmem>>) target(%dma_start3A_275 : memref<10112x128xf32, #tpu.memory_space<vmem_shared>>) offsets(%dma_start3A_272 : memref<128xi32, #tpu.memory_space<vmem>>) semaphore(%arg13 : memref<!tpu.dma_semaphore, #tpu.memory_space<semaphore_mem>>) {add = true}
      %dma_wait3A_276 = arith.constant 9 : i32
      %dma_wait3A_277 = arith.constant 0 : i32
      %dma_wait3A_278 = tpu.memref_slice %arg8[%dma_wait3A_276, %dma_wait3A_277] : memref<10x128xi32, #tpu.memory_space<vmem>> -> memref<1x128xi32, #tpu.memory_space<vmem>>
      %dma_wait3A_279 = tpu.memref_squeeze %dma_wait3A_278 : memref<1x128xi32, #tpu.memory_space<vmem>> -> memref<128xi32, #tpu.memory_space<vmem>>
      %dma_wait3A_280 = arith.constant 0 : i32
      %dma_wait3A_281 = arith.constant 0 : i32
      %dma_wait3A_282 = tpu.memref_slice %arg2[%dma_wait3A_280, %dma_wait3A_281] : memref<10000x128xf32, #tpu.memory_space<hbm>> -> memref<10000x128xf32, #tpu.memory_space<hbm>>
      tpu.wait_indirect_dma semaphore(%arg12 : memref<!tpu.dma_semaphore, #tpu.memory_space<semaphore_mem>>) src(%dma_wait3A_282 : memref<10000x128xf32, #tpu.memory_space<hbm>>) dst(%arg7 : memref<128x128xf32, #tpu.memory_space<vmem>>)
      %dma_start3A_283 = arith.constant 9 : i32
      %dma_start3A_284 = arith.constant 0 : i32
      %dma_start3A_285 = tpu.memref_slice %arg9[%dma_start3A_283, %dma_start3A_284] : memref<10x128xi32, #tpu.memory_space<vmem>> -> memref<1x128xi32, #tpu.memory_space<vmem>>
      %dma_start3A_286 = tpu.memref_squeeze %dma_start3A_285 : memref<1x128xi32, #tpu.memory_space<vmem>> -> memref<128xi32, #tpu.memory_space<vmem>>
      %dma_start3A_287 = arith.constant 0 : i32
      %dma_start3A_288 = arith.constant 0 : i32
      %dma_start3A_289 = tpu.memref_slice %arg10[%dma_start3A_287, %dma_start3A_288] : memref<10112x128xf32, #tpu.memory_space<vmem_shared>> -> memref<10112x128xf32, #tpu.memory_space<vmem_shared>>
      tpu.enqueue_indirect_dma source(%arg7 : memref<128x128xf32, #tpu.memory_space<vmem>>) target(%dma_start3A_289 : memref<10112x128xf32, #tpu.memory_space<vmem_shared>>) offsets(%dma_start3A_286 : memref<128xi32, #tpu.memory_space<vmem>>) semaphore(%arg14 : memref<!tpu.dma_semaphore, #tpu.memory_space<semaphore_mem>>) {add = true}
      %dma_wait3A_290 = arith.constant 8 : i32
      %dma_wait3A_291 = arith.constant 0 : i32
      %dma_wait3A_292 = tpu.memref_slice %arg9[%dma_wait3A_290, %dma_wait3A_291] : memref<10x128xi32, #tpu.memory_space<vmem>> -> memref<1x128xi32, #tpu.memory_space<vmem>>
      %dma_wait3A_293 = tpu.memref_squeeze %dma_wait3A_292 : memref<1x128xi32, #tpu.memory_space<vmem>> -> memref<128xi32, #tpu.memory_space<vmem>>
      %dma_wait3A_294 = arith.constant 0 : i32
      %dma_wait3A_295 = arith.constant 0 : i32
      %dma_wait3A_296 = tpu.memref_slice %arg10[%dma_wait3A_294, %dma_wait3A_295] : memref<10112x128xf32, #tpu.memory_space<vmem_shared>> -> memref<10112x128xf32, #tpu.memory_space<vmem_shared>>
      tpu.wait_indirect_dma semaphore(%arg13 : memref<!tpu.dma_semaphore, #tpu.memory_space<semaphore_mem>>) src(%arg6 : memref<128x128xf32, #tpu.memory_space<vmem>>) dst(%dma_wait3A_296 : memref<10112x128xf32, #tpu.memory_space<vmem_shared>>)
      %dma_wait3A_297 = arith.constant 9 : i32
      %dma_wait3A_298 = arith.constant 0 : i32
      %dma_wait3A_299 = tpu.memref_slice %arg9[%dma_wait3A_297, %dma_wait3A_298] : memref<10x128xi32, #tpu.memory_space<vmem>> -> memref<1x128xi32, #tpu.memory_space<vmem>>
      %dma_wait3A_300 = tpu.memref_squeeze %dma_wait3A_299 : memref<1x128xi32, #tpu.memory_space<vmem>> -> memref<128xi32, #tpu.memory_space<vmem>>
      %dma_wait3A_301 = arith.constant 0 : i32
      %dma_wait3A_302 = arith.constant 0 : i32
      %dma_wait3A_303 = tpu.memref_slice %arg10[%dma_wait3A_301, %dma_wait3A_302] : memref<10112x128xf32, #tpu.memory_space<vmem_shared>> -> memref<10112x128xf32, #tpu.memory_space<vmem_shared>>
      tpu.wait_indirect_dma semaphore(%arg14 : memref<!tpu.dma_semaphore, #tpu.memory_space<semaphore_mem>>) src(%arg7 : memref<128x128xf32, #tpu.memory_space<vmem>>) dst(%dma_wait3A_303 : memref<10112x128xf32, #tpu.memory_space<vmem_shared>>)
    }
    %while3A_15 = arith.constant 1 : i32
    scf.for %while3A_21 = %while3A_13 to %while3A_9 step %while3A_15  : i32 {
      %mul3A_22 = arith.constant 8 : i32
      %mul3A_23 = arith.muli %add3A, %mul3A_22 : i32
      %add3A_24 = arith.addi %mul3A_23, %while3A_21 : i32
      %run_scoped3A = arith.constant 0 : i32
      "tpu.region"() ({
        %run_scoped3A_304 = tpu.sem_alloc : memref<!tpu.dma_semaphore, #tpu.memory_space<semaphore_mem>>
        %dma_start3A_305 = arith.constant 0 : i32
        %dma_start3A_306 = arith.constant 0 : i32
        %dma_start3A_307 = tpu.memref_slice %arg3[%run_scoped3A, %add3A_24, %dma_start3A_305, %dma_start3A_306] : memref<2x256x10x128xi32, #tpu.memory_space<hbm>> -> memref<1x1x10x128xi32, #tpu.memory_space<hbm>>
        %dma_start3A_308 = tpu.memref_squeeze %dma_start3A_307 : memref<1x1x10x128xi32, #tpu.memory_space<hbm>> -> memref<10x128xi32, #tpu.memory_space<hbm>>
        %dma_start3A_309 = arith.constant 0 : i32
        %dma_start3A_310 = arith.constant 0 : i32
        %dma_start3A_311 = tpu.memref_slice %arg3[%run_scoped3A, %add3A_24, %dma_start3A_309, %dma_start3A_310] : memref<2x256x10x128xi32, #tpu.memory_space<hbm>> -> memref<1x1x10x128xi32, #tpu.memory_space<hbm>>
        %dma_start3A_312 = tpu.memref_squeeze %dma_start3A_311 : memref<1x1x10x128xi32, #tpu.memory_space<hbm>> -> memref<10x128xi32, #tpu.memory_space<hbm>>
        tpu.enqueue_dma source(%dma_start3A_312 : memref<10x128xi32, #tpu.memory_space<hbm>>) target(%arg8 : memref<10x128xi32, #tpu.memory_space<vmem>>) target_semaphore(%run_scoped3A_304 : memref<!tpu.dma_semaphore, #tpu.memory_space<semaphore_mem>>)
        %dma_wait3A_313 = arith.constant 0 : i32
        %dma_wait3A_314 = arith.constant 0 : i32
        %dma_wait3A_315 = tpu.memref_slice %arg3[%run_scoped3A, %add3A_24, %dma_wait3A_313, %dma_wait3A_314] : memref<2x256x10x128xi32, #tpu.memory_space<hbm>> -> memref<1x1x10x128xi32, #tpu.memory_space<hbm>>
        %dma_wait3A_316 = tpu.memref_squeeze %dma_wait3A_315 : memref<1x1x10x128xi32, #tpu.memory_space<hbm>> -> memref<10x128xi32, #tpu.memory_space<hbm>>
        %dma_wait3A_317 = arith.constant 0 : i32
        %dma_wait3A_318 = arith.constant 0 : i32
        %dma_wait3A_319 = tpu.memref_slice %arg3[%run_scoped3A, %add3A_24, %dma_wait3A_317, %dma_wait3A_318] : memref<2x256x10x128xi32, #tpu.memory_space<hbm>> -> memref<1x1x10x128xi32, #tpu.memory_space<hbm>>
        %dma_wait3A_320 = tpu.memref_squeeze %dma_wait3A_319 : memref<1x1x10x128xi32, #tpu.memory_space<hbm>> -> memref<10x128xi32, #tpu.memory_space<hbm>>
        tpu.wait_dma2 semaphore(%run_scoped3A_304 : memref<!tpu.dma_semaphore, #tpu.memory_space<semaphore_mem>>) src(%dma_wait3A_320 : memref<10x128xi32, #tpu.memory_space<hbm>>) dst(%arg8 : memref<10x128xi32, #tpu.memory_space<vmem>>)
        tpu.yield
      }) : () -> ()
      %run_scoped3A_25 = arith.constant 1 : i32
      "tpu.region"() ({
        %run_scoped3A_304 = tpu.sem_alloc : memref<!tpu.dma_semaphore, #tpu.memory_space<semaphore_mem>>
        %dma_start3A_305 = arith.constant 0 : i32
        %dma_start3A_306 = arith.constant 0 : i32
        %dma_start3A_307 = tpu.memref_slice %arg3[%run_scoped3A_25, %add3A_24, %dma_start3A_305, %dma_start3A_306] : memref<2x256x10x128xi32, #tpu.memory_space<hbm>> -> memref<1x1x10x128xi32, #tpu.memory_space<hbm>>
        %dma_start3A_308 = tpu.memref_squeeze %dma_start3A_307 : memref<1x1x10x128xi32, #tpu.memory_space<hbm>> -> memref<10x128xi32, #tpu.memory_space<hbm>>
        %dma_start3A_309 = arith.constant 0 : i32
        %dma_start3A_310 = arith.constant 0 : i32
        %dma_start3A_311 = tpu.memref_slice %arg3[%run_scoped3A_25, %add3A_24, %dma_start3A_309, %dma_start3A_310] : memref<2x256x10x128xi32, #tpu.memory_space<hbm>> -> memref<1x1x10x128xi32, #tpu.memory_space<hbm>>
        %dma_start3A_312 = tpu.memref_squeeze %dma_start3A_311 : memref<1x1x10x128xi32, #tpu.memory_space<hbm>> -> memref<10x128xi32, #tpu.memory_space<hbm>>
        tpu.enqueue_dma source(%dma_start3A_312 : memref<10x128xi32, #tpu.memory_space<hbm>>) target(%arg9 : memref<10x128xi32, #tpu.memory_space<vmem>>) target_semaphore(%run_scoped3A_304 : memref<!tpu.dma_semaphore, #tpu.memory_space<semaphore_mem>>)
        %dma_wait3A_313 = arith.constant 0 : i32
        %dma_wait3A_314 = arith.constant 0 : i32
        %dma_wait3A_315 = tpu.memref_slice %arg3[%run_scoped3A_25, %add3A_24, %dma_wait3A_313, %dma_wait3A_314] : memref<2x256x10x128xi32, #tpu.memory_space<hbm>> -> memref<1x1x10x128xi32, #tpu.memory_space<hbm>>
        %dma_wait3A_316 = tpu.memref_squeeze %dma_wait3A_315 : memref<1x1x10x128xi32, #tpu.memory_space<hbm>> -> memref<10x128xi32, #tpu.memory_space<hbm>>
        %dma_wait3A_317 = arith.constant 0 : i32
        %dma_wait3A_318 = arith.constant 0 : i32
        %dma_wait3A_319 = tpu.memref_slice %arg3[%run_scoped3A_25, %add3A_24, %dma_wait3A_317, %dma_wait3A_318] : memref<2x256x10x128xi32, #tpu.memory_space<hbm>> -> memref<1x1x10x128xi32, #tpu.memory_space<hbm>>
        %dma_wait3A_320 = tpu.memref_squeeze %dma_wait3A_319 : memref<1x1x10x128xi32, #tpu.memory_space<hbm>> -> memref<10x128xi32, #tpu.memory_space<hbm>>
        tpu.wait_dma2 semaphore(%run_scoped3A_304 : memref<!tpu.dma_semaphore, #tpu.memory_space<semaphore_mem>>) src(%dma_wait3A_320 : memref<10x128xi32, #tpu.memory_space<hbm>>) dst(%arg9 : memref<10x128xi32, #tpu.memory_space<vmem>>)
        tpu.yield
      }) : () -> ()
      %dma_start3A = arith.constant 0 : i32
      %dma_start3A_26 = arith.constant 0 : i32
      %dma_start3A_27 = tpu.memref_slice %arg8[%dma_start3A, %dma_start3A_26] : memref<10x128xi32, #tpu.memory_space<vmem>> -> memref<1x128xi32, #tpu.memory_space<vmem>>
      %dma_start3A_28 = tpu.memref_squeeze %dma_start3A_27 : memref<1x128xi32, #tpu.memory_space<vmem>> -> memref<128xi32, #tpu.memory_space<vmem>>
      %dma_start3A_29 = arith.constant 0 : i32
      %dma_start3A_30 = arith.constant 0 : i32
      %dma_start3A_31 = tpu.memref_slice %arg2[%dma_start3A_29, %dma_start3A_30] : memref<10000x128xf32, #tpu.memory_space<hbm>> -> memref<10000x128xf32, #tpu.memory_space<hbm>>
      tpu.enqueue_indirect_dma source(%dma_start3A_31 : memref<10000x128xf32, #tpu.memory_space<hbm>>) target(%arg6 : memref<128x128xf32, #tpu.memory_space<vmem>>) offsets(%dma_start3A_28 : memref<128xi32, #tpu.memory_space<vmem>>) semaphore(%arg11 : memref<!tpu.dma_semaphore, #tpu.memory_space<semaphore_mem>>)
      %dma_start3A_32 = arith.constant 1 : i32
      %dma_start3A_33 = arith.constant 0 : i32
      %dma_start3A_34 = tpu.memref_slice %arg8[%dma_start3A_32, %dma_start3A_33] : memref<10x128xi32, #tpu.memory_space<vmem>> -> memref<1x128xi32, #tpu.memory_space<vmem>>
      %dma_start3A_35 = tpu.memref_squeeze %dma_start3A_34 : memref<1x128xi32, #tpu.memory_space<vmem>> -> memref<128xi32, #tpu.memory_space<vmem>>
      %dma_start3A_36 = arith.constant 0 : i32
      %dma_start3A_37 = arith.constant 0 : i32
      %dma_start3A_38 = tpu.memref_slice %arg2[%dma_start3A_36, %dma_start3A_37] : memref<10000x128xf32, #tpu.memory_space<hbm>> -> memref<10000x128xf32, #tpu.memory_space<hbm>>
      tpu.enqueue_indirect_dma source(%dma_start3A_38 : memref<10000x128xf32, #tpu.memory_space<hbm>>) target(%arg7 : memref<128x128xf32, #tpu.memory_space<vmem>>) offsets(%dma_start3A_35 : memref<128xi32, #tpu.memory_space<vmem>>) semaphore(%arg12 : memref<!tpu.dma_semaphore, #tpu.memory_space<semaphore_mem>>)
      %dma_wait3A = arith.constant 0 : i32
      %dma_wait3A_39 = arith.constant 0 : i32
      %dma_wait3A_40 = tpu.memref_slice %arg8[%dma_wait3A, %dma_wait3A_39] : memref<10x128xi32, #tpu.memory_space<vmem>> -> memref<1x128xi32, #tpu.memory_space<vmem>>
      %dma_wait3A_41 = tpu.memref_squeeze %dma_wait3A_40 : memref<1x128xi32, #tpu.memory_space<vmem>> -> memref<128xi32, #tpu.memory_space<vmem>>
      %dma_wait3A_42 = arith.constant 0 : i32
      %dma_wait3A_43 = arith.constant 0 : i32
      %dma_wait3A_44 = tpu.memref_slice %arg2[%dma_wait3A_42, %dma_wait3A_43] : memref<10000x128xf32, #tpu.memory_space<hbm>> -> memref<10000x128xf32, #tpu.memory_space<hbm>>
      tpu.wait_indirect_dma semaphore(%arg11 : memref<!tpu.dma_semaphore, #tpu.memory_space<semaphore_mem>>) src(%dma_wait3A_44 : memref<10000x128xf32, #tpu.memory_space<hbm>>) dst(%arg6 : memref<128x128xf32, #tpu.memory_space<vmem>>)
      %dma_start3A_45 = arith.constant 0 : i32
      %dma_start3A_46 = arith.constant 0 : i32
      %dma_start3A_47 = tpu.memref_slice %arg9[%dma_start3A_45, %dma_start3A_46] : memref<10x128xi32, #tpu.memory_space<vmem>> -> memref<1x128xi32, #tpu.memory_space<vmem>>
      %dma_start3A_48 = tpu.memref_squeeze %dma_start3A_47 : memref<1x128xi32, #tpu.memory_space<vmem>> -> memref<128xi32, #tpu.memory_space<vmem>>
      %dma_start3A_49 = arith.constant 0 : i32
      %dma_start3A_50 = arith.constant 0 : i32
      %dma_start3A_51 = tpu.memref_slice %arg10[%dma_start3A_49, %dma_start3A_50] : memref<10112x128xf32, #tpu.memory_space<vmem_shared>> -> memref<10112x128xf32, #tpu.memory_space<vmem_shared>>
      tpu.enqueue_indirect_dma source(%arg6 : memref<128x128xf32, #tpu.memory_space<vmem>>) target(%dma_start3A_51 : memref<10112x128xf32, #tpu.memory_space<vmem_shared>>) offsets(%dma_start3A_48 : memref<128xi32, #tpu.memory_space<vmem>>) semaphore(%arg13 : memref<!tpu.dma_semaphore, #tpu.memory_space<semaphore_mem>>) {add = true}
      %dma_wait3A_52 = arith.constant 0 : i32
      %dma_wait3A_53 = arith.constant 0 : i32
      %dma_wait3A_54 = tpu.memref_slice %arg9[%dma_wait3A_52, %dma_wait3A_53] : memref<10x128xi32, #tpu.memory_space<vmem>> -> memref<1x128xi32, #tpu.memory_space<vmem>>
      %dma_wait3A_55 = tpu.memref_squeeze %dma_wait3A_54 : memref<1x128xi32, #tpu.memory_space<vmem>> -> memref<128xi32, #tpu.memory_space<vmem>>
      %dma_wait3A_56 = arith.constant 0 : i32
      %dma_wait3A_57 = arith.constant 0 : i32
      %dma_wait3A_58 = tpu.memref_slice %arg10[%dma_wait3A_56, %dma_wait3A_57] : memref<10112x128xf32, #tpu.memory_space<vmem_shared>> -> memref<10112x128xf32, #tpu.memory_space<vmem_shared>>
      tpu.wait_indirect_dma semaphore(%arg13 : memref<!tpu.dma_semaphore, #tpu.memory_space<semaphore_mem>>) src(%arg6 : memref<128x128xf32, #tpu.memory_space<vmem>>) dst(%dma_wait3A_58 : memref<10112x128xf32, #tpu.memory_space<vmem_shared>>)
      %dma_start3A_59 = arith.constant 2 : i32
      %dma_start3A_60 = arith.constant 0 : i32
      %dma_start3A_61 = tpu.memref_slice %arg8[%dma_start3A_59, %dma_start3A_60] : memref<10x128xi32, #tpu.memory_space<vmem>> -> memref<1x128xi32, #tpu.memory_space<vmem>>
      %dma_start3A_62 = tpu.memref_squeeze %dma_start3A_61 : memref<1x128xi32, #tpu.memory_space<vmem>> -> memref<128xi32, #tpu.memory_space<vmem>>
      %dma_start3A_63 = arith.constant 0 : i32
      %dma_start3A_64 = arith.constant 0 : i32
      %dma_start3A_65 = tpu.memref_slice %arg2[%dma_start3A_63, %dma_start3A_64] : memref<10000x128xf32, #tpu.memory_space<hbm>> -> memref<10000x128xf32, #tpu.memory_space<hbm>>
      tpu.enqueue_indirect_dma source(%dma_start3A_65 : memref<10000x128xf32, #tpu.memory_space<hbm>>) target(%arg6 : memref<128x128xf32, #tpu.memory_space<vmem>>) offsets(%dma_start3A_62 : memref<128xi32, #tpu.memory_space<vmem>>) semaphore(%arg11 : memref<!tpu.dma_semaphore, #tpu.memory_space<semaphore_mem>>)
      %dma_wait3A_66 = arith.constant 1 : i32
      %dma_wait3A_67 = arith.constant 0 : i32
      %dma_wait3A_68 = tpu.memref_slice %arg8[%dma_wait3A_66, %dma_wait3A_67] : memref<10x128xi32, #tpu.memory_space<vmem>> -> memref<1x128xi32, #tpu.memory_space<vmem>>
      %dma_wait3A_69 = tpu.memref_squeeze %dma_wait3A_68 : memref<1x128xi32, #tpu.memory_space<vmem>> -> memref<128xi32, #tpu.memory_space<vmem>>
      %dma_wait3A_70 = arith.constant 0 : i32
      %dma_wait3A_71 = arith.constant 0 : i32
      %dma_wait3A_72 = tpu.memref_slice %arg2[%dma_wait3A_70, %dma_wait3A_71] : memref<10000x128xf32, #tpu.memory_space<hbm>> -> memref<10000x128xf32, #tpu.memory_space<hbm>>
      tpu.wait_indirect_dma semaphore(%arg12 : memref<!tpu.dma_semaphore, #tpu.memory_space<semaphore_mem>>) src(%dma_wait3A_72 : memref<10000x128xf32, #tpu.memory_space<hbm>>) dst(%arg7 : memref<128x128xf32, #tpu.memory_space<vmem>>)
      %dma_start3A_73 = arith.constant 1 : i32
      %dma_start3A_74 = arith.constant 0 : i32
      %dma_start3A_75 = tpu.memref_slice %arg9[%dma_start3A_73, %dma_start3A_74] : memref<10x128xi32, #tpu.memory_space<vmem>> -> memref<1x128xi32, #tpu.memory_space<vmem>>
      %dma_start3A_76 = tpu.memref_squeeze %dma_start3A_75 : memref<1x128xi32, #tpu.memory_space<vmem>> -> memref<128xi32, #tpu.memory_space<vmem>>
      %dma_start3A_77 = arith.constant 0 : i32
      %dma_start3A_78 = arith.constant 0 : i32
      %dma_start3A_79 = tpu.memref_slice %arg10[%dma_start3A_77, %dma_start3A_78] : memref<10112x128xf32, #tpu.memory_space<vmem_shared>> -> memref<10112x128xf32, #tpu.memory_space<vmem_shared>>
      tpu.enqueue_indirect_dma source(%arg7 : memref<128x128xf32, #tpu.memory_space<vmem>>) target(%dma_start3A_79 : memref<10112x128xf32, #tpu.memory_space<vmem_shared>>) offsets(%dma_start3A_76 : memref<128xi32, #tpu.memory_space<vmem>>) semaphore(%arg14 : memref<!tpu.dma_semaphore, #tpu.memory_space<semaphore_mem>>) {add = true}
      %dma_wait3A_80 = arith.constant 1 : i32
      %dma_wait3A_81 = arith.constant 0 : i32
      %dma_wait3A_82 = tpu.memref_slice %arg9[%dma_wait3A_80, %dma_wait3A_81] : memref<10x128xi32, #tpu.memory_space<vmem>> -> memref<1x128xi32, #tpu.memory_space<vmem>>
      %dma_wait3A_83 = tpu.memref_squeeze %dma_wait3A_82 : memref<1x128xi32, #tpu.memory_space<vmem>> -> memref<128xi32, #tpu.memory_space<vmem>>
      %dma_wait3A_84 = arith.constant 0 : i32
      %dma_wait3A_85 = arith.constant 0 : i32
      %dma_wait3A_86 = tpu.memref_slice %arg10[%dma_wait3A_84, %dma_wait3A_85] : memref<10112x128xf32, #tpu.memory_space<vmem_shared>> -> memref<10112x128xf32, #tpu.memory_space<vmem_shared>>
      tpu.wait_indirect_dma semaphore(%arg14 : memref<!tpu.dma_semaphore, #tpu.memory_space<semaphore_mem>>) src(%arg7 : memref<128x128xf32, #tpu.memory_space<vmem>>) dst(%dma_wait3A_86 : memref<10112x128xf32, #tpu.memory_space<vmem_shared>>)
      %dma_start3A_87 = arith.constant 3 : i32
      %dma_start3A_88 = arith.constant 0 : i32
      %dma_start3A_89 = tpu.memref_slice %arg8[%dma_start3A_87, %dma_start3A_88] : memref<10x128xi32, #tpu.memory_space<vmem>> -> memref<1x128xi32, #tpu.memory_space<vmem>>
      %dma_start3A_90 = tpu.memref_squeeze %dma_start3A_89 : memref<1x128xi32, #tpu.memory_space<vmem>> -> memref<128xi32, #tpu.memory_space<vmem>>
      %dma_start3A_91 = arith.constant 0 : i32
      %dma_start3A_92 = arith.constant 0 : i32
      %dma_start3A_93 = tpu.memref_slice %arg2[%dma_start3A_91, %dma_start3A_92] : memref<10000x128xf32, #tpu.memory_space<hbm>> -> memref<10000x128xf32, #tpu.memory_space<hbm>>
      tpu.enqueue_indirect_dma source(%dma_start3A_93 : memref<10000x128xf32, #tpu.memory_space<hbm>>) target(%arg7 : memref<128x128xf32, #tpu.memory_space<vmem>>) offsets(%dma_start3A_90 : memref<128xi32, #tpu.memory_space<vmem>>) semaphore(%arg12 : memref<!tpu.dma_semaphore, #tpu.memory_space<semaphore_mem>>)
      %dma_wait3A_94 = arith.constant 2 : i32
      %dma_wait3A_95 = arith.constant 0 : i32
      %dma_wait3A_96 = tpu.memref_slice %arg8[%dma_wait3A_94, %dma_wait3A_95] : memref<10x128xi32, #tpu.memory_space<vmem>> -> memref<1x128xi32, #tpu.memory_space<vmem>>
      %dma_wait3A_97 = tpu.memref_squeeze %dma_wait3A_96 : memref<1x128xi32, #tpu.memory_space<vmem>> -> memref<128xi32, #tpu.memory_space<vmem>>
      %dma_wait3A_98 = arith.constant 0 : i32
      %dma_wait3A_99 = arith.constant 0 : i32
      %dma_wait3A_100 = tpu.memref_slice %arg2[%dma_wait3A_98, %dma_wait3A_99] : memref<10000x128xf32, #tpu.memory_space<hbm>> -> memref<10000x128xf32, #tpu.memory_space<hbm>>
      tpu.wait_indirect_dma semaphore(%arg11 : memref<!tpu.dma_semaphore, #tpu.memory_space<semaphore_mem>>) src(%dma_wait3A_100 : memref<10000x128xf32, #tpu.memory_space<hbm>>) dst(%arg6 : memref<128x128xf32, #tpu.memory_space<vmem>>)
      %dma_start3A_101 = arith.constant 2 : i32
      %dma_start3A_102 = arith.constant 0 : i32
      %dma_start3A_103 = tpu.memref_slice %arg9[%dma_start3A_101, %dma_start3A_102] : memref<10x128xi32, #tpu.memory_space<vmem>> -> memref<1x128xi32, #tpu.memory_space<vmem>>
      %dma_start3A_104 = tpu.memref_squeeze %dma_start3A_103 : memref<1x128xi32, #tpu.memory_space<vmem>> -> memref<128xi32, #tpu.memory_space<vmem>>
      %dma_start3A_105 = arith.constant 0 : i32
      %dma_start3A_106 = arith.constant 0 : i32
      %dma_start3A_107 = tpu.memref_slice %arg10[%dma_start3A_105, %dma_start3A_106] : memref<10112x128xf32, #tpu.memory_space<vmem_shared>> -> memref<10112x128xf32, #tpu.memory_space<vmem_shared>>
      tpu.enqueue_indirect_dma source(%arg6 : memref<128x128xf32, #tpu.memory_space<vmem>>) target(%dma_start3A_107 : memref<10112x128xf32, #tpu.memory_space<vmem_shared>>) offsets(%dma_start3A_104 : memref<128xi32, #tpu.memory_space<vmem>>) semaphore(%arg13 : memref<!tpu.dma_semaphore, #tpu.memory_space<semaphore_mem>>) {add = true}
      %dma_wait3A_108 = arith.constant 2 : i32
      %dma_wait3A_109 = arith.constant 0 : i32
      %dma_wait3A_110 = tpu.memref_slice %arg9[%dma_wait3A_108, %dma_wait3A_109] : memref<10x128xi32, #tpu.memory_space<vmem>> -> memref<1x128xi32, #tpu.memory_space<vmem>>
      %dma_wait3A_111 = tpu.memref_squeeze %dma_wait3A_110 : memref<1x128xi32, #tpu.memory_space<vmem>> -> memref<128xi32, #tpu.memory_space<vmem>>
      %dma_wait3A_112 = arith.constant 0 : i32
      %dma_wait3A_113 = arith.constant 0 : i32
      %dma_wait3A_114 = tpu.memref_slice %arg10[%dma_wait3A_112, %dma_wait3A_113] : memref<10112x128xf32, #tpu.memory_space<vmem_shared>> -> memref<10112x128xf32, #tpu.memory_space<vmem_shared>>
      tpu.wait_indirect_dma semaphore(%arg13 : memref<!tpu.dma_semaphore, #tpu.memory_space<semaphore_mem>>) src(%arg6 : memref<128x128xf32, #tpu.memory_space<vmem>>) dst(%dma_wait3A_114 : memref<10112x128xf32, #tpu.memory_space<vmem_shared>>)
      %dma_start3A_115 = arith.constant 4 : i32
      %dma_start3A_116 = arith.constant 0 : i32
      %dma_start3A_117 = tpu.memref_slice %arg8[%dma_start3A_115, %dma_start3A_116] : memref<10x128xi32, #tpu.memory_space<vmem>> -> memref<1x128xi32, #tpu.memory_space<vmem>>
      %dma_start3A_118 = tpu.memref_squeeze %dma_start3A_117 : memref<1x128xi32, #tpu.memory_space<vmem>> -> memref<128xi32, #tpu.memory_space<vmem>>
      %dma_start3A_119 = arith.constant 0 : i32
      %dma_start3A_120 = arith.constant 0 : i32
      %dma_start3A_121 = tpu.memref_slice %arg2[%dma_start3A_119, %dma_start3A_120] : memref<10000x128xf32, #tpu.memory_space<hbm>> -> memref<10000x128xf32, #tpu.memory_space<hbm>>
      tpu.enqueue_indirect_dma source(%dma_start3A_121 : memref<10000x128xf32, #tpu.memory_space<hbm>>) target(%arg6 : memref<128x128xf32, #tpu.memory_space<vmem>>) offsets(%dma_start3A_118 : memref<128xi32, #tpu.memory_space<vmem>>) semaphore(%arg11 : memref<!tpu.dma_semaphore, #tpu.memory_space<semaphore_mem>>)
      %dma_wait3A_122 = arith.constant 3 : i32
      %dma_wait3A_123 = arith.constant 0 : i32
      %dma_wait3A_124 = tpu.memref_slice %arg8[%dma_wait3A_122, %dma_wait3A_123] : memref<10x128xi32, #tpu.memory_space<vmem>> -> memref<1x128xi32, #tpu.memory_space<vmem>>
      %dma_wait3A_125 = tpu.memref_squeeze %dma_wait3A_124 : memref<1x128xi32, #tpu.memory_space<vmem>> -> memref<128xi32, #tpu.memory_space<vmem>>
      %dma_wait3A_126 = arith.constant 0 : i32
      %dma_wait3A_127 = arith.constant 0 : i32
      %dma_wait3A_128 = tpu.memref_slice %arg2[%dma_wait3A_126, %dma_wait3A_127] : memref<10000x128xf32, #tpu.memory_space<hbm>> -> memref<10000x128xf32, #tpu.memory_space<hbm>>
      tpu.wait_indirect_dma semaphore(%arg12 : memref<!tpu.dma_semaphore, #tpu.memory_space<semaphore_mem>>) src(%dma_wait3A_128 : memref<10000x128xf32, #tpu.memory_space<hbm>>) dst(%arg7 : memref<128x128xf32, #tpu.memory_space<vmem>>)
      %dma_start3A_129 = arith.constant 3 : i32
      %dma_start3A_130 = arith.constant 0 : i32
      %dma_start3A_131 = tpu.memref_slice %arg9[%dma_start3A_129, %dma_start3A_130] : memref<10x128xi32, #tpu.memory_space<vmem>> -> memref<1x128xi32, #tpu.memory_space<vmem>>
      %dma_start3A_132 = tpu.memref_squeeze %dma_start3A_131 : memref<1x128xi32, #tpu.memory_space<vmem>> -> memref<128xi32, #tpu.memory_space<vmem>>
      %dma_start3A_133 = arith.constant 0 : i32
      %dma_start3A_134 = arith.constant 0 : i32
      %dma_start3A_135 = tpu.memref_slice %arg10[%dma_start3A_133, %dma_start3A_134] : memref<10112x128xf32, #tpu.memory_space<vmem_shared>> -> memref<10112x128xf32, #tpu.memory_space<vmem_shared>>
      tpu.enqueue_indirect_dma source(%arg7 : memref<128x128xf32, #tpu.memory_space<vmem>>) target(%dma_start3A_135 : memref<10112x128xf32, #tpu.memory_space<vmem_shared>>) offsets(%dma_start3A_132 : memref<128xi32, #tpu.memory_space<vmem>>) semaphore(%arg14 : memref<!tpu.dma_semaphore, #tpu.memory_space<semaphore_mem>>) {add = true}
      %dma_wait3A_136 = arith.constant 3 : i32
      %dma_wait3A_137 = arith.constant 0 : i32
      %dma_wait3A_138 = tpu.memref_slice %arg9[%dma_wait3A_136, %dma_wait3A_137] : memref<10x128xi32, #tpu.memory_space<vmem>> -> memref<1x128xi32, #tpu.memory_space<vmem>>
      %dma_wait3A_139 = tpu.memref_squeeze %dma_wait3A_138 : memref<1x128xi32, #tpu.memory_space<vmem>> -> memref<128xi32, #tpu.memory_space<vmem>>
      %dma_wait3A_140 = arith.constant 0 : i32
      %dma_wait3A_141 = arith.constant 0 : i32
      %dma_wait3A_142 = tpu.memref_slice %arg10[%dma_wait3A_140, %dma_wait3A_141] : memref<10112x128xf32, #tpu.memory_space<vmem_shared>> -> memref<10112x128xf32, #tpu.memory_space<vmem_shared>>
      tpu.wait_indirect_dma semaphore(%arg14 : memref<!tpu.dma_semaphore, #tpu.memory_space<semaphore_mem>>) src(%arg7 : memref<128x128xf32, #tpu.memory_space<vmem>>) dst(%dma_wait3A_142 : memref<10112x128xf32, #tpu.memory_space<vmem_shared>>)
      %dma_start3A_143 = arith.constant 5 : i32
      %dma_start3A_144 = arith.constant 0 : i32
      %dma_start3A_145 = tpu.memref_slice %arg8[%dma_start3A_143, %dma_start3A_144] : memref<10x128xi32, #tpu.memory_space<vmem>> -> memref<1x128xi32, #tpu.memory_space<vmem>>
      %dma_start3A_146 = tpu.memref_squeeze %dma_start3A_145 : memref<1x128xi32, #tpu.memory_space<vmem>> -> memref<128xi32, #tpu.memory_space<vmem>>
      %dma_start3A_147 = arith.constant 0 : i32
      %dma_start3A_148 = arith.constant 0 : i32
      %dma_start3A_149 = tpu.memref_slice %arg2[%dma_start3A_147, %dma_start3A_148] : memref<10000x128xf32, #tpu.memory_space<hbm>> -> memref<10000x128xf32, #tpu.memory_space<hbm>>
      tpu.enqueue_indirect_dma source(%dma_start3A_149 : memref<10000x128xf32, #tpu.memory_space<hbm>>) target(%arg7 : memref<128x128xf32, #tpu.memory_space<vmem>>) offsets(%dma_start3A_146 : memref<128xi32, #tpu.memory_space<vmem>>) semaphore(%arg12 : memref<!tpu.dma_semaphore, #tpu.memory_space<semaphore_mem>>)
      %dma_wait3A_150 = arith.constant 4 : i32
      %dma_wait3A_151 = arith.constant 0 : i32
      %dma_wait3A_152 = tpu.memref_slice %arg8[%dma_wait3A_150, %dma_wait3A_151] : memref<10x128xi32, #tpu.memory_space<vmem>> -> memref<1x128xi32, #tpu.memory_space<vmem>>
      %dma_wait3A_153 = tpu.memref_squeeze %dma_wait3A_152 : memref<1x128xi32, #tpu.memory_space<vmem>> -> memref<128xi32, #tpu.memory_space<vmem>>
      %dma_wait3A_154 = arith.constant 0 : i32
      %dma_wait3A_155 = arith.constant 0 : i32
      %dma_wait3A_156 = tpu.memref_slice %arg2[%dma_wait3A_154, %dma_wait3A_155] : memref<10000x128xf32, #tpu.memory_space<hbm>> -> memref<10000x128xf32, #tpu.memory_space<hbm>>
      tpu.wait_indirect_dma semaphore(%arg11 : memref<!tpu.dma_semaphore, #tpu.memory_space<semaphore_mem>>) src(%dma_wait3A_156 : memref<10000x128xf32, #tpu.memory_space<hbm>>) dst(%arg6 : memref<128x128xf32, #tpu.memory_space<vmem>>)
      %dma_start3A_157 = arith.constant 4 : i32
      %dma_start3A_158 = arith.constant 0 : i32
      %dma_start3A_159 = tpu.memref_slice %arg9[%dma_start3A_157, %dma_start3A_158] : memref<10x128xi32, #tpu.memory_space<vmem>> -> memref<1x128xi32, #tpu.memory_space<vmem>>
      %dma_start3A_160 = tpu.memref_squeeze %dma_start3A_159 : memref<1x128xi32, #tpu.memory_space<vmem>> -> memref<128xi32, #tpu.memory_space<vmem>>
      %dma_start3A_161 = arith.constant 0 : i32
      %dma_start3A_162 = arith.constant 0 : i32
      %dma_start3A_163 = tpu.memref_slice %arg10[%dma_start3A_161, %dma_start3A_162] : memref<10112x128xf32, #tpu.memory_space<vmem_shared>> -> memref<10112x128xf32, #tpu.memory_space<vmem_shared>>
      tpu.enqueue_indirect_dma source(%arg6 : memref<128x128xf32, #tpu.memory_space<vmem>>) target(%dma_start3A_163 : memref<10112x128xf32, #tpu.memory_space<vmem_shared>>) offsets(%dma_start3A_160 : memref<128xi32, #tpu.memory_space<vmem>>) semaphore(%arg13 : memref<!tpu.dma_semaphore, #tpu.memory_space<semaphore_mem>>) {add = true}
      %dma_wait3A_164 = arith.constant 4 : i32
      %dma_wait3A_165 = arith.constant 0 : i32
      %dma_wait3A_166 = tpu.memref_slice %arg9[%dma_wait3A_164, %dma_wait3A_165] : memref<10x128xi32, #tpu.memory_space<vmem>> -> memref<1x128xi32, #tpu.memory_space<vmem>>
      %dma_wait3A_167 = tpu.memref_squeeze %dma_wait3A_166 : memref<1x128xi32, #tpu.memory_space<vmem>> -> memref<128xi32, #tpu.memory_space<vmem>>
      %dma_wait3A_168 = arith.constant 0 : i32
      %dma_wait3A_169 = arith.constant 0 : i32
      %dma_wait3A_170 = tpu.memref_slice %arg10[%dma_wait3A_168, %dma_wait3A_169] : memref<10112x128xf32, #tpu.memory_space<vmem_shared>> -> memref<10112x128xf32, #tpu.memory_space<vmem_shared>>
      tpu.wait_indirect_dma semaphore(%arg13 : memref<!tpu.dma_semaphore, #tpu.memory_space<semaphore_mem>>) src(%arg6 : memref<128x128xf32, #tpu.memory_space<vmem>>) dst(%dma_wait3A_170 : memref<10112x128xf32, #tpu.memory_space<vmem_shared>>)
      %dma_start3A_171 = arith.constant 6 : i32
      %dma_start3A_172 = arith.constant 0 : i32
      %dma_start3A_173 = tpu.memref_slice %arg8[%dma_start3A_171, %dma_start3A_172] : memref<10x128xi32, #tpu.memory_space<vmem>> -> memref<1x128xi32, #tpu.memory_space<vmem>>
      %dma_start3A_174 = tpu.memref_squeeze %dma_start3A_173 : memref<1x128xi32, #tpu.memory_space<vmem>> -> memref<128xi32, #tpu.memory_space<vmem>>
      %dma_start3A_175 = arith.constant 0 : i32
      %dma_start3A_176 = arith.constant 0 : i32
      %dma_start3A_177 = tpu.memref_slice %arg2[%dma_start3A_175, %dma_start3A_176] : memref<10000x128xf32, #tpu.memory_space<hbm>> -> memref<10000x128xf32, #tpu.memory_space<hbm>>
      tpu.enqueue_indirect_dma source(%dma_start3A_177 : memref<10000x128xf32, #tpu.memory_space<hbm>>) target(%arg6 : memref<128x128xf32, #tpu.memory_space<vmem>>) offsets(%dma_start3A_174 : memref<128xi32, #tpu.memory_space<vmem>>) semaphore(%arg11 : memref<!tpu.dma_semaphore, #tpu.memory_space<semaphore_mem>>)
      %dma_wait3A_178 = arith.constant 5 : i32
      %dma_wait3A_179 = arith.constant 0 : i32
      %dma_wait3A_180 = tpu.memref_slice %arg8[%dma_wait3A_178, %dma_wait3A_179] : memref<10x128xi32, #tpu.memory_space<vmem>> -> memref<1x128xi32, #tpu.memory_space<vmem>>
      %dma_wait3A_181 = tpu.memref_squeeze %dma_wait3A_180 : memref<1x128xi32, #tpu.memory_space<vmem>> -> memref<128xi32, #tpu.memory_space<vmem>>
      %dma_wait3A_182 = arith.constant 0 : i32
      %dma_wait3A_183 = arith.constant 0 : i32
      %dma_wait3A_184 = tpu.memref_slice %arg2[%dma_wait3A_182, %dma_wait3A_183] : memref<10000x128xf32, #tpu.memory_space<hbm>> -> memref<10000x128xf32, #tpu.memory_space<hbm>>
      tpu.wait_indirect_dma semaphore(%arg12 : memref<!tpu.dma_semaphore, #tpu.memory_space<semaphore_mem>>) src(%dma_wait3A_184 : memref<10000x128xf32, #tpu.memory_space<hbm>>) dst(%arg7 : memref<128x128xf32, #tpu.memory_space<vmem>>)
      %dma_start3A_185 = arith.constant 5 : i32
      %dma_start3A_186 = arith.constant 0 : i32
      %dma_start3A_187 = tpu.memref_slice %arg9[%dma_start3A_185, %dma_start3A_186] : memref<10x128xi32, #tpu.memory_space<vmem>> -> memref<1x128xi32, #tpu.memory_space<vmem>>
      %dma_start3A_188 = tpu.memref_squeeze %dma_start3A_187 : memref<1x128xi32, #tpu.memory_space<vmem>> -> memref<128xi32, #tpu.memory_space<vmem>>
      %dma_start3A_189 = arith.constant 0 : i32
      %dma_start3A_190 = arith.constant 0 : i32
      %dma_start3A_191 = tpu.memref_slice %arg10[%dma_start3A_189, %dma_start3A_190] : memref<10112x128xf32, #tpu.memory_space<vmem_shared>> -> memref<10112x128xf32, #tpu.memory_space<vmem_shared>>
      tpu.enqueue_indirect_dma source(%arg7 : memref<128x128xf32, #tpu.memory_space<vmem>>) target(%dma_start3A_191 : memref<10112x128xf32, #tpu.memory_space<vmem_shared>>) offsets(%dma_start3A_188 : memref<128xi32, #tpu.memory_space<vmem>>) semaphore(%arg14 : memref<!tpu.dma_semaphore, #tpu.memory_space<semaphore_mem>>) {add = true}
      %dma_wait3A_192 = arith.constant 5 : i32
      %dma_wait3A_193 = arith.constant 0 : i32
      %dma_wait3A_194 = tpu.memref_slice %arg9[%dma_wait3A_192, %dma_wait3A_193] : memref<10x128xi32, #tpu.memory_space<vmem>> -> memref<1x128xi32, #tpu.memory_space<vmem>>
      %dma_wait3A_195 = tpu.memref_squeeze %dma_wait3A_194 : memref<1x128xi32, #tpu.memory_space<vmem>> -> memref<128xi32, #tpu.memory_space<vmem>>
      %dma_wait3A_196 = arith.constant 0 : i32
      %dma_wait3A_197 = arith.constant 0 : i32
      %dma_wait3A_198 = tpu.memref_slice %arg10[%dma_wait3A_196, %dma_wait3A_197] : memref<10112x128xf32, #tpu.memory_space<vmem_shared>> -> memref<10112x128xf32, #tpu.memory_space<vmem_shared>>
      tpu.wait_indirect_dma semaphore(%arg14 : memref<!tpu.dma_semaphore, #tpu.memory_space<semaphore_mem>>) src(%arg7 : memref<128x128xf32, #tpu.memory_space<vmem>>) dst(%dma_wait3A_198 : memref<10112x128xf32, #tpu.memory_space<vmem_shared>>)
      %dma_start3A_199 = arith.constant 7 : i32
      %dma_start3A_200 = arith.constant 0 : i32
      %dma_start3A_201 = tpu.memref_slice %arg8[%dma_start3A_199, %dma_start3A_200] : memref<10x128xi32, #tpu.memory_space<vmem>> -> memref<1x128xi32, #tpu.memory_space<vmem>>
      %dma_start3A_202 = tpu.memref_squeeze %dma_start3A_201 : memref<1x128xi32, #tpu.memory_space<vmem>> -> memref<128xi32, #tpu.memory_space<vmem>>
      %dma_start3A_203 = arith.constant 0 : i32
      %dma_start3A_204 = arith.constant 0 : i32
      %dma_start3A_205 = tpu.memref_slice %arg2[%dma_start3A_203, %dma_start3A_204] : memref<10000x128xf32, #tpu.memory_space<hbm>> -> memref<10000x128xf32, #tpu.memory_space<hbm>>
      tpu.enqueue_indirect_dma source(%dma_start3A_205 : memref<10000x128xf32, #tpu.memory_space<hbm>>) target(%arg7 : memref<128x128xf32, #tpu.memory_space<vmem>>) offsets(%dma_start3A_202 : memref<128xi32, #tpu.memory_space<vmem>>) semaphore(%arg12 : memref<!tpu.dma_semaphore, #tpu.memory_space<semaphore_mem>>)
      %dma_wait3A_206 = arith.constant 6 : i32
      %dma_wait3A_207 = arith.constant 0 : i32
      %dma_wait3A_208 = tpu.memref_slice %arg8[%dma_wait3A_206, %dma_wait3A_207] : memref<10x128xi32, #tpu.memory_space<vmem>> -> memref<1x128xi32, #tpu.memory_space<vmem>>
      %dma_wait3A_209 = tpu.memref_squeeze %dma_wait3A_208 : memref<1x128xi32, #tpu.memory_space<vmem>> -> memref<128xi32, #tpu.memory_space<vmem>>
      %dma_wait3A_210 = arith.constant 0 : i32
      %dma_wait3A_211 = arith.constant 0 : i32
      %dma_wait3A_212 = tpu.memref_slice %arg2[%dma_wait3A_210, %dma_wait3A_211] : memref<10000x128xf32, #tpu.memory_space<hbm>> -> memref<10000x128xf32, #tpu.memory_space<hbm>>
      tpu.wait_indirect_dma semaphore(%arg11 : memref<!tpu.dma_semaphore, #tpu.memory_space<semaphore_mem>>) src(%dma_wait3A_212 : memref<10000x128xf32, #tpu.memory_space<hbm>>) dst(%arg6 : memref<128x128xf32, #tpu.memory_space<vmem>>)
      %dma_start3A_213 = arith.constant 6 : i32
      %dma_start3A_214 = arith.constant 0 : i32
      %dma_start3A_215 = tpu.memref_slice %arg9[%dma_start3A_213, %dma_start3A_214] : memref<10x128xi32, #tpu.memory_space<vmem>> -> memref<1x128xi32, #tpu.memory_space<vmem>>
      %dma_start3A_216 = tpu.memref_squeeze %dma_start3A_215 : memref<1x128xi32, #tpu.memory_space<vmem>> -> memref<128xi32, #tpu.memory_space<vmem>>
      %dma_start3A_217 = arith.constant 0 : i32
      %dma_start3A_218 = arith.constant 0 : i32
      %dma_start3A_219 = tpu.memref_slice %arg10[%dma_start3A_217, %dma_start3A_218] : memref<10112x128xf32, #tpu.memory_space<vmem_shared>> -> memref<10112x128xf32, #tpu.memory_space<vmem_shared>>
      tpu.enqueue_indirect_dma source(%arg6 : memref<128x128xf32, #tpu.memory_space<vmem>>) target(%dma_start3A_219 : memref<10112x128xf32, #tpu.memory_space<vmem_shared>>) offsets(%dma_start3A_216 : memref<128xi32, #tpu.memory_space<vmem>>) semaphore(%arg13 : memref<!tpu.dma_semaphore, #tpu.memory_space<semaphore_mem>>) {add = true}
      %dma_wait3A_220 = arith.constant 6 : i32
      %dma_wait3A_221 = arith.constant 0 : i32
      %dma_wait3A_222 = tpu.memref_slice %arg9[%dma_wait3A_220, %dma_wait3A_221] : memref<10x128xi32, #tpu.memory_space<vmem>> -> memref<1x128xi32, #tpu.memory_space<vmem>>
      %dma_wait3A_223 = tpu.memref_squeeze %dma_wait3A_222 : memref<1x128xi32, #tpu.memory_space<vmem>> -> memref<128xi32, #tpu.memory_space<vmem>>
      %dma_wait3A_224 = arith.constant 0 : i32
      %dma_wait3A_225 = arith.constant 0 : i32
      %dma_wait3A_226 = tpu.memref_slice %arg10[%dma_wait3A_224, %dma_wait3A_225] : memref<10112x128xf32, #tpu.memory_space<vmem_shared>> -> memref<10112x128xf32, #tpu.memory_space<vmem_shared>>
      tpu.wait_indirect_dma semaphore(%arg13 : memref<!tpu.dma_semaphore, #tpu.memory_space<semaphore_mem>>) src(%arg6 : memref<128x128xf32, #tpu.memory_space<vmem>>) dst(%dma_wait3A_226 : memref<10112x128xf32, #tpu.memory_space<vmem_shared>>)
      %dma_start3A_227 = arith.constant 8 : i32
      %dma_start3A_228 = arith.constant 0 : i32
      %dma_start3A_229 = tpu.memref_slice %arg8[%dma_start3A_227, %dma_start3A_228] : memref<10x128xi32, #tpu.memory_space<vmem>> -> memref<1x128xi32, #tpu.memory_space<vmem>>
      %dma_start3A_230 = tpu.memref_squeeze %dma_start3A_229 : memref<1x128xi32, #tpu.memory_space<vmem>> -> memref<128xi32, #tpu.memory_space<vmem>>
      %dma_start3A_231 = arith.constant 0 : i32
      %dma_start3A_232 = arith.constant 0 : i32
      %dma_start3A_233 = tpu.memref_slice %arg2[%dma_start3A_231, %dma_start3A_232] : memref<10000x128xf32, #tpu.memory_space<hbm>> -> memref<10000x128xf32, #tpu.memory_space<hbm>>
      tpu.enqueue_indirect_dma source(%dma_start3A_233 : memref<10000x128xf32, #tpu.memory_space<hbm>>) target(%arg6 : memref<128x128xf32, #tpu.memory_space<vmem>>) offsets(%dma_start3A_230 : memref<128xi32, #tpu.memory_space<vmem>>) semaphore(%arg11 : memref<!tpu.dma_semaphore, #tpu.memory_space<semaphore_mem>>)
      %dma_wait3A_234 = arith.constant 7 : i32
      %dma_wait3A_235 = arith.constant 0 : i32
      %dma_wait3A_236 = tpu.memref_slice %arg8[%dma_wait3A_234, %dma_wait3A_235] : memref<10x128xi32, #tpu.memory_space<vmem>> -> memref<1x128xi32, #tpu.memory_space<vmem>>
      %dma_wait3A_237 = tpu.memref_squeeze %dma_wait3A_236 : memref<1x128xi32, #tpu.memory_space<vmem>> -> memref<128xi32, #tpu.memory_space<vmem>>
      %dma_wait3A_238 = arith.constant 0 : i32
      %dma_wait3A_239 = arith.constant 0 : i32
      %dma_wait3A_240 = tpu.memref_slice %arg2[%dma_wait3A_238, %dma_wait3A_239] : memref<10000x128xf32, #tpu.memory_space<hbm>> -> memref<10000x128xf32, #tpu.memory_space<hbm>>
      tpu.wait_indirect_dma semaphore(%arg12 : memref<!tpu.dma_semaphore, #tpu.memory_space<semaphore_mem>>) src(%dma_wait3A_240 : memref<10000x128xf32, #tpu.memory_space<hbm>>) dst(%arg7 : memref<128x128xf32, #tpu.memory_space<vmem>>)
      %dma_start3A_241 = arith.constant 7 : i32
      %dma_start3A_242 = arith.constant 0 : i32
      %dma_start3A_243 = tpu.memref_slice %arg9[%dma_start3A_241, %dma_start3A_242] : memref<10x128xi32, #tpu.memory_space<vmem>> -> memref<1x128xi32, #tpu.memory_space<vmem>>
      %dma_start3A_244 = tpu.memref_squeeze %dma_start3A_243 : memref<1x128xi32, #tpu.memory_space<vmem>> -> memref<128xi32, #tpu.memory_space<vmem>>
      %dma_start3A_245 = arith.constant 0 : i32
      %dma_start3A_246 = arith.constant 0 : i32
      %dma_start3A_247 = tpu.memref_slice %arg10[%dma_start3A_245, %dma_start3A_246] : memref<10112x128xf32, #tpu.memory_space<vmem_shared>> -> memref<10112x128xf32, #tpu.memory_space<vmem_shared>>
      tpu.enqueue_indirect_dma source(%arg7 : memref<128x128xf32, #tpu.memory_space<vmem>>) target(%dma_start3A_247 : memref<10112x128xf32, #tpu.memory_space<vmem_shared>>) offsets(%dma_start3A_244 : memref<128xi32, #tpu.memory_space<vmem>>) semaphore(%arg14 : memref<!tpu.dma_semaphore, #tpu.memory_space<semaphore_mem>>) {add = true}
      %dma_wait3A_248 = arith.constant 7 : i32
      %dma_wait3A_249 = arith.constant 0 : i32
      %dma_wait3A_250 = tpu.memref_slice %arg9[%dma_wait3A_248, %dma_wait3A_249] : memref<10x128xi32, #tpu.memory_space<vmem>> -> memref<1x128xi32, #tpu.memory_space<vmem>>
      %dma_wait3A_251 = tpu.memref_squeeze %dma_wait3A_250 : memref<1x128xi32, #tpu.memory_space<vmem>> -> memref<128xi32, #tpu.memory_space<vmem>>
      %dma_wait3A_252 = arith.constant 0 : i32
      %dma_wait3A_253 = arith.constant 0 : i32
      %dma_wait3A_254 = tpu.memref_slice %arg10[%dma_wait3A_252, %dma_wait3A_253] : memref<10112x128xf32, #tpu.memory_space<vmem_shared>> -> memref<10112x128xf32, #tpu.memory_space<vmem_shared>>
      tpu.wait_indirect_dma semaphore(%arg14 : memref<!tpu.dma_semaphore, #tpu.memory_space<semaphore_mem>>) src(%arg7 : memref<128x128xf32, #tpu.memory_space<vmem>>) dst(%dma_wait3A_254 : memref<10112x128xf32, #tpu.memory_space<vmem_shared>>)
      %dma_start3A_255 = arith.constant 9 : i32
      %dma_start3A_256 = arith.constant 0 : i32
      %dma_start3A_257 = tpu.memref_slice %arg8[%dma_start3A_255, %dma_start3A_256] : memref<10x128xi32, #tpu.memory_space<vmem>> -> memref<1x128xi32, #tpu.memory_space<vmem>>
      %dma_start3A_258 = tpu.memref_squeeze %dma_start3A_257 : memref<1x128xi32, #tpu.memory_space<vmem>> -> memref<128xi32, #tpu.memory_space<vmem>>
      %dma_start3A_259 = arith.constant 0 : i32
      %dma_start3A_260 = arith.constant 0 : i32
      %dma_start3A_261 = tpu.memref_slice %arg2[%dma_start3A_259, %dma_start3A_260] : memref<10000x128xf32, #tpu.memory_space<hbm>> -> memref<10000x128xf32, #tpu.memory_space<hbm>>
      tpu.enqueue_indirect_dma source(%dma_start3A_261 : memref<10000x128xf32, #tpu.memory_space<hbm>>) target(%arg7 : memref<128x128xf32, #tpu.memory_space<vmem>>) offsets(%dma_start3A_258 : memref<128xi32, #tpu.memory_space<vmem>>) semaphore(%arg12 : memref<!tpu.dma_semaphore, #tpu.memory_space<semaphore_mem>>)
      %dma_wait3A_262 = arith.constant 8 : i32
      %dma_wait3A_263 = arith.constant 0 : i32
      %dma_wait3A_264 = tpu.memref_slice %arg8[%dma_wait3A_262, %dma_wait3A_263] : memref<10x128xi32, #tpu.memory_space<vmem>> -> memref<1x128xi32, #tpu.memory_space<vmem>>
      %dma_wait3A_265 = tpu.memref_squeeze %dma_wait3A_264 : memref<1x128xi32, #tpu.memory_space<vmem>> -> memref<128xi32, #tpu.memory_space<vmem>>
      %dma_wait3A_266 = arith.constant 0 : i32
      %dma_wait3A_267 = arith.constant 0 : i32
      %dma_wait3A_268 = tpu.memref_slice %arg2[%dma_wait3A_266, %dma_wait3A_267] : memref<10000x128xf32, #tpu.memory_space<hbm>> -> memref<10000x128xf32, #tpu.memory_space<hbm>>
      tpu.wait_indirect_dma semaphore(%arg11 : memref<!tpu.dma_semaphore, #tpu.memory_space<semaphore_mem>>) src(%dma_wait3A_268 : memref<10000x128xf32, #tpu.memory_space<hbm>>) dst(%arg6 : memref<128x128xf32, #tpu.memory_space<vmem>>)
      %dma_start3A_269 = arith.constant 8 : i32
      %dma_start3A_270 = arith.constant 0 : i32
      %dma_start3A_271 = tpu.memref_slice %arg9[%dma_start3A_269, %dma_start3A_270] : memref<10x128xi32, #tpu.memory_space<vmem>> -> memref<1x128xi32, #tpu.memory_space<vmem>>
      %dma_start3A_272 = tpu.memref_squeeze %dma_start3A_271 : memref<1x128xi32, #tpu.memory_space<vmem>> -> memref<128xi32, #tpu.memory_space<vmem>>
      %dma_start3A_273 = arith.constant 0 : i32
      %dma_start3A_274 = arith.constant 0 : i32
      %dma_start3A_275 = tpu.memref_slice %arg10[%dma_start3A_273, %dma_start3A_274] : memref<10112x128xf32, #tpu.memory_space<vmem_shared>> -> memref<10112x128xf32, #tpu.memory_space<vmem_shared>>
      tpu.enqueue_indirect_dma source(%arg6 : memref<128x128xf32, #tpu.memory_space<vmem>>) target(%dma_start3A_275 : memref<10112x128xf32, #tpu.memory_space<vmem_shared>>) offsets(%dma_start3A_272 : memref<128xi32, #tpu.memory_space<vmem>>) semaphore(%arg13 : memref<!tpu.dma_semaphore, #tpu.memory_space<semaphore_mem>>) {add = true}
      %dma_wait3A_276 = arith.constant 9 : i32
      %dma_wait3A_277 = arith.constant 0 : i32
      %dma_wait3A_278 = tpu.memref_slice %arg8[%dma_wait3A_276, %dma_wait3A_277] : memref<10x128xi32, #tpu.memory_space<vmem>> -> memref<1x128xi32, #tpu.memory_space<vmem>>
      %dma_wait3A_279 = tpu.memref_squeeze %dma_wait3A_278 : memref<1x128xi32, #tpu.memory_space<vmem>> -> memref<128xi32, #tpu.memory_space<vmem>>
      %dma_wait3A_280 = arith.constant 0 : i32
      %dma_wait3A_281 = arith.constant 0 : i32
      %dma_wait3A_282 = tpu.memref_slice %arg2[%dma_wait3A_280, %dma_wait3A_281] : memref<10000x128xf32, #tpu.memory_space<hbm>> -> memref<10000x128xf32, #tpu.memory_space<hbm>>
      tpu.wait_indirect_dma semaphore(%arg12 : memref<!tpu.dma_semaphore, #tpu.memory_space<semaphore_mem>>) src(%dma_wait3A_282 : memref<10000x128xf32, #tpu.memory_space<hbm>>) dst(%arg7 : memref<128x128xf32, #tpu.memory_space<vmem>>)
      %dma_start3A_283 = arith.constant 9 : i32
      %dma_start3A_284 = arith.constant 0 : i32
      %dma_start3A_285 = tpu.memref_slice %arg9[%dma_start3A_283, %dma_start3A_284] : memref<10x128xi32, #tpu.memory_space<vmem>> -> memref<1x128xi32, #tpu.memory_space<vmem>>
      %dma_start3A_286 = tpu.memref_squeeze %dma_start3A_285 : memref<1x128xi32, #tpu.memory_space<vmem>> -> memref<128xi32, #tpu.memory_space<vmem>>
      %dma_start3A_287 = arith.constant 0 : i32
      %dma_start3A_288 = arith.constant 0 : i32
      %dma_start3A_289 = tpu.memref_slice %arg10[%dma_start3A_287, %dma_start3A_288] : memref<10112x128xf32, #tpu.memory_space<vmem_shared>> -> memref<10112x128xf32, #tpu.memory_space<vmem_shared>>
      tpu.enqueue_indirect_dma source(%arg7 : memref<128x128xf32, #tpu.memory_space<vmem>>) target(%dma_start3A_289 : memref<10112x128xf32, #tpu.memory_space<vmem_shared>>) offsets(%dma_start3A_286 : memref<128xi32, #tpu.memory_space<vmem>>) semaphore(%arg14 : memref<!tpu.dma_semaphore, #tpu.memory_space<semaphore_mem>>) {add = true}
      %dma_wait3A_290 = arith.constant 8 : i32
      %dma_wait3A_291 = arith.constant 0 : i32
      %dma_wait3A_292 = tpu.memref_slice %arg9[%dma_wait3A_290, %dma_wait3A_291] : memref<10x128xi32, #tpu.memory_space<vmem>> -> memref<1x128xi32, #tpu.memory_space<vmem>>
      %dma_wait3A_293 = tpu.memref_squeeze %dma_wait3A_292 : memref<1x128xi32, #tpu.memory_space<vmem>> -> memref<128xi32, #tpu.memory_space<vmem>>
      %dma_wait3A_294 = arith.constant 0 : i32
      %dma_wait3A_295 = arith.constant 0 : i32
      %dma_wait3A_296 = tpu.memref_slice %arg10[%dma_wait3A_294, %dma_wait3A_295] : memref<10112x128xf32, #tpu.memory_space<vmem_shared>> -> memref<10112x128xf32, #tpu.memory_space<vmem_shared>>
      tpu.wait_indirect_dma semaphore(%arg13 : memref<!tpu.dma_semaphore, #tpu.memory_space<semaphore_mem>>) src(%arg6 : memref<128x128xf32, #tpu.memory_space<vmem>>) dst(%dma_wait3A_296 : memref<10112x128xf32, #tpu.memory_space<vmem_shared>>)
      %dma_wait3A_297 = arith.constant 9 : i32
      %dma_wait3A_298 = arith.constant 0 : i32
      %dma_wait3A_299 = tpu.memref_slice %arg9[%dma_wait3A_297, %dma_wait3A_298] : memref<10x128xi32, #tpu.memory_space<vmem>> -> memref<1x128xi32, #tpu.memory_space<vmem>>
      %dma_wait3A_300 = tpu.memref_squeeze %dma_wait3A_299 : memref<1x128xi32, #tpu.memory_space<vmem>> -> memref<128xi32, #tpu.memory_space<vmem>>
      %dma_wait3A_301 = arith.constant 0 : i32
      %dma_wait3A_302 = arith.constant 0 : i32
      %dma_wait3A_303 = tpu.memref_slice %arg10[%dma_wait3A_301, %dma_wait3A_302] : memref<10112x128xf32, #tpu.memory_space<vmem_shared>> -> memref<10112x128xf32, #tpu.memory_space<vmem_shared>>
      tpu.wait_indirect_dma semaphore(%arg14 : memref<!tpu.dma_semaphore, #tpu.memory_space<semaphore_mem>>) src(%arg7 : memref<128x128xf32, #tpu.memory_space<vmem>>) dst(%dma_wait3A_303 : memref<10112x128xf32, #tpu.memory_space<vmem_shared>>)
    }
    %barrier3A_16 = arith.constant 0 : index
    tpu.barrier barrier_id(%barrier3A_16)
    %mul3A_17 = arith.constant 632 : i32
    %mul3A_18 = arith.muli %arg1, %mul3A_17 : i32
    %mul3A_19 = arith.constant 632 : i32
    %mul3A_20 = arith.muli %arg1, %mul3A_19 : i32
    "tpu.region"() ({
      %run_scoped3A = tpu.sem_alloc : memref<!tpu.dma_semaphore, #tpu.memory_space<semaphore_mem>>
      %dma_start3A = arith.constant 0 : i32
      %dma_start3A_21 = tpu.memref_slice %arg5[%arg0, %mul3A_20, %dma_start3A] : memref<2x10112x128xf32, #tpu.memory_space<hbm>> -> memref<1x632x128xf32, #tpu.memory_space<hbm>>
      %dma_start3A_22 = tpu.memref_squeeze %dma_start3A_21 : memref<1x632x128xf32, #tpu.memory_space<hbm>> -> memref<632x128xf32, #tpu.memory_space<hbm>>
      %dma_start3A_23 = arith.constant 0 : i32
      %dma_start3A_24 = tpu.memref_slice %arg10[%mul3A_18, %dma_start3A_23] : memref<10112x128xf32, #tpu.memory_space<vmem_shared>> -> memref<632x128xf32, #tpu.memory_space<vmem_shared>>
      tpu.enqueue_dma source(%dma_start3A_24 : memref<632x128xf32, #tpu.memory_space<vmem_shared>>) target(%dma_start3A_22 : memref<632x128xf32, #tpu.memory_space<hbm>>) target_semaphore(%run_scoped3A : memref<!tpu.dma_semaphore, #tpu.memory_space<semaphore_mem>>)
      %dma_wait3A = arith.constant 0 : i32
      %dma_wait3A_25 = tpu.memref_slice %arg5[%arg0, %mul3A_20, %dma_wait3A] : memref<2x10112x128xf32, #tpu.memory_space<hbm>> -> memref<1x632x128xf32, #tpu.memory_space<hbm>>
      %dma_wait3A_26 = tpu.memref_squeeze %dma_wait3A_25 : memref<1x632x128xf32, #tpu.memory_space<hbm>> -> memref<632x128xf32, #tpu.memory_space<hbm>>
      %dma_wait3A_27 = arith.constant 0 : i32
      %dma_wait3A_28 = tpu.memref_slice %arg10[%mul3A_18, %dma_wait3A_27] : memref<10112x128xf32, #tpu.memory_space<vmem_shared>> -> memref<632x128xf32, #tpu.memory_space<vmem_shared>>
      tpu.wait_dma2 semaphore(%run_scoped3A : memref<!tpu.dma_semaphore, #tpu.memory_space<semaphore_mem>>) src(%dma_wait3A_28 : memref<632x128xf32, #tpu.memory_space<vmem_shared>>) dst(%dma_wait3A_26 : memref<632x128xf32, #tpu.memory_space<hbm>>)
      tpu.yield
    }) : () -> ()
    return
  }
}

#map = affine_map<(d0, d1) -> (0, 0)>
#map1 = affine_map<(d0, d1) -> (0, 0, 0, 0)>
#map2 = affine_map<(d0, d1) -> (0, 0, 0)>
module attributes {stable_mosaic.version = 14 : i64} {
  func.func @agg(%arg0: i32, %arg1: i32, %arg2: memref<10000x32xf32, #tpu.memory_space<hbm>>, %arg3: memref<2x256x10x128xi32, #tpu.memory_space<hbm>>, %arg4: memref<10112x32xf32, #tpu.memory_space<hbm>>, %arg5: memref<2x10112x32xf32, #tpu.memory_space<hbm>>, %arg6: memref<128x32xf32, #tpu.memory_space<vmem>>, %arg7: memref<128x32xf32, #tpu.memory_space<vmem>>, %arg8: memref<10x128xi32, #tpu.memory_space<vmem>>, %arg9: memref<10x128xi32, #tpu.memory_space<vmem>>, %arg10: memref<10112x32xf32, #tpu.memory_space<vmem_shared>>, %arg11: memref<!tpu.dma_semaphore, #tpu.memory_space<semaphore_mem>>, %arg12: memref<!tpu.dma_semaphore, #tpu.memory_space<semaphore_mem>>, %arg13: memref<!tpu.dma_semaphore, #tpu.memory_space<semaphore_mem>>, %arg14: memref<!tpu.dma_semaphore, #tpu.memory_space<semaphore_mem>>) attributes {dimension_semantics = [#tpu.dimension_semantics<core_parallel>, #tpu.dimension_semantics<subcore_parallel>], iteration_bounds = array<i64: 2, 16>, scalar_prefetch = 0 : i64, scratch_operands = 9 : i64, tpu.core_type = #tpu.core_type<sc_vector_subcore>, window_params = [{transform_indices = #map}, {transform_indices = #map1}, {transform_indices = #map}, {transform_indices = #map2}]} {
    %mul3A = arith.constant 2 : i32
    %mul3A_0 = arith.muli %arg1, %mul3A : i32
    %add3A = arith.addi %mul3A_0, %arg0 : i32
    %mul3A_1 = arith.constant 632 : i32
    %mul3A_2 = arith.muli %arg1, %mul3A_1 : i32
    %mul3A_3 = arith.constant 632 : i32
    %mul3A_4 = arith.muli %arg1, %mul3A_3 : i32
    "tpu.region"() ({
      %run_scoped3A = tpu.sem_alloc : memref<!tpu.dma_semaphore, #tpu.memory_space<semaphore_mem>>
      %dma_start3A = arith.constant 0 : i32
      %dma_start3A_21 = tpu.memref_slice %arg10[%mul3A_4, %dma_start3A] : memref<10112x32xf32, #tpu.memory_space<vmem_shared>> -> memref<632x32xf32, #tpu.memory_space<vmem_shared>>
      %dma_start3A_22 = arith.constant 0 : i32
      %dma_start3A_23 = tpu.memref_slice %arg4[%mul3A_2, %dma_start3A_22] : memref<10112x32xf32, #tpu.memory_space<hbm>> -> memref<632x32xf32, #tpu.memory_space<hbm>>
      tpu.enqueue_dma source(%dma_start3A_23 : memref<632x32xf32, #tpu.memory_space<hbm>>) target(%dma_start3A_21 : memref<632x32xf32, #tpu.memory_space<vmem_shared>>) target_semaphore(%run_scoped3A : memref<!tpu.dma_semaphore, #tpu.memory_space<semaphore_mem>>)
      %dma_wait3A = arith.constant 0 : i32
      %dma_wait3A_24 = tpu.memref_slice %arg10[%mul3A_4, %dma_wait3A] : memref<10112x32xf32, #tpu.memory_space<vmem_shared>> -> memref<632x32xf32, #tpu.memory_space<vmem_shared>>
      %dma_wait3A_25 = arith.constant 0 : i32
      %dma_wait3A_26 = tpu.memref_slice %arg4[%mul3A_2, %dma_wait3A_25] : memref<10112x32xf32, #tpu.memory_space<hbm>> -> memref<632x32xf32, #tpu.memory_space<hbm>>
      tpu.wait_dma2 semaphore(%run_scoped3A : memref<!tpu.dma_semaphore, #tpu.memory_space<semaphore_mem>>) src(%dma_wait3A_26 : memref<632x32xf32, #tpu.memory_space<hbm>>) dst(%dma_wait3A_24 : memref<632x32xf32, #tpu.memory_space<vmem_shared>>)
      tpu.yield
    }) : () -> ()
    %barrier3A = arith.constant 0 : index
    tpu.barrier barrier_id(%barrier3A)
    %eq3A = arith.constant 31 : i32
    %eq3A_5 = arith.cmpi eq, %add3A, %eq3A : i32
    %jit3A = arith.constant 2 : i32
    %jit3A_6 = arith.constant 8 : i32
    %select_n3A = arith.select %eq3A_5, %jit3A, %jit3A_6 : i32
    %while3A = arith.constant 0 : i32
    %while3A_7 = arith.constant 0 : i32
    %while3A_8 = arith.subi %select_n3A, %while3A_7 : i32
    %while3A_9 = arith.addi %while3A_7, %while3A_8 : i32
    %while3A_10 = arith.constant 1 : i32
    %while3A_11 = arith.divsi %while3A_8, %while3A_10 : i32
    %while3A_12 = arith.muli %while3A_11, %while3A_10 : i32
    %while3A_13 = arith.addi %while3A_7, %while3A_12 : i32
    %while3A_14 = arith.constant 1 : i32
    scf.for %while3A_21 = %while3A_7 to %while3A_13 step %while3A_14  : i32 {
      %mul3A_22 = arith.constant 8 : i32
      %mul3A_23 = arith.muli %add3A, %mul3A_22 : i32
      %add3A_24 = arith.addi %mul3A_23, %while3A_21 : i32
      %run_scoped3A = arith.constant 0 : i32
      "tpu.region"() ({
        %run_scoped3A_304 = tpu.sem_alloc : memref<!tpu.dma_semaphore, #tpu.memory_space<semaphore_mem>>
        %dma_start3A_305 = arith.constant 0 : i32
        %dma_start3A_306 = arith.constant 0 : i32
        %dma_start3A_307 = tpu.memref_slice %arg3[%run_scoped3A, %add3A_24, %dma_start3A_305, %dma_start3A_306] : memref<2x256x10x128xi32, #tpu.memory_space<hbm>> -> memref<1x1x10x128xi32, #tpu.memory_space<hbm>>
        %dma_start3A_308 = tpu.memref_squeeze %dma_start3A_307 : memref<1x1x10x128xi32, #tpu.memory_space<hbm>> -> memref<10x128xi32, #tpu.memory_space<hbm>>
        %dma_start3A_309 = arith.constant 0 : i32
        %dma_start3A_310 = arith.constant 0 : i32
        %dma_start3A_311 = tpu.memref_slice %arg3[%run_scoped3A, %add3A_24, %dma_start3A_309, %dma_start3A_310] : memref<2x256x10x128xi32, #tpu.memory_space<hbm>> -> memref<1x1x10x128xi32, #tpu.memory_space<hbm>>
        %dma_start3A_312 = tpu.memref_squeeze %dma_start3A_311 : memref<1x1x10x128xi32, #tpu.memory_space<hbm>> -> memref<10x128xi32, #tpu.memory_space<hbm>>
        tpu.enqueue_dma source(%dma_start3A_312 : memref<10x128xi32, #tpu.memory_space<hbm>>) target(%arg8 : memref<10x128xi32, #tpu.memory_space<vmem>>) target_semaphore(%run_scoped3A_304 : memref<!tpu.dma_semaphore, #tpu.memory_space<semaphore_mem>>)
        %dma_wait3A_313 = arith.constant 0 : i32
        %dma_wait3A_314 = arith.constant 0 : i32
        %dma_wait3A_315 = tpu.memref_slice %arg3[%run_scoped3A, %add3A_24, %dma_wait3A_313, %dma_wait3A_314] : memref<2x256x10x128xi32, #tpu.memory_space<hbm>> -> memref<1x1x10x128xi32, #tpu.memory_space<hbm>>
        %dma_wait3A_316 = tpu.memref_squeeze %dma_wait3A_315 : memref<1x1x10x128xi32, #tpu.memory_space<hbm>> -> memref<10x128xi32, #tpu.memory_space<hbm>>
        %dma_wait3A_317 = arith.constant 0 : i32
        %dma_wait3A_318 = arith.constant 0 : i32
        %dma_wait3A_319 = tpu.memref_slice %arg3[%run_scoped3A, %add3A_24, %dma_wait3A_317, %dma_wait3A_318] : memref<2x256x10x128xi32, #tpu.memory_space<hbm>> -> memref<1x1x10x128xi32, #tpu.memory_space<hbm>>
        %dma_wait3A_320 = tpu.memref_squeeze %dma_wait3A_319 : memref<1x1x10x128xi32, #tpu.memory_space<hbm>> -> memref<10x128xi32, #tpu.memory_space<hbm>>
        tpu.wait_dma2 semaphore(%run_scoped3A_304 : memref<!tpu.dma_semaphore, #tpu.memory_space<semaphore_mem>>) src(%dma_wait3A_320 : memref<10x128xi32, #tpu.memory_space<hbm>>) dst(%arg8 : memref<10x128xi32, #tpu.memory_space<vmem>>)
        tpu.yield
      }) : () -> ()
      %run_scoped3A_25 = arith.constant 1 : i32
      "tpu.region"() ({
        %run_scoped3A_304 = tpu.sem_alloc : memref<!tpu.dma_semaphore, #tpu.memory_space<semaphore_mem>>
        %dma_start3A_305 = arith.constant 0 : i32
        %dma_start3A_306 = arith.constant 0 : i32
        %dma_start3A_307 = tpu.memref_slice %arg3[%run_scoped3A_25, %add3A_24, %dma_start3A_305, %dma_start3A_306] : memref<2x256x10x128xi32, #tpu.memory_space<hbm>> -> memref<1x1x10x128xi32, #tpu.memory_space<hbm>>
        %dma_start3A_308 = tpu.memref_squeeze %dma_start3A_307 : memref<1x1x10x128xi32, #tpu.memory_space<hbm>> -> memref<10x128xi32, #tpu.memory_space<hbm>>
        %dma_start3A_309 = arith.constant 0 : i32
        %dma_start3A_310 = arith.constant 0 : i32
        %dma_start3A_311 = tpu.memref_slice %arg3[%run_scoped3A_25, %add3A_24, %dma_start3A_309, %dma_start3A_310] : memref<2x256x10x128xi32, #tpu.memory_space<hbm>> -> memref<1x1x10x128xi32, #tpu.memory_space<hbm>>
        %dma_start3A_312 = tpu.memref_squeeze %dma_start3A_311 : memref<1x1x10x128xi32, #tpu.memory_space<hbm>> -> memref<10x128xi32, #tpu.memory_space<hbm>>
        tpu.enqueue_dma source(%dma_start3A_312 : memref<10x128xi32, #tpu.memory_space<hbm>>) target(%arg9 : memref<10x128xi32, #tpu.memory_space<vmem>>) target_semaphore(%run_scoped3A_304 : memref<!tpu.dma_semaphore, #tpu.memory_space<semaphore_mem>>)
        %dma_wait3A_313 = arith.constant 0 : i32
        %dma_wait3A_314 = arith.constant 0 : i32
        %dma_wait3A_315 = tpu.memref_slice %arg3[%run_scoped3A_25, %add3A_24, %dma_wait3A_313, %dma_wait3A_314] : memref<2x256x10x128xi32, #tpu.memory_space<hbm>> -> memref<1x1x10x128xi32, #tpu.memory_space<hbm>>
        %dma_wait3A_316 = tpu.memref_squeeze %dma_wait3A_315 : memref<1x1x10x128xi32, #tpu.memory_space<hbm>> -> memref<10x128xi32, #tpu.memory_space<hbm>>
        %dma_wait3A_317 = arith.constant 0 : i32
        %dma_wait3A_318 = arith.constant 0 : i32
        %dma_wait3A_319 = tpu.memref_slice %arg3[%run_scoped3A_25, %add3A_24, %dma_wait3A_317, %dma_wait3A_318] : memref<2x256x10x128xi32, #tpu.memory_space<hbm>> -> memref<1x1x10x128xi32, #tpu.memory_space<hbm>>
        %dma_wait3A_320 = tpu.memref_squeeze %dma_wait3A_319 : memref<1x1x10x128xi32, #tpu.memory_space<hbm>> -> memref<10x128xi32, #tpu.memory_space<hbm>>
        tpu.wait_dma2 semaphore(%run_scoped3A_304 : memref<!tpu.dma_semaphore, #tpu.memory_space<semaphore_mem>>) src(%dma_wait3A_320 : memref<10x128xi32, #tpu.memory_space<hbm>>) dst(%arg9 : memref<10x128xi32, #tpu.memory_space<vmem>>)
        tpu.yield
      }) : () -> ()
      %dma_start3A = arith.constant 0 : i32
      %dma_start3A_26 = arith.constant 0 : i32
      %dma_start3A_27 = tpu.memref_slice %arg8[%dma_start3A, %dma_start3A_26] : memref<10x128xi32, #tpu.memory_space<vmem>> -> memref<1x128xi32, #tpu.memory_space<vmem>>
      %dma_start3A_28 = tpu.memref_squeeze %dma_start3A_27 : memref<1x128xi32, #tpu.memory_space<vmem>> -> memref<128xi32, #tpu.memory_space<vmem>>
      %dma_start3A_29 = arith.constant 0 : i32
      %dma_start3A_30 = arith.constant 0 : i32
      %dma_start3A_31 = tpu.memref_slice %arg2[%dma_start3A_29, %dma_start3A_30] : memref<10000x32xf32, #tpu.memory_space<hbm>> -> memref<10000x32xf32, #tpu.memory_space<hbm>>
      tpu.enqueue_indirect_dma source(%dma_start3A_31 : memref<10000x32xf32, #tpu.memory_space<hbm>>) target(%arg6 : memref<128x32xf32, #tpu.memory_space<vmem>>) offsets(%dma_start3A_28 : memref<128xi32, #tpu.memory_space<vmem>>) semaphore(%arg11 : memref<!tpu.dma_semaphore, #tpu.memory_space<semaphore_mem>>)
      %dma_start3A_32 = arith.constant 1 : i32
      %dma_start3A_33 = arith.constant 0 : i32
      %dma_start3A_34 = tpu.memref_slice %arg8[%dma_start3A_32, %dma_start3A_33] : memref<10x128xi32, #tpu.memory_space<vmem>> -> memref<1x128xi32, #tpu.memory_space<vmem>>
      %dma_start3A_35 = tpu.memref_squeeze %dma_start3A_34 : memref<1x128xi32, #tpu.memory_space<vmem>> -> memref<128xi32, #tpu.memory_space<vmem>>
      %dma_start3A_36 = arith.constant 0 : i32
      %dma_start3A_37 = arith.constant 0 : i32
      %dma_start3A_38 = tpu.memref_slice %arg2[%dma_start3A_36, %dma_start3A_37] : memref<10000x32xf32, #tpu.memory_space<hbm>> -> memref<10000x32xf32, #tpu.memory_space<hbm>>
      tpu.enqueue_indirect_dma source(%dma_start3A_38 : memref<10000x32xf32, #tpu.memory_space<hbm>>) target(%arg7 : memref<128x32xf32, #tpu.memory_space<vmem>>) offsets(%dma_start3A_35 : memref<128xi32, #tpu.memory_space<vmem>>) semaphore(%arg12 : memref<!tpu.dma_semaphore, #tpu.memory_space<semaphore_mem>>)
      %dma_wait3A = arith.constant 0 : i32
      %dma_wait3A_39 = arith.constant 0 : i32
      %dma_wait3A_40 = tpu.memref_slice %arg8[%dma_wait3A, %dma_wait3A_39] : memref<10x128xi32, #tpu.memory_space<vmem>> -> memref<1x128xi32, #tpu.memory_space<vmem>>
      %dma_wait3A_41 = tpu.memref_squeeze %dma_wait3A_40 : memref<1x128xi32, #tpu.memory_space<vmem>> -> memref<128xi32, #tpu.memory_space<vmem>>
      %dma_wait3A_42 = arith.constant 0 : i32
      %dma_wait3A_43 = arith.constant 0 : i32
      %dma_wait3A_44 = tpu.memref_slice %arg2[%dma_wait3A_42, %dma_wait3A_43] : memref<10000x32xf32, #tpu.memory_space<hbm>> -> memref<10000x32xf32, #tpu.memory_space<hbm>>
      tpu.wait_indirect_dma semaphore(%arg11 : memref<!tpu.dma_semaphore, #tpu.memory_space<semaphore_mem>>) src(%dma_wait3A_44 : memref<10000x32xf32, #tpu.memory_space<hbm>>) dst(%arg6 : memref<128x32xf32, #tpu.memory_space<vmem>>)
      %dma_start3A_45 = arith.constant 0 : i32
      %dma_start3A_46 = arith.constant 0 : i32
      %dma_start3A_47 = tpu.memref_slice %arg9[%dma_start3A_45, %dma_start3A_46] : memref<10x128xi32, #tpu.memory_space<vmem>> -> memref<1x128xi32, #tpu.memory_space<vmem>>
      %dma_start3A_48 = tpu.memref_squeeze %dma_start3A_47 : memref<1x128xi32, #tpu.memory_space<vmem>> -> memref<128xi32, #tpu.memory_space<vmem>>
      %dma_start3A_49 = arith.constant 0 : i32
      %dma_start3A_50 = arith.constant 0 : i32
      %dma_start3A_51 = tpu.memref_slice %arg10[%dma_start3A_49, %dma_start3A_50] : memref<10112x32xf32, #tpu.memory_space<vmem_shared>> -> memref<10112x32xf32, #tpu.memory_space<vmem_shared>>
      tpu.enqueue_indirect_dma source(%arg6 : memref<128x32xf32, #tpu.memory_space<vmem>>) target(%dma_start3A_51 : memref<10112x32xf32, #tpu.memory_space<vmem_shared>>) offsets(%dma_start3A_48 : memref<128xi32, #tpu.memory_space<vmem>>) semaphore(%arg13 : memref<!tpu.dma_semaphore, #tpu.memory_space<semaphore_mem>>) {add = true}
      %dma_wait3A_52 = arith.constant 0 : i32
      %dma_wait3A_53 = arith.constant 0 : i32
      %dma_wait3A_54 = tpu.memref_slice %arg9[%dma_wait3A_52, %dma_wait3A_53] : memref<10x128xi32, #tpu.memory_space<vmem>> -> memref<1x128xi32, #tpu.memory_space<vmem>>
      %dma_wait3A_55 = tpu.memref_squeeze %dma_wait3A_54 : memref<1x128xi32, #tpu.memory_space<vmem>> -> memref<128xi32, #tpu.memory_space<vmem>>
      %dma_wait3A_56 = arith.constant 0 : i32
      %dma_wait3A_57 = arith.constant 0 : i32
      %dma_wait3A_58 = tpu.memref_slice %arg10[%dma_wait3A_56, %dma_wait3A_57] : memref<10112x32xf32, #tpu.memory_space<vmem_shared>> -> memref<10112x32xf32, #tpu.memory_space<vmem_shared>>
      tpu.wait_indirect_dma semaphore(%arg13 : memref<!tpu.dma_semaphore, #tpu.memory_space<semaphore_mem>>) src(%arg6 : memref<128x32xf32, #tpu.memory_space<vmem>>) dst(%dma_wait3A_58 : memref<10112x32xf32, #tpu.memory_space<vmem_shared>>)
      %dma_start3A_59 = arith.constant 2 : i32
      %dma_start3A_60 = arith.constant 0 : i32
      %dma_start3A_61 = tpu.memref_slice %arg8[%dma_start3A_59, %dma_start3A_60] : memref<10x128xi32, #tpu.memory_space<vmem>> -> memref<1x128xi32, #tpu.memory_space<vmem>>
      %dma_start3A_62 = tpu.memref_squeeze %dma_start3A_61 : memref<1x128xi32, #tpu.memory_space<vmem>> -> memref<128xi32, #tpu.memory_space<vmem>>
      %dma_start3A_63 = arith.constant 0 : i32
      %dma_start3A_64 = arith.constant 0 : i32
      %dma_start3A_65 = tpu.memref_slice %arg2[%dma_start3A_63, %dma_start3A_64] : memref<10000x32xf32, #tpu.memory_space<hbm>> -> memref<10000x32xf32, #tpu.memory_space<hbm>>
      tpu.enqueue_indirect_dma source(%dma_start3A_65 : memref<10000x32xf32, #tpu.memory_space<hbm>>) target(%arg6 : memref<128x32xf32, #tpu.memory_space<vmem>>) offsets(%dma_start3A_62 : memref<128xi32, #tpu.memory_space<vmem>>) semaphore(%arg11 : memref<!tpu.dma_semaphore, #tpu.memory_space<semaphore_mem>>)
      %dma_wait3A_66 = arith.constant 1 : i32
      %dma_wait3A_67 = arith.constant 0 : i32
      %dma_wait3A_68 = tpu.memref_slice %arg8[%dma_wait3A_66, %dma_wait3A_67] : memref<10x128xi32, #tpu.memory_space<vmem>> -> memref<1x128xi32, #tpu.memory_space<vmem>>
      %dma_wait3A_69 = tpu.memref_squeeze %dma_wait3A_68 : memref<1x128xi32, #tpu.memory_space<vmem>> -> memref<128xi32, #tpu.memory_space<vmem>>
      %dma_wait3A_70 = arith.constant 0 : i32
      %dma_wait3A_71 = arith.constant 0 : i32
      %dma_wait3A_72 = tpu.memref_slice %arg2[%dma_wait3A_70, %dma_wait3A_71] : memref<10000x32xf32, #tpu.memory_space<hbm>> -> memref<10000x32xf32, #tpu.memory_space<hbm>>
      tpu.wait_indirect_dma semaphore(%arg12 : memref<!tpu.dma_semaphore, #tpu.memory_space<semaphore_mem>>) src(%dma_wait3A_72 : memref<10000x32xf32, #tpu.memory_space<hbm>>) dst(%arg7 : memref<128x32xf32, #tpu.memory_space<vmem>>)
      %dma_start3A_73 = arith.constant 1 : i32
      %dma_start3A_74 = arith.constant 0 : i32
      %dma_start3A_75 = tpu.memref_slice %arg9[%dma_start3A_73, %dma_start3A_74] : memref<10x128xi32, #tpu.memory_space<vmem>> -> memref<1x128xi32, #tpu.memory_space<vmem>>
      %dma_start3A_76 = tpu.memref_squeeze %dma_start3A_75 : memref<1x128xi32, #tpu.memory_space<vmem>> -> memref<128xi32, #tpu.memory_space<vmem>>
      %dma_start3A_77 = arith.constant 0 : i32
      %dma_start3A_78 = arith.constant 0 : i32
      %dma_start3A_79 = tpu.memref_slice %arg10[%dma_start3A_77, %dma_start3A_78] : memref<10112x32xf32, #tpu.memory_space<vmem_shared>> -> memref<10112x32xf32, #tpu.memory_space<vmem_shared>>
      tpu.enqueue_indirect_dma source(%arg7 : memref<128x32xf32, #tpu.memory_space<vmem>>) target(%dma_start3A_79 : memref<10112x32xf32, #tpu.memory_space<vmem_shared>>) offsets(%dma_start3A_76 : memref<128xi32, #tpu.memory_space<vmem>>) semaphore(%arg14 : memref<!tpu.dma_semaphore, #tpu.memory_space<semaphore_mem>>) {add = true}
      %dma_wait3A_80 = arith.constant 1 : i32
      %dma_wait3A_81 = arith.constant 0 : i32
      %dma_wait3A_82 = tpu.memref_slice %arg9[%dma_wait3A_80, %dma_wait3A_81] : memref<10x128xi32, #tpu.memory_space<vmem>> -> memref<1x128xi32, #tpu.memory_space<vmem>>
      %dma_wait3A_83 = tpu.memref_squeeze %dma_wait3A_82 : memref<1x128xi32, #tpu.memory_space<vmem>> -> memref<128xi32, #tpu.memory_space<vmem>>
      %dma_wait3A_84 = arith.constant 0 : i32
      %dma_wait3A_85 = arith.constant 0 : i32
      %dma_wait3A_86 = tpu.memref_slice %arg10[%dma_wait3A_84, %dma_wait3A_85] : memref<10112x32xf32, #tpu.memory_space<vmem_shared>> -> memref<10112x32xf32, #tpu.memory_space<vmem_shared>>
      tpu.wait_indirect_dma semaphore(%arg14 : memref<!tpu.dma_semaphore, #tpu.memory_space<semaphore_mem>>) src(%arg7 : memref<128x32xf32, #tpu.memory_space<vmem>>) dst(%dma_wait3A_86 : memref<10112x32xf32, #tpu.memory_space<vmem_shared>>)
      %dma_start3A_87 = arith.constant 3 : i32
      %dma_start3A_88 = arith.constant 0 : i32
      %dma_start3A_89 = tpu.memref_slice %arg8[%dma_start3A_87, %dma_start3A_88] : memref<10x128xi32, #tpu.memory_space<vmem>> -> memref<1x128xi32, #tpu.memory_space<vmem>>
      %dma_start3A_90 = tpu.memref_squeeze %dma_start3A_89 : memref<1x128xi32, #tpu.memory_space<vmem>> -> memref<128xi32, #tpu.memory_space<vmem>>
      %dma_start3A_91 = arith.constant 0 : i32
      %dma_start3A_92 = arith.constant 0 : i32
      %dma_start3A_93 = tpu.memref_slice %arg2[%dma_start3A_91, %dma_start3A_92] : memref<10000x32xf32, #tpu.memory_space<hbm>> -> memref<10000x32xf32, #tpu.memory_space<hbm>>
      tpu.enqueue_indirect_dma source(%dma_start3A_93 : memref<10000x32xf32, #tpu.memory_space<hbm>>) target(%arg7 : memref<128x32xf32, #tpu.memory_space<vmem>>) offsets(%dma_start3A_90 : memref<128xi32, #tpu.memory_space<vmem>>) semaphore(%arg12 : memref<!tpu.dma_semaphore, #tpu.memory_space<semaphore_mem>>)
      %dma_wait3A_94 = arith.constant 2 : i32
      %dma_wait3A_95 = arith.constant 0 : i32
      %dma_wait3A_96 = tpu.memref_slice %arg8[%dma_wait3A_94, %dma_wait3A_95] : memref<10x128xi32, #tpu.memory_space<vmem>> -> memref<1x128xi32, #tpu.memory_space<vmem>>
      %dma_wait3A_97 = tpu.memref_squeeze %dma_wait3A_96 : memref<1x128xi32, #tpu.memory_space<vmem>> -> memref<128xi32, #tpu.memory_space<vmem>>
      %dma_wait3A_98 = arith.constant 0 : i32
      %dma_wait3A_99 = arith.constant 0 : i32
      %dma_wait3A_100 = tpu.memref_slice %arg2[%dma_wait3A_98, %dma_wait3A_99] : memref<10000x32xf32, #tpu.memory_space<hbm>> -> memref<10000x32xf32, #tpu.memory_space<hbm>>
      tpu.wait_indirect_dma semaphore(%arg11 : memref<!tpu.dma_semaphore, #tpu.memory_space<semaphore_mem>>) src(%dma_wait3A_100 : memref<10000x32xf32, #tpu.memory_space<hbm>>) dst(%arg6 : memref<128x32xf32, #tpu.memory_space<vmem>>)
      %dma_start3A_101 = arith.constant 2 : i32
      %dma_start3A_102 = arith.constant 0 : i32
      %dma_start3A_103 = tpu.memref_slice %arg9[%dma_start3A_101, %dma_start3A_102] : memref<10x128xi32, #tpu.memory_space<vmem>> -> memref<1x128xi32, #tpu.memory_space<vmem>>
      %dma_start3A_104 = tpu.memref_squeeze %dma_start3A_103 : memref<1x128xi32, #tpu.memory_space<vmem>> -> memref<128xi32, #tpu.memory_space<vmem>>
      %dma_start3A_105 = arith.constant 0 : i32
      %dma_start3A_106 = arith.constant 0 : i32
      %dma_start3A_107 = tpu.memref_slice %arg10[%dma_start3A_105, %dma_start3A_106] : memref<10112x32xf32, #tpu.memory_space<vmem_shared>> -> memref<10112x32xf32, #tpu.memory_space<vmem_shared>>
      tpu.enqueue_indirect_dma source(%arg6 : memref<128x32xf32, #tpu.memory_space<vmem>>) target(%dma_start3A_107 : memref<10112x32xf32, #tpu.memory_space<vmem_shared>>) offsets(%dma_start3A_104 : memref<128xi32, #tpu.memory_space<vmem>>) semaphore(%arg13 : memref<!tpu.dma_semaphore, #tpu.memory_space<semaphore_mem>>) {add = true}
      %dma_wait3A_108 = arith.constant 2 : i32
      %dma_wait3A_109 = arith.constant 0 : i32
      %dma_wait3A_110 = tpu.memref_slice %arg9[%dma_wait3A_108, %dma_wait3A_109] : memref<10x128xi32, #tpu.memory_space<vmem>> -> memref<1x128xi32, #tpu.memory_space<vmem>>
      %dma_wait3A_111 = tpu.memref_squeeze %dma_wait3A_110 : memref<1x128xi32, #tpu.memory_space<vmem>> -> memref<128xi32, #tpu.memory_space<vmem>>
      %dma_wait3A_112 = arith.constant 0 : i32
      %dma_wait3A_113 = arith.constant 0 : i32
      %dma_wait3A_114 = tpu.memref_slice %arg10[%dma_wait3A_112, %dma_wait3A_113] : memref<10112x32xf32, #tpu.memory_space<vmem_shared>> -> memref<10112x32xf32, #tpu.memory_space<vmem_shared>>
      tpu.wait_indirect_dma semaphore(%arg13 : memref<!tpu.dma_semaphore, #tpu.memory_space<semaphore_mem>>) src(%arg6 : memref<128x32xf32, #tpu.memory_space<vmem>>) dst(%dma_wait3A_114 : memref<10112x32xf32, #tpu.memory_space<vmem_shared>>)
      %dma_start3A_115 = arith.constant 4 : i32
      %dma_start3A_116 = arith.constant 0 : i32
      %dma_start3A_117 = tpu.memref_slice %arg8[%dma_start3A_115, %dma_start3A_116] : memref<10x128xi32, #tpu.memory_space<vmem>> -> memref<1x128xi32, #tpu.memory_space<vmem>>
      %dma_start3A_118 = tpu.memref_squeeze %dma_start3A_117 : memref<1x128xi32, #tpu.memory_space<vmem>> -> memref<128xi32, #tpu.memory_space<vmem>>
      %dma_start3A_119 = arith.constant 0 : i32
      %dma_start3A_120 = arith.constant 0 : i32
      %dma_start3A_121 = tpu.memref_slice %arg2[%dma_start3A_119, %dma_start3A_120] : memref<10000x32xf32, #tpu.memory_space<hbm>> -> memref<10000x32xf32, #tpu.memory_space<hbm>>
      tpu.enqueue_indirect_dma source(%dma_start3A_121 : memref<10000x32xf32, #tpu.memory_space<hbm>>) target(%arg6 : memref<128x32xf32, #tpu.memory_space<vmem>>) offsets(%dma_start3A_118 : memref<128xi32, #tpu.memory_space<vmem>>) semaphore(%arg11 : memref<!tpu.dma_semaphore, #tpu.memory_space<semaphore_mem>>)
      %dma_wait3A_122 = arith.constant 3 : i32
      %dma_wait3A_123 = arith.constant 0 : i32
      %dma_wait3A_124 = tpu.memref_slice %arg8[%dma_wait3A_122, %dma_wait3A_123] : memref<10x128xi32, #tpu.memory_space<vmem>> -> memref<1x128xi32, #tpu.memory_space<vmem>>
      %dma_wait3A_125 = tpu.memref_squeeze %dma_wait3A_124 : memref<1x128xi32, #tpu.memory_space<vmem>> -> memref<128xi32, #tpu.memory_space<vmem>>
      %dma_wait3A_126 = arith.constant 0 : i32
      %dma_wait3A_127 = arith.constant 0 : i32
      %dma_wait3A_128 = tpu.memref_slice %arg2[%dma_wait3A_126, %dma_wait3A_127] : memref<10000x32xf32, #tpu.memory_space<hbm>> -> memref<10000x32xf32, #tpu.memory_space<hbm>>
      tpu.wait_indirect_dma semaphore(%arg12 : memref<!tpu.dma_semaphore, #tpu.memory_space<semaphore_mem>>) src(%dma_wait3A_128 : memref<10000x32xf32, #tpu.memory_space<hbm>>) dst(%arg7 : memref<128x32xf32, #tpu.memory_space<vmem>>)
      %dma_start3A_129 = arith.constant 3 : i32
      %dma_start3A_130 = arith.constant 0 : i32
      %dma_start3A_131 = tpu.memref_slice %arg9[%dma_start3A_129, %dma_start3A_130] : memref<10x128xi32, #tpu.memory_space<vmem>> -> memref<1x128xi32, #tpu.memory_space<vmem>>
      %dma_start3A_132 = tpu.memref_squeeze %dma_start3A_131 : memref<1x128xi32, #tpu.memory_space<vmem>> -> memref<128xi32, #tpu.memory_space<vmem>>
      %dma_start3A_133 = arith.constant 0 : i32
      %dma_start3A_134 = arith.constant 0 : i32
      %dma_start3A_135 = tpu.memref_slice %arg10[%dma_start3A_133, %dma_start3A_134] : memref<10112x32xf32, #tpu.memory_space<vmem_shared>> -> memref<10112x32xf32, #tpu.memory_space<vmem_shared>>
      tpu.enqueue_indirect_dma source(%arg7 : memref<128x32xf32, #tpu.memory_space<vmem>>) target(%dma_start3A_135 : memref<10112x32xf32, #tpu.memory_space<vmem_shared>>) offsets(%dma_start3A_132 : memref<128xi32, #tpu.memory_space<vmem>>) semaphore(%arg14 : memref<!tpu.dma_semaphore, #tpu.memory_space<semaphore_mem>>) {add = true}
      %dma_wait3A_136 = arith.constant 3 : i32
      %dma_wait3A_137 = arith.constant 0 : i32
      %dma_wait3A_138 = tpu.memref_slice %arg9[%dma_wait3A_136, %dma_wait3A_137] : memref<10x128xi32, #tpu.memory_space<vmem>> -> memref<1x128xi32, #tpu.memory_space<vmem>>
      %dma_wait3A_139 = tpu.memref_squeeze %dma_wait3A_138 : memref<1x128xi32, #tpu.memory_space<vmem>> -> memref<128xi32, #tpu.memory_space<vmem>>
      %dma_wait3A_140 = arith.constant 0 : i32
      %dma_wait3A_141 = arith.constant 0 : i32
      %dma_wait3A_142 = tpu.memref_slice %arg10[%dma_wait3A_140, %dma_wait3A_141] : memref<10112x32xf32, #tpu.memory_space<vmem_shared>> -> memref<10112x32xf32, #tpu.memory_space<vmem_shared>>
      tpu.wait_indirect_dma semaphore(%arg14 : memref<!tpu.dma_semaphore, #tpu.memory_space<semaphore_mem>>) src(%arg7 : memref<128x32xf32, #tpu.memory_space<vmem>>) dst(%dma_wait3A_142 : memref<10112x32xf32, #tpu.memory_space<vmem_shared>>)
      %dma_start3A_143 = arith.constant 5 : i32
      %dma_start3A_144 = arith.constant 0 : i32
      %dma_start3A_145 = tpu.memref_slice %arg8[%dma_start3A_143, %dma_start3A_144] : memref<10x128xi32, #tpu.memory_space<vmem>> -> memref<1x128xi32, #tpu.memory_space<vmem>>
      %dma_start3A_146 = tpu.memref_squeeze %dma_start3A_145 : memref<1x128xi32, #tpu.memory_space<vmem>> -> memref<128xi32, #tpu.memory_space<vmem>>
      %dma_start3A_147 = arith.constant 0 : i32
      %dma_start3A_148 = arith.constant 0 : i32
      %dma_start3A_149 = tpu.memref_slice %arg2[%dma_start3A_147, %dma_start3A_148] : memref<10000x32xf32, #tpu.memory_space<hbm>> -> memref<10000x32xf32, #tpu.memory_space<hbm>>
      tpu.enqueue_indirect_dma source(%dma_start3A_149 : memref<10000x32xf32, #tpu.memory_space<hbm>>) target(%arg7 : memref<128x32xf32, #tpu.memory_space<vmem>>) offsets(%dma_start3A_146 : memref<128xi32, #tpu.memory_space<vmem>>) semaphore(%arg12 : memref<!tpu.dma_semaphore, #tpu.memory_space<semaphore_mem>>)
      %dma_wait3A_150 = arith.constant 4 : i32
      %dma_wait3A_151 = arith.constant 0 : i32
      %dma_wait3A_152 = tpu.memref_slice %arg8[%dma_wait3A_150, %dma_wait3A_151] : memref<10x128xi32, #tpu.memory_space<vmem>> -> memref<1x128xi32, #tpu.memory_space<vmem>>
      %dma_wait3A_153 = tpu.memref_squeeze %dma_wait3A_152 : memref<1x128xi32, #tpu.memory_space<vmem>> -> memref<128xi32, #tpu.memory_space<vmem>>
      %dma_wait3A_154 = arith.constant 0 : i32
      %dma_wait3A_155 = arith.constant 0 : i32
      %dma_wait3A_156 = tpu.memref_slice %arg2[%dma_wait3A_154, %dma_wait3A_155] : memref<10000x32xf32, #tpu.memory_space<hbm>> -> memref<10000x32xf32, #tpu.memory_space<hbm>>
      tpu.wait_indirect_dma semaphore(%arg11 : memref<!tpu.dma_semaphore, #tpu.memory_space<semaphore_mem>>) src(%dma_wait3A_156 : memref<10000x32xf32, #tpu.memory_space<hbm>>) dst(%arg6 : memref<128x32xf32, #tpu.memory_space<vmem>>)
      %dma_start3A_157 = arith.constant 4 : i32
      %dma_start3A_158 = arith.constant 0 : i32
      %dma_start3A_159 = tpu.memref_slice %arg9[%dma_start3A_157, %dma_start3A_158] : memref<10x128xi32, #tpu.memory_space<vmem>> -> memref<1x128xi32, #tpu.memory_space<vmem>>
      %dma_start3A_160 = tpu.memref_squeeze %dma_start3A_159 : memref<1x128xi32, #tpu.memory_space<vmem>> -> memref<128xi32, #tpu.memory_space<vmem>>
      %dma_start3A_161 = arith.constant 0 : i32
      %dma_start3A_162 = arith.constant 0 : i32
      %dma_start3A_163 = tpu.memref_slice %arg10[%dma_start3A_161, %dma_start3A_162] : memref<10112x32xf32, #tpu.memory_space<vmem_shared>> -> memref<10112x32xf32, #tpu.memory_space<vmem_shared>>
      tpu.enqueue_indirect_dma source(%arg6 : memref<128x32xf32, #tpu.memory_space<vmem>>) target(%dma_start3A_163 : memref<10112x32xf32, #tpu.memory_space<vmem_shared>>) offsets(%dma_start3A_160 : memref<128xi32, #tpu.memory_space<vmem>>) semaphore(%arg13 : memref<!tpu.dma_semaphore, #tpu.memory_space<semaphore_mem>>) {add = true}
      %dma_wait3A_164 = arith.constant 4 : i32
      %dma_wait3A_165 = arith.constant 0 : i32
      %dma_wait3A_166 = tpu.memref_slice %arg9[%dma_wait3A_164, %dma_wait3A_165] : memref<10x128xi32, #tpu.memory_space<vmem>> -> memref<1x128xi32, #tpu.memory_space<vmem>>
      %dma_wait3A_167 = tpu.memref_squeeze %dma_wait3A_166 : memref<1x128xi32, #tpu.memory_space<vmem>> -> memref<128xi32, #tpu.memory_space<vmem>>
      %dma_wait3A_168 = arith.constant 0 : i32
      %dma_wait3A_169 = arith.constant 0 : i32
      %dma_wait3A_170 = tpu.memref_slice %arg10[%dma_wait3A_168, %dma_wait3A_169] : memref<10112x32xf32, #tpu.memory_space<vmem_shared>> -> memref<10112x32xf32, #tpu.memory_space<vmem_shared>>
      tpu.wait_indirect_dma semaphore(%arg13 : memref<!tpu.dma_semaphore, #tpu.memory_space<semaphore_mem>>) src(%arg6 : memref<128x32xf32, #tpu.memory_space<vmem>>) dst(%dma_wait3A_170 : memref<10112x32xf32, #tpu.memory_space<vmem_shared>>)
      %dma_start3A_171 = arith.constant 6 : i32
      %dma_start3A_172 = arith.constant 0 : i32
      %dma_start3A_173 = tpu.memref_slice %arg8[%dma_start3A_171, %dma_start3A_172] : memref<10x128xi32, #tpu.memory_space<vmem>> -> memref<1x128xi32, #tpu.memory_space<vmem>>
      %dma_start3A_174 = tpu.memref_squeeze %dma_start3A_173 : memref<1x128xi32, #tpu.memory_space<vmem>> -> memref<128xi32, #tpu.memory_space<vmem>>
      %dma_start3A_175 = arith.constant 0 : i32
      %dma_start3A_176 = arith.constant 0 : i32
      %dma_start3A_177 = tpu.memref_slice %arg2[%dma_start3A_175, %dma_start3A_176] : memref<10000x32xf32, #tpu.memory_space<hbm>> -> memref<10000x32xf32, #tpu.memory_space<hbm>>
      tpu.enqueue_indirect_dma source(%dma_start3A_177 : memref<10000x32xf32, #tpu.memory_space<hbm>>) target(%arg6 : memref<128x32xf32, #tpu.memory_space<vmem>>) offsets(%dma_start3A_174 : memref<128xi32, #tpu.memory_space<vmem>>) semaphore(%arg11 : memref<!tpu.dma_semaphore, #tpu.memory_space<semaphore_mem>>)
      %dma_wait3A_178 = arith.constant 5 : i32
      %dma_wait3A_179 = arith.constant 0 : i32
      %dma_wait3A_180 = tpu.memref_slice %arg8[%dma_wait3A_178, %dma_wait3A_179] : memref<10x128xi32, #tpu.memory_space<vmem>> -> memref<1x128xi32, #tpu.memory_space<vmem>>
      %dma_wait3A_181 = tpu.memref_squeeze %dma_wait3A_180 : memref<1x128xi32, #tpu.memory_space<vmem>> -> memref<128xi32, #tpu.memory_space<vmem>>
      %dma_wait3A_182 = arith.constant 0 : i32
      %dma_wait3A_183 = arith.constant 0 : i32
      %dma_wait3A_184 = tpu.memref_slice %arg2[%dma_wait3A_182, %dma_wait3A_183] : memref<10000x32xf32, #tpu.memory_space<hbm>> -> memref<10000x32xf32, #tpu.memory_space<hbm>>
      tpu.wait_indirect_dma semaphore(%arg12 : memref<!tpu.dma_semaphore, #tpu.memory_space<semaphore_mem>>) src(%dma_wait3A_184 : memref<10000x32xf32, #tpu.memory_space<hbm>>) dst(%arg7 : memref<128x32xf32, #tpu.memory_space<vmem>>)
      %dma_start3A_185 = arith.constant 5 : i32
      %dma_start3A_186 = arith.constant 0 : i32
      %dma_start3A_187 = tpu.memref_slice %arg9[%dma_start3A_185, %dma_start3A_186] : memref<10x128xi32, #tpu.memory_space<vmem>> -> memref<1x128xi32, #tpu.memory_space<vmem>>
      %dma_start3A_188 = tpu.memref_squeeze %dma_start3A_187 : memref<1x128xi32, #tpu.memory_space<vmem>> -> memref<128xi32, #tpu.memory_space<vmem>>
      %dma_start3A_189 = arith.constant 0 : i32
      %dma_start3A_190 = arith.constant 0 : i32
      %dma_start3A_191 = tpu.memref_slice %arg10[%dma_start3A_189, %dma_start3A_190] : memref<10112x32xf32, #tpu.memory_space<vmem_shared>> -> memref<10112x32xf32, #tpu.memory_space<vmem_shared>>
      tpu.enqueue_indirect_dma source(%arg7 : memref<128x32xf32, #tpu.memory_space<vmem>>) target(%dma_start3A_191 : memref<10112x32xf32, #tpu.memory_space<vmem_shared>>) offsets(%dma_start3A_188 : memref<128xi32, #tpu.memory_space<vmem>>) semaphore(%arg14 : memref<!tpu.dma_semaphore, #tpu.memory_space<semaphore_mem>>) {add = true}
      %dma_wait3A_192 = arith.constant 5 : i32
      %dma_wait3A_193 = arith.constant 0 : i32
      %dma_wait3A_194 = tpu.memref_slice %arg9[%dma_wait3A_192, %dma_wait3A_193] : memref<10x128xi32, #tpu.memory_space<vmem>> -> memref<1x128xi32, #tpu.memory_space<vmem>>
      %dma_wait3A_195 = tpu.memref_squeeze %dma_wait3A_194 : memref<1x128xi32, #tpu.memory_space<vmem>> -> memref<128xi32, #tpu.memory_space<vmem>>
      %dma_wait3A_196 = arith.constant 0 : i32
      %dma_wait3A_197 = arith.constant 0 : i32
      %dma_wait3A_198 = tpu.memref_slice %arg10[%dma_wait3A_196, %dma_wait3A_197] : memref<10112x32xf32, #tpu.memory_space<vmem_shared>> -> memref<10112x32xf32, #tpu.memory_space<vmem_shared>>
      tpu.wait_indirect_dma semaphore(%arg14 : memref<!tpu.dma_semaphore, #tpu.memory_space<semaphore_mem>>) src(%arg7 : memref<128x32xf32, #tpu.memory_space<vmem>>) dst(%dma_wait3A_198 : memref<10112x32xf32, #tpu.memory_space<vmem_shared>>)
      %dma_start3A_199 = arith.constant 7 : i32
      %dma_start3A_200 = arith.constant 0 : i32
      %dma_start3A_201 = tpu.memref_slice %arg8[%dma_start3A_199, %dma_start3A_200] : memref<10x128xi32, #tpu.memory_space<vmem>> -> memref<1x128xi32, #tpu.memory_space<vmem>>
      %dma_start3A_202 = tpu.memref_squeeze %dma_start3A_201 : memref<1x128xi32, #tpu.memory_space<vmem>> -> memref<128xi32, #tpu.memory_space<vmem>>
      %dma_start3A_203 = arith.constant 0 : i32
      %dma_start3A_204 = arith.constant 0 : i32
      %dma_start3A_205 = tpu.memref_slice %arg2[%dma_start3A_203, %dma_start3A_204] : memref<10000x32xf32, #tpu.memory_space<hbm>> -> memref<10000x32xf32, #tpu.memory_space<hbm>>
      tpu.enqueue_indirect_dma source(%dma_start3A_205 : memref<10000x32xf32, #tpu.memory_space<hbm>>) target(%arg7 : memref<128x32xf32, #tpu.memory_space<vmem>>) offsets(%dma_start3A_202 : memref<128xi32, #tpu.memory_space<vmem>>) semaphore(%arg12 : memref<!tpu.dma_semaphore, #tpu.memory_space<semaphore_mem>>)
      %dma_wait3A_206 = arith.constant 6 : i32
      %dma_wait3A_207 = arith.constant 0 : i32
      %dma_wait3A_208 = tpu.memref_slice %arg8[%dma_wait3A_206, %dma_wait3A_207] : memref<10x128xi32, #tpu.memory_space<vmem>> -> memref<1x128xi32, #tpu.memory_space<vmem>>
      %dma_wait3A_209 = tpu.memref_squeeze %dma_wait3A_208 : memref<1x128xi32, #tpu.memory_space<vmem>> -> memref<128xi32, #tpu.memory_space<vmem>>
      %dma_wait3A_210 = arith.constant 0 : i32
      %dma_wait3A_211 = arith.constant 0 : i32
      %dma_wait3A_212 = tpu.memref_slice %arg2[%dma_wait3A_210, %dma_wait3A_211] : memref<10000x32xf32, #tpu.memory_space<hbm>> -> memref<10000x32xf32, #tpu.memory_space<hbm>>
      tpu.wait_indirect_dma semaphore(%arg11 : memref<!tpu.dma_semaphore, #tpu.memory_space<semaphore_mem>>) src(%dma_wait3A_212 : memref<10000x32xf32, #tpu.memory_space<hbm>>) dst(%arg6 : memref<128x32xf32, #tpu.memory_space<vmem>>)
      %dma_start3A_213 = arith.constant 6 : i32
      %dma_start3A_214 = arith.constant 0 : i32
      %dma_start3A_215 = tpu.memref_slice %arg9[%dma_start3A_213, %dma_start3A_214] : memref<10x128xi32, #tpu.memory_space<vmem>> -> memref<1x128xi32, #tpu.memory_space<vmem>>
      %dma_start3A_216 = tpu.memref_squeeze %dma_start3A_215 : memref<1x128xi32, #tpu.memory_space<vmem>> -> memref<128xi32, #tpu.memory_space<vmem>>
      %dma_start3A_217 = arith.constant 0 : i32
      %dma_start3A_218 = arith.constant 0 : i32
      %dma_start3A_219 = tpu.memref_slice %arg10[%dma_start3A_217, %dma_start3A_218] : memref<10112x32xf32, #tpu.memory_space<vmem_shared>> -> memref<10112x32xf32, #tpu.memory_space<vmem_shared>>
      tpu.enqueue_indirect_dma source(%arg6 : memref<128x32xf32, #tpu.memory_space<vmem>>) target(%dma_start3A_219 : memref<10112x32xf32, #tpu.memory_space<vmem_shared>>) offsets(%dma_start3A_216 : memref<128xi32, #tpu.memory_space<vmem>>) semaphore(%arg13 : memref<!tpu.dma_semaphore, #tpu.memory_space<semaphore_mem>>) {add = true}
      %dma_wait3A_220 = arith.constant 6 : i32
      %dma_wait3A_221 = arith.constant 0 : i32
      %dma_wait3A_222 = tpu.memref_slice %arg9[%dma_wait3A_220, %dma_wait3A_221] : memref<10x128xi32, #tpu.memory_space<vmem>> -> memref<1x128xi32, #tpu.memory_space<vmem>>
      %dma_wait3A_223 = tpu.memref_squeeze %dma_wait3A_222 : memref<1x128xi32, #tpu.memory_space<vmem>> -> memref<128xi32, #tpu.memory_space<vmem>>
      %dma_wait3A_224 = arith.constant 0 : i32
      %dma_wait3A_225 = arith.constant 0 : i32
      %dma_wait3A_226 = tpu.memref_slice %arg10[%dma_wait3A_224, %dma_wait3A_225] : memref<10112x32xf32, #tpu.memory_space<vmem_shared>> -> memref<10112x32xf32, #tpu.memory_space<vmem_shared>>
      tpu.wait_indirect_dma semaphore(%arg13 : memref<!tpu.dma_semaphore, #tpu.memory_space<semaphore_mem>>) src(%arg6 : memref<128x32xf32, #tpu.memory_space<vmem>>) dst(%dma_wait3A_226 : memref<10112x32xf32, #tpu.memory_space<vmem_shared>>)
      %dma_start3A_227 = arith.constant 8 : i32
      %dma_start3A_228 = arith.constant 0 : i32
      %dma_start3A_229 = tpu.memref_slice %arg8[%dma_start3A_227, %dma_start3A_228] : memref<10x128xi32, #tpu.memory_space<vmem>> -> memref<1x128xi32, #tpu.memory_space<vmem>>
      %dma_start3A_230 = tpu.memref_squeeze %dma_start3A_229 : memref<1x128xi32, #tpu.memory_space<vmem>> -> memref<128xi32, #tpu.memory_space<vmem>>
      %dma_start3A_231 = arith.constant 0 : i32
      %dma_start3A_232 = arith.constant 0 : i32
      %dma_start3A_233 = tpu.memref_slice %arg2[%dma_start3A_231, %dma_start3A_232] : memref<10000x32xf32, #tpu.memory_space<hbm>> -> memref<10000x32xf32, #tpu.memory_space<hbm>>
      tpu.enqueue_indirect_dma source(%dma_start3A_233 : memref<10000x32xf32, #tpu.memory_space<hbm>>) target(%arg6 : memref<128x32xf32, #tpu.memory_space<vmem>>) offsets(%dma_start3A_230 : memref<128xi32, #tpu.memory_space<vmem>>) semaphore(%arg11 : memref<!tpu.dma_semaphore, #tpu.memory_space<semaphore_mem>>)
      %dma_wait3A_234 = arith.constant 7 : i32
      %dma_wait3A_235 = arith.constant 0 : i32
      %dma_wait3A_236 = tpu.memref_slice %arg8[%dma_wait3A_234, %dma_wait3A_235] : memref<10x128xi32, #tpu.memory_space<vmem>> -> memref<1x128xi32, #tpu.memory_space<vmem>>
      %dma_wait3A_237 = tpu.memref_squeeze %dma_wait3A_236 : memref<1x128xi32, #tpu.memory_space<vmem>> -> memref<128xi32, #tpu.memory_space<vmem>>
      %dma_wait3A_238 = arith.constant 0 : i32
      %dma_wait3A_239 = arith.constant 0 : i32
      %dma_wait3A_240 = tpu.memref_slice %arg2[%dma_wait3A_238, %dma_wait3A_239] : memref<10000x32xf32, #tpu.memory_space<hbm>> -> memref<10000x32xf32, #tpu.memory_space<hbm>>
      tpu.wait_indirect_dma semaphore(%arg12 : memref<!tpu.dma_semaphore, #tpu.memory_space<semaphore_mem>>) src(%dma_wait3A_240 : memref<10000x32xf32, #tpu.memory_space<hbm>>) dst(%arg7 : memref<128x32xf32, #tpu.memory_space<vmem>>)
      %dma_start3A_241 = arith.constant 7 : i32
      %dma_start3A_242 = arith.constant 0 : i32
      %dma_start3A_243 = tpu.memref_slice %arg9[%dma_start3A_241, %dma_start3A_242] : memref<10x128xi32, #tpu.memory_space<vmem>> -> memref<1x128xi32, #tpu.memory_space<vmem>>
      %dma_start3A_244 = tpu.memref_squeeze %dma_start3A_243 : memref<1x128xi32, #tpu.memory_space<vmem>> -> memref<128xi32, #tpu.memory_space<vmem>>
      %dma_start3A_245 = arith.constant 0 : i32
      %dma_start3A_246 = arith.constant 0 : i32
      %dma_start3A_247 = tpu.memref_slice %arg10[%dma_start3A_245, %dma_start3A_246] : memref<10112x32xf32, #tpu.memory_space<vmem_shared>> -> memref<10112x32xf32, #tpu.memory_space<vmem_shared>>
      tpu.enqueue_indirect_dma source(%arg7 : memref<128x32xf32, #tpu.memory_space<vmem>>) target(%dma_start3A_247 : memref<10112x32xf32, #tpu.memory_space<vmem_shared>>) offsets(%dma_start3A_244 : memref<128xi32, #tpu.memory_space<vmem>>) semaphore(%arg14 : memref<!tpu.dma_semaphore, #tpu.memory_space<semaphore_mem>>) {add = true}
      %dma_wait3A_248 = arith.constant 7 : i32
      %dma_wait3A_249 = arith.constant 0 : i32
      %dma_wait3A_250 = tpu.memref_slice %arg9[%dma_wait3A_248, %dma_wait3A_249] : memref<10x128xi32, #tpu.memory_space<vmem>> -> memref<1x128xi32, #tpu.memory_space<vmem>>
      %dma_wait3A_251 = tpu.memref_squeeze %dma_wait3A_250 : memref<1x128xi32, #tpu.memory_space<vmem>> -> memref<128xi32, #tpu.memory_space<vmem>>
      %dma_wait3A_252 = arith.constant 0 : i32
      %dma_wait3A_253 = arith.constant 0 : i32
      %dma_wait3A_254 = tpu.memref_slice %arg10[%dma_wait3A_252, %dma_wait3A_253] : memref<10112x32xf32, #tpu.memory_space<vmem_shared>> -> memref<10112x32xf32, #tpu.memory_space<vmem_shared>>
      tpu.wait_indirect_dma semaphore(%arg14 : memref<!tpu.dma_semaphore, #tpu.memory_space<semaphore_mem>>) src(%arg7 : memref<128x32xf32, #tpu.memory_space<vmem>>) dst(%dma_wait3A_254 : memref<10112x32xf32, #tpu.memory_space<vmem_shared>>)
      %dma_start3A_255 = arith.constant 9 : i32
      %dma_start3A_256 = arith.constant 0 : i32
      %dma_start3A_257 = tpu.memref_slice %arg8[%dma_start3A_255, %dma_start3A_256] : memref<10x128xi32, #tpu.memory_space<vmem>> -> memref<1x128xi32, #tpu.memory_space<vmem>>
      %dma_start3A_258 = tpu.memref_squeeze %dma_start3A_257 : memref<1x128xi32, #tpu.memory_space<vmem>> -> memref<128xi32, #tpu.memory_space<vmem>>
      %dma_start3A_259 = arith.constant 0 : i32
      %dma_start3A_260 = arith.constant 0 : i32
      %dma_start3A_261 = tpu.memref_slice %arg2[%dma_start3A_259, %dma_start3A_260] : memref<10000x32xf32, #tpu.memory_space<hbm>> -> memref<10000x32xf32, #tpu.memory_space<hbm>>
      tpu.enqueue_indirect_dma source(%dma_start3A_261 : memref<10000x32xf32, #tpu.memory_space<hbm>>) target(%arg7 : memref<128x32xf32, #tpu.memory_space<vmem>>) offsets(%dma_start3A_258 : memref<128xi32, #tpu.memory_space<vmem>>) semaphore(%arg12 : memref<!tpu.dma_semaphore, #tpu.memory_space<semaphore_mem>>)
      %dma_wait3A_262 = arith.constant 8 : i32
      %dma_wait3A_263 = arith.constant 0 : i32
      %dma_wait3A_264 = tpu.memref_slice %arg8[%dma_wait3A_262, %dma_wait3A_263] : memref<10x128xi32, #tpu.memory_space<vmem>> -> memref<1x128xi32, #tpu.memory_space<vmem>>
      %dma_wait3A_265 = tpu.memref_squeeze %dma_wait3A_264 : memref<1x128xi32, #tpu.memory_space<vmem>> -> memref<128xi32, #tpu.memory_space<vmem>>
      %dma_wait3A_266 = arith.constant 0 : i32
      %dma_wait3A_267 = arith.constant 0 : i32
      %dma_wait3A_268 = tpu.memref_slice %arg2[%dma_wait3A_266, %dma_wait3A_267] : memref<10000x32xf32, #tpu.memory_space<hbm>> -> memref<10000x32xf32, #tpu.memory_space<hbm>>
      tpu.wait_indirect_dma semaphore(%arg11 : memref<!tpu.dma_semaphore, #tpu.memory_space<semaphore_mem>>) src(%dma_wait3A_268 : memref<10000x32xf32, #tpu.memory_space<hbm>>) dst(%arg6 : memref<128x32xf32, #tpu.memory_space<vmem>>)
      %dma_start3A_269 = arith.constant 8 : i32
      %dma_start3A_270 = arith.constant 0 : i32
      %dma_start3A_271 = tpu.memref_slice %arg9[%dma_start3A_269, %dma_start3A_270] : memref<10x128xi32, #tpu.memory_space<vmem>> -> memref<1x128xi32, #tpu.memory_space<vmem>>
      %dma_start3A_272 = tpu.memref_squeeze %dma_start3A_271 : memref<1x128xi32, #tpu.memory_space<vmem>> -> memref<128xi32, #tpu.memory_space<vmem>>
      %dma_start3A_273 = arith.constant 0 : i32
      %dma_start3A_274 = arith.constant 0 : i32
      %dma_start3A_275 = tpu.memref_slice %arg10[%dma_start3A_273, %dma_start3A_274] : memref<10112x32xf32, #tpu.memory_space<vmem_shared>> -> memref<10112x32xf32, #tpu.memory_space<vmem_shared>>
      tpu.enqueue_indirect_dma source(%arg6 : memref<128x32xf32, #tpu.memory_space<vmem>>) target(%dma_start3A_275 : memref<10112x32xf32, #tpu.memory_space<vmem_shared>>) offsets(%dma_start3A_272 : memref<128xi32, #tpu.memory_space<vmem>>) semaphore(%arg13 : memref<!tpu.dma_semaphore, #tpu.memory_space<semaphore_mem>>) {add = true}
      %dma_wait3A_276 = arith.constant 9 : i32
      %dma_wait3A_277 = arith.constant 0 : i32
      %dma_wait3A_278 = tpu.memref_slice %arg8[%dma_wait3A_276, %dma_wait3A_277] : memref<10x128xi32, #tpu.memory_space<vmem>> -> memref<1x128xi32, #tpu.memory_space<vmem>>
      %dma_wait3A_279 = tpu.memref_squeeze %dma_wait3A_278 : memref<1x128xi32, #tpu.memory_space<vmem>> -> memref<128xi32, #tpu.memory_space<vmem>>
      %dma_wait3A_280 = arith.constant 0 : i32
      %dma_wait3A_281 = arith.constant 0 : i32
      %dma_wait3A_282 = tpu.memref_slice %arg2[%dma_wait3A_280, %dma_wait3A_281] : memref<10000x32xf32, #tpu.memory_space<hbm>> -> memref<10000x32xf32, #tpu.memory_space<hbm>>
      tpu.wait_indirect_dma semaphore(%arg12 : memref<!tpu.dma_semaphore, #tpu.memory_space<semaphore_mem>>) src(%dma_wait3A_282 : memref<10000x32xf32, #tpu.memory_space<hbm>>) dst(%arg7 : memref<128x32xf32, #tpu.memory_space<vmem>>)
      %dma_start3A_283 = arith.constant 9 : i32
      %dma_start3A_284 = arith.constant 0 : i32
      %dma_start3A_285 = tpu.memref_slice %arg9[%dma_start3A_283, %dma_start3A_284] : memref<10x128xi32, #tpu.memory_space<vmem>> -> memref<1x128xi32, #tpu.memory_space<vmem>>
      %dma_start3A_286 = tpu.memref_squeeze %dma_start3A_285 : memref<1x128xi32, #tpu.memory_space<vmem>> -> memref<128xi32, #tpu.memory_space<vmem>>
      %dma_start3A_287 = arith.constant 0 : i32
      %dma_start3A_288 = arith.constant 0 : i32
      %dma_start3A_289 = tpu.memref_slice %arg10[%dma_start3A_287, %dma_start3A_288] : memref<10112x32xf32, #tpu.memory_space<vmem_shared>> -> memref<10112x32xf32, #tpu.memory_space<vmem_shared>>
      tpu.enqueue_indirect_dma source(%arg7 : memref<128x32xf32, #tpu.memory_space<vmem>>) target(%dma_start3A_289 : memref<10112x32xf32, #tpu.memory_space<vmem_shared>>) offsets(%dma_start3A_286 : memref<128xi32, #tpu.memory_space<vmem>>) semaphore(%arg14 : memref<!tpu.dma_semaphore, #tpu.memory_space<semaphore_mem>>) {add = true}
      %dma_wait3A_290 = arith.constant 8 : i32
      %dma_wait3A_291 = arith.constant 0 : i32
      %dma_wait3A_292 = tpu.memref_slice %arg9[%dma_wait3A_290, %dma_wait3A_291] : memref<10x128xi32, #tpu.memory_space<vmem>> -> memref<1x128xi32, #tpu.memory_space<vmem>>
      %dma_wait3A_293 = tpu.memref_squeeze %dma_wait3A_292 : memref<1x128xi32, #tpu.memory_space<vmem>> -> memref<128xi32, #tpu.memory_space<vmem>>
      %dma_wait3A_294 = arith.constant 0 : i32
      %dma_wait3A_295 = arith.constant 0 : i32
      %dma_wait3A_296 = tpu.memref_slice %arg10[%dma_wait3A_294, %dma_wait3A_295] : memref<10112x32xf32, #tpu.memory_space<vmem_shared>> -> memref<10112x32xf32, #tpu.memory_space<vmem_shared>>
      tpu.wait_indirect_dma semaphore(%arg13 : memref<!tpu.dma_semaphore, #tpu.memory_space<semaphore_mem>>) src(%arg6 : memref<128x32xf32, #tpu.memory_space<vmem>>) dst(%dma_wait3A_296 : memref<10112x32xf32, #tpu.memory_space<vmem_shared>>)
      %dma_wait3A_297 = arith.constant 9 : i32
      %dma_wait3A_298 = arith.constant 0 : i32
      %dma_wait3A_299 = tpu.memref_slice %arg9[%dma_wait3A_297, %dma_wait3A_298] : memref<10x128xi32, #tpu.memory_space<vmem>> -> memref<1x128xi32, #tpu.memory_space<vmem>>
      %dma_wait3A_300 = tpu.memref_squeeze %dma_wait3A_299 : memref<1x128xi32, #tpu.memory_space<vmem>> -> memref<128xi32, #tpu.memory_space<vmem>>
      %dma_wait3A_301 = arith.constant 0 : i32
      %dma_wait3A_302 = arith.constant 0 : i32
      %dma_wait3A_303 = tpu.memref_slice %arg10[%dma_wait3A_301, %dma_wait3A_302] : memref<10112x32xf32, #tpu.memory_space<vmem_shared>> -> memref<10112x32xf32, #tpu.memory_space<vmem_shared>>
      tpu.wait_indirect_dma semaphore(%arg14 : memref<!tpu.dma_semaphore, #tpu.memory_space<semaphore_mem>>) src(%arg7 : memref<128x32xf32, #tpu.memory_space<vmem>>) dst(%dma_wait3A_303 : memref<10112x32xf32, #tpu.memory_space<vmem_shared>>)
    }
    %while3A_15 = arith.constant 1 : i32
    scf.for %while3A_21 = %while3A_13 to %while3A_9 step %while3A_15  : i32 {
      %mul3A_22 = arith.constant 8 : i32
      %mul3A_23 = arith.muli %add3A, %mul3A_22 : i32
      %add3A_24 = arith.addi %mul3A_23, %while3A_21 : i32
      %run_scoped3A = arith.constant 0 : i32
      "tpu.region"() ({
        %run_scoped3A_304 = tpu.sem_alloc : memref<!tpu.dma_semaphore, #tpu.memory_space<semaphore_mem>>
        %dma_start3A_305 = arith.constant 0 : i32
        %dma_start3A_306 = arith.constant 0 : i32
        %dma_start3A_307 = tpu.memref_slice %arg3[%run_scoped3A, %add3A_24, %dma_start3A_305, %dma_start3A_306] : memref<2x256x10x128xi32, #tpu.memory_space<hbm>> -> memref<1x1x10x128xi32, #tpu.memory_space<hbm>>
        %dma_start3A_308 = tpu.memref_squeeze %dma_start3A_307 : memref<1x1x10x128xi32, #tpu.memory_space<hbm>> -> memref<10x128xi32, #tpu.memory_space<hbm>>
        %dma_start3A_309 = arith.constant 0 : i32
        %dma_start3A_310 = arith.constant 0 : i32
        %dma_start3A_311 = tpu.memref_slice %arg3[%run_scoped3A, %add3A_24, %dma_start3A_309, %dma_start3A_310] : memref<2x256x10x128xi32, #tpu.memory_space<hbm>> -> memref<1x1x10x128xi32, #tpu.memory_space<hbm>>
        %dma_start3A_312 = tpu.memref_squeeze %dma_start3A_311 : memref<1x1x10x128xi32, #tpu.memory_space<hbm>> -> memref<10x128xi32, #tpu.memory_space<hbm>>
        tpu.enqueue_dma source(%dma_start3A_312 : memref<10x128xi32, #tpu.memory_space<hbm>>) target(%arg8 : memref<10x128xi32, #tpu.memory_space<vmem>>) target_semaphore(%run_scoped3A_304 : memref<!tpu.dma_semaphore, #tpu.memory_space<semaphore_mem>>)
        %dma_wait3A_313 = arith.constant 0 : i32
        %dma_wait3A_314 = arith.constant 0 : i32
        %dma_wait3A_315 = tpu.memref_slice %arg3[%run_scoped3A, %add3A_24, %dma_wait3A_313, %dma_wait3A_314] : memref<2x256x10x128xi32, #tpu.memory_space<hbm>> -> memref<1x1x10x128xi32, #tpu.memory_space<hbm>>
        %dma_wait3A_316 = tpu.memref_squeeze %dma_wait3A_315 : memref<1x1x10x128xi32, #tpu.memory_space<hbm>> -> memref<10x128xi32, #tpu.memory_space<hbm>>
        %dma_wait3A_317 = arith.constant 0 : i32
        %dma_wait3A_318 = arith.constant 0 : i32
        %dma_wait3A_319 = tpu.memref_slice %arg3[%run_scoped3A, %add3A_24, %dma_wait3A_317, %dma_wait3A_318] : memref<2x256x10x128xi32, #tpu.memory_space<hbm>> -> memref<1x1x10x128xi32, #tpu.memory_space<hbm>>
        %dma_wait3A_320 = tpu.memref_squeeze %dma_wait3A_319 : memref<1x1x10x128xi32, #tpu.memory_space<hbm>> -> memref<10x128xi32, #tpu.memory_space<hbm>>
        tpu.wait_dma2 semaphore(%run_scoped3A_304 : memref<!tpu.dma_semaphore, #tpu.memory_space<semaphore_mem>>) src(%dma_wait3A_320 : memref<10x128xi32, #tpu.memory_space<hbm>>) dst(%arg8 : memref<10x128xi32, #tpu.memory_space<vmem>>)
        tpu.yield
      }) : () -> ()
      %run_scoped3A_25 = arith.constant 1 : i32
      "tpu.region"() ({
        %run_scoped3A_304 = tpu.sem_alloc : memref<!tpu.dma_semaphore, #tpu.memory_space<semaphore_mem>>
        %dma_start3A_305 = arith.constant 0 : i32
        %dma_start3A_306 = arith.constant 0 : i32
        %dma_start3A_307 = tpu.memref_slice %arg3[%run_scoped3A_25, %add3A_24, %dma_start3A_305, %dma_start3A_306] : memref<2x256x10x128xi32, #tpu.memory_space<hbm>> -> memref<1x1x10x128xi32, #tpu.memory_space<hbm>>
        %dma_start3A_308 = tpu.memref_squeeze %dma_start3A_307 : memref<1x1x10x128xi32, #tpu.memory_space<hbm>> -> memref<10x128xi32, #tpu.memory_space<hbm>>
        %dma_start3A_309 = arith.constant 0 : i32
        %dma_start3A_310 = arith.constant 0 : i32
        %dma_start3A_311 = tpu.memref_slice %arg3[%run_scoped3A_25, %add3A_24, %dma_start3A_309, %dma_start3A_310] : memref<2x256x10x128xi32, #tpu.memory_space<hbm>> -> memref<1x1x10x128xi32, #tpu.memory_space<hbm>>
        %dma_start3A_312 = tpu.memref_squeeze %dma_start3A_311 : memref<1x1x10x128xi32, #tpu.memory_space<hbm>> -> memref<10x128xi32, #tpu.memory_space<hbm>>
        tpu.enqueue_dma source(%dma_start3A_312 : memref<10x128xi32, #tpu.memory_space<hbm>>) target(%arg9 : memref<10x128xi32, #tpu.memory_space<vmem>>) target_semaphore(%run_scoped3A_304 : memref<!tpu.dma_semaphore, #tpu.memory_space<semaphore_mem>>)
        %dma_wait3A_313 = arith.constant 0 : i32
        %dma_wait3A_314 = arith.constant 0 : i32
        %dma_wait3A_315 = tpu.memref_slice %arg3[%run_scoped3A_25, %add3A_24, %dma_wait3A_313, %dma_wait3A_314] : memref<2x256x10x128xi32, #tpu.memory_space<hbm>> -> memref<1x1x10x128xi32, #tpu.memory_space<hbm>>
        %dma_wait3A_316 = tpu.memref_squeeze %dma_wait3A_315 : memref<1x1x10x128xi32, #tpu.memory_space<hbm>> -> memref<10x128xi32, #tpu.memory_space<hbm>>
        %dma_wait3A_317 = arith.constant 0 : i32
        %dma_wait3A_318 = arith.constant 0 : i32
        %dma_wait3A_319 = tpu.memref_slice %arg3[%run_scoped3A_25, %add3A_24, %dma_wait3A_317, %dma_wait3A_318] : memref<2x256x10x128xi32, #tpu.memory_space<hbm>> -> memref<1x1x10x128xi32, #tpu.memory_space<hbm>>
        %dma_wait3A_320 = tpu.memref_squeeze %dma_wait3A_319 : memref<1x1x10x128xi32, #tpu.memory_space<hbm>> -> memref<10x128xi32, #tpu.memory_space<hbm>>
        tpu.wait_dma2 semaphore(%run_scoped3A_304 : memref<!tpu.dma_semaphore, #tpu.memory_space<semaphore_mem>>) src(%dma_wait3A_320 : memref<10x128xi32, #tpu.memory_space<hbm>>) dst(%arg9 : memref<10x128xi32, #tpu.memory_space<vmem>>)
        tpu.yield
      }) : () -> ()
      %dma_start3A = arith.constant 0 : i32
      %dma_start3A_26 = arith.constant 0 : i32
      %dma_start3A_27 = tpu.memref_slice %arg8[%dma_start3A, %dma_start3A_26] : memref<10x128xi32, #tpu.memory_space<vmem>> -> memref<1x128xi32, #tpu.memory_space<vmem>>
      %dma_start3A_28 = tpu.memref_squeeze %dma_start3A_27 : memref<1x128xi32, #tpu.memory_space<vmem>> -> memref<128xi32, #tpu.memory_space<vmem>>
      %dma_start3A_29 = arith.constant 0 : i32
      %dma_start3A_30 = arith.constant 0 : i32
      %dma_start3A_31 = tpu.memref_slice %arg2[%dma_start3A_29, %dma_start3A_30] : memref<10000x32xf32, #tpu.memory_space<hbm>> -> memref<10000x32xf32, #tpu.memory_space<hbm>>
      tpu.enqueue_indirect_dma source(%dma_start3A_31 : memref<10000x32xf32, #tpu.memory_space<hbm>>) target(%arg6 : memref<128x32xf32, #tpu.memory_space<vmem>>) offsets(%dma_start3A_28 : memref<128xi32, #tpu.memory_space<vmem>>) semaphore(%arg11 : memref<!tpu.dma_semaphore, #tpu.memory_space<semaphore_mem>>)
      %dma_start3A_32 = arith.constant 1 : i32
      %dma_start3A_33 = arith.constant 0 : i32
      %dma_start3A_34 = tpu.memref_slice %arg8[%dma_start3A_32, %dma_start3A_33] : memref<10x128xi32, #tpu.memory_space<vmem>> -> memref<1x128xi32, #tpu.memory_space<vmem>>
      %dma_start3A_35 = tpu.memref_squeeze %dma_start3A_34 : memref<1x128xi32, #tpu.memory_space<vmem>> -> memref<128xi32, #tpu.memory_space<vmem>>
      %dma_start3A_36 = arith.constant 0 : i32
      %dma_start3A_37 = arith.constant 0 : i32
      %dma_start3A_38 = tpu.memref_slice %arg2[%dma_start3A_36, %dma_start3A_37] : memref<10000x32xf32, #tpu.memory_space<hbm>> -> memref<10000x32xf32, #tpu.memory_space<hbm>>
      tpu.enqueue_indirect_dma source(%dma_start3A_38 : memref<10000x32xf32, #tpu.memory_space<hbm>>) target(%arg7 : memref<128x32xf32, #tpu.memory_space<vmem>>) offsets(%dma_start3A_35 : memref<128xi32, #tpu.memory_space<vmem>>) semaphore(%arg12 : memref<!tpu.dma_semaphore, #tpu.memory_space<semaphore_mem>>)
      %dma_wait3A = arith.constant 0 : i32
      %dma_wait3A_39 = arith.constant 0 : i32
      %dma_wait3A_40 = tpu.memref_slice %arg8[%dma_wait3A, %dma_wait3A_39] : memref<10x128xi32, #tpu.memory_space<vmem>> -> memref<1x128xi32, #tpu.memory_space<vmem>>
      %dma_wait3A_41 = tpu.memref_squeeze %dma_wait3A_40 : memref<1x128xi32, #tpu.memory_space<vmem>> -> memref<128xi32, #tpu.memory_space<vmem>>
      %dma_wait3A_42 = arith.constant 0 : i32
      %dma_wait3A_43 = arith.constant 0 : i32
      %dma_wait3A_44 = tpu.memref_slice %arg2[%dma_wait3A_42, %dma_wait3A_43] : memref<10000x32xf32, #tpu.memory_space<hbm>> -> memref<10000x32xf32, #tpu.memory_space<hbm>>
      tpu.wait_indirect_dma semaphore(%arg11 : memref<!tpu.dma_semaphore, #tpu.memory_space<semaphore_mem>>) src(%dma_wait3A_44 : memref<10000x32xf32, #tpu.memory_space<hbm>>) dst(%arg6 : memref<128x32xf32, #tpu.memory_space<vmem>>)
      %dma_start3A_45 = arith.constant 0 : i32
      %dma_start3A_46 = arith.constant 0 : i32
      %dma_start3A_47 = tpu.memref_slice %arg9[%dma_start3A_45, %dma_start3A_46] : memref<10x128xi32, #tpu.memory_space<vmem>> -> memref<1x128xi32, #tpu.memory_space<vmem>>
      %dma_start3A_48 = tpu.memref_squeeze %dma_start3A_47 : memref<1x128xi32, #tpu.memory_space<vmem>> -> memref<128xi32, #tpu.memory_space<vmem>>
      %dma_start3A_49 = arith.constant 0 : i32
      %dma_start3A_50 = arith.constant 0 : i32
      %dma_start3A_51 = tpu.memref_slice %arg10[%dma_start3A_49, %dma_start3A_50] : memref<10112x32xf32, #tpu.memory_space<vmem_shared>> -> memref<10112x32xf32, #tpu.memory_space<vmem_shared>>
      tpu.enqueue_indirect_dma source(%arg6 : memref<128x32xf32, #tpu.memory_space<vmem>>) target(%dma_start3A_51 : memref<10112x32xf32, #tpu.memory_space<vmem_shared>>) offsets(%dma_start3A_48 : memref<128xi32, #tpu.memory_space<vmem>>) semaphore(%arg13 : memref<!tpu.dma_semaphore, #tpu.memory_space<semaphore_mem>>) {add = true}
      %dma_wait3A_52 = arith.constant 0 : i32
      %dma_wait3A_53 = arith.constant 0 : i32
      %dma_wait3A_54 = tpu.memref_slice %arg9[%dma_wait3A_52, %dma_wait3A_53] : memref<10x128xi32, #tpu.memory_space<vmem>> -> memref<1x128xi32, #tpu.memory_space<vmem>>
      %dma_wait3A_55 = tpu.memref_squeeze %dma_wait3A_54 : memref<1x128xi32, #tpu.memory_space<vmem>> -> memref<128xi32, #tpu.memory_space<vmem>>
      %dma_wait3A_56 = arith.constant 0 : i32
      %dma_wait3A_57 = arith.constant 0 : i32
      %dma_wait3A_58 = tpu.memref_slice %arg10[%dma_wait3A_56, %dma_wait3A_57] : memref<10112x32xf32, #tpu.memory_space<vmem_shared>> -> memref<10112x32xf32, #tpu.memory_space<vmem_shared>>
      tpu.wait_indirect_dma semaphore(%arg13 : memref<!tpu.dma_semaphore, #tpu.memory_space<semaphore_mem>>) src(%arg6 : memref<128x32xf32, #tpu.memory_space<vmem>>) dst(%dma_wait3A_58 : memref<10112x32xf32, #tpu.memory_space<vmem_shared>>)
      %dma_start3A_59 = arith.constant 2 : i32
      %dma_start3A_60 = arith.constant 0 : i32
      %dma_start3A_61 = tpu.memref_slice %arg8[%dma_start3A_59, %dma_start3A_60] : memref<10x128xi32, #tpu.memory_space<vmem>> -> memref<1x128xi32, #tpu.memory_space<vmem>>
      %dma_start3A_62 = tpu.memref_squeeze %dma_start3A_61 : memref<1x128xi32, #tpu.memory_space<vmem>> -> memref<128xi32, #tpu.memory_space<vmem>>
      %dma_start3A_63 = arith.constant 0 : i32
      %dma_start3A_64 = arith.constant 0 : i32
      %dma_start3A_65 = tpu.memref_slice %arg2[%dma_start3A_63, %dma_start3A_64] : memref<10000x32xf32, #tpu.memory_space<hbm>> -> memref<10000x32xf32, #tpu.memory_space<hbm>>
      tpu.enqueue_indirect_dma source(%dma_start3A_65 : memref<10000x32xf32, #tpu.memory_space<hbm>>) target(%arg6 : memref<128x32xf32, #tpu.memory_space<vmem>>) offsets(%dma_start3A_62 : memref<128xi32, #tpu.memory_space<vmem>>) semaphore(%arg11 : memref<!tpu.dma_semaphore, #tpu.memory_space<semaphore_mem>>)
      %dma_wait3A_66 = arith.constant 1 : i32
      %dma_wait3A_67 = arith.constant 0 : i32
      %dma_wait3A_68 = tpu.memref_slice %arg8[%dma_wait3A_66, %dma_wait3A_67] : memref<10x128xi32, #tpu.memory_space<vmem>> -> memref<1x128xi32, #tpu.memory_space<vmem>>
      %dma_wait3A_69 = tpu.memref_squeeze %dma_wait3A_68 : memref<1x128xi32, #tpu.memory_space<vmem>> -> memref<128xi32, #tpu.memory_space<vmem>>
      %dma_wait3A_70 = arith.constant 0 : i32
      %dma_wait3A_71 = arith.constant 0 : i32
      %dma_wait3A_72 = tpu.memref_slice %arg2[%dma_wait3A_70, %dma_wait3A_71] : memref<10000x32xf32, #tpu.memory_space<hbm>> -> memref<10000x32xf32, #tpu.memory_space<hbm>>
      tpu.wait_indirect_dma semaphore(%arg12 : memref<!tpu.dma_semaphore, #tpu.memory_space<semaphore_mem>>) src(%dma_wait3A_72 : memref<10000x32xf32, #tpu.memory_space<hbm>>) dst(%arg7 : memref<128x32xf32, #tpu.memory_space<vmem>>)
      %dma_start3A_73 = arith.constant 1 : i32
      %dma_start3A_74 = arith.constant 0 : i32
      %dma_start3A_75 = tpu.memref_slice %arg9[%dma_start3A_73, %dma_start3A_74] : memref<10x128xi32, #tpu.memory_space<vmem>> -> memref<1x128xi32, #tpu.memory_space<vmem>>
      %dma_start3A_76 = tpu.memref_squeeze %dma_start3A_75 : memref<1x128xi32, #tpu.memory_space<vmem>> -> memref<128xi32, #tpu.memory_space<vmem>>
      %dma_start3A_77 = arith.constant 0 : i32
      %dma_start3A_78 = arith.constant 0 : i32
      %dma_start3A_79 = tpu.memref_slice %arg10[%dma_start3A_77, %dma_start3A_78] : memref<10112x32xf32, #tpu.memory_space<vmem_shared>> -> memref<10112x32xf32, #tpu.memory_space<vmem_shared>>
      tpu.enqueue_indirect_dma source(%arg7 : memref<128x32xf32, #tpu.memory_space<vmem>>) target(%dma_start3A_79 : memref<10112x32xf32, #tpu.memory_space<vmem_shared>>) offsets(%dma_start3A_76 : memref<128xi32, #tpu.memory_space<vmem>>) semaphore(%arg14 : memref<!tpu.dma_semaphore, #tpu.memory_space<semaphore_mem>>) {add = true}
      %dma_wait3A_80 = arith.constant 1 : i32
      %dma_wait3A_81 = arith.constant 0 : i32
      %dma_wait3A_82 = tpu.memref_slice %arg9[%dma_wait3A_80, %dma_wait3A_81] : memref<10x128xi32, #tpu.memory_space<vmem>> -> memref<1x128xi32, #tpu.memory_space<vmem>>
      %dma_wait3A_83 = tpu.memref_squeeze %dma_wait3A_82 : memref<1x128xi32, #tpu.memory_space<vmem>> -> memref<128xi32, #tpu.memory_space<vmem>>
      %dma_wait3A_84 = arith.constant 0 : i32
      %dma_wait3A_85 = arith.constant 0 : i32
      %dma_wait3A_86 = tpu.memref_slice %arg10[%dma_wait3A_84, %dma_wait3A_85] : memref<10112x32xf32, #tpu.memory_space<vmem_shared>> -> memref<10112x32xf32, #tpu.memory_space<vmem_shared>>
      tpu.wait_indirect_dma semaphore(%arg14 : memref<!tpu.dma_semaphore, #tpu.memory_space<semaphore_mem>>) src(%arg7 : memref<128x32xf32, #tpu.memory_space<vmem>>) dst(%dma_wait3A_86 : memref<10112x32xf32, #tpu.memory_space<vmem_shared>>)
      %dma_start3A_87 = arith.constant 3 : i32
      %dma_start3A_88 = arith.constant 0 : i32
      %dma_start3A_89 = tpu.memref_slice %arg8[%dma_start3A_87, %dma_start3A_88] : memref<10x128xi32, #tpu.memory_space<vmem>> -> memref<1x128xi32, #tpu.memory_space<vmem>>
      %dma_start3A_90 = tpu.memref_squeeze %dma_start3A_89 : memref<1x128xi32, #tpu.memory_space<vmem>> -> memref<128xi32, #tpu.memory_space<vmem>>
      %dma_start3A_91 = arith.constant 0 : i32
      %dma_start3A_92 = arith.constant 0 : i32
      %dma_start3A_93 = tpu.memref_slice %arg2[%dma_start3A_91, %dma_start3A_92] : memref<10000x32xf32, #tpu.memory_space<hbm>> -> memref<10000x32xf32, #tpu.memory_space<hbm>>
      tpu.enqueue_indirect_dma source(%dma_start3A_93 : memref<10000x32xf32, #tpu.memory_space<hbm>>) target(%arg7 : memref<128x32xf32, #tpu.memory_space<vmem>>) offsets(%dma_start3A_90 : memref<128xi32, #tpu.memory_space<vmem>>) semaphore(%arg12 : memref<!tpu.dma_semaphore, #tpu.memory_space<semaphore_mem>>)
      %dma_wait3A_94 = arith.constant 2 : i32
      %dma_wait3A_95 = arith.constant 0 : i32
      %dma_wait3A_96 = tpu.memref_slice %arg8[%dma_wait3A_94, %dma_wait3A_95] : memref<10x128xi32, #tpu.memory_space<vmem>> -> memref<1x128xi32, #tpu.memory_space<vmem>>
      %dma_wait3A_97 = tpu.memref_squeeze %dma_wait3A_96 : memref<1x128xi32, #tpu.memory_space<vmem>> -> memref<128xi32, #tpu.memory_space<vmem>>
      %dma_wait3A_98 = arith.constant 0 : i32
      %dma_wait3A_99 = arith.constant 0 : i32
      %dma_wait3A_100 = tpu.memref_slice %arg2[%dma_wait3A_98, %dma_wait3A_99] : memref<10000x32xf32, #tpu.memory_space<hbm>> -> memref<10000x32xf32, #tpu.memory_space<hbm>>
      tpu.wait_indirect_dma semaphore(%arg11 : memref<!tpu.dma_semaphore, #tpu.memory_space<semaphore_mem>>) src(%dma_wait3A_100 : memref<10000x32xf32, #tpu.memory_space<hbm>>) dst(%arg6 : memref<128x32xf32, #tpu.memory_space<vmem>>)
      %dma_start3A_101 = arith.constant 2 : i32
      %dma_start3A_102 = arith.constant 0 : i32
      %dma_start3A_103 = tpu.memref_slice %arg9[%dma_start3A_101, %dma_start3A_102] : memref<10x128xi32, #tpu.memory_space<vmem>> -> memref<1x128xi32, #tpu.memory_space<vmem>>
      %dma_start3A_104 = tpu.memref_squeeze %dma_start3A_103 : memref<1x128xi32, #tpu.memory_space<vmem>> -> memref<128xi32, #tpu.memory_space<vmem>>
      %dma_start3A_105 = arith.constant 0 : i32
      %dma_start3A_106 = arith.constant 0 : i32
      %dma_start3A_107 = tpu.memref_slice %arg10[%dma_start3A_105, %dma_start3A_106] : memref<10112x32xf32, #tpu.memory_space<vmem_shared>> -> memref<10112x32xf32, #tpu.memory_space<vmem_shared>>
      tpu.enqueue_indirect_dma source(%arg6 : memref<128x32xf32, #tpu.memory_space<vmem>>) target(%dma_start3A_107 : memref<10112x32xf32, #tpu.memory_space<vmem_shared>>) offsets(%dma_start3A_104 : memref<128xi32, #tpu.memory_space<vmem>>) semaphore(%arg13 : memref<!tpu.dma_semaphore, #tpu.memory_space<semaphore_mem>>) {add = true}
      %dma_wait3A_108 = arith.constant 2 : i32
      %dma_wait3A_109 = arith.constant 0 : i32
      %dma_wait3A_110 = tpu.memref_slice %arg9[%dma_wait3A_108, %dma_wait3A_109] : memref<10x128xi32, #tpu.memory_space<vmem>> -> memref<1x128xi32, #tpu.memory_space<vmem>>
      %dma_wait3A_111 = tpu.memref_squeeze %dma_wait3A_110 : memref<1x128xi32, #tpu.memory_space<vmem>> -> memref<128xi32, #tpu.memory_space<vmem>>
      %dma_wait3A_112 = arith.constant 0 : i32
      %dma_wait3A_113 = arith.constant 0 : i32
      %dma_wait3A_114 = tpu.memref_slice %arg10[%dma_wait3A_112, %dma_wait3A_113] : memref<10112x32xf32, #tpu.memory_space<vmem_shared>> -> memref<10112x32xf32, #tpu.memory_space<vmem_shared>>
      tpu.wait_indirect_dma semaphore(%arg13 : memref<!tpu.dma_semaphore, #tpu.memory_space<semaphore_mem>>) src(%arg6 : memref<128x32xf32, #tpu.memory_space<vmem>>) dst(%dma_wait3A_114 : memref<10112x32xf32, #tpu.memory_space<vmem_shared>>)
      %dma_start3A_115 = arith.constant 4 : i32
      %dma_start3A_116 = arith.constant 0 : i32
      %dma_start3A_117 = tpu.memref_slice %arg8[%dma_start3A_115, %dma_start3A_116] : memref<10x128xi32, #tpu.memory_space<vmem>> -> memref<1x128xi32, #tpu.memory_space<vmem>>
      %dma_start3A_118 = tpu.memref_squeeze %dma_start3A_117 : memref<1x128xi32, #tpu.memory_space<vmem>> -> memref<128xi32, #tpu.memory_space<vmem>>
      %dma_start3A_119 = arith.constant 0 : i32
      %dma_start3A_120 = arith.constant 0 : i32
      %dma_start3A_121 = tpu.memref_slice %arg2[%dma_start3A_119, %dma_start3A_120] : memref<10000x32xf32, #tpu.memory_space<hbm>> -> memref<10000x32xf32, #tpu.memory_space<hbm>>
      tpu.enqueue_indirect_dma source(%dma_start3A_121 : memref<10000x32xf32, #tpu.memory_space<hbm>>) target(%arg6 : memref<128x32xf32, #tpu.memory_space<vmem>>) offsets(%dma_start3A_118 : memref<128xi32, #tpu.memory_space<vmem>>) semaphore(%arg11 : memref<!tpu.dma_semaphore, #tpu.memory_space<semaphore_mem>>)
      %dma_wait3A_122 = arith.constant 3 : i32
      %dma_wait3A_123 = arith.constant 0 : i32
      %dma_wait3A_124 = tpu.memref_slice %arg8[%dma_wait3A_122, %dma_wait3A_123] : memref<10x128xi32, #tpu.memory_space<vmem>> -> memref<1x128xi32, #tpu.memory_space<vmem>>
      %dma_wait3A_125 = tpu.memref_squeeze %dma_wait3A_124 : memref<1x128xi32, #tpu.memory_space<vmem>> -> memref<128xi32, #tpu.memory_space<vmem>>
      %dma_wait3A_126 = arith.constant 0 : i32
      %dma_wait3A_127 = arith.constant 0 : i32
      %dma_wait3A_128 = tpu.memref_slice %arg2[%dma_wait3A_126, %dma_wait3A_127] : memref<10000x32xf32, #tpu.memory_space<hbm>> -> memref<10000x32xf32, #tpu.memory_space<hbm>>
      tpu.wait_indirect_dma semaphore(%arg12 : memref<!tpu.dma_semaphore, #tpu.memory_space<semaphore_mem>>) src(%dma_wait3A_128 : memref<10000x32xf32, #tpu.memory_space<hbm>>) dst(%arg7 : memref<128x32xf32, #tpu.memory_space<vmem>>)
      %dma_start3A_129 = arith.constant 3 : i32
      %dma_start3A_130 = arith.constant 0 : i32
      %dma_start3A_131 = tpu.memref_slice %arg9[%dma_start3A_129, %dma_start3A_130] : memref<10x128xi32, #tpu.memory_space<vmem>> -> memref<1x128xi32, #tpu.memory_space<vmem>>
      %dma_start3A_132 = tpu.memref_squeeze %dma_start3A_131 : memref<1x128xi32, #tpu.memory_space<vmem>> -> memref<128xi32, #tpu.memory_space<vmem>>
      %dma_start3A_133 = arith.constant 0 : i32
      %dma_start3A_134 = arith.constant 0 : i32
      %dma_start3A_135 = tpu.memref_slice %arg10[%dma_start3A_133, %dma_start3A_134] : memref<10112x32xf32, #tpu.memory_space<vmem_shared>> -> memref<10112x32xf32, #tpu.memory_space<vmem_shared>>
      tpu.enqueue_indirect_dma source(%arg7 : memref<128x32xf32, #tpu.memory_space<vmem>>) target(%dma_start3A_135 : memref<10112x32xf32, #tpu.memory_space<vmem_shared>>) offsets(%dma_start3A_132 : memref<128xi32, #tpu.memory_space<vmem>>) semaphore(%arg14 : memref<!tpu.dma_semaphore, #tpu.memory_space<semaphore_mem>>) {add = true}
      %dma_wait3A_136 = arith.constant 3 : i32
      %dma_wait3A_137 = arith.constant 0 : i32
      %dma_wait3A_138 = tpu.memref_slice %arg9[%dma_wait3A_136, %dma_wait3A_137] : memref<10x128xi32, #tpu.memory_space<vmem>> -> memref<1x128xi32, #tpu.memory_space<vmem>>
      %dma_wait3A_139 = tpu.memref_squeeze %dma_wait3A_138 : memref<1x128xi32, #tpu.memory_space<vmem>> -> memref<128xi32, #tpu.memory_space<vmem>>
      %dma_wait3A_140 = arith.constant 0 : i32
      %dma_wait3A_141 = arith.constant 0 : i32
      %dma_wait3A_142 = tpu.memref_slice %arg10[%dma_wait3A_140, %dma_wait3A_141] : memref<10112x32xf32, #tpu.memory_space<vmem_shared>> -> memref<10112x32xf32, #tpu.memory_space<vmem_shared>>
      tpu.wait_indirect_dma semaphore(%arg14 : memref<!tpu.dma_semaphore, #tpu.memory_space<semaphore_mem>>) src(%arg7 : memref<128x32xf32, #tpu.memory_space<vmem>>) dst(%dma_wait3A_142 : memref<10112x32xf32, #tpu.memory_space<vmem_shared>>)
      %dma_start3A_143 = arith.constant 5 : i32
      %dma_start3A_144 = arith.constant 0 : i32
      %dma_start3A_145 = tpu.memref_slice %arg8[%dma_start3A_143, %dma_start3A_144] : memref<10x128xi32, #tpu.memory_space<vmem>> -> memref<1x128xi32, #tpu.memory_space<vmem>>
      %dma_start3A_146 = tpu.memref_squeeze %dma_start3A_145 : memref<1x128xi32, #tpu.memory_space<vmem>> -> memref<128xi32, #tpu.memory_space<vmem>>
      %dma_start3A_147 = arith.constant 0 : i32
      %dma_start3A_148 = arith.constant 0 : i32
      %dma_start3A_149 = tpu.memref_slice %arg2[%dma_start3A_147, %dma_start3A_148] : memref<10000x32xf32, #tpu.memory_space<hbm>> -> memref<10000x32xf32, #tpu.memory_space<hbm>>
      tpu.enqueue_indirect_dma source(%dma_start3A_149 : memref<10000x32xf32, #tpu.memory_space<hbm>>) target(%arg7 : memref<128x32xf32, #tpu.memory_space<vmem>>) offsets(%dma_start3A_146 : memref<128xi32, #tpu.memory_space<vmem>>) semaphore(%arg12 : memref<!tpu.dma_semaphore, #tpu.memory_space<semaphore_mem>>)
      %dma_wait3A_150 = arith.constant 4 : i32
      %dma_wait3A_151 = arith.constant 0 : i32
      %dma_wait3A_152 = tpu.memref_slice %arg8[%dma_wait3A_150, %dma_wait3A_151] : memref<10x128xi32, #tpu.memory_space<vmem>> -> memref<1x128xi32, #tpu.memory_space<vmem>>
      %dma_wait3A_153 = tpu.memref_squeeze %dma_wait3A_152 : memref<1x128xi32, #tpu.memory_space<vmem>> -> memref<128xi32, #tpu.memory_space<vmem>>
      %dma_wait3A_154 = arith.constant 0 : i32
      %dma_wait3A_155 = arith.constant 0 : i32
      %dma_wait3A_156 = tpu.memref_slice %arg2[%dma_wait3A_154, %dma_wait3A_155] : memref<10000x32xf32, #tpu.memory_space<hbm>> -> memref<10000x32xf32, #tpu.memory_space<hbm>>
      tpu.wait_indirect_dma semaphore(%arg11 : memref<!tpu.dma_semaphore, #tpu.memory_space<semaphore_mem>>) src(%dma_wait3A_156 : memref<10000x32xf32, #tpu.memory_space<hbm>>) dst(%arg6 : memref<128x32xf32, #tpu.memory_space<vmem>>)
      %dma_start3A_157 = arith.constant 4 : i32
      %dma_start3A_158 = arith.constant 0 : i32
      %dma_start3A_159 = tpu.memref_slice %arg9[%dma_start3A_157, %dma_start3A_158] : memref<10x128xi32, #tpu.memory_space<vmem>> -> memref<1x128xi32, #tpu.memory_space<vmem>>
      %dma_start3A_160 = tpu.memref_squeeze %dma_start3A_159 : memref<1x128xi32, #tpu.memory_space<vmem>> -> memref<128xi32, #tpu.memory_space<vmem>>
      %dma_start3A_161 = arith.constant 0 : i32
      %dma_start3A_162 = arith.constant 0 : i32
      %dma_start3A_163 = tpu.memref_slice %arg10[%dma_start3A_161, %dma_start3A_162] : memref<10112x32xf32, #tpu.memory_space<vmem_shared>> -> memref<10112x32xf32, #tpu.memory_space<vmem_shared>>
      tpu.enqueue_indirect_dma source(%arg6 : memref<128x32xf32, #tpu.memory_space<vmem>>) target(%dma_start3A_163 : memref<10112x32xf32, #tpu.memory_space<vmem_shared>>) offsets(%dma_start3A_160 : memref<128xi32, #tpu.memory_space<vmem>>) semaphore(%arg13 : memref<!tpu.dma_semaphore, #tpu.memory_space<semaphore_mem>>) {add = true}
      %dma_wait3A_164 = arith.constant 4 : i32
      %dma_wait3A_165 = arith.constant 0 : i32
      %dma_wait3A_166 = tpu.memref_slice %arg9[%dma_wait3A_164, %dma_wait3A_165] : memref<10x128xi32, #tpu.memory_space<vmem>> -> memref<1x128xi32, #tpu.memory_space<vmem>>
      %dma_wait3A_167 = tpu.memref_squeeze %dma_wait3A_166 : memref<1x128xi32, #tpu.memory_space<vmem>> -> memref<128xi32, #tpu.memory_space<vmem>>
      %dma_wait3A_168 = arith.constant 0 : i32
      %dma_wait3A_169 = arith.constant 0 : i32
      %dma_wait3A_170 = tpu.memref_slice %arg10[%dma_wait3A_168, %dma_wait3A_169] : memref<10112x32xf32, #tpu.memory_space<vmem_shared>> -> memref<10112x32xf32, #tpu.memory_space<vmem_shared>>
      tpu.wait_indirect_dma semaphore(%arg13 : memref<!tpu.dma_semaphore, #tpu.memory_space<semaphore_mem>>) src(%arg6 : memref<128x32xf32, #tpu.memory_space<vmem>>) dst(%dma_wait3A_170 : memref<10112x32xf32, #tpu.memory_space<vmem_shared>>)
      %dma_start3A_171 = arith.constant 6 : i32
      %dma_start3A_172 = arith.constant 0 : i32
      %dma_start3A_173 = tpu.memref_slice %arg8[%dma_start3A_171, %dma_start3A_172] : memref<10x128xi32, #tpu.memory_space<vmem>> -> memref<1x128xi32, #tpu.memory_space<vmem>>
      %dma_start3A_174 = tpu.memref_squeeze %dma_start3A_173 : memref<1x128xi32, #tpu.memory_space<vmem>> -> memref<128xi32, #tpu.memory_space<vmem>>
      %dma_start3A_175 = arith.constant 0 : i32
      %dma_start3A_176 = arith.constant 0 : i32
      %dma_start3A_177 = tpu.memref_slice %arg2[%dma_start3A_175, %dma_start3A_176] : memref<10000x32xf32, #tpu.memory_space<hbm>> -> memref<10000x32xf32, #tpu.memory_space<hbm>>
      tpu.enqueue_indirect_dma source(%dma_start3A_177 : memref<10000x32xf32, #tpu.memory_space<hbm>>) target(%arg6 : memref<128x32xf32, #tpu.memory_space<vmem>>) offsets(%dma_start3A_174 : memref<128xi32, #tpu.memory_space<vmem>>) semaphore(%arg11 : memref<!tpu.dma_semaphore, #tpu.memory_space<semaphore_mem>>)
      %dma_wait3A_178 = arith.constant 5 : i32
      %dma_wait3A_179 = arith.constant 0 : i32
      %dma_wait3A_180 = tpu.memref_slice %arg8[%dma_wait3A_178, %dma_wait3A_179] : memref<10x128xi32, #tpu.memory_space<vmem>> -> memref<1x128xi32, #tpu.memory_space<vmem>>
      %dma_wait3A_181 = tpu.memref_squeeze %dma_wait3A_180 : memref<1x128xi32, #tpu.memory_space<vmem>> -> memref<128xi32, #tpu.memory_space<vmem>>
      %dma_wait3A_182 = arith.constant 0 : i32
      %dma_wait3A_183 = arith.constant 0 : i32
      %dma_wait3A_184 = tpu.memref_slice %arg2[%dma_wait3A_182, %dma_wait3A_183] : memref<10000x32xf32, #tpu.memory_space<hbm>> -> memref<10000x32xf32, #tpu.memory_space<hbm>>
      tpu.wait_indirect_dma semaphore(%arg12 : memref<!tpu.dma_semaphore, #tpu.memory_space<semaphore_mem>>) src(%dma_wait3A_184 : memref<10000x32xf32, #tpu.memory_space<hbm>>) dst(%arg7 : memref<128x32xf32, #tpu.memory_space<vmem>>)
      %dma_start3A_185 = arith.constant 5 : i32
      %dma_start3A_186 = arith.constant 0 : i32
      %dma_start3A_187 = tpu.memref_slice %arg9[%dma_start3A_185, %dma_start3A_186] : memref<10x128xi32, #tpu.memory_space<vmem>> -> memref<1x128xi32, #tpu.memory_space<vmem>>
      %dma_start3A_188 = tpu.memref_squeeze %dma_start3A_187 : memref<1x128xi32, #tpu.memory_space<vmem>> -> memref<128xi32, #tpu.memory_space<vmem>>
      %dma_start3A_189 = arith.constant 0 : i32
      %dma_start3A_190 = arith.constant 0 : i32
      %dma_start3A_191 = tpu.memref_slice %arg10[%dma_start3A_189, %dma_start3A_190] : memref<10112x32xf32, #tpu.memory_space<vmem_shared>> -> memref<10112x32xf32, #tpu.memory_space<vmem_shared>>
      tpu.enqueue_indirect_dma source(%arg7 : memref<128x32xf32, #tpu.memory_space<vmem>>) target(%dma_start3A_191 : memref<10112x32xf32, #tpu.memory_space<vmem_shared>>) offsets(%dma_start3A_188 : memref<128xi32, #tpu.memory_space<vmem>>) semaphore(%arg14 : memref<!tpu.dma_semaphore, #tpu.memory_space<semaphore_mem>>) {add = true}
      %dma_wait3A_192 = arith.constant 5 : i32
      %dma_wait3A_193 = arith.constant 0 : i32
      %dma_wait3A_194 = tpu.memref_slice %arg9[%dma_wait3A_192, %dma_wait3A_193] : memref<10x128xi32, #tpu.memory_space<vmem>> -> memref<1x128xi32, #tpu.memory_space<vmem>>
      %dma_wait3A_195 = tpu.memref_squeeze %dma_wait3A_194 : memref<1x128xi32, #tpu.memory_space<vmem>> -> memref<128xi32, #tpu.memory_space<vmem>>
      %dma_wait3A_196 = arith.constant 0 : i32
      %dma_wait3A_197 = arith.constant 0 : i32
      %dma_wait3A_198 = tpu.memref_slice %arg10[%dma_wait3A_196, %dma_wait3A_197] : memref<10112x32xf32, #tpu.memory_space<vmem_shared>> -> memref<10112x32xf32, #tpu.memory_space<vmem_shared>>
      tpu.wait_indirect_dma semaphore(%arg14 : memref<!tpu.dma_semaphore, #tpu.memory_space<semaphore_mem>>) src(%arg7 : memref<128x32xf32, #tpu.memory_space<vmem>>) dst(%dma_wait3A_198 : memref<10112x32xf32, #tpu.memory_space<vmem_shared>>)
      %dma_start3A_199 = arith.constant 7 : i32
      %dma_start3A_200 = arith.constant 0 : i32
      %dma_start3A_201 = tpu.memref_slice %arg8[%dma_start3A_199, %dma_start3A_200] : memref<10x128xi32, #tpu.memory_space<vmem>> -> memref<1x128xi32, #tpu.memory_space<vmem>>
      %dma_start3A_202 = tpu.memref_squeeze %dma_start3A_201 : memref<1x128xi32, #tpu.memory_space<vmem>> -> memref<128xi32, #tpu.memory_space<vmem>>
      %dma_start3A_203 = arith.constant 0 : i32
      %dma_start3A_204 = arith.constant 0 : i32
      %dma_start3A_205 = tpu.memref_slice %arg2[%dma_start3A_203, %dma_start3A_204] : memref<10000x32xf32, #tpu.memory_space<hbm>> -> memref<10000x32xf32, #tpu.memory_space<hbm>>
      tpu.enqueue_indirect_dma source(%dma_start3A_205 : memref<10000x32xf32, #tpu.memory_space<hbm>>) target(%arg7 : memref<128x32xf32, #tpu.memory_space<vmem>>) offsets(%dma_start3A_202 : memref<128xi32, #tpu.memory_space<vmem>>) semaphore(%arg12 : memref<!tpu.dma_semaphore, #tpu.memory_space<semaphore_mem>>)
      %dma_wait3A_206 = arith.constant 6 : i32
      %dma_wait3A_207 = arith.constant 0 : i32
      %dma_wait3A_208 = tpu.memref_slice %arg8[%dma_wait3A_206, %dma_wait3A_207] : memref<10x128xi32, #tpu.memory_space<vmem>> -> memref<1x128xi32, #tpu.memory_space<vmem>>
      %dma_wait3A_209 = tpu.memref_squeeze %dma_wait3A_208 : memref<1x128xi32, #tpu.memory_space<vmem>> -> memref<128xi32, #tpu.memory_space<vmem>>
      %dma_wait3A_210 = arith.constant 0 : i32
      %dma_wait3A_211 = arith.constant 0 : i32
      %dma_wait3A_212 = tpu.memref_slice %arg2[%dma_wait3A_210, %dma_wait3A_211] : memref<10000x32xf32, #tpu.memory_space<hbm>> -> memref<10000x32xf32, #tpu.memory_space<hbm>>
      tpu.wait_indirect_dma semaphore(%arg11 : memref<!tpu.dma_semaphore, #tpu.memory_space<semaphore_mem>>) src(%dma_wait3A_212 : memref<10000x32xf32, #tpu.memory_space<hbm>>) dst(%arg6 : memref<128x32xf32, #tpu.memory_space<vmem>>)
      %dma_start3A_213 = arith.constant 6 : i32
      %dma_start3A_214 = arith.constant 0 : i32
      %dma_start3A_215 = tpu.memref_slice %arg9[%dma_start3A_213, %dma_start3A_214] : memref<10x128xi32, #tpu.memory_space<vmem>> -> memref<1x128xi32, #tpu.memory_space<vmem>>
      %dma_start3A_216 = tpu.memref_squeeze %dma_start3A_215 : memref<1x128xi32, #tpu.memory_space<vmem>> -> memref<128xi32, #tpu.memory_space<vmem>>
      %dma_start3A_217 = arith.constant 0 : i32
      %dma_start3A_218 = arith.constant 0 : i32
      %dma_start3A_219 = tpu.memref_slice %arg10[%dma_start3A_217, %dma_start3A_218] : memref<10112x32xf32, #tpu.memory_space<vmem_shared>> -> memref<10112x32xf32, #tpu.memory_space<vmem_shared>>
      tpu.enqueue_indirect_dma source(%arg6 : memref<128x32xf32, #tpu.memory_space<vmem>>) target(%dma_start3A_219 : memref<10112x32xf32, #tpu.memory_space<vmem_shared>>) offsets(%dma_start3A_216 : memref<128xi32, #tpu.memory_space<vmem>>) semaphore(%arg13 : memref<!tpu.dma_semaphore, #tpu.memory_space<semaphore_mem>>) {add = true}
      %dma_wait3A_220 = arith.constant 6 : i32
      %dma_wait3A_221 = arith.constant 0 : i32
      %dma_wait3A_222 = tpu.memref_slice %arg9[%dma_wait3A_220, %dma_wait3A_221] : memref<10x128xi32, #tpu.memory_space<vmem>> -> memref<1x128xi32, #tpu.memory_space<vmem>>
      %dma_wait3A_223 = tpu.memref_squeeze %dma_wait3A_222 : memref<1x128xi32, #tpu.memory_space<vmem>> -> memref<128xi32, #tpu.memory_space<vmem>>
      %dma_wait3A_224 = arith.constant 0 : i32
      %dma_wait3A_225 = arith.constant 0 : i32
      %dma_wait3A_226 = tpu.memref_slice %arg10[%dma_wait3A_224, %dma_wait3A_225] : memref<10112x32xf32, #tpu.memory_space<vmem_shared>> -> memref<10112x32xf32, #tpu.memory_space<vmem_shared>>
      tpu.wait_indirect_dma semaphore(%arg13 : memref<!tpu.dma_semaphore, #tpu.memory_space<semaphore_mem>>) src(%arg6 : memref<128x32xf32, #tpu.memory_space<vmem>>) dst(%dma_wait3A_226 : memref<10112x32xf32, #tpu.memory_space<vmem_shared>>)
      %dma_start3A_227 = arith.constant 8 : i32
      %dma_start3A_228 = arith.constant 0 : i32
      %dma_start3A_229 = tpu.memref_slice %arg8[%dma_start3A_227, %dma_start3A_228] : memref<10x128xi32, #tpu.memory_space<vmem>> -> memref<1x128xi32, #tpu.memory_space<vmem>>
      %dma_start3A_230 = tpu.memref_squeeze %dma_start3A_229 : memref<1x128xi32, #tpu.memory_space<vmem>> -> memref<128xi32, #tpu.memory_space<vmem>>
      %dma_start3A_231 = arith.constant 0 : i32
      %dma_start3A_232 = arith.constant 0 : i32
      %dma_start3A_233 = tpu.memref_slice %arg2[%dma_start3A_231, %dma_start3A_232] : memref<10000x32xf32, #tpu.memory_space<hbm>> -> memref<10000x32xf32, #tpu.memory_space<hbm>>
      tpu.enqueue_indirect_dma source(%dma_start3A_233 : memref<10000x32xf32, #tpu.memory_space<hbm>>) target(%arg6 : memref<128x32xf32, #tpu.memory_space<vmem>>) offsets(%dma_start3A_230 : memref<128xi32, #tpu.memory_space<vmem>>) semaphore(%arg11 : memref<!tpu.dma_semaphore, #tpu.memory_space<semaphore_mem>>)
      %dma_wait3A_234 = arith.constant 7 : i32
      %dma_wait3A_235 = arith.constant 0 : i32
      %dma_wait3A_236 = tpu.memref_slice %arg8[%dma_wait3A_234, %dma_wait3A_235] : memref<10x128xi32, #tpu.memory_space<vmem>> -> memref<1x128xi32, #tpu.memory_space<vmem>>
      %dma_wait3A_237 = tpu.memref_squeeze %dma_wait3A_236 : memref<1x128xi32, #tpu.memory_space<vmem>> -> memref<128xi32, #tpu.memory_space<vmem>>
      %dma_wait3A_238 = arith.constant 0 : i32
      %dma_wait3A_239 = arith.constant 0 : i32
      %dma_wait3A_240 = tpu.memref_slice %arg2[%dma_wait3A_238, %dma_wait3A_239] : memref<10000x32xf32, #tpu.memory_space<hbm>> -> memref<10000x32xf32, #tpu.memory_space<hbm>>
      tpu.wait_indirect_dma semaphore(%arg12 : memref<!tpu.dma_semaphore, #tpu.memory_space<semaphore_mem>>) src(%dma_wait3A_240 : memref<10000x32xf32, #tpu.memory_space<hbm>>) dst(%arg7 : memref<128x32xf32, #tpu.memory_space<vmem>>)
      %dma_start3A_241 = arith.constant 7 : i32
      %dma_start3A_242 = arith.constant 0 : i32
      %dma_start3A_243 = tpu.memref_slice %arg9[%dma_start3A_241, %dma_start3A_242] : memref<10x128xi32, #tpu.memory_space<vmem>> -> memref<1x128xi32, #tpu.memory_space<vmem>>
      %dma_start3A_244 = tpu.memref_squeeze %dma_start3A_243 : memref<1x128xi32, #tpu.memory_space<vmem>> -> memref<128xi32, #tpu.memory_space<vmem>>
      %dma_start3A_245 = arith.constant 0 : i32
      %dma_start3A_246 = arith.constant 0 : i32
      %dma_start3A_247 = tpu.memref_slice %arg10[%dma_start3A_245, %dma_start3A_246] : memref<10112x32xf32, #tpu.memory_space<vmem_shared>> -> memref<10112x32xf32, #tpu.memory_space<vmem_shared>>
      tpu.enqueue_indirect_dma source(%arg7 : memref<128x32xf32, #tpu.memory_space<vmem>>) target(%dma_start3A_247 : memref<10112x32xf32, #tpu.memory_space<vmem_shared>>) offsets(%dma_start3A_244 : memref<128xi32, #tpu.memory_space<vmem>>) semaphore(%arg14 : memref<!tpu.dma_semaphore, #tpu.memory_space<semaphore_mem>>) {add = true}
      %dma_wait3A_248 = arith.constant 7 : i32
      %dma_wait3A_249 = arith.constant 0 : i32
      %dma_wait3A_250 = tpu.memref_slice %arg9[%dma_wait3A_248, %dma_wait3A_249] : memref<10x128xi32, #tpu.memory_space<vmem>> -> memref<1x128xi32, #tpu.memory_space<vmem>>
      %dma_wait3A_251 = tpu.memref_squeeze %dma_wait3A_250 : memref<1x128xi32, #tpu.memory_space<vmem>> -> memref<128xi32, #tpu.memory_space<vmem>>
      %dma_wait3A_252 = arith.constant 0 : i32
      %dma_wait3A_253 = arith.constant 0 : i32
      %dma_wait3A_254 = tpu.memref_slice %arg10[%dma_wait3A_252, %dma_wait3A_253] : memref<10112x32xf32, #tpu.memory_space<vmem_shared>> -> memref<10112x32xf32, #tpu.memory_space<vmem_shared>>
      tpu.wait_indirect_dma semaphore(%arg14 : memref<!tpu.dma_semaphore, #tpu.memory_space<semaphore_mem>>) src(%arg7 : memref<128x32xf32, #tpu.memory_space<vmem>>) dst(%dma_wait3A_254 : memref<10112x32xf32, #tpu.memory_space<vmem_shared>>)
      %dma_start3A_255 = arith.constant 9 : i32
      %dma_start3A_256 = arith.constant 0 : i32
      %dma_start3A_257 = tpu.memref_slice %arg8[%dma_start3A_255, %dma_start3A_256] : memref<10x128xi32, #tpu.memory_space<vmem>> -> memref<1x128xi32, #tpu.memory_space<vmem>>
      %dma_start3A_258 = tpu.memref_squeeze %dma_start3A_257 : memref<1x128xi32, #tpu.memory_space<vmem>> -> memref<128xi32, #tpu.memory_space<vmem>>
      %dma_start3A_259 = arith.constant 0 : i32
      %dma_start3A_260 = arith.constant 0 : i32
      %dma_start3A_261 = tpu.memref_slice %arg2[%dma_start3A_259, %dma_start3A_260] : memref<10000x32xf32, #tpu.memory_space<hbm>> -> memref<10000x32xf32, #tpu.memory_space<hbm>>
      tpu.enqueue_indirect_dma source(%dma_start3A_261 : memref<10000x32xf32, #tpu.memory_space<hbm>>) target(%arg7 : memref<128x32xf32, #tpu.memory_space<vmem>>) offsets(%dma_start3A_258 : memref<128xi32, #tpu.memory_space<vmem>>) semaphore(%arg12 : memref<!tpu.dma_semaphore, #tpu.memory_space<semaphore_mem>>)
      %dma_wait3A_262 = arith.constant 8 : i32
      %dma_wait3A_263 = arith.constant 0 : i32
      %dma_wait3A_264 = tpu.memref_slice %arg8[%dma_wait3A_262, %dma_wait3A_263] : memref<10x128xi32, #tpu.memory_space<vmem>> -> memref<1x128xi32, #tpu.memory_space<vmem>>
      %dma_wait3A_265 = tpu.memref_squeeze %dma_wait3A_264 : memref<1x128xi32, #tpu.memory_space<vmem>> -> memref<128xi32, #tpu.memory_space<vmem>>
      %dma_wait3A_266 = arith.constant 0 : i32
      %dma_wait3A_267 = arith.constant 0 : i32
      %dma_wait3A_268 = tpu.memref_slice %arg2[%dma_wait3A_266, %dma_wait3A_267] : memref<10000x32xf32, #tpu.memory_space<hbm>> -> memref<10000x32xf32, #tpu.memory_space<hbm>>
      tpu.wait_indirect_dma semaphore(%arg11 : memref<!tpu.dma_semaphore, #tpu.memory_space<semaphore_mem>>) src(%dma_wait3A_268 : memref<10000x32xf32, #tpu.memory_space<hbm>>) dst(%arg6 : memref<128x32xf32, #tpu.memory_space<vmem>>)
      %dma_start3A_269 = arith.constant 8 : i32
      %dma_start3A_270 = arith.constant 0 : i32
      %dma_start3A_271 = tpu.memref_slice %arg9[%dma_start3A_269, %dma_start3A_270] : memref<10x128xi32, #tpu.memory_space<vmem>> -> memref<1x128xi32, #tpu.memory_space<vmem>>
      %dma_start3A_272 = tpu.memref_squeeze %dma_start3A_271 : memref<1x128xi32, #tpu.memory_space<vmem>> -> memref<128xi32, #tpu.memory_space<vmem>>
      %dma_start3A_273 = arith.constant 0 : i32
      %dma_start3A_274 = arith.constant 0 : i32
      %dma_start3A_275 = tpu.memref_slice %arg10[%dma_start3A_273, %dma_start3A_274] : memref<10112x32xf32, #tpu.memory_space<vmem_shared>> -> memref<10112x32xf32, #tpu.memory_space<vmem_shared>>
      tpu.enqueue_indirect_dma source(%arg6 : memref<128x32xf32, #tpu.memory_space<vmem>>) target(%dma_start3A_275 : memref<10112x32xf32, #tpu.memory_space<vmem_shared>>) offsets(%dma_start3A_272 : memref<128xi32, #tpu.memory_space<vmem>>) semaphore(%arg13 : memref<!tpu.dma_semaphore, #tpu.memory_space<semaphore_mem>>) {add = true}
      %dma_wait3A_276 = arith.constant 9 : i32
      %dma_wait3A_277 = arith.constant 0 : i32
      %dma_wait3A_278 = tpu.memref_slice %arg8[%dma_wait3A_276, %dma_wait3A_277] : memref<10x128xi32, #tpu.memory_space<vmem>> -> memref<1x128xi32, #tpu.memory_space<vmem>>
      %dma_wait3A_279 = tpu.memref_squeeze %dma_wait3A_278 : memref<1x128xi32, #tpu.memory_space<vmem>> -> memref<128xi32, #tpu.memory_space<vmem>>
      %dma_wait3A_280 = arith.constant 0 : i32
      %dma_wait3A_281 = arith.constant 0 : i32
      %dma_wait3A_282 = tpu.memref_slice %arg2[%dma_wait3A_280, %dma_wait3A_281] : memref<10000x32xf32, #tpu.memory_space<hbm>> -> memref<10000x32xf32, #tpu.memory_space<hbm>>
      tpu.wait_indirect_dma semaphore(%arg12 : memref<!tpu.dma_semaphore, #tpu.memory_space<semaphore_mem>>) src(%dma_wait3A_282 : memref<10000x32xf32, #tpu.memory_space<hbm>>) dst(%arg7 : memref<128x32xf32, #tpu.memory_space<vmem>>)
      %dma_start3A_283 = arith.constant 9 : i32
      %dma_start3A_284 = arith.constant 0 : i32
      %dma_start3A_285 = tpu.memref_slice %arg9[%dma_start3A_283, %dma_start3A_284] : memref<10x128xi32, #tpu.memory_space<vmem>> -> memref<1x128xi32, #tpu.memory_space<vmem>>
      %dma_start3A_286 = tpu.memref_squeeze %dma_start3A_285 : memref<1x128xi32, #tpu.memory_space<vmem>> -> memref<128xi32, #tpu.memory_space<vmem>>
      %dma_start3A_287 = arith.constant 0 : i32
      %dma_start3A_288 = arith.constant 0 : i32
      %dma_start3A_289 = tpu.memref_slice %arg10[%dma_start3A_287, %dma_start3A_288] : memref<10112x32xf32, #tpu.memory_space<vmem_shared>> -> memref<10112x32xf32, #tpu.memory_space<vmem_shared>>
      tpu.enqueue_indirect_dma source(%arg7 : memref<128x32xf32, #tpu.memory_space<vmem>>) target(%dma_start3A_289 : memref<10112x32xf32, #tpu.memory_space<vmem_shared>>) offsets(%dma_start3A_286 : memref<128xi32, #tpu.memory_space<vmem>>) semaphore(%arg14 : memref<!tpu.dma_semaphore, #tpu.memory_space<semaphore_mem>>) {add = true}
      %dma_wait3A_290 = arith.constant 8 : i32
      %dma_wait3A_291 = arith.constant 0 : i32
      %dma_wait3A_292 = tpu.memref_slice %arg9[%dma_wait3A_290, %dma_wait3A_291] : memref<10x128xi32, #tpu.memory_space<vmem>> -> memref<1x128xi32, #tpu.memory_space<vmem>>
      %dma_wait3A_293 = tpu.memref_squeeze %dma_wait3A_292 : memref<1x128xi32, #tpu.memory_space<vmem>> -> memref<128xi32, #tpu.memory_space<vmem>>
      %dma_wait3A_294 = arith.constant 0 : i32
      %dma_wait3A_295 = arith.constant 0 : i32
      %dma_wait3A_296 = tpu.memref_slice %arg10[%dma_wait3A_294, %dma_wait3A_295] : memref<10112x32xf32, #tpu.memory_space<vmem_shared>> -> memref<10112x32xf32, #tpu.memory_space<vmem_shared>>
      tpu.wait_indirect_dma semaphore(%arg13 : memref<!tpu.dma_semaphore, #tpu.memory_space<semaphore_mem>>) src(%arg6 : memref<128x32xf32, #tpu.memory_space<vmem>>) dst(%dma_wait3A_296 : memref<10112x32xf32, #tpu.memory_space<vmem_shared>>)
      %dma_wait3A_297 = arith.constant 9 : i32
      %dma_wait3A_298 = arith.constant 0 : i32
      %dma_wait3A_299 = tpu.memref_slice %arg9[%dma_wait3A_297, %dma_wait3A_298] : memref<10x128xi32, #tpu.memory_space<vmem>> -> memref<1x128xi32, #tpu.memory_space<vmem>>
      %dma_wait3A_300 = tpu.memref_squeeze %dma_wait3A_299 : memref<1x128xi32, #tpu.memory_space<vmem>> -> memref<128xi32, #tpu.memory_space<vmem>>
      %dma_wait3A_301 = arith.constant 0 : i32
      %dma_wait3A_302 = arith.constant 0 : i32
      %dma_wait3A_303 = tpu.memref_slice %arg10[%dma_wait3A_301, %dma_wait3A_302] : memref<10112x32xf32, #tpu.memory_space<vmem_shared>> -> memref<10112x32xf32, #tpu.memory_space<vmem_shared>>
      tpu.wait_indirect_dma semaphore(%arg14 : memref<!tpu.dma_semaphore, #tpu.memory_space<semaphore_mem>>) src(%arg7 : memref<128x32xf32, #tpu.memory_space<vmem>>) dst(%dma_wait3A_303 : memref<10112x32xf32, #tpu.memory_space<vmem_shared>>)
    }
    %barrier3A_16 = arith.constant 0 : index
    tpu.barrier barrier_id(%barrier3A_16)
    %mul3A_17 = arith.constant 632 : i32
    %mul3A_18 = arith.muli %arg1, %mul3A_17 : i32
    %mul3A_19 = arith.constant 632 : i32
    %mul3A_20 = arith.muli %arg1, %mul3A_19 : i32
    "tpu.region"() ({
      %run_scoped3A = tpu.sem_alloc : memref<!tpu.dma_semaphore, #tpu.memory_space<semaphore_mem>>
      %dma_start3A = arith.constant 0 : i32
      %dma_start3A_21 = tpu.memref_slice %arg5[%arg0, %mul3A_20, %dma_start3A] : memref<2x10112x32xf32, #tpu.memory_space<hbm>> -> memref<1x632x32xf32, #tpu.memory_space<hbm>>
      %dma_start3A_22 = tpu.memref_squeeze %dma_start3A_21 : memref<1x632x32xf32, #tpu.memory_space<hbm>> -> memref<632x32xf32, #tpu.memory_space<hbm>>
      %dma_start3A_23 = arith.constant 0 : i32
      %dma_start3A_24 = tpu.memref_slice %arg10[%mul3A_18, %dma_start3A_23] : memref<10112x32xf32, #tpu.memory_space<vmem_shared>> -> memref<632x32xf32, #tpu.memory_space<vmem_shared>>
      tpu.enqueue_dma source(%dma_start3A_24 : memref<632x32xf32, #tpu.memory_space<vmem_shared>>) target(%dma_start3A_22 : memref<632x32xf32, #tpu.memory_space<hbm>>) target_semaphore(%run_scoped3A : memref<!tpu.dma_semaphore, #tpu.memory_space<semaphore_mem>>)
      %dma_wait3A = arith.constant 0 : i32
      %dma_wait3A_25 = tpu.memref_slice %arg5[%arg0, %mul3A_20, %dma_wait3A] : memref<2x10112x32xf32, #tpu.memory_space<hbm>> -> memref<1x632x32xf32, #tpu.memory_space<hbm>>
      %dma_wait3A_26 = tpu.memref_squeeze %dma_wait3A_25 : memref<1x632x32xf32, #tpu.memory_space<hbm>> -> memref<632x32xf32, #tpu.memory_space<hbm>>
      %dma_wait3A_27 = arith.constant 0 : i32
      %dma_wait3A_28 = tpu.memref_slice %arg10[%mul3A_18, %dma_wait3A_27] : memref<10112x32xf32, #tpu.memory_space<vmem_shared>> -> memref<632x32xf32, #tpu.memory_space<vmem_shared>>
      tpu.wait_dma2 semaphore(%run_scoped3A : memref<!tpu.dma_semaphore, #tpu.memory_space<semaphore_mem>>) src(%dma_wait3A_28 : memref<632x32xf32, #tpu.memory_space<vmem_shared>>) dst(%dma_wait3A_26 : memref<632x32xf32, #tpu.memory_space<hbm>>)
      tpu.yield
    }) : () -> ()
    return
  }
}

module attributes {stable_mosaic.version = 14 : i64} {
  func.func @body(%arg0: i32, %arg1: memref<2x1000x128xf32, #tpu.memory_space<vmem>>, %arg2: memref<2x1000x16xf32, #tpu.memory_space<vmem>>, %arg3: memref<1000x128xf32, #tpu.memory_space<vmem>>, %arg4: memref<128x128xf32, #tpu.memory_space<vmem>>, %arg5: memref<128x128xf32, #tpu.memory_space<vmem>>, %arg6: memref<1x128xf32, #tpu.memory_space<vmem>>, %arg7: memref<1000x128xf32, #tpu.memory_space<vmem>>, %arg8: memref<1000x16xf32, #tpu.memory_space<vmem>>) attributes {dimension_semantics = [#tpu.dimension_semantics<arbitrary>], iteration_bounds = array<i64: 10>, scalar_prefetch = 0 : i64, scratch_operands = 0 : i64, tpu.core_type = #tpu.core_type<tc>, window_params = [{transform_indices = @transform_0, window_bounds = array<i64: 2, 1000, 128>}, {transform_indices = @transform_1, window_bounds = array<i64: 2, 1000, 16>}, {transform_indices = @transform_2, window_bounds = array<i64: 1000, 128>}, {pipeline_mode = #tpu.pipeline_mode<synchronous>, transform_indices = @transform_3, window_bounds = array<i64: 128, 128>}, {pipeline_mode = #tpu.pipeline_mode<synchronous>, transform_indices = @transform_4, window_bounds = array<i64: 128, 128>}, {pipeline_mode = #tpu.pipeline_mode<synchronous>, transform_indices = @transform_5, window_bounds = array<i64: 1, 128>}, {transform_indices = @transform_6, window_bounds = array<i64: 1000, 128>}, {transform_indices = @transform_7, window_bounds = array<i64: 1000, 16>}]} {
    %get3A = arith.constant 0 : index
    %get3A_0 = arith.constant 0 : index
    %get3A_1 = arith.constant 0 : index
    %get3A_2 = vector.load %arg2[%get3A, %get3A_0, %get3A_1] : memref<2x1000x16xf32, #tpu.memory_space<vmem>>, vector<1x1000x16xf32>
    %get3A_3 = vector.shape_cast %get3A_2 : vector<1x1000x16xf32> to vector<1000x16xf32>
    %slice3A = vector.extract_strided_slice %get3A_3 {offsets = [0, 0], sizes = [1000, 1], strides = [1, 1]} : vector<1000x16xf32> to vector<1000x1xf32>
    %get3A_4 = arith.constant 1 : index
    %get3A_5 = arith.constant 0 : index
    %get3A_6 = arith.constant 0 : index
    %get3A_7 = vector.load %arg2[%get3A_4, %get3A_5, %get3A_6] : memref<2x1000x16xf32, #tpu.memory_space<vmem>>, vector<1x1000x16xf32>
    %get3A_8 = vector.shape_cast %get3A_7 : vector<1x1000x16xf32> to vector<1000x16xf32>
    %slice3A_9 = vector.extract_strided_slice %get3A_8 {offsets = [0, 0], sizes = [1000, 1], strides = [1, 1]} : vector<1000x16xf32> to vector<1000x1xf32>
    %add3A = arith.addf %slice3A, %slice3A_9 : vector<1000x1xf32>
    %max3A = arith.constant 1.000000e+00 : f32
    %max3A_10 = vector.broadcast %max3A : f32 to vector<1000x1xf32>
    %max3A_11 = arith.maximumf %add3A, %max3A_10 : vector<1000x1xf32>
    %get3A_12 = arith.constant 0 : index
    %get3A_13 = arith.constant 0 : index
    %get3A_14 = arith.constant 0 : index
    %get3A_15 = vector.load %arg1[%get3A_12, %get3A_13, %get3A_14] : memref<2x1000x128xf32, #tpu.memory_space<vmem>>, vector<1x1000x128xf32>
    %get3A_16 = vector.shape_cast %get3A_15 : vector<1x1000x128xf32> to vector<1000x128xf32>
    %get3A_17 = arith.constant 1 : index
    %get3A_18 = arith.constant 0 : index
    %get3A_19 = arith.constant 0 : index
    %get3A_20 = vector.load %arg1[%get3A_17, %get3A_18, %get3A_19] : memref<2x1000x128xf32, #tpu.memory_space<vmem>>, vector<1x1000x128xf32>
    %get3A_21 = vector.shape_cast %get3A_20 : vector<1x1000x128xf32> to vector<1000x128xf32>
    %add3A_22 = arith.addf %get3A_16, %get3A_21 : vector<1000x128xf32>
    %div3A = vector.broadcast %max3A_11 : vector<1000x1xf32> to vector<1000x128xf32>
    %div3A_23 = arith.divf %add3A_22, %div3A : vector<1000x128xf32>
    %get3A_24 = arith.constant 0 : index
    %get3A_25 = arith.constant 0 : index
    %get3A_26 = vector.load %arg4[%get3A_24, %get3A_25] : memref<128x128xf32, #tpu.memory_space<vmem>>, vector<128x128xf32>
    %dot_general3A = arith.constant dense<0.000000e+00> : vector<1000x128xf32>
    %dot_general3A_27 = tpu.matmul %div3A_23, %get3A_26, %dot_general3A {dimension_numbers = #tpu.dot_dimension_numbers<[1], [0], [0], [1], [0, 0, 1, 1], [], []>, transpose_lhs_hint = false} : vector<1000x128xf32>, vector<128x128xf32>, vector<1000x128xf32> -> vector<1000x128xf32>
    %get3A_28 = arith.constant 0 : index
    %get3A_29 = arith.constant 0 : index
    %get3A_30 = vector.load %arg6[%get3A_28, %get3A_29] : memref<1x128xf32, #tpu.memory_space<vmem>>, vector<1x128xf32>
    %add3A_31 = vector.broadcast %get3A_30 : vector<1x128xf32> to vector<1000x128xf32>
    %add3A_32 = arith.addf %dot_general3A_27, %add3A_31 : vector<1000x128xf32>
    %get3A_33 = arith.constant 0 : index
    %get3A_34 = arith.constant 0 : index
    %get3A_35 = vector.load %arg3[%get3A_33, %get3A_34] : memref<1000x128xf32, #tpu.memory_space<vmem>>, vector<1000x128xf32>
    %get3A_36 = arith.constant 0 : index
    %get3A_37 = arith.constant 0 : index
    %get3A_38 = vector.load %arg5[%get3A_36, %get3A_37] : memref<128x128xf32, #tpu.memory_space<vmem>>, vector<128x128xf32>
    %dot_general3A_39 = arith.constant dense<0.000000e+00> : vector<1000x128xf32>
    %dot_general3A_40 = tpu.matmul %get3A_35, %get3A_38, %dot_general3A_39 {dimension_numbers = #tpu.dot_dimension_numbers<[1], [0], [0], [1], [0, 0, 1, 1], [], []>, transpose_lhs_hint = false} : vector<1000x128xf32>, vector<128x128xf32>, vector<1000x128xf32> -> vector<1000x128xf32>
    %add3A_41 = arith.addf %add3A_32, %dot_general3A_40 : vector<1000x128xf32>
    %max3A_42 = arith.constant 0.000000e+00 : f32
    %max3A_43 = vector.broadcast %max3A_42 : f32 to vector<1000x128xf32>
    %max3A_44 = arith.maximumf %add3A_41, %max3A_43 : vector<1000x128xf32>
    %swap3A = arith.constant 0 : index
    %swap3A_45 = arith.constant 0 : index
    %swap3A_46 = vector.load %arg7[%swap3A, %swap3A_45] : memref<1000x128xf32, #tpu.memory_space<vmem>>, vector<1000x128xf32>
    tpu.vector_store %arg7[%swap3A, %swap3A_45], %max3A_44 {strides = array<i32>} : memref<1000x128xf32, #tpu.memory_space<vmem>>, vector<1000x128xf32>,
    %div3A_47 = arith.constant 1.000000e+00 : f32
    %div3A_48 = vector.broadcast %div3A_47 : f32 to vector<1000x1xf32>
    %div3A_49 = arith.divf %div3A_48, %max3A_11 : vector<1000x1xf32>
    %broadcast_in_dim3A = vector.shape_cast %div3A_49 : vector<1000x1xf32> to vector<1000x1xf32>
    %broadcast_in_dim3A_50 = vector.broadcast %broadcast_in_dim3A : vector<1000x1xf32> to vector<1000x16xf32>
    %swap3A_51 = arith.constant 0 : index
    %swap3A_52 = arith.constant 0 : index
    %swap3A_53 = vector.load %arg8[%swap3A_51, %swap3A_52] : memref<1000x16xf32, #tpu.memory_space<vmem>>, vector<1000x16xf32>
    tpu.vector_store %arg8[%swap3A_51, %swap3A_52], %broadcast_in_dim3A_50 {strides = array<i32>} : memref<1000x16xf32, #tpu.memory_space<vmem>>, vector<1000x16xf32>,
    return
  }
  func.func @transform_0(%arg0: i32) -> (i32, i32, i32) {
    %c0_i32 = arith.constant 0 : i32
    %c0_i32_0 = arith.constant 0 : i32
    %c0_i32_1 = arith.constant 0 : i32
    return %c0_i32, %arg0, %c0_i32_0 : i32, i32, i32
  }
  func.func @transform_1(%arg0: i32) -> (i32, i32, i32) {
    %c0_i32 = arith.constant 0 : i32
    %c0_i32_0 = arith.constant 0 : i32
    %c0_i32_1 = arith.constant 0 : i32
    return %c0_i32, %arg0, %c0_i32_0 : i32, i32, i32
  }
  func.func @transform_2(%arg0: i32) -> (i32, i32) {
    %c0_i32 = arith.constant 0 : i32
    %c0_i32_0 = arith.constant 0 : i32
    return %arg0, %c0_i32 : i32, i32
  }
  func.func @transform_3(%arg0: i32) -> (i32, i32) {
    %c0_i32 = arith.constant 0 : i32
    %c0_i32_0 = arith.constant 0 : i32
    %c0_i32_1 = arith.constant 0 : i32
    return %c0_i32, %c0_i32_0 : i32, i32
  }
  func.func @transform_4(%arg0: i32) -> (i32, i32) {
    %c0_i32 = arith.constant 0 : i32
    %c0_i32_0 = arith.constant 0 : i32
    %c0_i32_1 = arith.constant 0 : i32
    return %c0_i32, %c0_i32_0 : i32, i32
  }
  func.func @transform_5(%arg0: i32) -> (i32, i32) {
    %c0_i32 = arith.constant 0 : i32
    %c0_i32_0 = arith.constant 0 : i32
    %c0_i32_1 = arith.constant 0 : i32
    return %c0_i32, %c0_i32_0 : i32, i32
  }
  func.func @transform_6(%arg0: i32) -> (i32, i32) {
    %c0_i32 = arith.constant 0 : i32
    %c0_i32_0 = arith.constant 0 : i32
    return %arg0, %c0_i32 : i32, i32
  }
  func.func @transform_7(%arg0: i32) -> (i32, i32) {
    %c0_i32 = arith.constant 0 : i32
    %c0_i32_0 = arith.constant 0 : i32
    return %arg0, %c0_i32 : i32, i32
  }
}

module attributes {stable_mosaic.version = 14 : i64} {
  func.func @body(%arg0: i32, %arg1: memref<2x1000x128xf32, #tpu.memory_space<vmem>>, %arg2: memref<1000x16xf32, #tpu.memory_space<vmem>>, %arg3: memref<1000x128xf32, #tpu.memory_space<vmem>>, %arg4: memref<128x128xf32, #tpu.memory_space<vmem>>, %arg5: memref<128x128xf32, #tpu.memory_space<vmem>>, %arg6: memref<1x128xf32, #tpu.memory_space<vmem>>, %arg7: memref<128x32xf32, #tpu.memory_space<vmem>>, %arg8: memref<128x32xf32, #tpu.memory_space<vmem>>, %arg9: memref<1x32xf32, #tpu.memory_space<vmem>>, %arg10: memref<1000x32xf32, #tpu.memory_space<vmem>>, %arg11: memref<1000x32xf32, #tpu.memory_space<vmem>>) attributes {dimension_semantics = [#tpu.dimension_semantics<arbitrary>], iteration_bounds = array<i64: 10>, scalar_prefetch = 0 : i64, scratch_operands = 0 : i64, tpu.core_type = #tpu.core_type<tc>, window_params = [{transform_indices = @transform_0, window_bounds = array<i64: 2, 1000, 128>}, {transform_indices = @transform_1, window_bounds = array<i64: 1000, 16>}, {transform_indices = @transform_2, window_bounds = array<i64: 1000, 128>}, {pipeline_mode = #tpu.pipeline_mode<synchronous>, transform_indices = @transform_3, window_bounds = array<i64: 128, 128>}, {pipeline_mode = #tpu.pipeline_mode<synchronous>, transform_indices = @transform_4, window_bounds = array<i64: 128, 128>}, {pipeline_mode = #tpu.pipeline_mode<synchronous>, transform_indices = @transform_5, window_bounds = array<i64: 1, 128>}, {pipeline_mode = #tpu.pipeline_mode<synchronous>, transform_indices = @transform_6, window_bounds = array<i64: 128, 32>}, {pipeline_mode = #tpu.pipeline_mode<synchronous>, transform_indices = @transform_7, window_bounds = array<i64: 128, 32>}, {pipeline_mode = #tpu.pipeline_mode<synchronous>, transform_indices = @transform_8, window_bounds = array<i64: 1, 32>}, {transform_indices = @transform_9, window_bounds = array<i64: 1000, 32>}, {transform_indices = @transform_10, window_bounds = array<i64: 1000, 32>}]} {
    %get3A = arith.constant 0 : index
    %get3A_0 = arith.constant 0 : index
    %get3A_1 = arith.constant 0 : index
    %get3A_2 = vector.load %arg1[%get3A, %get3A_0, %get3A_1] : memref<2x1000x128xf32, #tpu.memory_space<vmem>>, vector<1x1000x128xf32>
    %get3A_3 = vector.shape_cast %get3A_2 : vector<1x1000x128xf32> to vector<1000x128xf32>
    %get3A_4 = arith.constant 1 : index
    %get3A_5 = arith.constant 0 : index
    %get3A_6 = arith.constant 0 : index
    %get3A_7 = vector.load %arg1[%get3A_4, %get3A_5, %get3A_6] : memref<2x1000x128xf32, #tpu.memory_space<vmem>>, vector<1x1000x128xf32>
    %get3A_8 = vector.shape_cast %get3A_7 : vector<1x1000x128xf32> to vector<1000x128xf32>
    %add3A = arith.addf %get3A_3, %get3A_8 : vector<1000x128xf32>
    %get3A_9 = arith.constant 0 : index
    %get3A_10 = arith.constant 0 : index
    %get3A_11 = vector.load %arg2[%get3A_9, %get3A_10] : memref<1000x16xf32, #tpu.memory_space<vmem>>, vector<1000x16xf32>
    %slice3A = vector.extract_strided_slice %get3A_11 {offsets = [0, 0], sizes = [1000, 1], strides = [1, 1]} : vector<1000x16xf32> to vector<1000x1xf32>
    %mul3A = vector.broadcast %slice3A : vector<1000x1xf32> to vector<1000x128xf32>
    %mul3A_12 = arith.mulf %add3A, %mul3A : vector<1000x128xf32>
    %get3A_13 = arith.constant 0 : index
    %get3A_14 = arith.constant 0 : index
    %get3A_15 = vector.load %arg4[%get3A_13, %get3A_14] : memref<128x128xf32, #tpu.memory_space<vmem>>, vector<128x128xf32>
    %dot_general3A = arith.constant dense<0.000000e+00> : vector<1000x128xf32>
    %dot_general3A_16 = tpu.matmul %mul3A_12, %get3A_15, %dot_general3A {dimension_numbers = #tpu.dot_dimension_numbers<[1], [0], [0], [1], [0, 0, 1, 1], [], []>, transpose_lhs_hint = false} : vector<1000x128xf32>, vector<128x128xf32>, vector<1000x128xf32> -> vector<1000x128xf32>
    %get3A_17 = arith.constant 0 : index
    %get3A_18 = arith.constant 0 : index
    %get3A_19 = vector.load %arg6[%get3A_17, %get3A_18] : memref<1x128xf32, #tpu.memory_space<vmem>>, vector<1x128xf32>
    %add3A_20 = vector.broadcast %get3A_19 : vector<1x128xf32> to vector<1000x128xf32>
    %add3A_21 = arith.addf %dot_general3A_16, %add3A_20 : vector<1000x128xf32>
    %get3A_22 = arith.constant 0 : index
    %get3A_23 = arith.constant 0 : index
    %get3A_24 = vector.load %arg3[%get3A_22, %get3A_23] : memref<1000x128xf32, #tpu.memory_space<vmem>>, vector<1000x128xf32>
    %get3A_25 = arith.constant 0 : index
    %get3A_26 = arith.constant 0 : index
    %get3A_27 = vector.load %arg5[%get3A_25, %get3A_26] : memref<128x128xf32, #tpu.memory_space<vmem>>, vector<128x128xf32>
    %dot_general3A_28 = arith.constant dense<0.000000e+00> : vector<1000x128xf32>
    %dot_general3A_29 = tpu.matmul %get3A_24, %get3A_27, %dot_general3A_28 {dimension_numbers = #tpu.dot_dimension_numbers<[1], [0], [0], [1], [0, 0, 1, 1], [], []>, transpose_lhs_hint = false} : vector<1000x128xf32>, vector<128x128xf32>, vector<1000x128xf32> -> vector<1000x128xf32>
    %add3A_30 = arith.addf %add3A_21, %dot_general3A_29 : vector<1000x128xf32>
    %max3A = arith.constant 0.000000e+00 : f32
    %max3A_31 = vector.broadcast %max3A : f32 to vector<1000x128xf32>
    %max3A_32 = arith.maximumf %add3A_30, %max3A_31 : vector<1000x128xf32>
    %get3A_33 = arith.constant 0 : index
    %get3A_34 = arith.constant 0 : index
    %get3A_35 = vector.load %arg7[%get3A_33, %get3A_34] : memref<128x32xf32, #tpu.memory_space<vmem>>, vector<128x32xf32>
    %dot_general3A_36 = arith.constant dense<0.000000e+00> : vector<1000x32xf32>
    %dot_general3A_37 = tpu.matmul %max3A_32, %get3A_35, %dot_general3A_36 {dimension_numbers = #tpu.dot_dimension_numbers<[1], [0], [0], [1], [0, 0, 1, 1], [], []>, precision = #tpu.contract_precision<fp32>, transpose_lhs_hint = false} : vector<1000x128xf32>, vector<128x32xf32>, vector<1000x32xf32> -> vector<1000x32xf32>
    %swap3A = arith.constant 0 : index
    %swap3A_38 = arith.constant 0 : index
    %swap3A_39 = vector.load %arg10[%swap3A, %swap3A_38] : memref<1000x32xf32, #tpu.memory_space<vmem>>, vector<1000x32xf32>
    tpu.vector_store %arg10[%swap3A, %swap3A_38], %dot_general3A_37 {strides = array<i32>} : memref<1000x32xf32, #tpu.memory_space<vmem>>, vector<1000x32xf32>,
    %get3A_40 = arith.constant 0 : index
    %get3A_41 = arith.constant 0 : index
    %get3A_42 = vector.load %arg8[%get3A_40, %get3A_41] : memref<128x32xf32, #tpu.memory_space<vmem>>, vector<128x32xf32>
    %dot_general3A_43 = arith.constant dense<0.000000e+00> : vector<1000x32xf32>
    %dot_general3A_44 = tpu.matmul %max3A_32, %get3A_42, %dot_general3A_43 {dimension_numbers = #tpu.dot_dimension_numbers<[1], [0], [0], [1], [0, 0, 1, 1], [], []>, transpose_lhs_hint = false} : vector<1000x128xf32>, vector<128x32xf32>, vector<1000x32xf32> -> vector<1000x32xf32>
    %get3A_45 = arith.constant 0 : index
    %get3A_46 = arith.constant 0 : index
    %get3A_47 = vector.load %arg9[%get3A_45, %get3A_46] : memref<1x32xf32, #tpu.memory_space<vmem>>, vector<1x32xf32>
    %add3A_48 = vector.broadcast %get3A_47 : vector<1x32xf32> to vector<1000x32xf32>
    %add3A_49 = arith.addf %dot_general3A_44, %add3A_48 : vector<1000x32xf32>
    %swap3A_50 = arith.constant 0 : index
    %swap3A_51 = arith.constant 0 : index
    %swap3A_52 = vector.load %arg11[%swap3A_50, %swap3A_51] : memref<1000x32xf32, #tpu.memory_space<vmem>>, vector<1000x32xf32>
    tpu.vector_store %arg11[%swap3A_50, %swap3A_51], %add3A_49 {strides = array<i32>} : memref<1000x32xf32, #tpu.memory_space<vmem>>, vector<1000x32xf32>,
    return
  }
  func.func @transform_0(%arg0: i32) -> (i32, i32, i32) {
    %c0_i32 = arith.constant 0 : i32
    %c0_i32_0 = arith.constant 0 : i32
    %c0_i32_1 = arith.constant 0 : i32
    return %c0_i32, %arg0, %c0_i32_0 : i32, i32, i32
  }
  func.func @transform_1(%arg0: i32) -> (i32, i32) {
    %c0_i32 = arith.constant 0 : i32
    %c0_i32_0 = arith.constant 0 : i32
    return %arg0, %c0_i32 : i32, i32
  }
  func.func @transform_2(%arg0: i32) -> (i32, i32) {
    %c0_i32 = arith.constant 0 : i32
    %c0_i32_0 = arith.constant 0 : i32
    return %arg0, %c0_i32 : i32, i32
  }
  func.func @transform_3(%arg0: i32) -> (i32, i32) {
    %c0_i32 = arith.constant 0 : i32
    %c0_i32_0 = arith.constant 0 : i32
    %c0_i32_1 = arith.constant 0 : i32
    return %c0_i32, %c0_i32_0 : i32, i32
  }
  func.func @transform_4(%arg0: i32) -> (i32, i32) {
    %c0_i32 = arith.constant 0 : i32
    %c0_i32_0 = arith.constant 0 : i32
    %c0_i32_1 = arith.constant 0 : i32
    return %c0_i32, %c0_i32_0 : i32, i32
  }
  func.func @transform_5(%arg0: i32) -> (i32, i32) {
    %c0_i32 = arith.constant 0 : i32
    %c0_i32_0 = arith.constant 0 : i32
    %c0_i32_1 = arith.constant 0 : i32
    return %c0_i32, %c0_i32_0 : i32, i32
  }
  func.func @transform_6(%arg0: i32) -> (i32, i32) {
    %c0_i32 = arith.constant 0 : i32
    %c0_i32_0 = arith.constant 0 : i32
    %c0_i32_1 = arith.constant 0 : i32
    return %c0_i32, %c0_i32_0 : i32, i32
  }
  func.func @transform_7(%arg0: i32) -> (i32, i32) {
    %c0_i32 = arith.constant 0 : i32
    %c0_i32_0 = arith.constant 0 : i32
    %c0_i32_1 = arith.constant 0 : i32
    return %c0_i32, %c0_i32_0 : i32, i32
  }
  func.func @transform_8(%arg0: i32) -> (i32, i32) {
    %c0_i32 = arith.constant 0 : i32
    %c0_i32_0 = arith.constant 0 : i32
    %c0_i32_1 = arith.constant 0 : i32
    return %c0_i32, %c0_i32_0 : i32, i32
  }
  func.func @transform_9(%arg0: i32) -> (i32, i32) {
    %c0_i32 = arith.constant 0 : i32
    %c0_i32_0 = arith.constant 0 : i32
    return %arg0, %c0_i32 : i32, i32
  }
  func.func @transform_10(%arg0: i32) -> (i32, i32) {
    %c0_i32 = arith.constant 0 : i32
    %c0_i32_0 = arith.constant 0 : i32
    return %arg0, %c0_i32 : i32, i32
  }
}

module attributes {stable_mosaic.version = 14 : i64} {
  func.func @body(%arg0: i32, %arg1: memref<2x1000x32xf32, #tpu.memory_space<vmem>>, %arg2: memref<1000x16xf32, #tpu.memory_space<vmem>>, %arg3: memref<1000x32xf32, #tpu.memory_space<vmem>>, %arg4: memref<1x32xf32, #tpu.memory_space<vmem>>, %arg5: memref<1x1xf32, #tpu.memory_space<vmem>>, %arg6: memref<1000x1xf32, #tpu.memory_space<vmem>>) attributes {dimension_semantics = [#tpu.dimension_semantics<arbitrary>], iteration_bounds = array<i64: 10>, scalar_prefetch = 0 : i64, scratch_operands = 0 : i64, tpu.core_type = #tpu.core_type<tc>, window_params = [{transform_indices = @transform_0, window_bounds = array<i64: 2, 1000, 32>}, {transform_indices = @transform_1, window_bounds = array<i64: 1000, 16>}, {transform_indices = @transform_2, window_bounds = array<i64: 1000, 32>}, {pipeline_mode = #tpu.pipeline_mode<synchronous>, transform_indices = @transform_3, window_bounds = array<i64: 1, 32>}, {pipeline_mode = #tpu.pipeline_mode<synchronous>, transform_indices = @transform_4, window_bounds = array<i64: 1, 1>}, {transform_indices = @transform_5, window_bounds = array<i64: 1000, 1>}]} {
    %get3A = arith.constant 0 : index
    %get3A_0 = arith.constant 0 : index
    %get3A_1 = arith.constant 0 : index
    %get3A_2 = vector.load %arg1[%get3A, %get3A_0, %get3A_1] : memref<2x1000x32xf32, #tpu.memory_space<vmem>>, vector<1x1000x32xf32>
    %get3A_3 = vector.shape_cast %get3A_2 : vector<1x1000x32xf32> to vector<1000x32xf32>
    %get3A_4 = arith.constant 1 : index
    %get3A_5 = arith.constant 0 : index
    %get3A_6 = arith.constant 0 : index
    %get3A_7 = vector.load %arg1[%get3A_4, %get3A_5, %get3A_6] : memref<2x1000x32xf32, #tpu.memory_space<vmem>>, vector<1x1000x32xf32>
    %get3A_8 = vector.shape_cast %get3A_7 : vector<1x1000x32xf32> to vector<1000x32xf32>
    %add3A = arith.addf %get3A_3, %get3A_8 : vector<1000x32xf32>
    %get3A_9 = arith.constant 0 : index
    %get3A_10 = arith.constant 0 : index
    %get3A_11 = vector.load %arg2[%get3A_9, %get3A_10] : memref<1000x16xf32, #tpu.memory_space<vmem>>, vector<1000x16xf32>
    %slice3A = vector.extract_strided_slice %get3A_11 {offsets = [0, 0], sizes = [1000, 1], strides = [1, 1]} : vector<1000x16xf32> to vector<1000x1xf32>
    %mul3A = vector.broadcast %slice3A : vector<1000x1xf32> to vector<1000x32xf32>
    %mul3A_12 = arith.mulf %add3A, %mul3A : vector<1000x32xf32>
    %get3A_13 = arith.constant 0 : index
    %get3A_14 = arith.constant 0 : index
    %get3A_15 = vector.load %arg3[%get3A_13, %get3A_14] : memref<1000x32xf32, #tpu.memory_space<vmem>>, vector<1000x32xf32>
    %add3A_16 = arith.addf %mul3A_12, %get3A_15 : vector<1000x32xf32>
    %max3A = arith.constant 0.000000e+00 : f32
    %max3A_17 = vector.broadcast %max3A : f32 to vector<1000x32xf32>
    %max3A_18 = arith.maximumf %add3A_16, %max3A_17 : vector<1000x32xf32>
    %convert_element_type3A = arith.truncf %max3A_18 : vector<1000x32xf32> to vector<1000x32xbf16>
    %convert_element_type3A_19 = arith.extf %convert_element_type3A : vector<1000x32xbf16> to vector<1000x32xf32>
    %get3A_20 = arith.constant 0 : index
    %get3A_21 = arith.constant 0 : index
    %get3A_22 = vector.load %arg4[%get3A_20, %get3A_21] : memref<1x32xf32, #tpu.memory_space<vmem>>, vector<1x32xf32>
    %convert_element_type3A_23 = arith.truncf %get3A_22 : vector<1x32xf32> to vector<1x32xbf16>
    %convert_element_type3A_24 = arith.extf %convert_element_type3A_23 : vector<1x32xbf16> to vector<1x32xf32>
    %mul3A_25 = vector.broadcast %convert_element_type3A_24 : vector<1x32xf32> to vector<1000x32xf32>
    %mul3A_26 = arith.mulf %convert_element_type3A_19, %mul3A_25 : vector<1000x32xf32>
    %reduce_sum3A = arith.constant dense<0.000000e+00> : vector<1000xf32>
    %reduce_sum3A_27 = vector.multi_reduction <add>, %mul3A_26, %reduce_sum3A [1] : vector<1000x32xf32> to vector<1000xf32>
    %broadcast_in_dim3A = vector.shape_cast %reduce_sum3A_27 : vector<1000xf32> to vector<1000x1xf32>
    %get3A_28 = arith.constant 0 : index
    %get3A_29 = arith.constant 0 : index
    %get3A_30 = vector.load %arg5[%get3A_28, %get3A_29] : memref<1x1xf32, #tpu.memory_space<vmem>>, vector<1x1xf32>
    %add3A_31 = vector.broadcast %get3A_30 : vector<1x1xf32> to vector<1000x1xf32>
    %add3A_32 = arith.addf %broadcast_in_dim3A, %add3A_31 : vector<1000x1xf32>
    %swap3A = arith.constant 0 : index
    %swap3A_33 = arith.constant 0 : index
    %swap3A_34 = vector.load %arg6[%swap3A, %swap3A_33] : memref<1000x1xf32, #tpu.memory_space<vmem>>, vector<1000x1xf32>
    tpu.vector_store %arg6[%swap3A, %swap3A_33], %add3A_32 {strides = array<i32>} : memref<1000x1xf32, #tpu.memory_space<vmem>>, vector<1000x1xf32>,
    return
  }
  func.func @transform_0(%arg0: i32) -> (i32, i32, i32) {
    %c0_i32 = arith.constant 0 : i32
    %c0_i32_0 = arith.constant 0 : i32
    %c0_i32_1 = arith.constant 0 : i32
    return %c0_i32, %arg0, %c0_i32_0 : i32, i32, i32
  }
  func.func @transform_1(%arg0: i32) -> (i32, i32) {
    %c0_i32 = arith.constant 0 : i32
    %c0_i32_0 = arith.constant 0 : i32
    return %arg0, %c0_i32 : i32, i32
  }
  func.func @transform_2(%arg0: i32) -> (i32, i32) {
    %c0_i32 = arith.constant 0 : i32
    %c0_i32_0 = arith.constant 0 : i32
    return %arg0, %c0_i32 : i32, i32
  }
  func.func @transform_3(%arg0: i32) -> (i32, i32) {
    %c0_i32 = arith.constant 0 : i32
    %c0_i32_0 = arith.constant 0 : i32
    %c0_i32_1 = arith.constant 0 : i32
    return %c0_i32, %c0_i32_0 : i32, i32
  }
  func.func @transform_4(%arg0: i32) -> (i32, i32) {
    %c0_i32 = arith.constant 0 : i32
    %c0_i32_0 = arith.constant 0 : i32
    %c0_i32_1 = arith.constant 0 : i32
    return %c0_i32, %c0_i32_0 : i32, i32
  }
  func.func @transform_5(%arg0: i32) -> (i32, i32) {
    %c0_i32 = arith.constant 0 : i32
    %c0_i32_0 = arith.constant 0 : i32
    return %arg0, %c0_i32 : i32, i32
  }
}

</mosaic_0001>

<sc_bundles>
// kernel: kernel.11.cloned.1.call-start
scs
__scs_entry_jumppad:
0x0: {  	(pc) =	sbr.rel $0x88, $3  }
0x1: {  	(tag) =	ssettag $0x0;
	lr =	simm.s32 $0x1  }
0x2: {  	[smem:$0x3F94] =	sst lr;
	_ =	strace $0xD0000000  }
0x3: {  	_ = 	snop  }
0x4: {  	_ = 	snop  }
0x5: {  	_ = 	snop  }
0x6: {  	_ = 	snop  }
0x7: {  	_ = 	snop  }
__scs_overlays_trampoline_lowered:
0x8: {  	[smem:$0x3FA3] =	sst s0  }
0x9: {  	[smem:$0x3FA4] =	sst s1  }
0xa: {  	[smem:$0x3FA5] =	sst s2  }
0xb: {  	[smem:$0x3FA6] =	sst s3  }
0xc: {  	[smem:$0x3FA7] =	sst s4  }
0xd: {  	[smem:$0x3FA8] =	sst s5  }
0xe: {  	[smem:$0x3FA9] =	sst s6  }
0xf: {  	[smem:$0x3FAA] =	sst s7  }
0x10: {  	[smem:$0x3FAB] =	sst s8  }
0x11: {  	[smem:$0x3FAC] =	sst s9;
	s0 =	simm.s32 @!p0 $0x0  }
0x12: {  	s1 =	sld [smem:$0x3F92];
	s0 =	simm.s32 @p0 $0x1  }
0x13: {  	[smem:$0x3FAD] =	sst s0;
	s0 =	simm.s32 @!p1 $0x0  }
0x14: {  	s2 =	sld [smem:$0x3F91];
	s0 =	simm.s32 @p1 $0x1  }
0x15: {  	[smem:$0x3FAE] =	sst s0;
	s0 =	simm.s32 @!p2 $0x0  }
0x16: {  	s3 =	sld [smem:$0x3FDB];
	s0 =	simm.s32 @p2 $0x1  }
0x17: {  	s4 =	simm.s32 $0x1BF5;
	[smem:$0x3FB0] =	sst s0  }
0x18: {  	s0 =	sld [smem:$0x3F93];
	_ =	swait.ge [sflag:s4], $0x0  }
0x19: {  	s7 =	sld [smem:$0x3F94]  }
0x1a: {  	s8 =	sadd.s32 $0xFFFFE003, lr  }
0x1b: {  	s9 =	sadd.s32 $0xFFFFFEF7, lr;
	s5 =	simm.s32 $0xFFFFFFFF;
	p2 =	slt.u32 s8, $0xFFFFF086  }
0x1c: {  	p1 =	slt.u32 s9, $0xF7A;
	s5 =	simm.s32 @!p2 $0x0  }
0x1d: {  	s5 =	simm.s32 @p1 $0x1;
	p0 =	seq.s32 s7, s2  }
0x1e: {  	s7 =	smul.u32 @!p0 $0xF7A, s2;
	p2 =	seq.s32 @!p0 s5, $0x0  }
0x1f: {  	s9 =	smul.u32 $0xF7A, s1;
	s8 =	simm.s32 @!p0 $0x1BF5;
	p2 =	por !p2, p0  }
0x20: {  	[sflag:s8] =	ssyncset.s32 @!p0 $0xFFFFF086;
	s6 =	sadd.s32 @!p0 s3, s7;
	s7 =	simm.s32 @!p0 $0x108  }
0x21: {  	s3 =	sadd.s32 s3, s9;
	s6 =	sadd.s32 @!p0 $0x88, s6;
	s7 =	simm.s32 @p2 $0x1082  }
0x22: {  	[simem:s7], [sflag:s8] =	dma.local @!p0 [hbm:s6], $0xF7A  }
0x23: {  	s9 =	sor.u32 $0xD0000000, s2;
	s6 =	simm.s32 $0x108;
	_ =	swait.ge @!p0 [sflag:s8], $0x0  }
0x24: {  	s3 =	sadd.s32 $0x88, s3;
	s6 =	simm.s32 @!p1 $0x1082;
	[sflag:s4] =	ssyncset.s32 $0xFFFFF086  }
0x25: {  	[simem:s6], [sflag:s4] =	dma.local [hbm:s3], $0xF7A  }
0x26: {  	[smem:$0x3F94] =	sst s1;
	(tag) =	ssettag s2;
	_ =	strace s9  }
0x27: {  	s1 =	sld [smem:$0x3FA4]  }
0x28: {  	s2 =	sld [smem:$0x3FA5]  }
0x29: {  	s4 =	sld [smem:$0x3FA7]  }
0x2a: {  	p0 =	seq.s32 s5, $0x0;
	s5 =	sld [smem:$0x3FA8]  }
0x2b: {  	s6 =	sld [smem:$0x3FA9]  }
0x2c: {  	s7 =	sld [smem:$0x3FAA]  }
0x2d: {  	s3 =	simm.s32 $0x108;
	s8 =	sld [smem:$0x3FAB]  }
0x2e: {  	s3 =	simm.s32 @!p0 $0x1082;
	s9 =	sld [smem:$0x3FAC]  }
0x2f: {  	lr =	sadd.s32 s0, s3;
	s0 =	sld [smem:$0x3FA3]  }
0x30: {  	s3 =	sld [smem:$0x3FA6]  }
0x31: {  	[smem:$0x3FAF] =	sst s10  }
0x32: {  	s10 =	sld [smem:$0x3FAD];
	_ =	sdelay $0x3  }
0x33: {  	p0 =	seq.s32 s10, $0x1;
	s10 =	sld [smem:$0x3FAF];
	_ =	sdelay $0x3  }
0x34: {  	[smem:$0x3FAF] =	sst s10  }
0x35: {  	s10 =	sld [smem:$0x3FAE];
	_ =	sdelay $0x3  }
0x36: {  	p1 =	seq.s32 s10, $0x1;
	s10 =	sld [smem:$0x3FAF];
	_ =	sdelay $0x3  }
0x37: {  	[smem:$0x3FAF] =	sst s10  }
0x38: {  	s10 =	sld [smem:$0x3FB0]  }
0x39: {  	_ = 	snop;
	(pc) =	sbr.ind lr, $3  }
0x3a: {  	_ = 	snop  }
0x3b: {  	_ = 	snop  }
0x3c: {  	p2 =	seq.s32 s10, $0x1;
	s10 =	sld [smem:$0x3FAF]  }
0x3d: {  	_ =	shalt  }
0x3e: {  	_ =	shalt  }
0x3f: {  	_ =	shalt  }
0x40: {  	_ =	shalt  }
0x41: {  	_ =	shalt  }
0x42: {  	_ =	shalt  }
0x43: {  	_ =	shalt  }
0x44: {  	_ =	shalt  }
0x45: {  	_ =	shalt  }
0x46: {  	_ =	shalt  }
0x47: {  	_ =	shalt  }
0x48: {  	_ =	shalt  }
0x49: {  	_ =	shalt  }
0x4a: {  	_ =	shalt  }
0x4b: {  	_ =	shalt  }
0x4c: {  	_ =	shalt  }
0x4d: {  	_ =	shalt  }
0x4e: {  	_ =	shalt  }
0x4f: {  	_ =	shalt  }
0x50: {  	_ =	shalt  }
0x51: {  	_ =	shalt  }
0x52: {  	_ =	shalt  }
0x53: {  	_ =	shalt  }
0x54: {  	_ =	shalt  }
0x55: {  	_ =	shalt  }
0x56: {  	_ =	shalt  }
0x57: {  	_ =	shalt  }
0x58: {  	_ =	shalt  }
0x59: {  	_ =	shalt  }
0x5a: {  	_ =	shalt  }
0x5b: {  	_ =	shalt  }
0x5c: {  	_ =	shalt  }
0x5d: {  	_ =	shalt  }
0x5e: {  	_ =	shalt  }
0x5f: {  	_ =	shalt  }
0x60: {  	_ =	shalt  }
0x61: {  	_ =	shalt  }
0x62: {  	_ =	shalt  }
0x63: {  	_ =	shalt  }
0x64: {  	_ =	shalt  }
0x65: {  	_ =	shalt  }
0x66: {  	_ =	shalt  }
0x67: {  	_ =	shalt  }
0x68: {  	_ =	shalt  }
0x69: {  	_ =	shalt  }
0x6a: {  	_ =	shalt  }
0x6b: {  	_ =	shalt  }
0x6c: {  	_ =	shalt  }
0x6d: {  	_ =	shalt  }
0x6e: {  	_ =	shalt  }
0x6f: {  	_ =	shalt  }
0x70: {  	_ =	shalt  }
0x71: {  	_ =	shalt  }
0x72: {  	_ =	shalt  }
0x73: {  	_ =	shalt  }
0x74: {  	_ =	shalt  }
0x75: {  	_ =	shalt  }
0x76: {  	_ =	shalt  }
0x77: {  	_ =	shalt  }
0x78: {  	_ =	shalt  }
0x79: {  	_ =	shalt  }
0x7a: {  	_ =	shalt  }
0x7b: {  	_ =	shalt  }
0x7c: {  	_ =	shalt  }
0x7d: {  	_ =	shalt  }
0x7e: {  	_ =	shalt  }
0x7f: {  	_ =	shalt  }
0x80: {  	_ =	shalt  }
0x81: {  	_ =	shalt  }
0x82: {  	_ =	shalt  }
0x83: {  	_ =	shalt  }
0x84: {  	_ =	shalt  }
0x85: {  	_ =	shalt  }
0x86: {  	_ =	shalt  }
0x87: {  	_ =	shalt  }
.Lfunc_end0:
.L_simem_size_0:
called_computation.1_lowered:
.L_overlay_start_0:
0x88: {  	s2 =	sld [smem:$0x3FD9]  }
0x89: {  	s3 =	sld [smem:$0x3FFE];
	_ =	sdelay $0x1  }
0x8a: {  	s1 =	srdreg.scid  }
0x8b: {  	s0 =	sand.u32 $0x1, s1  }
0x8c: {  	s16 =	sshll.u32 s0, $0xA;
	s2 =	sadd.s32 s3, s2  }
0x8d: {  	s2 =	sadd.s32 s2, s16  }
0x8e: {  	[smem:$0x3FBB] =	sst s2  }
0x8f: {  	_ = 	snop  }
0x90: {  	(tm) =	ssettm $0x1  }
0x91: {  	s17 =	sld [smem:$0x3FFB];
	_ =	sdelay $0x3  }
0x92: {  	_ =	strace s17  }
0x93: {  	s2 =	sld [smem:$0x3FFC];
	_ =	sdelay $0x3  }
0x94: {  	_ =	strace s2  }
0x95: {  	s2 =	sld [smem:$0x3FFD];
	_ =	sdelay $0x3  }
0x96: {  	_ =	strace s2  }
0x97: {  	_ =	strace $0x8FFFFFFF  }
0x98: {  	s18 =	sld [smem:$0x3FDB];
	_ =	sdelay $0x1  }
0x99: {  	s19 =	simm.s32 $_scs_section_size  }
0x9a: {  	s4 =	simm.s32 $_size__tile_overlayer_lowered;
	s5 =	simm.s32 $_tile_overlayer_lowered  }
0x9b: {  	s22 =	simm.s32 $0x1BFF;
	s21 =	sshll.u32 s5, $0x1;
	s2 =	sadd.s32 s19, s18  }
0x9c: {  	s6 =	simm.s32 $0x0;
	s20 =	sshll.u32 s4, $0x1;
	s4 =	sadd.s32 s21, s2  }
0x9d: {  	[timem:s6], [sflag:s22] =	dma.local [hbm:s4], s20  }
0x9e: {  	_ =	swait.ge [sflag:s22], s20  }
0x9f: {  	s3 =	ssub.s32 $0x0, s20;
	[sflag:s22] =	ssyncset.done $0x0  }
0xa0: {  	[sflag:s22] =	ssyncadd.s32 s3;
	_ =	sdelay $0x1  }
0xa1: {  	s23 =	simm.s32 $0x1B8B  }
0xa2: {  	_ =	swait.ge [sflag:s23], $0x1  }
0xa3: {  	[sflag:s23] =	ssyncset.done $0x0  }
0xa4: {  	s25 =	simm.s32 $0x1B8E;
	s24 =	sld [smem:$0x3FFE];
	[sflag:s23] =	ssyncadd.s32 $0xFFFFFFFF  }
0xa5: {  	s26 =	simm.s32 $execute0_lowered;
	[smem:$0x3FD2] =	sst s25  }
0xa6: {  	s4 =	sshll.u32 s26, $0x1;
	_ =	strace $0x80000049;
	[dreg:$0x1] =	wrdreg $0xFFFFFFFF  }
0xa7: {  	s28 =	simm.s32 $_size_execute0_lowered;
	s2 =	sadd.s32 s2, s4;
	[dreg:$0x0] =	wrdreg $0x0  }
0xa8: {  	s4 =	sshll.u32 s28, $0x1;
	[dreg:$0x2] =	wrdreg s2  }
0xa9: {  	[dreg:$0x3] =	wrdreg s4  }
0xaa: {  	[dreg:$0x4] =	wrdreg $0xC0  }
0xab: {  	_ =	task [dreg:s6], $0x5FFFF  }
0xac: {  	[dreg:$0x1] =	wrdreg $0xFFFFFFFF  }
0xad: {  	[dreg:$0x0] =	wrdreg $0x60  }
0xae: {  	[dreg:$0x2] =	wrdreg s24  }
0xaf: {  	[dreg:$0x3] =	wrdreg $0x8A000  }
0xb0: {  	[dreg:$0x4] =	wrdreg $0x9  }
0xb1: {  	_ =	task.clear_ibuf [dreg:s6], $0x5FFFF;
	_ =	strace $0x90000049  }
0xb2: {  	s29 =	simm.s32 $0x9;
	_ =	strace $0x8000004B  }
0xb3: {  	_ =	swait.ge [sflag:s29], $0x1  }
0xb4: {  	[sflag:s29] =	ssyncadd.s32 $0xFFFFFFFF  }
0xb5: {  	_ =	strace $0x9000004B  }
0xb6: {  	_ =	sfence  }
0xb7: {  	s30 =	sld [smem:$0x0];
	_ =	sdelay $0x2  }
0xb8: {  	s31 =	sshll.u32 s1, $0xD;
	s1 =	sshrl.u32 s1, $0x2  }
0xb9: {  	s3 =	sand.u32 $0x4000, s31;
	s1 =	sadd.s32 s1, s30  }
0xba: {  	s0 =	sor.u32 s3, s0;
	s1 =	sshll.u32 s1, $0x11  }
0xbb: {  	s0 =	sor.u32 s1, s0  }
0xbc: {  	s0 =	sadd.s32 $0x8F2B, s0  }
0xbd: {  	[sflag:s0] =	ssyncadd.remote.s32 $0x1  }
0xbe: {  	_ =	sfence.sel $0xFFFF  }
0xbf: {  	[dreg:$0x0] =	wrdreg $0xFFFFFFFF;
	(pc) =	sbr.abs _section_cstart, $3  }
0xc0: {  	[dreg:$0x1] =	wrdreg $0xFFFFFFFF  }
0xc1: {  	_ =	task.clear_ibuf [dreg:s6], $0x2FFFF;
	_ =	strace $0x9FFFFFFF  }
0xc2: {  	(tm) =	ssettm $0x7FFFFFFF  }
0xc3: {  	_ =	shalt  }
tec
execute0_lowered:
.L_overlay_start_1:
0x0: {  	(tag) =	ssettag $0x1  }
0x1: {  	s0 =	rddreg [dreg:$0x0]  }
0x2: {  	s2 =	rddreg [dreg:$0x1];
	s12 =	stileid.u32  }
0x3: {  	s1 =	srdreg.scid;
	s3 =	simm.s32 $0x0;
	s19 =	simm.s32 $0x8080  }
0x4: {  	s20 =	simm.s32 $0x8100;
	s21 =	simm.s32 $0x8580;
	s22 =	simm.s32 $0x8180  }
0x5: {  	s23 =	simm.s32 $0x8600;
	s24 =	simm.s32 $0x8200;
	s25 =	simm.s32 $0x8680  }
0x6: {  	s26 =	simm.s32 $0x8280;
	s28 =	simm.s32 $0x8400;
	s29 =	simm.s32 $0x8880  }
0x7: {  	s30 =	simm.s32 $0x8480;
	s31 =	simm.s32 $0x8900;
	[smem:$0x7FF] =	sst s3  }
0x8: {  	s6 =	smul.u32 $0x13C00, s12;
	_ =	strace $0x8000004A;
	[dreg:$0x3] =	wrdreg s19  }
0x9: {  	s1 =	sand.u32 $0x1, s1;
	s4 =	sadd.s32 $0x3EC00, s0;
	[dreg:$0x4] =	wrdreg s20  }
0xa: {  	s5 =	sadd.s32 $0x3400, s0;
	s13 =	sshll.u32 s12, $0x1;
	[dreg:$0x5] =	wrdreg s21  }
0xb: {  	s15 =	smul.u32 $0x5000, s12;
	s17 =	sshll.u32 s12, $0x6;
	[dreg:$0x6] =	wrdreg s22  }
0xc: {  	s7 =	smul.u32 $0x13C000, s1;
	s9 =	ssub.s32 $0x2, s1;
	[dreg:$0x7] =	wrdreg s23  }
0xd: {  	s14 =	sor.u32 s1, s13;
	s1 =	smul.u32 $0x2800, s1;
	[dreg:$0x8] =	wrdreg s24  }
0xe: {  	s19 =	simm.s32 $0x1;
	s20 =	simm.s32 $0x3;
	[dreg:$0x9] =	wrdreg s25  }
0xf: {  	s21 =	simm.s32 $0x4;
	[dreg:$0xa] =	wrdreg s26;
	s22 =	simm.s32 $0x8700  }
0x10: {  	s23 =	simm.s32 $0x8300;
	s24 =	simm.s32 $0x8780;
	s25 =	simm.s32 $0x8380  }
0x11: {  	s26 =	simm.s32 $0x8800;
	s8 =	sshrl.u32 s6, $0x3;
	s10 =	sshrl.u32 s9, $0x1  }
0x12: {  	s11 =	sadd.s32 s6, s2;
	p0 =	seq.s32 s14, $0x1F;
	s14 =	simm.s32 $0x5  }
0x13: {  	s7 =	sadd.s32 s6, s7;
	s8 =	sadd.s32 s8, s0;
	s10 =	ssub.s32 s9, s10  }
0x14: {  	s9 =	simm.s32 $0x2;
	s1 =	sadd.s32 s1, s15;
	s13 =	sshrl.u32 s11, $0x3  }
0x15: {  	s15 =	simm.s32 $0x8000;
	s7 =	sshrl.u32 s7, $0x3;
	s16 =	sadd.s32 $0x17400, s8  }
0x16: {  	s8 =	simm.s32 $0x2;
	s18 =	smax.u32 s10, $0x1;
	s6 =	sadd.s32 $0x50000, s1  }
0x17: {  	s1 =	simm.s32 $0x0;
	s0 =	sadd.s32 s7, s0;
	[dreg:$0xb] =	wrdreg s16  }
0x18: {  	s7 =	sor.u32 $0x1C05, s17;
	s8 =	simm.s32 @!p0 $0x8;
	[dreg:$0xd] =	wrdreg s18  }
0x19: {  	s16 =	simm.s32 $0x8500;
	s17 =	simm.s32 $0x80;
	s0 =	sadd.s32 $0x65E00, s0  }
0x1a: {  	s18 =	simm.s32 $0x4000;
	[dreg:$0xc] =	wrdreg s0;
	s0 =	simm.s32 $0x8980  }
.LBB2_1:
0x1b: {  	s10 =	rddreg [dreg:$0xb];
	p1 =	sne.s32 s8, $0x1  }
0x1c: {  	[spmem:s13], [sflag:s7] =	dma.local [hbm:s10], $0x2780  }
.Ltmp0:
0x1d: {  	_ =	swait.ge [sflag:s14], $0x2780;
	(pc) =	sbr.rel @!p1 .LBB2_2-.Ltmp0, $4  }
0x1e: {  	[sflag:s14] =	ssyncset.done $0x0  }
0x1f: {  	[sflag:s14] =	ssyncadd.s32 $0xFFFFD880  }
0x20: {  	s11 =	sadd.s32 $0xFFFB0000, s6;
	[bflag:$0x0] =	sbarrier.arrive $0xFFFF  }
0x21: {  	p0 =	por $0x0, $0x0;
	s10 =	sadd.s32 $0xFFFFFFFF, s8;
	s11 =	sshrl.u32 s11, $0x3  }
0x22: {  	s11 =	sadd.s32 s5, s11  }
0x23: {  	[tilespmem:s15], [sflag:$0x5] =	stream.linear.gather [hbm4b:s11+s3], $0x500, $0x38;
	[tilespmem:$0x1C600] =	vst v63  }
0x24: {  	_ =	swait.ge [sflag:s14], $0x500  }
0x25: {  	s12 =	sshrl.u32 s6, $0x3;
	[sflag:s14] =	ssyncset.done $0x0  }
0x26: {  	s11 =	sadd.s32 s5, s12;
	[sflag:s14] =	ssyncadd.s32 $0xFFFFFB00  }
0x27: {  	[tilespmem:s16], [sflag:$0x5] =	stream.linear.gather [hbm4b:s11+s3], $0x500, $0x38;
	[tilespmem:$0x1C600] =	vst v63  }
0x28: {  	_ =	swait.ge [sflag:s14], $0x500  }
0x29: {  	[sflag:s14] =	ssyncset.done $0x0  }
0x2a: {  	[sflag:s14] =	ssyncadd.s32 $0xFFFFFB00  }
0x2b: {  	[tilespmem:s3], [sflag:$0x1] =	stream.indirect.gather [hbm4b:s4+s17], $0x80, s15, s17, $0xb8;
	[tilespmem:$0x1C600] =	vst v63  }
0x2c: {  	s12 =	rddreg [dreg:$0x3]  }
0x2d: {  	[tilespmem:s18], [sflag:$0x2] =	stream.indirect.gather [hbm4b:s4+s17], $0x80, s12, s17, $0xb8;
	[tilespmem:$0x1C600] =	vst v63  }
0x2e: {  	_ =	swait.ge [sflag:s19], $0x4000  }
0x2f: {  	[sflag:s19] =	ssyncset.done $0x0  }
0x30: {  	[sflag:s19] =	ssyncadd.s32 $0xFFFFC000  }
0x31: {  	[spmem:s2] =	stream.indirect.scatter.add.f32 [tilespmem:s3], [sflag:$0x3], $0x80, s16, s17, $0xb8;
	[tilespmem:$0x1C600] =	vst v63  }
0x32: {  	_ =	swait.ge [sflag:s20], $0x4000  }
0x33: {  	[sflag:s20] =	ssyncset.done $0x0  }
0x34: {  	s12 =	rddreg [dreg:$0x4];
	[sflag:s20] =	ssyncadd.s32 $0xFFFFC000  }
0x35: {  	[tilespmem:s3], [sflag:$0x1] =	stream.indirect.gather [hbm4b:s4+s17], $0x80, s12, s17, $0xb8;
	[tilespmem:$0x1C600] =	vst v63  }
0x36: {  	_ =	swait.ge [sflag:s9], $0x4000  }
0x37: {  	[sflag:s9] =	ssyncset.done $0x0  }
0x38: {  	s12 =	rddreg [dreg:$0x5];
	[sflag:s9] =	ssyncadd.s32 $0xFFFFC000  }
0x39: {  	[spmem:s2] =	stream.indirect.scatter.add.f32 [tilespmem:s18], [sflag:$0x4], $0x80, s12, s17, $0xb8;
	[tilespmem:$0x1C600] =	vst v63  }
0x3a: {  	_ =	swait.ge [sflag:s21], $0x4000  }
0x3b: {  	[sflag:s21] =	ssyncset.done $0x0  }
0x3c: {  	s12 =	rddreg [dreg:$0x6];
	[sflag:s21] =	ssyncadd.s32 $0xFFFFC000  }
0x3d: {  	[tilespmem:s18], [sflag:$0x2] =	stream.indirect.gather [hbm4b:s4+s17], $0x80, s12, s17, $0xb8;
	[tilespmem:$0x1C600] =	vst v63  }
0x3e: {  	_ =	swait.ge [sflag:s19], $0x4000  }
0x3f: {  	[sflag:s19] =	ssyncset.done $0x0  }
0x40: {  	s12 =	rddreg [dreg:$0x7];
	[sflag:s19] =	ssyncadd.s32 $0xFFFFC000  }
0x41: {  	[spmem:s2] =	stream.indirect.scatter.add.f32 [tilespmem:s3], [sflag:$0x3], $0x80, s12, s17, $0xb8;
	[tilespmem:$0x1C600] =	vst v63  }
0x42: {  	_ =	swait.ge [sflag:s20], $0x4000  }
0x43: {  	[sflag:s20] =	ssyncset.done $0x0  }
0x44: {  	s12 =	rddreg [dreg:$0x8];
	[sflag:s20] =	ssyncadd.s32 $0xFFFFC000  }
0x45: {  	[tilespmem:s3], [sflag:$0x1] =	stream.indirect.gather [hbm4b:s4+s17], $0x80, s12, s17, $0xb8;
	[tilespmem:$0x1C600] =	vst v63  }
0x46: {  	_ =	swait.ge [sflag:s9], $0x4000  }
0x47: {  	[sflag:s9] =	ssyncset.done $0x0  }
0x48: {  	s12 =	rddreg [dreg:$0x9];
	[sflag:s9] =	ssyncadd.s32 $0xFFFFC000  }
0x49: {  	[spmem:s2] =	stream.indirect.scatter.add.f32 [tilespmem:s18], [sflag:$0x4], $0x80, s12, s17, $0xb8;
	[tilespmem:$0x1C600] =	vst v63  }
0x4a: {  	_ =	swait.ge [sflag:s21], $0x4000  }
0x4b: {  	[sflag:s21] =	ssyncset.done $0x0  }
0x4c: {  	s12 =	rddreg [dreg:$0xa];
	[sflag:s21] =	ssyncadd.s32 $0xFFFFC000  }
0x4d: {  	[tilespmem:s18], [sflag:$0x2] =	stream.indirect.gather [hbm4b:s4+s17], $0x80, s12, s17, $0xb8;
	[tilespmem:$0x1C600] =	vst v63  }
0x4e: {  	_ =	swait.ge [sflag:s19], $0x4000  }
0x4f: {  	[sflag:s19] =	ssyncset.done $0x0  }
0x50: {  	[sflag:s19] =	ssyncadd.s32 $0xFFFFC000  }
0x51: {  	[spmem:s2] =	stream.indirect.scatter.add.f32 [tilespmem:s3], [sflag:$0x3], $0x80, s22, s17, $0xb8;
	[tilespmem:$0x1C600] =	vst v63  }
0x52: {  	_ =	swait.ge [sflag:s20], $0x4000  }
0x53: {  	[sflag:s20] =	ssyncset.done $0x0  }
0x54: {  	[sflag:s20] =	ssyncadd.s32 $0xFFFFC000  }
0x55: {  	[tilespmem:s3], [sflag:$0x1] =	stream.indirect.gather [hbm4b:s4+s17], $0x80, s23, s17, $0xb8;
	[tilespmem:$0x1C600] =	vst v63  }
0x56: {  	_ =	swait.ge [sflag:s9], $0x4000  }
0x57: {  	[sflag:s9] =	ssyncset.done $0x0  }
0x58: {  	[sflag:s9] =	ssyncadd.s32 $0xFFFFC000  }
0x59: {  	[spmem:s2] =	stream.indirect.scatter.add.f32 [tilespmem:s18], [sflag:$0x4], $0x80, s24, s17, $0xb8;
	[tilespmem:$0x1C600] =	vst v63  }
0x5a: {  	_ =	swait.ge [sflag:s21], $0x4000  }
0x5b: {  	[sflag:s21] =	ssyncset.done $0x0  }
0x5c: {  	[sflag:s21] =	ssyncadd.s32 $0xFFFFC000  }
0x5d: {  	[tilespmem:s18], [sflag:$0x2] =	stream.indirect.gather [hbm4b:s4+s17], $0x80, s25, s17, $0xb8;
	[tilespmem:$0x1C600] =	vst v63  }
0x5e: {  	_ =	swait.ge [sflag:s19], $0x4000  }
0x5f: {  	[sflag:s19] =	ssyncset.done $0x0  }
0x60: {  	[sflag:s19] =	ssyncadd.s32 $0xFFFFC000  }
0x61: {  	[spmem:s2] =	stream.indirect.scatter.add.f32 [tilespmem:s3], [sflag:$0x3], $0x80, s26, s17, $0xb8;
	[tilespmem:$0x1C600] =	vst v63  }
0x62: {  	_ =	swait.ge [sflag:s20], $0x4000  }
0x63: {  	[sflag:s20] =	ssyncset.done $0x0  }
0x64: {  	[sflag:s20] =	ssyncadd.s32 $0xFFFFC000  }
0x65: {  	[tilespmem:s3], [sflag:$0x1] =	stream.indirect.gather [hbm4b:s4+s17], $0x80, s28, s17, $0xb8;
	[tilespmem:$0x1C600] =	vst v63  }
0x66: {  	_ =	swait.ge [sflag:s9], $0x4000  }
0x67: {  	[sflag:s9] =	ssyncset.done $0x0  }
0x68: {  	[sflag:s9] =	ssyncadd.s32 $0xFFFFC000  }
0x69: {  	[spmem:s2] =	stream.indirect.scatter.add.f32 [tilespmem:s18], [sflag:$0x4], $0x80, s29, s17, $0xb8;
	[tilespmem:$0x1C600] =	vst v63  }
0x6a: {  	_ =	swait.ge [sflag:s21], $0x4000  }
0x6b: {  	[sflag:s21] =	ssyncset.done $0x0  }
0x6c: {  	[sflag:s21] =	ssyncadd.s32 $0xFFFFC000  }
0x6d: {  	[tilespmem:s18], [sflag:$0x2] =	stream.indirect.gather [hbm4b:s4+s17], $0x80, s30, s17, $0xb8;
	[tilespmem:$0x1C600] =	vst v63  }
0x6e: {  	_ =	swait.ge [sflag:s19], $0x4000  }
0x6f: {  	[sflag:s19] =	ssyncset.done $0x0  }
0x70: {  	[sflag:s19] =	ssyncadd.s32 $0xFFFFC000  }
0x71: {  	[spmem:s2] =	stream.indirect.scatter.add.f32 [tilespmem:s3], [sflag:$0x3], $0x80, s31, s17, $0xb8;
	[tilespmem:$0x1C600] =	vst v63  }
0x72: {  	_ =	swait.ge [sflag:s9], $0x4000  }
0x73: {  	[sflag:s9] =	ssyncset.done $0x0  }
0x74: {  	p1 =	sne.s32 s10, $0x1;
	[sflag:s9] =	ssyncadd.s32 $0xFFFFC000  }
0x75: {  	[spmem:s2] =	stream.indirect.scatter.add.f32 [tilespmem:s18], [sflag:$0x4], $0x80, s0, s17, $0xb8;
	[tilespmem:$0x1C600] =	vst v63  }
.Ltmp1:
0x76: {  	_ =	swait.ge [sflag:s20], $0x4000;
	(pc) =	sbr.rel @!p1 .LBB2_5-.Ltmp1, $4  }
0x77: {  	[sflag:s20] =	ssyncset.done $0x0  }
0x78: {  	s12 =	sadd.s32 $0x500, s6;
	[sflag:s20] =	ssyncadd.s32 $0xFFFFC000  }
0x79: {  	s10 =	sadd.s32 $0xFFFFFFFF, s10;
	s11 =	sadd.s32 $0xFFFB0000, s12;
	_ =	swait.ge [sflag:s21], $0x4000  }
0x7a: {  	p0 =	por $0x1, $0x1;
	s11 =	sshrl.u32 s11, $0x3;
	[sflag:s21] =	ssyncset.done $0x0  }
.LBB2_4:
0x7b: {  	s11 =	sadd.s32 s5, s11;
	[sflag:s21] =	ssyncadd.s32 $0xFFFFC000  }
0x7c: {  	[tilespmem:s15], [sflag:$0x5] =	stream.linear.gather [hbm4b:s11+s3], $0x500, $0x38;
	[tilespmem:$0x1C600] =	vst v63  }
0x7d: {  	_ =	swait.ge [sflag:s14], $0x500  }
0x7e: {  	s11 =	sshrl.u32 s12, $0x3;
	[sflag:s14] =	ssyncset.done $0x0  }
0x7f: {  	s11 =	sadd.s32 s5, s11;
	[sflag:s14] =	ssyncadd.s32 $0xFFFFFB00  }
0x80: {  	[tilespmem:s16], [sflag:$0x5] =	stream.linear.gather [hbm4b:s11+s3], $0x500, $0x38;
	[tilespmem:$0x1C600] =	vst v63  }
0x81: {  	_ =	swait.ge [sflag:s14], $0x500  }
0x82: {  	[sflag:s14] =	ssyncset.done $0x0  }
0x83: {  	[sflag:s14] =	ssyncadd.s32 $0xFFFFFB00  }
0x84: {  	[tilespmem:s3], [sflag:$0x1] =	stream.indirect.gather [hbm4b:s4+s17], $0x80, s15, s17, $0xb8;
	[tilespmem:$0x1C600] =	vst v63  }
0x85: {  	s11 =	rddreg [dreg:$0x3]  }
0x86: {  	[tilespmem:s18], [sflag:$0x2] =	stream.indirect.gather [hbm4b:s4+s17], $0x80, s11, s17, $0xb8;
	[tilespmem:$0x1C600] =	vst v63  }
0x87: {  	_ =	swait.ge [sflag:s19], $0x4000  }
0x88: {  	[sflag:s19] =	ssyncset.done $0x0  }
0x89: {  	[sflag:s19] =	ssyncadd.s32 $0xFFFFC000  }
0x8a: {  	[spmem:s2] =	stream.indirect.scatter.add.f32 [tilespmem:s3], [sflag:$0x3], $0x80, s16, s17, $0xb8;
	[tilespmem:$0x1C600] =	vst v63  }
0x8b: {  	_ =	swait.ge [sflag:s20], $0x4000  }
0x8c: {  	[sflag:s20] =	ssyncset.done $0x0  }
0x8d: {  	s11 =	rddreg [dreg:$0x4];
	[sflag:s20] =	ssyncadd.s32 $0xFFFFC000  }
0x8e: {  	[tilespmem:s3], [sflag:$0x1] =	stream.indirect.gather [hbm4b:s4+s17], $0x80, s11, s17, $0xb8;
	[tilespmem:$0x1C600] =	vst v63  }
0x8f: {  	_ =	swait.ge [sflag:s9], $0x4000  }
0x90: {  	[sflag:s9] =	ssyncset.done $0x0  }
0x91: {  	s11 =	rddreg [dreg:$0x5];
	[sflag:s9] =	ssyncadd.s32 $0xFFFFC000  }
0x92: {  	[spmem:s2] =	stream.indirect.scatter.add.f32 [tilespmem:s18], [sflag:$0x4], $0x80, s11, s17, $0xb8;
	[tilespmem:$0x1C600] =	vst v63  }
0x93: {  	_ =	swait.ge [sflag:s21], $0x4000  }
0x94: {  	[sflag:s21] =	ssyncset.done $0x0  }
0x95: {  	s11 =	rddreg [dreg:$0x6];
	[sflag:s21] =	ssyncadd.s32 $0xFFFFC000  }
0x96: {  	[tilespmem:s18], [sflag:$0x2] =	stream.indirect.gather [hbm4b:s4+s17], $0x80, s11, s17, $0xb8;
	[tilespmem:$0x1C600] =	vst v63  }
0x97: {  	_ =	swait.ge [sflag:s19], $0x4000  }
0x98: {  	[sflag:s19] =	ssyncset.done $0x0  }
0x99: {  	s11 =	rddreg [dreg:$0x7];
	[sflag:s19] =	ssyncadd.s32 $0xFFFFC000  }
0x9a: {  	[spmem:s2] =	stream.indirect.scatter.add.f32 [tilespmem:s3], [sflag:$0x3], $0x80, s11, s17, $0xb8;
	[tilespmem:$0x1C600] =	vst v63  }
0x9b: {  	_ =	swait.ge [sflag:s20], $0x4000  }
0x9c: {  	[sflag:s20] =	ssyncset.done $0x0  }
0x9d: {  	s11 =	rddreg [dreg:$0x8];
	[sflag:s20] =	ssyncadd.s32 $0xFFFFC000  }
0x9e: {  	[tilespmem:s3], [sflag:$0x1] =	stream.indirect.gather [hbm4b:s4+s17], $0x80, s11, s17, $0xb8;
	[tilespmem:$0x1C600] =	vst v63  }
0x9f: {  	_ =	swait.ge [sflag:s9], $0x4000  }
0xa0: {  	[sflag:s9] =	ssyncset.done $0x0  }
0xa1: {  	s11 =	rddreg [dreg:$0x9];
	[sflag:s9] =	ssyncadd.s32 $0xFFFFC000  }
0xa2: {  	[spmem:s2] =	stream.indirect.scatter.add.f32 [tilespmem:s18], [sflag:$0x4], $0x80, s11, s17, $0xb8;
	[tilespmem:$0x1C600] =	vst v63  }
0xa3: {  	_ =	swait.ge [sflag:s21], $0x4000  }
0xa4: {  	[sflag:s21] =	ssyncset.done $0x0  }
0xa5: {  	s11 =	rddreg [dreg:$0xa];
	[sflag:s21] =	ssyncadd.s32 $0xFFFFC000  }
0xa6: {  	[tilespmem:s18], [sflag:$0x2] =	stream.indirect.gather [hbm4b:s4+s17], $0x80, s11, s17, $0xb8;
	[tilespmem:$0x1C600] =	vst v63  }
0xa7: {  	_ =	swait.ge [sflag:s19], $0x4000  }
0xa8: {  	[sflag:s19] =	ssyncset.done $0x0  }
0xa9: {  	[sflag:s19] =	ssyncadd.s32 $0xFFFFC000  }
0xaa: {  	[spmem:s2] =	stream.indirect.scatter.add.f32 [tilespmem:s3], [sflag:$0x3], $0x80, s22, s17, $0xb8;
	[tilespmem:$0x1C600] =	vst v63  }
0xab: {  	_ =	swait.ge [sflag:s20], $0x4000  }
0xac: {  	[sflag:s20] =	ssyncset.done $0x0  }
0xad: {  	[sflag:s20] =	ssyncadd.s32 $0xFFFFC000  }
0xae: {  	[tilespmem:s3], [sflag:$0x1] =	stream.indirect.gather [hbm4b:s4+s17], $0x80, s23, s17, $0xb8;
	[tilespmem:$0x1C600] =	vst v63  }
0xaf: {  	_ =	swait.ge [sflag:s9], $0x4000  }
0xb0: {  	[sflag:s9] =	ssyncset.done $0x0  }
0xb1: {  	[sflag:s9] =	ssyncadd.s32 $0xFFFFC000  }
0xb2: {  	[spmem:s2] =	stream.indirect.scatter.add.f32 [tilespmem:s18], [sflag:$0x4], $0x80, s24, s17, $0xb8;
	[tilespmem:$0x1C600] =	vst v63  }
0xb3: {  	_ =	swait.ge [sflag:s21], $0x4000  }
0xb4: {  	[sflag:s21] =	ssyncset.done $0x0  }
0xb5: {  	[sflag:s21] =	ssyncadd.s32 $0xFFFFC000  }
0xb6: {  	[tilespmem:s18], [sflag:$0x2] =	stream.indirect.gather [hbm4b:s4+s17], $0x80, s25, s17, $0xb8;
	[tilespmem:$0x1C600] =	vst v63  }
0xb7: {  	_ =	swait.ge [sflag:s19], $0x4000  }
0xb8: {  	[sflag:s19] =	ssyncset.done $0x0  }
0xb9: {  	[sflag:s19] =	ssyncadd.s32 $0xFFFFC000  }
0xba: {  	[spmem:s2] =	stream.indirect.scatter.add.f32 [tilespmem:s3], [sflag:$0x3], $0x80, s26, s17, $0xb8;
	[tilespmem:$0x1C600] =	vst v63  }
0xbb: {  	_ =	swait.ge [sflag:s20], $0x4000  }
0xbc: {  	[sflag:s20] =	ssyncset.done $0x0  }
0xbd: {  	[sflag:s20] =	ssyncadd.s32 $0xFFFFC000  }
0xbe: {  	[tilespmem:s3], [sflag:$0x1] =	stream.indirect.gather [hbm4b:s4+s17], $0x80, s28, s17, $0xb8;
	[tilespmem:$0x1C600] =	vst v63  }
0xbf: {  	_ =	swait.ge [sflag:s9], $0x4000  }
0xc0: {  	[sflag:s9] =	ssyncset.done $0x0  }
0xc1: {  	[sflag:s9] =	ssyncadd.s32 $0xFFFFC000  }
0xc2: {  	[spmem:s2] =	stream.indirect.scatter.add.f32 [tilespmem:s18], [sflag:$0x4], $0x80, s29, s17, $0xb8;
	[tilespmem:$0x1C600] =	vst v63  }
0xc3: {  	_ =	swait.ge [sflag:s21], $0x4000  }
0xc4: {  	[sflag:s21] =	ssyncset.done $0x0  }
0xc5: {  	[sflag:s21] =	ssyncadd.s32 $0xFFFFC000  }
0xc6: {  	[tilespmem:s18], [sflag:$0x2] =	stream.indirect.gather [hbm4b:s4+s17], $0x80, s30, s17, $0xb8;
	[tilespmem:$0x1C600] =	vst v63  }
0xc7: {  	_ =	swait.ge [sflag:s19], $0x4000  }
0xc8: {  	[sflag:s19] =	ssyncset.done $0x0  }
0xc9: {  	[sflag:s19] =	ssyncadd.s32 $0xFFFFC000  }
0xca: {  	[spmem:s2] =	stream.indirect.scatter.add.f32 [tilespmem:s3], [sflag:$0x3], $0x80, s31, s17, $0xb8;
	[tilespmem:$0x1C600] =	vst v63  }
0xcb: {  	_ =	swait.ge [sflag:s9], $0x4000  }
0xcc: {  	[sflag:s9] =	ssyncset.done $0x0  }
0xcd: {  	p1 =	sne.s32 s10, $0x1;
	[sflag:s9] =	ssyncadd.s32 $0xFFFFC000  }
0xce: {  	[spmem:s2] =	stream.indirect.scatter.add.f32 [tilespmem:s18], [sflag:$0x4], $0x80, s0, s17, $0xb8;
	[tilespmem:$0x1C600] =	vst v63  }
.Ltmp2:
0xcf: {  	_ =	swait.ge [sflag:s20], $0x4000;
	(pc) =	sbr.rel @p1 .LBB2_4-.Ltmp2, $4  }
0xd0: {  	[sflag:s20] =	ssyncset.done $0x0  }
0xd1: {  	s12 =	sadd.s32 $0x500, s12;
	[sflag:s20] =	ssyncadd.s32 $0xFFFFC000  }
0xd2: {  	s11 =	sadd.s32 $0xFFFB0000, s12;
	_ =	swait.ge [sflag:s21], $0x4000  }
0xd3: {  	s10 =	sadd.s32 $0xFFFFFFFF, s10;
	s11 =	sshrl.u32 s11, $0x3;
	[sflag:s21] =	ssyncset.done $0x0  }
.LBB2_5:
0xd4: {  	s10 =	sadd.s32 s5, s11;
	[sflag:s21] =	ssyncadd.s32 @p0 $0xFFFFC000  }
0xd5: {  	[tilespmem:s15], [sflag:$0x5] =	stream.linear.gather [hbm4b:s10+s3], $0x500, $0x38;
	[tilespmem:$0x1C600] =	vst v63  }
0xd6: {  	_ =	swait.ge [sflag:s14], $0x500  }
0xd7: {  	s12 =	sshrl.u32 s12, $0x3;
	[sflag:s14] =	ssyncset.done $0x0  }
0xd8: {  	s10 =	sadd.s32 s5, s12;
	[sflag:s14] =	ssyncadd.s32 $0xFFFFFB00  }
0xd9: {  	[tilespmem:s16], [sflag:$0x5] =	stream.linear.gather [hbm4b:s10+s3], $0x500, $0x38;
	[tilespmem:$0x1C600] =	vst v63  }
0xda: {  	_ =	swait.ge [sflag:s14], $0x500  }
0xdb: {  	[sflag:s14] =	ssyncset.done $0x0  }
0xdc: {  	[sflag:s14] =	ssyncadd.s32 $0xFFFFFB00  }
0xdd: {  	[tilespmem:s3], [sflag:$0x1] =	stream.indirect.gather [hbm4b:s4+s17], $0x80, s15, s17, $0xb8;
	[tilespmem:$0x1C600] =	vst v63  }
0xde: {  	s11 =	rddreg [dreg:$0x3]  }
0xdf: {  	[tilespmem:s18], [sflag:$0x2] =	stream.indirect.gather [hbm4b:s4+s17], $0x80, s11, s17, $0xb8;
	[tilespmem:$0x1C600] =	vst v63  }
0xe0: {  	_ =	swait.ge [sflag:s19], $0x4000  }
0xe1: {  	[sflag:s19] =	ssyncset.done $0x0  }
0xe2: {  	[sflag:s19] =	ssyncadd.s32 $0xFFFFC000  }
0xe3: {  	[spmem:s2] =	stream.indirect.scatter.add.f32 [tilespmem:s3], [sflag:$0x3], $0x80, s16, s17, $0xb8;
	[tilespmem:$0x1C600] =	vst v63  }
0xe4: {  	_ =	swait.ge [sflag:s20], $0x4000  }
0xe5: {  	[sflag:s20] =	ssyncset.done $0x0  }
0xe6: {  	s12 =	rddreg [dreg:$0x4];
	[sflag:s20] =	ssyncadd.s32 $0xFFFFC000  }
0xe7: {  	[tilespmem:s3], [sflag:$0x1] =	stream.indirect.gather [hbm4b:s4+s17], $0x80, s12, s17, $0xb8;
	[tilespmem:$0x1C600] =	vst v63  }
0xe8: {  	_ =	swait.ge [sflag:s9], $0x4000  }
0xe9: {  	[sflag:s9] =	ssyncset.done $0x0  }
0xea: {  	s11 =	rddreg [dreg:$0x5];
	[sflag:s9] =	ssyncadd.s32 $0xFFFFC000  }
0xeb: {  	[spmem:s2] =	stream.indirect.scatter.add.f32 [tilespmem:s18], [sflag:$0x4], $0x80, s11, s17, $0xb8;
	[tilespmem:$0x1C600] =	vst v63  }
0xec: {  	_ =	swait.ge [sflag:s21], $0x4000  }
0xed: {  	[sflag:s21] =	ssyncset.done $0x0  }
0xee: {  	s12 =	rddreg [dreg:$0x6];
	[sflag:s21] =	ssyncadd.s32 $0xFFFFC000  }
0xef: {  	[tilespmem:s18], [sflag:$0x2] =	stream.indirect.gather [hbm4b:s4+s17], $0x80, s12, s17, $0xb8;
	[tilespmem:$0x1C600] =	vst v63  }
0xf0: {  	_ =	swait.ge [sflag:s19], $0x4000  }
0xf1: {  	[sflag:s19] =	ssyncset.done $0x0  }
0xf2: {  	s11 =	rddreg [dreg:$0x7];
	[sflag:s19] =	ssyncadd.s32 $0xFFFFC000  }
0xf3: {  	[spmem:s2] =	stream.indirect.scatter.add.f32 [tilespmem:s3], [sflag:$0x3], $0x80, s11, s17, $0xb8;
	[tilespmem:$0x1C600] =	vst v63  }
0xf4: {  	_ =	swait.ge [sflag:s20], $0x4000  }
0xf5: {  	[sflag:s20] =	ssyncset.done $0x0  }
0xf6: {  	s12 =	rddreg [dreg:$0x8];
	[sflag:s20] =	ssyncadd.s32 $0xFFFFC000  }
0xf7: {  	[tilespmem:s3], [sflag:$0x1] =	stream.indirect.gather [hbm4b:s4+s17], $0x80, s12, s17, $0xb8;
	[tilespmem:$0x1C600] =	vst v63  }
0xf8: {  	_ =	swait.ge [sflag:s9], $0x4000  }
0xf9: {  	[sflag:s9] =	ssyncset.done $0x0  }
0xfa: {  	s11 =	rddreg [dreg:$0x9];
	[sflag:s9] =	ssyncadd.s32 $0xFFFFC000  }
0xfb: {  	[spmem:s2] =	stream.indirect.scatter.add.f32 [tilespmem:s18], [sflag:$0x4], $0x80, s11, s17, $0xb8;
	[tilespmem:$0x1C600] =	vst v63  }
0xfc: {  	_ =	swait.ge [sflag:s21], $0x4000  }
0xfd: {  	[sflag:s21] =	ssyncset.done $0x0  }
0xfe: {  	s12 =	rddreg [dreg:$0xa];
	[sflag:s21] =	ssyncadd.s32 $0xFFFFC000  }
0xff: {  	[tilespmem:s18], [sflag:$0x2] =	stream.indirect.gather [hbm4b:s4+s17], $0x80, s12, s17, $0xb8;
	[tilespmem:$0x1C600] =	vst v63  }
0x100: {  	_ =	swait.ge [sflag:s19], $0x4000  }
0x101: {  	[sflag:s19] =	ssyncset.done $0x0  }
0x102: {  	[sflag:s19] =	ssyncadd.s32 $0xFFFFC000  }
0x103: {  	[spmem:s2] =	stream.indirect.scatter.add.f32 [tilespmem:s3], [sflag:$0x3], $0x80, s22, s17, $0xb8;
	[tilespmem:$0x1C600] =	vst v63  }
0x104: {  	_ =	swait.ge [sflag:s20], $0x4000  }
0x105: {  	[sflag:s20] =	ssyncset.done $0x0  }
0x106: {  	[sflag:s20] =	ssyncadd.s32 $0xFFFFC000  }
0x107: {  	[tilespmem:s3], [sflag:$0x1] =	stream.indirect.gather [hbm4b:s4+s17], $0x80, s23, s17, $0xb8;
	[tilespmem:$0x1C600] =	vst v63  }
0x108: {  	_ =	swait.ge [sflag:s9], $0x4000  }
0x109: {  	[sflag:s9] =	ssyncset.done $0x0  }
0x10a: {  	[sflag:s9] =	ssyncadd.s32 $0xFFFFC000  }
0x10b: {  	[spmem:s2] =	stream.indirect.scatter.add.f32 [tilespmem:s18], [sflag:$0x4], $0x80, s24, s17, $0xb8;
	[tilespmem:$0x1C600] =	vst v63  }
0x10c: {  	_ =	swait.ge [sflag:s21], $0x4000  }
0x10d: {  	[sflag:s21] =	ssyncset.done $0x0  }
0x10e: {  	[sflag:s21] =	ssyncadd.s32 $0xFFFFC000  }
0x10f: {  	[tilespmem:s18], [sflag:$0x2] =	stream.indirect.gather [hbm4b:s4+s17], $0x80, s25, s17, $0xb8;
	[tilespmem:$0x1C600] =	vst v63  }
0x110: {  	_ =	swait.ge [sflag:s19], $0x4000  }
0x111: {  	[sflag:s19] =	ssyncset.done $0x0  }
0x112: {  	[sflag:s19] =	ssyncadd.s32 $0xFFFFC000  }
0x113: {  	[spmem:s2] =	stream.indirect.scatter.add.f32 [tilespmem:s3], [sflag:$0x3], $0x80, s26, s17, $0xb8;
	[tilespmem:$0x1C600] =	vst v63  }
0x114: {  	_ =	swait.ge [sflag:s20], $0x4000  }
0x115: {  	[sflag:s20] =	ssyncset.done $0x0  }
0x116: {  	[sflag:s20] =	ssyncadd.s32 $0xFFFFC000  }
0x117: {  	[tilespmem:s3], [sflag:$0x1] =	stream.indirect.gather [hbm4b:s4+s17], $0x80, s28, s17, $0xb8;
	[tilespmem:$0x1C600] =	vst v63  }
0x118: {  	_ =	swait.ge [sflag:s9], $0x4000  }
0x119: {  	[sflag:s9] =	ssyncset.done $0x0  }
0x11a: {  	[sflag:s9] =	ssyncadd.s32 $0xFFFFC000  }
0x11b: {  	[spmem:s2] =	stream.indirect.scatter.add.f32 [tilespmem:s18], [sflag:$0x4], $0x80, s29, s17, $0xb8;
	[tilespmem:$0x1C600] =	vst v63  }
0x11c: {  	_ =	swait.ge [sflag:s21], $0x4000  }
0x11d: {  	[sflag:s21] =	ssyncset.done $0x0  }
0x11e: {  	[sflag:s21] =	ssyncadd.s32 $0xFFFFC000  }
0x11f: {  	[tilespmem:s18], [sflag:$0x2] =	stream.indirect.gather [hbm4b:s4+s17], $0x80, s30, s17, $0xb8;
	[tilespmem:$0x1C600] =	vst v63  }
0x120: {  	_ =	swait.ge [sflag:s19], $0x4000  }
0x121: {  	[sflag:s19] =	ssyncset.done $0x0  }
0x122: {  	[sflag:s19] =	ssyncadd.s32 $0xFFFFC000  }
0x123: {  	[spmem:s2] =	stream.indirect.scatter.add.f32 [tilespmem:s3], [sflag:$0x3], $0x80, s31, s17, $0xb8;
	[tilespmem:$0x1C600] =	vst v63  }
0x124: {  	_ =	swait.ge [sflag:s9], $0x4000  }
0x125: {  	[sflag:s9] =	ssyncset.done $0x0  }
0x126: {  	[sflag:s9] =	ssyncadd.s32 $0xFFFFC000  }
0x127: {  	[spmem:s2] =	stream.indirect.scatter.add.f32 [tilespmem:s18], [sflag:$0x4], $0x80, s0, s17, $0xb8;
	[tilespmem:$0x1C600] =	vst v63  }
0x128: {  	_ =	swait.ge [sflag:s20], $0x4000  }
0x129: {  	[sflag:s20] =	ssyncset.done $0x0  }
0x12a: {  	[sflag:s20] =	ssyncadd.s32 $0xFFFFC000  }
0x12b: {  	_ =	swait.ge [sflag:s21], $0x4000  }
0x12c: {  	[sflag:s21] =	ssyncset.done $0x0  }
0x12d: {  	[sflag:s21] =	ssyncadd.s32 $0xFFFFC000  }
0x12e: {  	[bflag:$0x0] =	sbarrier.arrive $0xFFFF  }
0x12f: {  	s11 =	rddreg [dreg:$0xc]  }
0x130: {  	[hbm:s11], [sflag:s7] =	dma.local [spmem:s13], $0x2780  }
0x131: {  	_ =	swait.ge [sflag:s14], $0x2780  }
0x132: {  	s1 =	sadd.s32 $0x1, s1;
	s12 =	rddreg [dreg:$0xd]  }
0x133: {  	p0 =	sne.s32 s1, s12  }
.Ltmp3:
0x134: {  	_ = 	snop;
	(pc) =	sbr.rel @p0 .LBB2_1-.Ltmp3, $4  }
.Ltmp4:
0x135: {  	_ = 	snop;
	(pc) =	sbr.rel @!p0 .LBB2_6-.Ltmp4, $4  }
0x136: {  	_ = 	snop  }
0x137: {  	[sflag:s14] =	ssyncset.done $0x0  }
0x138: {  	[sflag:s14] =	ssyncadd.s32 $0xFFFFD880  }
0x139: {  	_ = 	snop  }
.LBB2_2:
.Ltmp5:
0x13a: {  	(pc) =	sbr.rel .LBB2_5-.Ltmp5, $2  }
0x13b: {  	_ =	sdelay $0x2  }
0x13c: {  	s12 =	smov.u32 s6  }
.LBB2_6:
0x13d: {  	_ =	sfence.sel $0x180000  }
0x13e: {  	[bflag:$0x0] =	sbarrier.arrive $0xFFFF  }
0x13f: {  	_ =	strace $0x9000004A  }
0x140: {  	s0 =	stileid.u32;
	[bflag:$0x2] =	sbarrier.arrive $0xFFFF  }
0x141: {  	p0 =	sne.s32 s0, $0x0;
	s0 =	rddreg [dreg:$0x2]  }
0x142: {  	s0 =	sadd.s32 @!p0 $0x100000, s0  }
0x143: {  	[sflag:s0] =	ssyncadd.tile.s32 @!p0 $0x1;
	_ =	shalt  }
.Lfunc_end2:
_tile_overlayer_lowered:
.L_overlay_start_2:
0x144: {  	(tag) =	ssettag $0x2  }
0x145: {  	s0 =	rddreg [dreg:$0x0];
	s2 =	stileid.u32  }
0x146: {  	s1 =	rddreg [dreg:$0x1];
	p0 =	sne.s32 s2, $0x0  }
0x147: {  	s3 =	rddreg [dreg:$0x2];
	[bflag:$0x3] =	sbarrier.arrive $0xFFFF;
	s2 =	simm.s32 @!p0 $0x1C05  }
0x148: {  	[timem:s3], [sflag:s2] =	dma.local @!p0 [hbm:s0], s1  }
0x149: {  	s0 =	simm.s32 @!p0 $0x5  }
0x14a: {  	_ =	swait.ge @!p0 [sflag:s0], s1  }
0x14b: {  	s1 =	ssub.s32 @!p0 $0x0, s1;
	[sflag:s0] =	ssyncset.done @!p0 $0x0  }
0x14c: {  	[sflag:s0] =	ssyncadd.s32 @!p0 s1  }
0x14d: {  	[bflag:$0x3] =	sbarrier.arrive $0xFFFF  }
0x14e: {  	_ =	shalt  }

// kernel: kernel.14.cloned.1.call-start
scs
__scs_entry_jumppad:
0x0: {  	(pc) =	sbr.rel $0x88, $3  }
0x1: {  	(tag) =	ssettag $0x0;
	lr =	simm.s32 $0x1  }
0x2: {  	[smem:$0x3F94] =	sst lr;
	_ =	strace $0xD0000000  }
0x3: {  	_ = 	snop  }
0x4: {  	_ = 	snop  }
0x5: {  	_ = 	snop  }
0x6: {  	_ = 	snop  }
0x7: {  	_ = 	snop  }
__scs_overlays_trampoline_lowered:
0x8: {  	[smem:$0x3FA3] =	sst s0  }
0x9: {  	[smem:$0x3FA4] =	sst s1  }
0xa: {  	[smem:$0x3FA5] =	sst s2  }
0xb: {  	[smem:$0x3FA6] =	sst s3  }
0xc: {  	[smem:$0x3FA7] =	sst s4  }
0xd: {  	[smem:$0x3FA8] =	sst s5  }
0xe: {  	[smem:$0x3FA9] =	sst s6  }
0xf: {  	[smem:$0x3FAA] =	sst s7  }
0x10: {  	[smem:$0x3FAB] =	sst s8  }
0x11: {  	[smem:$0x3FAC] =	sst s9;
	s0 =	simm.s32 @!p0 $0x0  }
0x12: {  	s1 =	sld [smem:$0x3F92];
	s0 =	simm.s32 @p0 $0x1  }
0x13: {  	[smem:$0x3FAD] =	sst s0;
	s0 =	simm.s32 @!p1 $0x0  }
0x14: {  	s2 =	sld [smem:$0x3F91];
	s0 =	simm.s32 @p1 $0x1  }
0x15: {  	[smem:$0x3FAE] =	sst s0;
	s0 =	simm.s32 @!p2 $0x0  }
0x16: {  	s3 =	sld [smem:$0x3FDB];
	s0 =	simm.s32 @p2 $0x1  }
0x17: {  	s4 =	simm.s32 $0x1BF5;
	[smem:$0x3FB0] =	sst s0  }
0x18: {  	s0 =	sld [smem:$0x3F93];
	_ =	swait.ge [sflag:s4], $0x0  }
0x19: {  	s7 =	sld [smem:$0x3F94]  }
0x1a: {  	s8 =	sadd.s32 $0xFFFFE003, lr  }
0x1b: {  	s9 =	sadd.s32 $0xFFFFFEF7, lr;
	s5 =	simm.s32 $0xFFFFFFFF;
	p2 =	slt.u32 s8, $0xFFFFF086  }
0x1c: {  	p1 =	slt.u32 s9, $0xF7A;
	s5 =	simm.s32 @!p2 $0x0  }
0x1d: {  	s5 =	simm.s32 @p1 $0x1;
	p0 =	seq.s32 s7, s2  }
0x1e: {  	s7 =	smul.u32 @!p0 $0xF7A, s2;
	p2 =	seq.s32 @!p0 s5, $0x0  }
0x1f: {  	s9 =	smul.u32 $0xF7A, s1;
	s8 =	simm.s32 @!p0 $0x1BF5;
	p2 =	por !p2, p0  }
0x20: {  	[sflag:s8] =	ssyncset.s32 @!p0 $0xFFFFF086;
	s6 =	sadd.s32 @!p0 s3, s7;
	s7 =	simm.s32 @!p0 $0x108  }
0x21: {  	s3 =	sadd.s32 s3, s9;
	s6 =	sadd.s32 @!p0 $0x88, s6;
	s7 =	simm.s32 @p2 $0x1082  }
0x22: {  	[simem:s7], [sflag:s8] =	dma.local @!p0 [hbm:s6], $0xF7A  }
0x23: {  	s9 =	sor.u32 $0xD0000000, s2;
	s6 =	simm.s32 $0x108;
	_ =	swait.ge @!p0 [sflag:s8], $0x0  }
0x24: {  	s3 =	sadd.s32 $0x88, s3;
	s6 =	simm.s32 @!p1 $0x1082;
	[sflag:s4] =	ssyncset.s32 $0xFFFFF086  }
0x25: {  	[simem:s6], [sflag:s4] =	dma.local [hbm:s3], $0xF7A  }
0x26: {  	[smem:$0x3F94] =	sst s1;
	(tag) =	ssettag s2;
	_ =	strace s9  }
0x27: {  	s1 =	sld [smem:$0x3FA4]  }
0x28: {  	s2 =	sld [smem:$0x3FA5]  }
0x29: {  	s4 =	sld [smem:$0x3FA7]  }
0x2a: {  	p0 =	seq.s32 s5, $0x0;
	s5 =	sld [smem:$0x3FA8]  }
0x2b: {  	s6 =	sld [smem:$0x3FA9]  }
0x2c: {  	s7 =	sld [smem:$0x3FAA]  }
0x2d: {  	s3 =	simm.s32 $0x108;
	s8 =	sld [smem:$0x3FAB]  }
0x2e: {  	s3 =	simm.s32 @!p0 $0x1082;
	s9 =	sld [smem:$0x3FAC]  }
0x2f: {  	lr =	sadd.s32 s0, s3;
	s0 =	sld [smem:$0x3FA3]  }
0x30: {  	s3 =	sld [smem:$0x3FA6]  }
0x31: {  	[smem:$0x3FAF] =	sst s10  }
0x32: {  	s10 =	sld [smem:$0x3FAD];
	_ =	sdelay $0x3  }
0x33: {  	p0 =	seq.s32 s10, $0x1;
	s10 =	sld [smem:$0x3FAF];
	_ =	sdelay $0x3  }
0x34: {  	[smem:$0x3FAF] =	sst s10  }
0x35: {  	s10 =	sld [smem:$0x3FAE];
	_ =	sdelay $0x3  }
0x36: {  	p1 =	seq.s32 s10, $0x1;
	s10 =	sld [smem:$0x3FAF];
	_ =	sdelay $0x3  }
0x37: {  	[smem:$0x3FAF] =	sst s10  }
0x38: {  	s10 =	sld [smem:$0x3FB0]  }
0x39: {  	_ = 	snop;
	(pc) =	sbr.ind lr, $3  }
0x3a: {  	_ = 	snop  }
0x3b: {  	_ = 	snop  }
0x3c: {  	p2 =	seq.s32 s10, $0x1;
	s10 =	sld [smem:$0x3FAF]  }
0x3d: {  	_ =	shalt  }
0x3e: {  	_ =	shalt  }
0x3f: {  	_ =	shalt  }
0x40: {  	_ =	shalt  }
0x41: {  	_ =	shalt  }
0x42: {  	_ =	shalt  }
0x43: {  	_ =	shalt  }
0x44: {  	_ =	shalt  }
0x45: {  	_ =	shalt  }
0x46: {  	_ =	shalt  }
0x47: {  	_ =	shalt  }
0x48: {  	_ =	shalt  }
0x49: {  	_ =	shalt  }
0x4a: {  	_ =	shalt  }
0x4b: {  	_ =	shalt  }
0x4c: {  	_ =	shalt  }
0x4d: {  	_ =	shalt  }
0x4e: {  	_ =	shalt  }
0x4f: {  	_ =	shalt  }
0x50: {  	_ =	shalt  }
0x51: {  	_ =	shalt  }
0x52: {  	_ =	shalt  }
0x53: {  	_ =	shalt  }
0x54: {  	_ =	shalt  }
0x55: {  	_ =	shalt  }
0x56: {  	_ =	shalt  }
0x57: {  	_ =	shalt  }
0x58: {  	_ =	shalt  }
0x59: {  	_ =	shalt  }
0x5a: {  	_ =	shalt  }
0x5b: {  	_ =	shalt  }
0x5c: {  	_ =	shalt  }
0x5d: {  	_ =	shalt  }
0x5e: {  	_ =	shalt  }
0x5f: {  	_ =	shalt  }
0x60: {  	_ =	shalt  }
0x61: {  	_ =	shalt  }
0x62: {  	_ =	shalt  }
0x63: {  	_ =	shalt  }
0x64: {  	_ =	shalt  }
0x65: {  	_ =	shalt  }
0x66: {  	_ =	shalt  }
0x67: {  	_ =	shalt  }
0x68: {  	_ =	shalt  }
0x69: {  	_ =	shalt  }
0x6a: {  	_ =	shalt  }
0x6b: {  	_ =	shalt  }
0x6c: {  	_ =	shalt  }
0x6d: {  	_ =	shalt  }
0x6e: {  	_ =	shalt  }
0x6f: {  	_ =	shalt  }
0x70: {  	_ =	shalt  }
0x71: {  	_ =	shalt  }
0x72: {  	_ =	shalt  }
0x73: {  	_ =	shalt  }
0x74: {  	_ =	shalt  }
0x75: {  	_ =	shalt  }
0x76: {  	_ =	shalt  }
0x77: {  	_ =	shalt  }
0x78: {  	_ =	shalt  }
0x79: {  	_ =	shalt  }
0x7a: {  	_ =	shalt  }
0x7b: {  	_ =	shalt  }
0x7c: {  	_ =	shalt  }
0x7d: {  	_ =	shalt  }
0x7e: {  	_ =	shalt  }
0x7f: {  	_ =	shalt  }
0x80: {  	_ =	shalt  }
0x81: {  	_ =	shalt  }
0x82: {  	_ =	shalt  }
0x83: {  	_ =	shalt  }
0x84: {  	_ =	shalt  }
0x85: {  	_ =	shalt  }
0x86: {  	_ =	shalt  }
0x87: {  	_ =	shalt  }
.Lfunc_end0:
.L_simem_size_0:
called_computation.2_lowered:
.L_overlay_start_0:
0x88: {  	s2 =	sld [smem:$0x3FD9]  }
0x89: {  	s3 =	sld [smem:$0x3FFE];
	_ =	sdelay $0x1  }
0x8a: {  	s1 =	srdreg.scid  }
0x8b: {  	s0 =	sand.u32 $0x1, s1  }
0x8c: {  	s16 =	sshll.u32 s0, $0xA;
	s2 =	sadd.s32 s3, s2  }
0x8d: {  	s2 =	sadd.s32 s2, s16  }
0x8e: {  	[smem:$0x3FBB] =	sst s2  }
0x8f: {  	_ = 	snop  }
0x90: {  	(tm) =	ssettm $0x1  }
0x91: {  	s17 =	sld [smem:$0x3FFB];
	_ =	sdelay $0x3  }
0x92: {  	_ =	strace s17  }
0x93: {  	s2 =	sld [smem:$0x3FFC];
	_ =	sdelay $0x3  }
0x94: {  	_ =	strace s2  }
0x95: {  	s2 =	sld [smem:$0x3FFD];
	_ =	sdelay $0x3  }
0x96: {  	_ =	strace s2  }
0x97: {  	_ =	strace $0x8FFFFFFF  }
0x98: {  	s18 =	sld [smem:$0x3FDB];
	_ =	sdelay $0x1  }
0x99: {  	s19 =	simm.s32 $_scs_section_size  }
0x9a: {  	s4 =	simm.s32 $_size__tile_overlayer_lowered;
	s5 =	simm.s32 $_tile_overlayer_lowered  }
0x9b: {  	s22 =	simm.s32 $0x1BFF;
	s21 =	sshll.u32 s5, $0x1;
	s2 =	sadd.s32 s19, s18  }
0x9c: {  	s6 =	simm.s32 $0x0;
	s20 =	sshll.u32 s4, $0x1;
	s4 =	sadd.s32 s21, s2  }
0x9d: {  	[timem:s6], [sflag:s22] =	dma.local [hbm:s4], s20  }
0x9e: {  	_ =	swait.ge [sflag:s22], s20  }
0x9f: {  	s3 =	ssub.s32 $0x0, s20;
	[sflag:s22] =	ssyncset.done $0x0  }
0xa0: {  	[sflag:s22] =	ssyncadd.s32 s3;
	_ =	sdelay $0x1  }
0xa1: {  	s23 =	simm.s32 $0x1B8B  }
0xa2: {  	_ =	swait.ge [sflag:s23], $0x1  }
0xa3: {  	[sflag:s23] =	ssyncset.done $0x0  }
0xa4: {  	s25 =	simm.s32 $0x1B8E;
	s24 =	sld [smem:$0x3FFE];
	[sflag:s23] =	ssyncadd.s32 $0xFFFFFFFF  }
0xa5: {  	s26 =	simm.s32 $execute0_lowered;
	[smem:$0x3FD2] =	sst s25  }
0xa6: {  	s4 =	sshll.u32 s26, $0x1;
	_ =	strace $0x8000004C;
	[dreg:$0x1] =	wrdreg $0xFFFFFFFF  }
0xa7: {  	s28 =	simm.s32 $_size_execute0_lowered;
	s2 =	sadd.s32 s2, s4;
	[dreg:$0x0] =	wrdreg $0x0  }
0xa8: {  	s4 =	sshll.u32 s28, $0x1;
	[dreg:$0x2] =	wrdreg s2  }
0xa9: {  	[dreg:$0x3] =	wrdreg s4  }
0xaa: {  	[dreg:$0x4] =	wrdreg $0xC0  }
0xab: {  	_ =	task [dreg:s6], $0x5FFFF  }
0xac: {  	[dreg:$0x1] =	wrdreg $0xFFFFFFFF  }
0xad: {  	[dreg:$0x0] =	wrdreg $0x60  }
0xae: {  	[dreg:$0x2] =	wrdreg s24  }
0xaf: {  	[dreg:$0x3] =	wrdreg $0x2A000  }
0xb0: {  	[dreg:$0x4] =	wrdreg $0x9  }
0xb1: {  	_ =	task.clear_ibuf [dreg:s6], $0x5FFFF;
	_ =	strace $0x9000004C  }
0xb2: {  	s29 =	simm.s32 $0x9;
	_ =	strace $0x8000004E  }
0xb3: {  	_ =	swait.ge [sflag:s29], $0x1  }
0xb4: {  	[sflag:s29] =	ssyncadd.s32 $0xFFFFFFFF  }
0xb5: {  	_ =	strace $0x9000004E  }
0xb6: {  	_ =	sfence  }
0xb7: {  	s30 =	sld [smem:$0x0];
	_ =	sdelay $0x2  }
0xb8: {  	s31 =	sshll.u32 s1, $0xD;
	s1 =	sshrl.u32 s1, $0x2  }
0xb9: {  	s3 =	sand.u32 $0x4000, s31;
	s1 =	sadd.s32 s1, s30  }
0xba: {  	s0 =	sor.u32 s3, s0;
	s1 =	sshll.u32 s1, $0x11  }
0xbb: {  	s0 =	sor.u32 s1, s0  }
0xbc: {  	s0 =	sadd.s32 $0x8F2B, s0  }
0xbd: {  	[sflag:s0] =	ssyncadd.remote.s32 $0x1  }
0xbe: {  	_ =	sfence.sel $0xFFFF  }
0xbf: {  	[dreg:$0x0] =	wrdreg $0xFFFFFFFF;
	(pc) =	sbr.abs _section_cstart, $3  }
0xc0: {  	[dreg:$0x1] =	wrdreg $0xFFFFFFFF  }
0xc1: {  	_ =	task.clear_ibuf [dreg:s6], $0x2FFFF;
	_ =	strace $0x9FFFFFFF  }
0xc2: {  	(tm) =	ssettm $0x7FFFFFFF  }
0xc3: {  	_ =	shalt  }
tec
execute0_lowered:
.L_overlay_start_1:
0x0: {  	(tag) =	ssettag $0x1  }
0x1: {  	s0 =	rddreg [dreg:$0x0]  }
0x2: {  	s2 =	rddreg [dreg:$0x1];
	s12 =	stileid.u32  }
0x3: {  	s1 =	srdreg.scid;
	s3 =	simm.s32 $0x0;
	s19 =	simm.s32 $0x2080  }
0x4: {  	s20 =	simm.s32 $0x2100;
	s21 =	simm.s32 $0x2580;
	s22 =	simm.s32 $0x2180  }
0x5: {  	s23 =	simm.s32 $0x2600;
	s24 =	simm.s32 $0x2200;
	s25 =	simm.s32 $0x2680  }
0x6: {  	s26 =	simm.s32 $0x2280;
	s28 =	simm.s32 $0x2400;
	s29 =	simm.s32 $0x2880  }
0x7: {  	s30 =	simm.s32 $0x2480;
	s31 =	simm.s32 $0x2900;
	[smem:$0x7FF] =	sst s3  }
0x8: {  	s6 =	smul.u32 $0x4F00, s12;
	_ =	strace $0x8000004D;
	[dreg:$0x3] =	wrdreg s19  }
0x9: {  	s1 =	sand.u32 $0x1, s1;
	s4 =	sadd.s32 $0x17400, s0;
	[dreg:$0x4] =	wrdreg s20  }
0xa: {  	s5 =	sadd.s32 $0x3400, s0;
	s13 =	sshll.u32 s12, $0x1;
	[dreg:$0x5] =	wrdreg s21  }
0xb: {  	s15 =	smul.u32 $0x5000, s12;
	s17 =	sshll.u32 s12, $0x6;
	[dreg:$0x6] =	wrdreg s22  }
0xc: {  	s7 =	smul.u32 $0x4F000, s1;
	s9 =	ssub.s32 $0x2, s1;
	[dreg:$0x7] =	wrdreg s23  }
0xd: {  	s14 =	sor.u32 s1, s13;
	s1 =	smul.u32 $0x2800, s1;
	[dreg:$0x8] =	wrdreg s24  }
0xe: {  	s19 =	simm.s32 $0x1;
	s20 =	simm.s32 $0x3;
	[dreg:$0x9] =	wrdreg s25  }
0xf: {  	s21 =	simm.s32 $0x4;
	[dreg:$0xa] =	wrdreg s26;
	s22 =	simm.s32 $0x2700  }
0x10: {  	s23 =	simm.s32 $0x2300;
	s24 =	simm.s32 $0x2780;
	s25 =	simm.s32 $0x2380  }
0x11: {  	s26 =	simm.s32 $0x2800;
	s8 =	sshrl.u32 s6, $0x3;
	s10 =	sshrl.u32 s9, $0x1  }
0x12: {  	s11 =	sadd.s32 s6, s2;
	p0 =	seq.s32 s14, $0x1F;
	s14 =	simm.s32 $0x5  }
0x13: {  	s7 =	sadd.s32 s6, s7;
	s8 =	sadd.s32 s8, s0;
	s10 =	ssub.s32 s9, s10  }
0x14: {  	s9 =	simm.s32 $0x2;
	s1 =	sadd.s32 s1, s15;
	s13 =	sshrl.u32 s11, $0x3  }
0x15: {  	s15 =	simm.s32 $0x2000;
	s7 =	sshrl.u32 s7, $0x3;
	s16 =	sadd.s32 $0x21200, s8  }
0x16: {  	s8 =	simm.s32 $0x2;
	s18 =	smax.u32 s10, $0x1;
	s6 =	sadd.s32 $0x50000, s1  }
0x17: {  	s1 =	simm.s32 $0x0;
	s0 =	sadd.s32 s7, s0;
	[dreg:$0xb] =	wrdreg s16  }
0x18: {  	s7 =	sor.u32 $0x1C05, s17;
	s8 =	simm.s32 @!p0 $0x8;
	[dreg:$0xd] =	wrdreg s18  }
0x19: {  	s16 =	simm.s32 $0x2500;
	s17 =	simm.s32 $0x80;
	s0 =	sadd.s32 $0x2B000, s0  }
0x1a: {  	s18 =	simm.s32 $0x1000;
	[dreg:$0xc] =	wrdreg s0;
	s0 =	simm.s32 $0x2980  }
.LBB2_1:
0x1b: {  	s10 =	rddreg [dreg:$0xb];
	p1 =	sne.s32 s8, $0x1  }
0x1c: {  	[spmem:s13], [sflag:s7] =	dma.local [hbm:s10], $0x9E0  }
.Ltmp0:
0x1d: {  	_ =	swait.ge [sflag:s14], $0x9E0;
	(pc) =	sbr.rel @!p1 .LBB2_2-.Ltmp0, $4  }
0x1e: {  	[sflag:s14] =	ssyncset.done $0x0  }
0x1f: {  	[sflag:s14] =	ssyncadd.s32 $0xFFFFF620  }
0x20: {  	s11 =	sadd.s32 $0xFFFB0000, s6;
	[bflag:$0x0] =	sbarrier.arrive $0xFFFF  }
0x21: {  	p0 =	por $0x0, $0x0;
	s10 =	sadd.s32 $0xFFFFFFFF, s8;
	s11 =	sshrl.u32 s11, $0x3  }
0x22: {  	s11 =	sadd.s32 s5, s11  }
0x23: {  	[tilespmem:s15], [sflag:$0x5] =	stream.linear.gather [hbm4b:s11+s3], $0x500, $0x38;
	[tilespmem:$0x7900] =	vst v63  }
0x24: {  	_ =	swait.ge [sflag:s14], $0x500  }
0x25: {  	s12 =	sshrl.u32 s6, $0x3;
	[sflag:s14] =	ssyncset.done $0x0  }
0x26: {  	s11 =	sadd.s32 s5, s12;
	[sflag:s14] =	ssyncadd.s32 $0xFFFFFB00  }
0x27: {  	[tilespmem:s16], [sflag:$0x5] =	stream.linear.gather [hbm4b:s11+s3], $0x500, $0x38;
	[tilespmem:$0x7900] =	vst v63  }
0x28: {  	_ =	swait.ge [sflag:s14], $0x500  }
0x29: {  	[sflag:s14] =	ssyncset.done $0x0  }
0x2a: {  	[sflag:s14] =	ssyncadd.s32 $0xFFFFFB00  }
0x2b: {  	[tilespmem:s3], [sflag:$0x1] =	stream.indirect.gather [hbm4b:s4+s17], $0x20, s15, s17, $0xb8;
	[tilespmem:$0x7900] =	vst v63  }
0x2c: {  	s12 =	rddreg [dreg:$0x3]  }
0x2d: {  	[tilespmem:s18], [sflag:$0x2] =	stream.indirect.gather [hbm4b:s4+s17], $0x20, s12, s17, $0xb8;
	[tilespmem:$0x7900] =	vst v63  }
0x2e: {  	_ =	swait.ge [sflag:s19], $0x1000  }
0x2f: {  	[sflag:s19] =	ssyncset.done $0x0  }
0x30: {  	[sflag:s19] =	ssyncadd.s32 $0xFFFFF000  }
0x31: {  	[spmem:s2] =	stream.indirect.scatter.add.f32 [tilespmem:s3], [sflag:$0x3], $0x20, s16, s17, $0xb8;
	[tilespmem:$0x7900] =	vst v63  }
0x32: {  	_ =	swait.ge [sflag:s20], $0x1000  }
0x33: {  	[sflag:s20] =	ssyncset.done $0x0  }
0x34: {  	s12 =	rddreg [dreg:$0x4];
	[sflag:s20] =	ssyncadd.s32 $0xFFFFF000  }
0x35: {  	[tilespmem:s3], [sflag:$0x1] =	stream.indirect.gather [hbm4b:s4+s17], $0x20, s12, s17, $0xb8;
	[tilespmem:$0x7900] =	vst v63  }
0x36: {  	_ =	swait.ge [sflag:s9], $0x1000  }
0x37: {  	[sflag:s9] =	ssyncset.done $0x0  }
0x38: {  	s12 =	rddreg [dreg:$0x5];
	[sflag:s9] =	ssyncadd.s32 $0xFFFFF000  }
0x39: {  	[spmem:s2] =	stream.indirect.scatter.add.f32 [tilespmem:s18], [sflag:$0x4], $0x20, s12, s17, $0xb8;
	[tilespmem:$0x7900] =	vst v63  }
0x3a: {  	_ =	swait.ge [sflag:s21], $0x1000  }
0x3b: {  	[sflag:s21] =	ssyncset.done $0x0  }
0x3c: {  	s12 =	rddreg [dreg:$0x6];
	[sflag:s21] =	ssyncadd.s32 $0xFFFFF000  }
0x3d: {  	[tilespmem:s18], [sflag:$0x2] =	stream.indirect.gather [hbm4b:s4+s17], $0x20, s12, s17, $0xb8;
	[tilespmem:$0x7900] =	vst v63  }
0x3e: {  	_ =	swait.ge [sflag:s19], $0x1000  }
0x3f: {  	[sflag:s19] =	ssyncset.done $0x0  }
0x40: {  	s12 =	rddreg [dreg:$0x7];
	[sflag:s19] =	ssyncadd.s32 $0xFFFFF000  }
0x41: {  	[spmem:s2] =	stream.indirect.scatter.add.f32 [tilespmem:s3], [sflag:$0x3], $0x20, s12, s17, $0xb8;
	[tilespmem:$0x7900] =	vst v63  }
0x42: {  	_ =	swait.ge [sflag:s20], $0x1000  }
0x43: {  	[sflag:s20] =	ssyncset.done $0x0  }
0x44: {  	s12 =	rddreg [dreg:$0x8];
	[sflag:s20] =	ssyncadd.s32 $0xFFFFF000  }
0x45: {  	[tilespmem:s3], [sflag:$0x1] =	stream.indirect.gather [hbm4b:s4+s17], $0x20, s12, s17, $0xb8;
	[tilespmem:$0x7900] =	vst v63  }
0x46: {  	_ =	swait.ge [sflag:s9], $0x1000  }
0x47: {  	[sflag:s9] =	ssyncset.done $0x0  }
0x48: {  	s12 =	rddreg [dreg:$0x9];
	[sflag:s9] =	ssyncadd.s32 $0xFFFFF000  }
0x49: {  	[spmem:s2] =	stream.indirect.scatter.add.f32 [tilespmem:s18], [sflag:$0x4], $0x20, s12, s17, $0xb8;
	[tilespmem:$0x7900] =	vst v63  }
0x4a: {  	_ =	swait.ge [sflag:s21], $0x1000  }
0x4b: {  	[sflag:s21] =	ssyncset.done $0x0  }
0x4c: {  	s12 =	rddreg [dreg:$0xa];
	[sflag:s21] =	ssyncadd.s32 $0xFFFFF000  }
0x4d: {  	[tilespmem:s18], [sflag:$0x2] =	stream.indirect.gather [hbm4b:s4+s17], $0x20, s12, s17, $0xb8;
	[tilespmem:$0x7900] =	vst v63  }
0x4e: {  	_ =	swait.ge [sflag:s19], $0x1000  }
0x4f: {  	[sflag:s19] =	ssyncset.done $0x0  }
0x50: {  	[sflag:s19] =	ssyncadd.s32 $0xFFFFF000  }
0x51: {  	[spmem:s2] =	stream.indirect.scatter.add.f32 [tilespmem:s3], [sflag:$0x3], $0x20, s22, s17, $0xb8;
	[tilespmem:$0x7900] =	vst v63  }
0x52: {  	_ =	swait.ge [sflag:s20], $0x1000  }
0x53: {  	[sflag:s20] =	ssyncset.done $0x0  }
0x54: {  	[sflag:s20] =	ssyncadd.s32 $0xFFFFF000  }
0x55: {  	[tilespmem:s3], [sflag:$0x1] =	stream.indirect.gather [hbm4b:s4+s17], $0x20, s23, s17, $0xb8;
	[tilespmem:$0x7900] =	vst v63  }
0x56: {  	_ =	swait.ge [sflag:s9], $0x1000  }
0x57: {  	[sflag:s9] =	ssyncset.done $0x0  }
0x58: {  	[sflag:s9] =	ssyncadd.s32 $0xFFFFF000  }
0x59: {  	[spmem:s2] =	stream.indirect.scatter.add.f32 [tilespmem:s18], [sflag:$0x4], $0x20, s24, s17, $0xb8;
	[tilespmem:$0x7900] =	vst v63  }
0x5a: {  	_ =	swait.ge [sflag:s21], $0x1000  }
0x5b: {  	[sflag:s21] =	ssyncset.done $0x0  }
0x5c: {  	[sflag:s21] =	ssyncadd.s32 $0xFFFFF000  }
0x5d: {  	[tilespmem:s18], [sflag:$0x2] =	stream.indirect.gather [hbm4b:s4+s17], $0x20, s25, s17, $0xb8;
	[tilespmem:$0x7900] =	vst v63  }
0x5e: {  	_ =	swait.ge [sflag:s19], $0x1000  }
0x5f: {  	[sflag:s19] =	ssyncset.done $0x0  }
0x60: {  	[sflag:s19] =	ssyncadd.s32 $0xFFFFF000  }
0x61: {  	[spmem:s2] =	stream.indirect.scatter.add.f32 [tilespmem:s3], [sflag:$0x3], $0x20, s26, s17, $0xb8;
	[tilespmem:$0x7900] =	vst v63  }
0x62: {  	_ =	swait.ge [sflag:s20], $0x1000  }
0x63: {  	[sflag:s20] =	ssyncset.done $0x0  }
0x64: {  	[sflag:s20] =	ssyncadd.s32 $0xFFFFF000  }
0x65: {  	[tilespmem:s3], [sflag:$0x1] =	stream.indirect.gather [hbm4b:s4+s17], $0x20, s28, s17, $0xb8;
	[tilespmem:$0x7900] =	vst v63  }
0x66: {  	_ =	swait.ge [sflag:s9], $0x1000  }
0x67: {  	[sflag:s9] =	ssyncset.done $0x0  }
0x68: {  	[sflag:s9] =	ssyncadd.s32 $0xFFFFF000  }
0x69: {  	[spmem:s2] =	stream.indirect.scatter.add.f32 [tilespmem:s18], [sflag:$0x4], $0x20, s29, s17, $0xb8;
	[tilespmem:$0x7900] =	vst v63  }
0x6a: {  	_ =	swait.ge [sflag:s21], $0x1000  }
0x6b: {  	[sflag:s21] =	ssyncset.done $0x0  }
0x6c: {  	[sflag:s21] =	ssyncadd.s32 $0xFFFFF000  }
0x6d: {  	[tilespmem:s18], [sflag:$0x2] =	stream.indirect.gather [hbm4b:s4+s17], $0x20, s30, s17, $0xb8;
	[tilespmem:$0x7900] =	vst v63  }
0x6e: {  	_ =	swait.ge [sflag:s19], $0x1000  }
0x6f: {  	[sflag:s19] =	ssyncset.done $0x0  }
0x70: {  	[sflag:s19] =	ssyncadd.s32 $0xFFFFF000  }
0x71: {  	[spmem:s2] =	stream.indirect.scatter.add.f32 [tilespmem:s3], [sflag:$0x3], $0x20, s31, s17, $0xb8;
	[tilespmem:$0x7900] =	vst v63  }
0x72: {  	_ =	swait.ge [sflag:s9], $0x1000  }
0x73: {  	[sflag:s9] =	ssyncset.done $0x0  }
0x74: {  	p1 =	sne.s32 s10, $0x1;
	[sflag:s9] =	ssyncadd.s32 $0xFFFFF000  }
0x75: {  	[spmem:s2] =	stream.indirect.scatter.add.f32 [tilespmem:s18], [sflag:$0x4], $0x20, s0, s17, $0xb8;
	[tilespmem:$0x7900] =	vst v63  }
.Ltmp1:
0x76: {  	_ =	swait.ge [sflag:s20], $0x1000;
	(pc) =	sbr.rel @!p1 .LBB2_5-.Ltmp1, $4  }
0x77: {  	[sflag:s20] =	ssyncset.done $0x0  }
0x78: {  	s12 =	sadd.s32 $0x500, s6;
	[sflag:s20] =	ssyncadd.s32 $0xFFFFF000  }
0x79: {  	s10 =	sadd.s32 $0xFFFFFFFF, s10;
	s11 =	sadd.s32 $0xFFFB0000, s12;
	_ =	swait.ge [sflag:s21], $0x1000  }
0x7a: {  	p0 =	por $0x1, $0x1;
	s11 =	sshrl.u32 s11, $0x3;
	[sflag:s21] =	ssyncset.done $0x0  }
.LBB2_4:
0x7b: {  	s11 =	sadd.s32 s5, s11;
	[sflag:s21] =	ssyncadd.s32 $0xFFFFF000  }
0x7c: {  	[tilespmem:s15], [sflag:$0x5] =	stream.linear.gather [hbm4b:s11+s3], $0x500, $0x38;
	[tilespmem:$0x7900] =	vst v63  }
0x7d: {  	_ =	swait.ge [sflag:s14], $0x500  }
0x7e: {  	s11 =	sshrl.u32 s12, $0x3;
	[sflag:s14] =	ssyncset.done $0x0  }
0x7f: {  	s11 =	sadd.s32 s5, s11;
	[sflag:s14] =	ssyncadd.s32 $0xFFFFFB00  }
0x80: {  	[tilespmem:s16], [sflag:$0x5] =	stream.linear.gather [hbm4b:s11+s3], $0x500, $0x38;
	[tilespmem:$0x7900] =	vst v63  }
0x81: {  	_ =	swait.ge [sflag:s14], $0x500  }
0x82: {  	[sflag:s14] =	ssyncset.done $0x0  }
0x83: {  	[sflag:s14] =	ssyncadd.s32 $0xFFFFFB00  }
0x84: {  	[tilespmem:s3], [sflag:$0x1] =	stream.indirect.gather [hbm4b:s4+s17], $0x20, s15, s17, $0xb8;
	[tilespmem:$0x7900] =	vst v63  }
0x85: {  	s11 =	rddreg [dreg:$0x3]  }
0x86: {  	[tilespmem:s18], [sflag:$0x2] =	stream.indirect.gather [hbm4b:s4+s17], $0x20, s11, s17, $0xb8;
	[tilespmem:$0x7900] =	vst v63  }
0x87: {  	_ =	swait.ge [sflag:s19], $0x1000  }
0x88: {  	[sflag:s19] =	ssyncset.done $0x0  }
0x89: {  	[sflag:s19] =	ssyncadd.s32 $0xFFFFF000  }
0x8a: {  	[spmem:s2] =	stream.indirect.scatter.add.f32 [tilespmem:s3], [sflag:$0x3], $0x20, s16, s17, $0xb8;
	[tilespmem:$0x7900] =	vst v63  }
0x8b: {  	_ =	swait.ge [sflag:s20], $0x1000  }
0x8c: {  	[sflag:s20] =	ssyncset.done $0x0  }
0x8d: {  	s11 =	rddreg [dreg:$0x4];
	[sflag:s20] =	ssyncadd.s32 $0xFFFFF000  }
0x8e: {  	[tilespmem:s3], [sflag:$0x1] =	stream.indirect.gather [hbm4b:s4+s17], $0x20, s11, s17, $0xb8;
	[tilespmem:$0x7900] =	vst v63  }
0x8f: {  	_ =	swait.ge [sflag:s9], $0x1000  }
0x90: {  	[sflag:s9] =	ssyncset.done $0x0  }
0x91: {  	s11 =	rddreg [dreg:$0x5];
	[sflag:s9] =	ssyncadd.s32 $0xFFFFF000  }
0x92: {  	[spmem:s2] =	stream.indirect.scatter.add.f32 [tilespmem:s18], [sflag:$0x4], $0x20, s11, s17, $0xb8;
	[tilespmem:$0x7900] =	vst v63  }
0x93: {  	_ =	swait.ge [sflag:s21], $0x1000  }
0x94: {  	[sflag:s21] =	ssyncset.done $0x0  }
0x95: {  	s11 =	rddreg [dreg:$0x6];
	[sflag:s21] =	ssyncadd.s32 $0xFFFFF000  }
0x96: {  	[tilespmem:s18], [sflag:$0x2] =	stream.indirect.gather [hbm4b:s4+s17], $0x20, s11, s17, $0xb8;
	[tilespmem:$0x7900] =	vst v63  }
0x97: {  	_ =	swait.ge [sflag:s19], $0x1000  }
0x98: {  	[sflag:s19] =	ssyncset.done $0x0  }
0x99: {  	s11 =	rddreg [dreg:$0x7];
	[sflag:s19] =	ssyncadd.s32 $0xFFFFF000  }
0x9a: {  	[spmem:s2] =	stream.indirect.scatter.add.f32 [tilespmem:s3], [sflag:$0x3], $0x20, s11, s17, $0xb8;
	[tilespmem:$0x7900] =	vst v63  }
0x9b: {  	_ =	swait.ge [sflag:s20], $0x1000  }
0x9c: {  	[sflag:s20] =	ssyncset.done $0x0  }
0x9d: {  	s11 =	rddreg [dreg:$0x8];
	[sflag:s20] =	ssyncadd.s32 $0xFFFFF000  }
0x9e: {  	[tilespmem:s3], [sflag:$0x1] =	stream.indirect.gather [hbm4b:s4+s17], $0x20, s11, s17, $0xb8;
	[tilespmem:$0x7900] =	vst v63  }
0x9f: {  	_ =	swait.ge [sflag:s9], $0x1000  }
0xa0: {  	[sflag:s9] =	ssyncset.done $0x0  }
0xa1: {  	s11 =	rddreg [dreg:$0x9];
	[sflag:s9] =	ssyncadd.s32 $0xFFFFF000  }
0xa2: {  	[spmem:s2] =	stream.indirect.scatter.add.f32 [tilespmem:s18], [sflag:$0x4], $0x20, s11, s17, $0xb8;
	[tilespmem:$0x7900] =	vst v63  }
0xa3: {  	_ =	swait.ge [sflag:s21], $0x1000  }
0xa4: {  	[sflag:s21] =	ssyncset.done $0x0  }
0xa5: {  	s11 =	rddreg [dreg:$0xa];
	[sflag:s21] =	ssyncadd.s32 $0xFFFFF000  }
0xa6: {  	[tilespmem:s18], [sflag:$0x2] =	stream.indirect.gather [hbm4b:s4+s17], $0x20, s11, s17, $0xb8;
	[tilespmem:$0x7900] =	vst v63  }
0xa7: {  	_ =	swait.ge [sflag:s19], $0x1000  }
0xa8: {  	[sflag:s19] =	ssyncset.done $0x0  }
0xa9: {  	[sflag:s19] =	ssyncadd.s32 $0xFFFFF000  }
0xaa: {  	[spmem:s2] =	stream.indirect.scatter.add.f32 [tilespmem:s3], [sflag:$0x3], $0x20, s22, s17, $0xb8;
	[tilespmem:$0x7900] =	vst v63  }
0xab: {  	_ =	swait.ge [sflag:s20], $0x1000  }
0xac: {  	[sflag:s20] =	ssyncset.done $0x0  }
0xad: {  	[sflag:s20] =	ssyncadd.s32 $0xFFFFF000  }
0xae: {  	[tilespmem:s3], [sflag:$0x1] =	stream.indirect.gather [hbm4b:s4+s17], $0x20, s23, s17, $0xb8;
	[tilespmem:$0x7900] =	vst v63  }
0xaf: {  	_ =	swait.ge [sflag:s9], $0x1000  }
0xb0: {  	[sflag:s9] =	ssyncset.done $0x0  }
0xb1: {  	[sflag:s9] =	ssyncadd.s32 $0xFFFFF000  }
0xb2: {  	[spmem:s2] =	stream.indirect.scatter.add.f32 [tilespmem:s18], [sflag:$0x4], $0x20, s24, s17, $0xb8;
	[tilespmem:$0x7900] =	vst v63  }
0xb3: {  	_ =	swait.ge [sflag:s21], $0x1000  }
0xb4: {  	[sflag:s21] =	ssyncset.done $0x0  }
0xb5: {  	[sflag:s21] =	ssyncadd.s32 $0xFFFFF000  }
0xb6: {  	[tilespmem:s18], [sflag:$0x2] =	stream.indirect.gather [hbm4b:s4+s17], $0x20, s25, s17, $0xb8;
	[tilespmem:$0x7900] =	vst v63  }
0xb7: {  	_ =	swait.ge [sflag:s19], $0x1000  }
0xb8: {  	[sflag:s19] =	ssyncset.done $0x0  }
0xb9: {  	[sflag:s19] =	ssyncadd.s32 $0xFFFFF000  }
0xba: {  	[spmem:s2] =	stream.indirect.scatter.add.f32 [tilespmem:s3], [sflag:$0x3], $0x20, s26, s17, $0xb8;
	[tilespmem:$0x7900] =	vst v63  }
0xbb: {  	_ =	swait.ge [sflag:s20], $0x1000  }
0xbc: {  	[sflag:s20] =	ssyncset.done $0x0  }
0xbd: {  	[sflag:s20] =	ssyncadd.s32 $0xFFFFF000  }
0xbe: {  	[tilespmem:s3], [sflag:$0x1] =	stream.indirect.gather [hbm4b:s4+s17], $0x20, s28, s17, $0xb8;
	[tilespmem:$0x7900] =	vst v63  }
0xbf: {  	_ =	swait.ge [sflag:s9], $0x1000  }
0xc0: {  	[sflag:s9] =	ssyncset.done $0x0  }
0xc1: {  	[sflag:s9] =	ssyncadd.s32 $0xFFFFF000  }
0xc2: {  	[spmem:s2] =	stream.indirect.scatter.add.f32 [tilespmem:s18], [sflag:$0x4], $0x20, s29, s17, $0xb8;
	[tilespmem:$0x7900] =	vst v63  }
0xc3: {  	_ =	swait.ge [sflag:s21], $0x1000  }
0xc4: {  	[sflag:s21] =	ssyncset.done $0x0  }
0xc5: {  	[sflag:s21] =	ssyncadd.s32 $0xFFFFF000  }
0xc6: {  	[tilespmem:s18], [sflag:$0x2] =	stream.indirect.gather [hbm4b:s4+s17], $0x20, s30, s17, $0xb8;
	[tilespmem:$0x7900] =	vst v63  }
0xc7: {  	_ =	swait.ge [sflag:s19], $0x1000  }
0xc8: {  	[sflag:s19] =	ssyncset.done $0x0  }
0xc9: {  	[sflag:s19] =	ssyncadd.s32 $0xFFFFF000  }
0xca: {  	[spmem:s2] =	stream.indirect.scatter.add.f32 [tilespmem:s3], [sflag:$0x3], $0x20, s31, s17, $0xb8;
	[tilespmem:$0x7900] =	vst v63  }
0xcb: {  	_ =	swait.ge [sflag:s9], $0x1000  }
0xcc: {  	[sflag:s9] =	ssyncset.done $0x0  }
0xcd: {  	p1 =	sne.s32 s10, $0x1;
	[sflag:s9] =	ssyncadd.s32 $0xFFFFF000  }
0xce: {  	[spmem:s2] =	stream.indirect.scatter.add.f32 [tilespmem:s18], [sflag:$0x4], $0x20, s0, s17, $0xb8;
	[tilespmem:$0x7900] =	vst v63  }
.Ltmp2:
0xcf: {  	_ =	swait.ge [sflag:s20], $0x1000;
	(pc) =	sbr.rel @p1 .LBB2_4-.Ltmp2, $4  }
0xd0: {  	[sflag:s20] =	ssyncset.done $0x0  }
0xd1: {  	s12 =	sadd.s32 $0x500, s12;
	[sflag:s20] =	ssyncadd.s32 $0xFFFFF000  }
0xd2: {  	s11 =	sadd.s32 $0xFFFB0000, s12;
	_ =	swait.ge [sflag:s21], $0x1000  }
0xd3: {  	s10 =	sadd.s32 $0xFFFFFFFF, s10;
	s11 =	sshrl.u32 s11, $0x3;
	[sflag:s21] =	ssyncset.done $0x0  }
.LBB2_5:
0xd4: {  	s10 =	sadd.s32 s5, s11;
	[sflag:s21] =	ssyncadd.s32 @p0 $0xFFFFF000  }
0xd5: {  	[tilespmem:s15], [sflag:$0x5] =	stream.linear.gather [hbm4b:s10+s3], $0x500, $0x38;
	[tilespmem:$0x7900] =	vst v63  }
0xd6: {  	_ =	swait.ge [sflag:s14], $0x500  }
0xd7: {  	s12 =	sshrl.u32 s12, $0x3;
	[sflag:s14] =	ssyncset.done $0x0  }
0xd8: {  	s10 =	sadd.s32 s5, s12;
	[sflag:s14] =	ssyncadd.s32 $0xFFFFFB00  }
0xd9: {  	[tilespmem:s16], [sflag:$0x5] =	stream.linear.gather [hbm4b:s10+s3], $0x500, $0x38;
	[tilespmem:$0x7900] =	vst v63  }
0xda: {  	_ =	swait.ge [sflag:s14], $0x500  }
0xdb: {  	[sflag:s14] =	ssyncset.done $0x0  }
0xdc: {  	[sflag:s14] =	ssyncadd.s32 $0xFFFFFB00  }
0xdd: {  	[tilespmem:s3], [sflag:$0x1] =	stream.indirect.gather [hbm4b:s4+s17], $0x20, s15, s17, $0xb8;
	[tilespmem:$0x7900] =	vst v63  }
0xde: {  	s11 =	rddreg [dreg:$0x3]  }
0xdf: {  	[tilespmem:s18], [sflag:$0x2] =	stream.indirect.gather [hbm4b:s4+s17], $0x20, s11, s17, $0xb8;
	[tilespmem:$0x7900] =	vst v63  }
0xe0: {  	_ =	swait.ge [sflag:s19], $0x1000  }
0xe1: {  	[sflag:s19] =	ssyncset.done $0x0  }
0xe2: {  	[sflag:s19] =	ssyncadd.s32 $0xFFFFF000  }
0xe3: {  	[spmem:s2] =	stream.indirect.scatter.add.f32 [tilespmem:s3], [sflag:$0x3], $0x20, s16, s17, $0xb8;
	[tilespmem:$0x7900] =	vst v63  }
0xe4: {  	_ =	swait.ge [sflag:s20], $0x1000  }
0xe5: {  	[sflag:s20] =	ssyncset.done $0x0  }
0xe6: {  	s12 =	rddreg [dreg:$0x4];
	[sflag:s20] =	ssyncadd.s32 $0xFFFFF000  }
0xe7: {  	[tilespmem:s3], [sflag:$0x1] =	stream.indirect.gather [hbm4b:s4+s17], $0x20, s12, s17, $0xb8;
	[tilespmem:$0x7900] =	vst v63  }
0xe8: {  	_ =	swait.ge [sflag:s9], $0x1000  }
0xe9: {  	[sflag:s9] =	ssyncset.done $0x0  }
0xea: {  	s11 =	rddreg [dreg:$0x5];
	[sflag:s9] =	ssyncadd.s32 $0xFFFFF000  }
0xeb: {  	[spmem:s2] =	stream.indirect.scatter.add.f32 [tilespmem:s18], [sflag:$0x4], $0x20, s11, s17, $0xb8;
	[tilespmem:$0x7900] =	vst v63  }
0xec: {  	_ =	swait.ge [sflag:s21], $0x1000  }
0xed: {  	[sflag:s21] =	ssyncset.done $0x0  }
0xee: {  	s12 =	rddreg [dreg:$0x6];
	[sflag:s21] =	ssyncadd.s32 $0xFFFFF000  }
0xef: {  	[tilespmem:s18], [sflag:$0x2] =	stream.indirect.gather [hbm4b:s4+s17], $0x20, s12, s17, $0xb8;
	[tilespmem:$0x7900] =	vst v63  }
0xf0: {  	_ =	swait.ge [sflag:s19], $0x1000  }
0xf1: {  	[sflag:s19] =	ssyncset.done $0x0  }
0xf2: {  	s11 =	rddreg [dreg:$0x7];
	[sflag:s19] =	ssyncadd.s32 $0xFFFFF000  }
0xf3: {  	[spmem:s2] =	stream.indirect.scatter.add.f32 [tilespmem:s3], [sflag:$0x3], $0x20, s11, s17, $0xb8;
	[tilespmem:$0x7900] =	vst v63  }
0xf4: {  	_ =	swait.ge [sflag:s20], $0x1000  }
0xf5: {  	[sflag:s20] =	ssyncset.done $0x0  }
0xf6: {  	s12 =	rddreg [dreg:$0x8];
	[sflag:s20] =	ssyncadd.s32 $0xFFFFF000  }
0xf7: {  	[tilespmem:s3], [sflag:$0x1] =	stream.indirect.gather [hbm4b:s4+s17], $0x20, s12, s17, $0xb8;
	[tilespmem:$0x7900] =	vst v63  }
0xf8: {  	_ =	swait.ge [sflag:s9], $0x1000  }
0xf9: {  	[sflag:s9] =	ssyncset.done $0x0  }
0xfa: {  	s11 =	rddreg [dreg:$0x9];
	[sflag:s9] =	ssyncadd.s32 $0xFFFFF000  }
0xfb: {  	[spmem:s2] =	stream.indirect.scatter.add.f32 [tilespmem:s18], [sflag:$0x4], $0x20, s11, s17, $0xb8;
	[tilespmem:$0x7900] =	vst v63  }
0xfc: {  	_ =	swait.ge [sflag:s21], $0x1000  }
0xfd: {  	[sflag:s21] =	ssyncset.done $0x0  }
0xfe: {  	s12 =	rddreg [dreg:$0xa];
	[sflag:s21] =	ssyncadd.s32 $0xFFFFF000  }
0xff: {  	[tilespmem:s18], [sflag:$0x2] =	stream.indirect.gather [hbm4b:s4+s17], $0x20, s12, s17, $0xb8;
	[tilespmem:$0x7900] =	vst v63  }
0x100: {  	_ =	swait.ge [sflag:s19], $0x1000  }
0x101: {  	[sflag:s19] =	ssyncset.done $0x0  }
0x102: {  	[sflag:s19] =	ssyncadd.s32 $0xFFFFF000  }
0x103: {  	[spmem:s2] =	stream.indirect.scatter.add.f32 [tilespmem:s3], [sflag:$0x3], $0x20, s22, s17, $0xb8;
	[tilespmem:$0x7900] =	vst v63  }
0x104: {  	_ =	swait.ge [sflag:s20], $0x1000  }
0x105: {  	[sflag:s20] =	ssyncset.done $0x0  }
0x106: {  	[sflag:s20] =	ssyncadd.s32 $0xFFFFF000  }
0x107: {  	[tilespmem:s3], [sflag:$0x1] =	stream.indirect.gather [hbm4b:s4+s17], $0x20, s23, s17, $0xb8;
	[tilespmem:$0x7900] =	vst v63  }
0x108: {  	_ =	swait.ge [sflag:s9], $0x1000  }
0x109: {  	[sflag:s9] =	ssyncset.done $0x0  }
0x10a: {  	[sflag:s9] =	ssyncadd.s32 $0xFFFFF000  }
0x10b: {  	[spmem:s2] =	stream.indirect.scatter.add.f32 [tilespmem:s18], [sflag:$0x4], $0x20, s24, s17, $0xb8;
	[tilespmem:$0x7900] =	vst v63  }
0x10c: {  	_ =	swait.ge [sflag:s21], $0x1000  }
0x10d: {  	[sflag:s21] =	ssyncset.done $0x0  }
0x10e: {  	[sflag:s21] =	ssyncadd.s32 $0xFFFFF000  }
0x10f: {  	[tilespmem:s18], [sflag:$0x2] =	stream.indirect.gather [hbm4b:s4+s17], $0x20, s25, s17, $0xb8;
	[tilespmem:$0x7900] =	vst v63  }
0x110: {  	_ =	swait.ge [sflag:s19], $0x1000  }
0x111: {  	[sflag:s19] =	ssyncset.done $0x0  }
0x112: {  	[sflag:s19] =	ssyncadd.s32 $0xFFFFF000  }
0x113: {  	[spmem:s2] =	stream.indirect.scatter.add.f32 [tilespmem:s3], [sflag:$0x3], $0x20, s26, s17, $0xb8;
	[tilespmem:$0x7900] =	vst v63  }
0x114: {  	_ =	swait.ge [sflag:s20], $0x1000  }
0x115: {  	[sflag:s20] =	ssyncset.done $0x0  }
0x116: {  	[sflag:s20] =	ssyncadd.s32 $0xFFFFF000  }
0x117: {  	[tilespmem:s3], [sflag:$0x1] =	stream.indirect.gather [hbm4b:s4+s17], $0x20, s28, s17, $0xb8;
	[tilespmem:$0x7900] =	vst v63  }
0x118: {  	_ =	swait.ge [sflag:s9], $0x1000  }
0x119: {  	[sflag:s9] =	ssyncset.done $0x0  }
0x11a: {  	[sflag:s9] =	ssyncadd.s32 $0xFFFFF000  }
0x11b: {  	[spmem:s2] =	stream.indirect.scatter.add.f32 [tilespmem:s18], [sflag:$0x4], $0x20, s29, s17, $0xb8;
	[tilespmem:$0x7900] =	vst v63  }
0x11c: {  	_ =	swait.ge [sflag:s21], $0x1000  }
0x11d: {  	[sflag:s21] =	ssyncset.done $0x0  }
0x11e: {  	[sflag:s21] =	ssyncadd.s32 $0xFFFFF000  }
0x11f: {  	[tilespmem:s18], [sflag:$0x2] =	stream.indirect.gather [hbm4b:s4+s17], $0x20, s30, s17, $0xb8;
	[tilespmem:$0x7900] =	vst v63  }
0x120: {  	_ =	swait.ge [sflag:s19], $0x1000  }
0x121: {  	[sflag:s19] =	ssyncset.done $0x0  }
0x122: {  	[sflag:s19] =	ssyncadd.s32 $0xFFFFF000  }
0x123: {  	[spmem:s2] =	stream.indirect.scatter.add.f32 [tilespmem:s3], [sflag:$0x3], $0x20, s31, s17, $0xb8;
	[tilespmem:$0x7900] =	vst v63  }
0x124: {  	_ =	swait.ge [sflag:s9], $0x1000  }
0x125: {  	[sflag:s9] =	ssyncset.done $0x0  }
0x126: {  	[sflag:s9] =	ssyncadd.s32 $0xFFFFF000  }
0x127: {  	[spmem:s2] =	stream.indirect.scatter.add.f32 [tilespmem:s18], [sflag:$0x4], $0x20, s0, s17, $0xb8;
	[tilespmem:$0x7900] =	vst v63  }
0x128: {  	_ =	swait.ge [sflag:s20], $0x1000  }
0x129: {  	[sflag:s20] =	ssyncset.done $0x0  }
0x12a: {  	[sflag:s20] =	ssyncadd.s32 $0xFFFFF000  }
0x12b: {  	_ =	swait.ge [sflag:s21], $0x1000  }
0x12c: {  	[sflag:s21] =	ssyncset.done $0x0  }
0x12d: {  	[sflag:s21] =	ssyncadd.s32 $0xFFFFF000  }
0x12e: {  	[bflag:$0x0] =	sbarrier.arrive $0xFFFF  }
0x12f: {  	s11 =	rddreg [dreg:$0xc]  }
0x130: {  	[hbm:s11], [sflag:s7] =	dma.local [spmem:s13], $0x9E0  }
0x131: {  	_ =	swait.ge [sflag:s14], $0x9E0  }
0x132: {  	s1 =	sadd.s32 $0x1, s1;
	s12 =	rddreg [dreg:$0xd]  }
0x133: {  	p0 =	sne.s32 s1, s12  }
.Ltmp3:
0x134: {  	_ = 	snop;
	(pc) =	sbr.rel @p0 .LBB2_1-.Ltmp3, $4  }
.Ltmp4:
0x135: {  	_ = 	snop;
	(pc) =	sbr.rel @!p0 .LBB2_6-.Ltmp4, $4  }
0x136: {  	_ = 	snop  }
0x137: {  	[sflag:s14] =	ssyncset.done $0x0  }
0x138: {  	[sflag:s14] =	ssyncadd.s32 $0xFFFFF620  }
0x139: {  	_ = 	snop  }
.LBB2_2:
.Ltmp5:
0x13a: {  	(pc) =	sbr.rel .LBB2_5-.Ltmp5, $2  }
0x13b: {  	_ =	sdelay $0x2  }
0x13c: {  	s12 =	smov.u32 s6  }
.LBB2_6:
0x13d: {  	_ =	sfence.sel $0x180000  }
0x13e: {  	[bflag:$0x0] =	sbarrier.arrive $0xFFFF  }
0x13f: {  	_ =	strace $0x9000004D  }
0x140: {  	s0 =	stileid.u32;
	[bflag:$0x2] =	sbarrier.arrive $0xFFFF  }
0x141: {  	p0 =	sne.s32 s0, $0x0;
	s0 =	rddreg [dreg:$0x2]  }
0x142: {  	s0 =	sadd.s32 @!p0 $0x100000, s0  }
0x143: {  	[sflag:s0] =	ssyncadd.tile.s32 @!p0 $0x1;
	_ =	shalt  }
.Lfunc_end2:
_tile_overlayer_lowered:
.L_overlay_start_2:
0x144: {  	(tag) =	ssettag $0x2  }
0x145: {  	s0 =	rddreg [dreg:$0x0];
	s2 =	stileid.u32  }
0x146: {  	s1 =	rddreg [dreg:$0x1];
	p0 =	sne.s32 s2, $0x0  }
0x147: {  	s3 =	rddreg [dreg:$0x2];
	[bflag:$0x3] =	sbarrier.arrive $0xFFFF;
	s2 =	simm.s32 @!p0 $0x1C05  }
0x148: {  	[timem:s3], [sflag:s2] =	dma.local @!p0 [hbm:s0], s1  }
0x149: {  	s0 =	simm.s32 @!p0 $0x5  }
0x14a: {  	_ =	swait.ge @!p0 [sflag:s0], s1  }
0x14b: {  	s1 =	ssub.s32 @!p0 $0x0, s1;
	[sflag:s0] =	ssyncset.done @!p0 $0x0  }
0x14c: {  	[sflag:s0] =	ssyncadd.s32 @!p0 s1  }
0x14d: {  	[bflag:$0x3] =	sbarrier.arrive $0xFFFF  }
0x14e: {  	_ =	shalt  }

// kernel: kernel.8.cloned.1.call-start
scs
__scs_entry_jumppad:
0x0: {  	(pc) =	sbr.rel $0x88, $3  }
0x1: {  	(tag) =	ssettag $0x0;
	lr =	simm.s32 $0x1  }
0x2: {  	[smem:$0x3F94] =	sst lr;
	_ =	strace $0xD0000000  }
0x3: {  	_ = 	snop  }
0x4: {  	_ = 	snop  }
0x5: {  	_ = 	snop  }
0x6: {  	_ = 	snop  }
0x7: {  	_ = 	snop  }
__scs_overlays_trampoline_lowered:
0x8: {  	[smem:$0x3FA3] =	sst s0  }
0x9: {  	[smem:$0x3FA4] =	sst s1  }
0xa: {  	[smem:$0x3FA5] =	sst s2  }
0xb: {  	[smem:$0x3FA6] =	sst s3  }
0xc: {  	[smem:$0x3FA7] =	sst s4  }
0xd: {  	[smem:$0x3FA8] =	sst s5  }
0xe: {  	[smem:$0x3FA9] =	sst s6  }
0xf: {  	[smem:$0x3FAA] =	sst s7  }
0x10: {  	[smem:$0x3FAB] =	sst s8  }
0x11: {  	[smem:$0x3FAC] =	sst s9;
	s0 =	simm.s32 @!p0 $0x0  }
0x12: {  	s1 =	sld [smem:$0x3F92];
	s0 =	simm.s32 @p0 $0x1  }
0x13: {  	[smem:$0x3FAD] =	sst s0;
	s0 =	simm.s32 @!p1 $0x0  }
0x14: {  	s2 =	sld [smem:$0x3F91];
	s0 =	simm.s32 @p1 $0x1  }
0x15: {  	[smem:$0x3FAE] =	sst s0;
	s0 =	simm.s32 @!p2 $0x0  }
0x16: {  	s3 =	sld [smem:$0x3FDB];
	s0 =	simm.s32 @p2 $0x1  }
0x17: {  	s4 =	simm.s32 $0x1BF5;
	[smem:$0x3FB0] =	sst s0  }
0x18: {  	s0 =	sld [smem:$0x3F93];
	_ =	swait.ge [sflag:s4], $0x0  }
0x19: {  	s7 =	sld [smem:$0x3F94]  }
0x1a: {  	s8 =	sadd.s32 $0xFFFFE003, lr  }
0x1b: {  	s9 =	sadd.s32 $0xFFFFFEF7, lr;
	s5 =	simm.s32 $0xFFFFFFFF;
	p2 =	slt.u32 s8, $0xFFFFF086  }
0x1c: {  	p1 =	slt.u32 s9, $0xF7A;
	s5 =	simm.s32 @!p2 $0x0  }
0x1d: {  	s5 =	simm.s32 @p1 $0x1;
	p0 =	seq.s32 s7, s2  }
0x1e: {  	s7 =	smul.u32 @!p0 $0xF7A, s2;
	p2 =	seq.s32 @!p0 s5, $0x0  }
0x1f: {  	s9 =	smul.u32 $0xF7A, s1;
	s8 =	simm.s32 @!p0 $0x1BF5;
	p2 =	por !p2, p0  }
0x20: {  	[sflag:s8] =	ssyncset.s32 @!p0 $0xFFFFF086;
	s6 =	sadd.s32 @!p0 s3, s7;
	s7 =	simm.s32 @!p0 $0x108  }
0x21: {  	s3 =	sadd.s32 s3, s9;
	s6 =	sadd.s32 @!p0 $0x88, s6;
	s7 =	simm.s32 @p2 $0x1082  }
0x22: {  	[simem:s7], [sflag:s8] =	dma.local @!p0 [hbm:s6], $0xF7A  }
0x23: {  	s9 =	sor.u32 $0xD0000000, s2;
	s6 =	simm.s32 $0x108;
	_ =	swait.ge @!p0 [sflag:s8], $0x0  }
0x24: {  	s3 =	sadd.s32 $0x88, s3;
	s6 =	simm.s32 @!p1 $0x1082;
	[sflag:s4] =	ssyncset.s32 $0xFFFFF086  }
0x25: {  	[simem:s6], [sflag:s4] =	dma.local [hbm:s3], $0xF7A  }
0x26: {  	[smem:$0x3F94] =	sst s1;
	(tag) =	ssettag s2;
	_ =	strace s9  }
0x27: {  	s1 =	sld [smem:$0x3FA4]  }
0x28: {  	s2 =	sld [smem:$0x3FA5]  }
0x29: {  	s4 =	sld [smem:$0x3FA7]  }
0x2a: {  	p0 =	seq.s32 s5, $0x0;
	s5 =	sld [smem:$0x3FA8]  }
0x2b: {  	s6 =	sld [smem:$0x3FA9]  }
0x2c: {  	s7 =	sld [smem:$0x3FAA]  }
0x2d: {  	s3 =	simm.s32 $0x108;
	s8 =	sld [smem:$0x3FAB]  }
0x2e: {  	s3 =	simm.s32 @!p0 $0x1082;
	s9 =	sld [smem:$0x3FAC]  }
0x2f: {  	lr =	sadd.s32 s0, s3;
	s0 =	sld [smem:$0x3FA3]  }
0x30: {  	s3 =	sld [smem:$0x3FA6]  }
0x31: {  	[smem:$0x3FAF] =	sst s10  }
0x32: {  	s10 =	sld [smem:$0x3FAD];
	_ =	sdelay $0x3  }
0x33: {  	p0 =	seq.s32 s10, $0x1;
	s10 =	sld [smem:$0x3FAF];
	_ =	sdelay $0x3  }
0x34: {  	[smem:$0x3FAF] =	sst s10  }
0x35: {  	s10 =	sld [smem:$0x3FAE];
	_ =	sdelay $0x3  }
0x36: {  	p1 =	seq.s32 s10, $0x1;
	s10 =	sld [smem:$0x3FAF];
	_ =	sdelay $0x3  }
0x37: {  	[smem:$0x3FAF] =	sst s10  }
0x38: {  	s10 =	sld [smem:$0x3FB0]  }
0x39: {  	_ = 	snop;
	(pc) =	sbr.ind lr, $3  }
0x3a: {  	_ = 	snop  }
0x3b: {  	_ = 	snop  }
0x3c: {  	p2 =	seq.s32 s10, $0x1;
	s10 =	sld [smem:$0x3FAF]  }
0x3d: {  	_ =	shalt  }
0x3e: {  	_ =	shalt  }
0x3f: {  	_ =	shalt  }
0x40: {  	_ =	shalt  }
0x41: {  	_ =	shalt  }
0x42: {  	_ =	shalt  }
0x43: {  	_ =	shalt  }
0x44: {  	_ =	shalt  }
0x45: {  	_ =	shalt  }
0x46: {  	_ =	shalt  }
0x47: {  	_ =	shalt  }
0x48: {  	_ =	shalt  }
0x49: {  	_ =	shalt  }
0x4a: {  	_ =	shalt  }
0x4b: {  	_ =	shalt  }
0x4c: {  	_ =	shalt  }
0x4d: {  	_ =	shalt  }
0x4e: {  	_ =	shalt  }
0x4f: {  	_ =	shalt  }
0x50: {  	_ =	shalt  }
0x51: {  	_ =	shalt  }
0x52: {  	_ =	shalt  }
0x53: {  	_ =	shalt  }
0x54: {  	_ =	shalt  }
0x55: {  	_ =	shalt  }
0x56: {  	_ =	shalt  }
0x57: {  	_ =	shalt  }
0x58: {  	_ =	shalt  }
0x59: {  	_ =	shalt  }
0x5a: {  	_ =	shalt  }
0x5b: {  	_ =	shalt  }
0x5c: {  	_ =	shalt  }
0x5d: {  	_ =	shalt  }
0x5e: {  	_ =	shalt  }
0x5f: {  	_ =	shalt  }
0x60: {  	_ =	shalt  }
0x61: {  	_ =	shalt  }
0x62: {  	_ =	shalt  }
0x63: {  	_ =	shalt  }
0x64: {  	_ =	shalt  }
0x65: {  	_ =	shalt  }
0x66: {  	_ =	shalt  }
0x67: {  	_ =	shalt  }
0x68: {  	_ =	shalt  }
0x69: {  	_ =	shalt  }
0x6a: {  	_ =	shalt  }
0x6b: {  	_ =	shalt  }
0x6c: {  	_ =	shalt  }
0x6d: {  	_ =	shalt  }
0x6e: {  	_ =	shalt  }
0x6f: {  	_ =	shalt  }
0x70: {  	_ =	shalt  }
0x71: {  	_ =	shalt  }
0x72: {  	_ =	shalt  }
0x73: {  	_ =	shalt  }
0x74: {  	_ =	shalt  }
0x75: {  	_ =	shalt  }
0x76: {  	_ =	shalt  }
0x77: {  	_ =	shalt  }
0x78: {  	_ =	shalt  }
0x79: {  	_ =	shalt  }
0x7a: {  	_ =	shalt  }
0x7b: {  	_ =	shalt  }
0x7c: {  	_ =	shalt  }
0x7d: {  	_ =	shalt  }
0x7e: {  	_ =	shalt  }
0x7f: {  	_ =	shalt  }
0x80: {  	_ =	shalt  }
0x81: {  	_ =	shalt  }
0x82: {  	_ =	shalt  }
0x83: {  	_ =	shalt  }
0x84: {  	_ =	shalt  }
0x85: {  	_ =	shalt  }
0x86: {  	_ =	shalt  }
0x87: {  	_ =	shalt  }
.Lfunc_end0:
.L_simem_size_0:
called_computation_lowered:
.L_overlay_start_0:
0x88: {  	s2 =	sld [smem:$0x3FD9]  }
0x89: {  	s3 =	sld [smem:$0x3FFE];
	_ =	sdelay $0x1  }
0x8a: {  	s1 =	srdreg.scid  }
0x8b: {  	s0 =	sand.u32 $0x1, s1  }
0x8c: {  	s17 =	sshll.u32 s0, $0xA;
	s2 =	sadd.s32 s3, s2  }
0x8d: {  	s2 =	sadd.s32 s2, s17  }
0x8e: {  	[smem:$0x3FBB] =	sst s2  }
0x8f: {  	_ = 	snop  }
0x90: {  	s2 =	sld [smem:$0x3FC9]  }
0x91: {  	s18 =	sld [smem:$0x3FD0];
	(tm) =	ssettm $0x1  }
0x92: {  	s4 =	sld [smem:$0x3FFB];
	_ =	sdelay $0x3  }
0x93: {  	_ =	strace s4  }
0x94: {  	s4 =	sld [smem:$0x3FFC];
	_ =	sdelay $0x3  }
0x95: {  	_ =	strace s4  }
0x96: {  	s4 =	sld [smem:$0x3FFD];
	_ =	sdelay $0x3  }
0x97: {  	_ =	strace s4  }
0x98: {  	_ =	strace $0x8FFFFFFF  }
0x99: {  	s19 =	sld [smem:$0x3FDB];
	_ =	sdelay $0x1  }
0x9a: {  	s5 =	simm.s32 $_scs_section_size  }
0x9b: {  	s6 =	simm.s32 $_size__tile_overlayer_lowered;
	s7 =	simm.s32 $_tile_overlayer_lowered  }
0x9c: {  	s22 =	simm.s32 $0x1BFF;
	s21 =	sshll.u32 s7, $0x1;
	s4 =	sadd.s32 s5, s19  }
0x9d: {  	s8 =	simm.s32 $0x0;
	s20 =	sshll.u32 s6, $0x1;
	s6 =	sadd.s32 s21, s4  }
0x9e: {  	[timem:s8], [sflag:s22] =	dma.local [hbm:s6], s20  }
0x9f: {  	_ =	swait.ge [sflag:s22], s20  }
0xa0: {  	s5 =	ssub.s32 $0x0, s20;
	[sflag:s22] =	ssyncset.done $0x0  }
0xa1: {  	[sflag:s22] =	ssyncadd.s32 s5;
	_ =	sdelay $0x1  }
0xa2: {  	s23 =	simm.s32 $0x1B8B  }
0xa3: {  	_ =	swait.ge [sflag:s23], $0x1  }
0xa4: {  	[sflag:s23] =	ssyncset.done $0x0  }
0xa5: {  	s25 =	simm.s32 $0x1B8E;
	s24 =	sld [smem:$0x3FFE];
	[sflag:s23] =	ssyncadd.s32 $0xFFFFFFFF  }
0xa6: {  	s26 =	simm.s32 $execute0_lowered;
	[smem:$0x3FD2] =	sst s25  }
0xa7: {  	s6 =	sshll.u32 s26, $0x1;
	_ =	strace $0x80000046;
	[dreg:$0x1] =	wrdreg $0xFFFFFFFF  }
0xa8: {  	s28 =	simm.s32 $_size_execute0_lowered;
	s4 =	sadd.s32 s4, s6;
	[dreg:$0x0] =	wrdreg $0x0  }
0xa9: {  	s6 =	sshll.u32 s28, $0x1;
	[dreg:$0x2] =	wrdreg s4  }
0xaa: {  	[dreg:$0x3] =	wrdreg s6  }
0xab: {  	[dreg:$0x4] =	wrdreg $0xC0  }
0xac: {  	_ =	task [dreg:s8], $0x5FFFF  }
0xad: {  	[dreg:$0x1] =	wrdreg $0xFFFFFFFF  }
0xae: {  	[dreg:$0x0] =	wrdreg $0x60  }
0xaf: {  	[dreg:$0x2] =	wrdreg s2  }
0xb0: {  	[dreg:$0x3] =	wrdreg s24  }
0xb1: {  	[dreg:$0x4] =	wrdreg s18  }
0xb2: {  	[dreg:$0x5] =	wrdreg $0x8A000  }
0xb3: {  	[dreg:$0x6] =	wrdreg $0x1CE000  }
0xb4: {  	[dreg:$0x7] =	wrdreg $0x9  }
0xb5: {  	_ =	task.clear_ibuf [dreg:s8], $0x8FFFF;
	_ =	strace $0x90000046  }
0xb6: {  	s29 =	simm.s32 $0x9;
	_ =	strace $0x80000048  }
0xb7: {  	_ =	swait.ge [sflag:s29], $0x1  }
0xb8: {  	[sflag:s29] =	ssyncadd.s32 $0xFFFFFFFF  }
0xb9: {  	_ =	strace $0x90000048  }
0xba: {  	_ =	sfence  }
0xbb: {  	s30 =	sld [smem:$0x0];
	_ =	sdelay $0x2  }
0xbc: {  	s31 =	sshll.u32 s1, $0xD;
	s1 =	sshrl.u32 s1, $0x2  }
0xbd: {  	s3 =	sand.u32 $0x4000, s31;
	s1 =	sadd.s32 s1, s30  }
0xbe: {  	s0 =	sor.u32 s3, s0;
	s1 =	sshll.u32 s1, $0x11  }
0xbf: {  	s0 =	sor.u32 s1, s0  }
0xc0: {  	s0 =	sadd.s32 $0x8F2B, s0  }
0xc1: {  	[sflag:s0] =	ssyncadd.remote.s32 $0x1  }
0xc2: {  	_ =	sfence.sel $0xFFFF  }
0xc3: {  	[dreg:$0x0] =	wrdreg $0xFFFFFFFF;
	(pc) =	sbr.abs _section_cstart, $3  }
0xc4: {  	[dreg:$0x1] =	wrdreg $0xFFFFFFFF  }
0xc5: {  	_ =	task.clear_ibuf [dreg:s8], $0x2FFFF;
	_ =	strace $0x9FFFFFFF  }
0xc6: {  	(tm) =	ssettm $0x7FFFFFFF  }
0xc7: {  	_ =	shalt  }
tec
execute0_lowered:
.L_overlay_start_1:
0x0: {  	(tag) =	ssettag $0x1  }
0x1: {  	s1 =	rddreg [dreg:$0x0]  }
0x2: {  	s0 =	rddreg [dreg:$0x1]  }
0x3: {  	s4 =	rddreg [dreg:$0x3]  }
0x4: {  	s5 =	rddreg [dreg:$0x4];
	s15 =	stileid.u32;
	s6 =	simm.s32 $0x0  }
0x5: {  	s3 =	srdreg.scid;
	s18 =	simm.s32 $0x8080;
	s19 =	simm.s32 $0x8100  }
0x6: {  	s20 =	simm.s32 $0x8180;
	s21 =	simm.s32 $0x8200;
	s28 =	simm.s32 $0x8580  }
0x7: {  	s29 =	simm.s32 $0x4;
	s30 =	simm.s32 $0x8600;
	s2 =	smul.u32 $0x13C00, s15  }
0x8: {  	s31 =	simm.s32 $0x8680;
	s8 =	smul.u32 $0x2780, s15;
	s3 =	sand.u32 $0x1, s3  }
0x9: {  	s24 =	sshll.u32 s15, $0x1;
	s26 =	sshll.u32 s15, $0x6;
	s15 =	smul.u32 $0x5000, s15  }
0xa: {  	[smem:$0x7FF] =	sst s6;
	s7 =	sadd.s32 $0x3400, s0;
	s9 =	smul.u32 $0x13C000, s3  }
0xb: {  	_ =	strace $0x80000047;
	s12 =	smul.u32 $0x27800, s3;
	[dreg:$0x6] =	wrdreg s18  }
0xc: {  	s13 =	ssub.s32 $0x2, s3;
	s25 =	sor.u32 s3, s24;
	[dreg:$0x7] =	wrdreg s19  }
0xd: {  	s3 =	smul.u32 $0x2800, s3;
	s18 =	simm.s32 $0x5;
	[dreg:$0x8] =	wrdreg s20  }
0xe: {  	[dreg:$0x9] =	wrdreg s21;
	s20 =	simm.s32 $0x1C600;
	s21 =	simm.s32 $0x8000  }
0xf: {  	s24 =	simm.s32 $0x8380;
	s10 =	sshrl.u32 s2, $0x3;
	s11 =	sshrl.u32 s8, $0x3  }
0x10: {  	s23 =	sshrl.u32 s13, $0x1;
	p0 =	seq.s32 s25, $0x1F;
	[dreg:$0xc] =	wrdreg s24  }
0x11: {  	s25 =	simm.s32 $0x8400;
	s24 =	simm.s32 $0x4000;
	s10 =	sadd.s32 s10, s0  }
0x12: {  	s11 =	sadd.s32 s11, s0;
	s9 =	sadd.s32 s2, s9;
	s12 =	sadd.s32 s8, s12  }
0x13: {  	s13 =	ssub.s32 s13, s23;
	s2 =	sadd.s32 s2, s4;
	s8 =	sadd.s32 s8, s5  }
0x14: {  	s17 =	sadd.s32 s3, s15;
	s23 =	simm.s32 $0x8300;
	[dreg:$0xd] =	wrdreg s25  }
0x15: {  	s25 =	simm.s32 $0x1;
	s3 =	simm.s32 $0x8800;
	s9 =	sshrl.u32 s9, $0x3  }
0x16: {  	s22 =	sshrl.u32 s12, $0x3;
	s10 =	sadd.s32 $0x17400, s10;
	s11 =	sadd.s32 $0x3EC00, s11  }
0x17: {  	s12 =	simm.s32 $0x2;
	s16 =	smax.u32 s13, $0x1;
	s15 =	sadd.s32 $0x50000, s17  }
0x18: {  	s17 =	sshrl.u32 s2, $0x3;
	s19 =	sshrl.u32 s8, $0x3;
	[dreg:$0xb] =	wrdreg s23  }
0x19: {  	s23 =	simm.s32 $0x80;
	s2 =	simm.s32 $0x8780;
	[dreg:$0xf] =	wrdreg s10  }
0x1a: {  	s8 =	simm.s32 $0x8880;
	s13 =	simm.s32 $0x8980;
	[dreg:$0x10] =	wrdreg s11  }
0x1b: {  	s14 =	sadd.s32 s9, s0;
	s0 =	sadd.s32 s22, s0;
	[dreg:$0x13] =	wrdreg s16  }
0x1c: {  	s9 =	sor.u32 $0x1C05, s26;
	s12 =	simm.s32 @!p0 $0x8;
	[dreg:$0x15] =	wrdreg s19  }
0x1d: {  	s11 =	simm.s32 $0x2;
	s22 =	simm.s32 $0x8280;
	[dreg:$0x14] =	wrdreg s12  }
0x1e: {  	s26 =	simm.s32 $0x8480;
	s10 =	simm.s32 $0x8900;
	[dreg:$0xa] =	wrdreg s22  }
0x1f: {  	s14 =	sadd.s32 $0x4DA00, s14;
	s0 =	sadd.s32 $0x43C00, s0;
	[dreg:$0xe] =	wrdreg s26  }
0x20: {  	s22 =	simm.s32 $0x8500;
	s26 =	simm.s32 $0x3;
	[dreg:$0x11] =	wrdreg s14  }
0x21: {  	[dreg:$0x12] =	wrdreg s0;
	s0 =	simm.s32 $0x8700;
	s14 =	simm.s32 $0x0  }
.LBB2_1:
0x22: {  	s16 =	rddreg [dreg:$0xf]  }
0x23: {  	[spmem:s17], [sflag:s9] =	dma.local [hbm:s16], $0x2780  }
0x24: {  	_ =	swait.ge [sflag:s18], $0x2780  }
0x25: {  	[sflag:s18] =	ssyncset.done $0x0  }
0x26: {  	s12 =	smov.u32 s17;
	s17 =	rddreg [dreg:$0x10];
	[sflag:s18] =	ssyncadd.s32 $0xFFFFD880  }
0x27: {  	[spmem:s19], [sflag:s9] =	dma.local [hbm:s17], $0x4F0  }
0x28: {  	_ =	swait.ge [sflag:s18], $0x4F0  }
0x29: {  	[sflag:s18] =	ssyncset.done $0x0  }
0x2a: {  	[sflag:s18] =	ssyncadd.s32 $0xFFFFFB10  }
0x2b: {  	s19 =	rddreg [dreg:$0x2]  }
0x2c: {  	[tilespmem:s20], [sflag:$0x5] =	stream.linear.gather [hbm4b:s19+s6], $0x800, $0x38;
	[tilespmem:$0x1F580] =	vst v63  }
0x2d: {  	_ =	swait.ge [sflag:s18], $0x800  }
0x2e: {  	[sflag:s18] =	ssyncset.done $0x0  }
0x2f: {  	[sflag:s18] =	ssyncadd.s32 $0xFFFFF800  }
0x30: {  	[bflag:$0x0] =	sbarrier.arrive $0xFFFF  }
0x31: {  	s16 =	rddreg [dreg:$0x14]  }
0x32: {  	p1 =	sne.s32 s16, $0x1  }
.Ltmp0:
0x33: {  	_ = 	snop;
	(pc) =	sbr.rel @!p1 .LBB2_2-.Ltmp0, $3  }
0x34: {  	_ =	sdelay $0x1  }
0x35: {  	s19 =	sadd.s32 $0xFFFB0000, s15  }
0x36: {  	p0 =	por $0x0, $0x0;
	s19 =	sshrl.u32 s19, $0x3;
	s17 =	sadd.s32 $0xFFFFFFFF, s16  }
0x37: {  	s16 =	sadd.s32 s7, s19  }
0x38: {  	[tilespmem:s21], [sflag:$0x5] =	stream.linear.gather [hbm4b:s16+s6], $0x500, $0x38;
	[tilespmem:$0x1F580] =	vst v63  }
0x39: {  	_ =	swait.ge [sflag:s18], $0x500  }
0x3a: {  	s19 =	sshrl.u32 s15, $0x3;
	[sflag:s18] =	ssyncset.done $0x0  }
0x3b: {  	s16 =	sadd.s32 s7, s19;
	[sflag:s18] =	ssyncadd.s32 $0xFFFFFB00  }
0x3c: {  	[tilespmem:s22], [sflag:$0x5] =	stream.linear.gather [hbm4b:s16+s6], $0x500, $0x38;
	[tilespmem:$0x1F580] =	vst v63  }
0x3d: {  	_ =	swait.ge [sflag:s18], $0x500  }
0x3e: {  	[sflag:s18] =	ssyncset.done $0x0  }
0x3f: {  	[sflag:s18] =	ssyncadd.s32 $0xFFFFFB00  }
0x40: {  	[tilespmem:s6], [sflag:$0x1] =	stream.indirect.gather [hbm4b:s1+s23], $0x80, s21, s23, $0xb8;
	[tilespmem:$0x1F580] =	vst v63  }
0x41: {  	s19 =	rddreg [dreg:$0x6]  }
0x42: {  	[tilespmem:s24], [sflag:$0x2] =	stream.indirect.gather [hbm4b:s1+s23], $0x80, s19, s23, $0xb8;
	[tilespmem:$0x1F580] =	vst v63  }
0x43: {  	_ =	swait.ge [sflag:s25], $0x4000  }
0x44: {  	[sflag:s25] =	ssyncset.done $0x0  }
0x45: {  	[sflag:s25] =	ssyncadd.s32 $0xFFFFC000  }
0x46: {  	[spmem:s4] =	stream.indirect.scatter.add.f32 [tilespmem:s6], [sflag:$0x3], $0x80, s22, s23, $0xb8;
	[tilespmem:$0x1F580] =	vst v63  }
0x47: {  	_ = 	snop  }
0x48: {  	[spmem:s5] =	stream.indirect.scatter.add.f32 [tilespmem:s20], [sflag:$0x5], $0x10, s22, s23, $0xb8;
	[tilespmem:$0x1F580] =	vst v63  }
0x49: {  	_ =	swait.ge [sflag:s18], $0x800  }
0x4a: {  	[sflag:s18] =	ssyncset.done $0x0  }
0x4b: {  	[sflag:s18] =	ssyncadd.s32 $0xFFFFF800  }
0x4c: {  	_ =	swait.ge [sflag:s26], $0x4000  }
0x4d: {  	[sflag:s26] =	ssyncset.done $0x0  }
0x4e: {  	s19 =	rddreg [dreg:$0x7];
	[sflag:s26] =	ssyncadd.s32 $0xFFFFC000  }
0x4f: {  	[tilespmem:s6], [sflag:$0x1] =	stream.indirect.gather [hbm4b:s1+s23], $0x80, s19, s23, $0xb8;
	[tilespmem:$0x1F580] =	vst v63  }
0x50: {  	_ =	swait.ge [sflag:s11], $0x4000  }
0x51: {  	[sflag:s11] =	ssyncset.done $0x0  }
0x52: {  	[sflag:s11] =	ssyncadd.s32 $0xFFFFC000  }
0x53: {  	[spmem:s4] =	stream.indirect.scatter.add.f32 [tilespmem:s24], [sflag:$0x4], $0x80, s28, s23, $0xb8;
	[tilespmem:$0x1F580] =	vst v63  }
0x54: {  	_ = 	snop  }
0x55: {  	[spmem:s5] =	stream.indirect.scatter.add.f32 [tilespmem:s20], [sflag:$0x5], $0x10, s28, s23, $0xb8;
	[tilespmem:$0x1F580] =	vst v63  }
0x56: {  	_ =	swait.ge [sflag:s18], $0x800  }
0x57: {  	[sflag:s18] =	ssyncset.done $0x0  }
0x58: {  	[sflag:s18] =	ssyncadd.s32 $0xFFFFF800  }
0x59: {  	_ =	swait.ge [sflag:s29], $0x4000  }
0x5a: {  	[sflag:s29] =	ssyncset.done $0x0  }
0x5b: {  	s19 =	rddreg [dreg:$0x8];
	[sflag:s29] =	ssyncadd.s32 $0xFFFFC000  }
0x5c: {  	[tilespmem:s24], [sflag:$0x2] =	stream.indirect.gather [hbm4b:s1+s23], $0x80, s19, s23, $0xb8;
	[tilespmem:$0x1F580] =	vst v63  }
0x5d: {  	_ =	swait.ge [sflag:s25], $0x4000  }
0x5e: {  	[sflag:s25] =	ssyncset.done $0x0  }
0x5f: {  	[sflag:s25] =	ssyncadd.s32 $0xFFFFC000  }
0x60: {  	[spmem:s4] =	stream.indirect.scatter.add.f32 [tilespmem:s6], [sflag:$0x3], $0x80, s30, s23, $0xb8;
	[tilespmem:$0x1F580] =	vst v63  }
0x61: {  	_ = 	snop  }
0x62: {  	[spmem:s5] =	stream.indirect.scatter.add.f32 [tilespmem:s20], [sflag:$0x5], $0x10, s30, s23, $0xb8;
	[tilespmem:$0x1F580] =	vst v63  }
0x63: {  	_ =	swait.ge [sflag:s18], $0x800  }
0x64: {  	[sflag:s18] =	ssyncset.done $0x0  }
0x65: {  	[sflag:s18] =	ssyncadd.s32 $0xFFFFF800  }
0x66: {  	_ =	swait.ge [sflag:s26], $0x4000  }
0x67: {  	[sflag:s26] =	ssyncset.done $0x0  }
0x68: {  	s19 =	rddreg [dreg:$0x9];
	[sflag:s26] =	ssyncadd.s32 $0xFFFFC000  }
0x69: {  	[tilespmem:s6], [sflag:$0x1] =	stream.indirect.gather [hbm4b:s1+s23], $0x80, s19, s23, $0xb8;
	[tilespmem:$0x1F580] =	vst v63  }
0x6a: {  	_ =	swait.ge [sflag:s11], $0x4000  }
0x6b: {  	[sflag:s11] =	ssyncset.done $0x0  }
0x6c: {  	[sflag:s11] =	ssyncadd.s32 $0xFFFFC000  }
0x6d: {  	[spmem:s4] =	stream.indirect.scatter.add.f32 [tilespmem:s24], [sflag:$0x4], $0x80, s31, s23, $0xb8;
	[tilespmem:$0x1F580] =	vst v63  }
0x6e: {  	_ = 	snop  }
0x6f: {  	[spmem:s5] =	stream.indirect.scatter.add.f32 [tilespmem:s20], [sflag:$0x5], $0x10, s31, s23, $0xb8;
	[tilespmem:$0x1F580] =	vst v63  }
0x70: {  	_ =	swait.ge [sflag:s18], $0x800  }
0x71: {  	[sflag:s18] =	ssyncset.done $0x0  }
0x72: {  	[sflag:s18] =	ssyncadd.s32 $0xFFFFF800  }
0x73: {  	_ =	swait.ge [sflag:s29], $0x4000  }
0x74: {  	[sflag:s29] =	ssyncset.done $0x0  }
0x75: {  	s19 =	rddreg [dreg:$0xa];
	[sflag:s29] =	ssyncadd.s32 $0xFFFFC000  }
0x76: {  	[tilespmem:s24], [sflag:$0x2] =	stream.indirect.gather [hbm4b:s1+s23], $0x80, s19, s23, $0xb8;
	[tilespmem:$0x1F580] =	vst v63  }
0x77: {  	_ =	swait.ge [sflag:s25], $0x4000  }
0x78: {  	[sflag:s25] =	ssyncset.done $0x0  }
0x79: {  	[sflag:s25] =	ssyncadd.s32 $0xFFFFC000  }
0x7a: {  	[spmem:s4] =	stream.indirect.scatter.add.f32 [tilespmem:s6], [sflag:$0x3], $0x80, s0, s23, $0xb8;
	[tilespmem:$0x1F580] =	vst v63  }
0x7b: {  	_ = 	snop  }
0x7c: {  	[spmem:s5] =	stream.indirect.scatter.add.f32 [tilespmem:s20], [sflag:$0x5], $0x10, s0, s23, $0xb8;
	[tilespmem:$0x1F580] =	vst v63  }
0x7d: {  	_ =	swait.ge [sflag:s18], $0x800  }
0x7e: {  	[sflag:s18] =	ssyncset.done $0x0  }
0x7f: {  	[sflag:s18] =	ssyncadd.s32 $0xFFFFF800  }
0x80: {  	_ =	swait.ge [sflag:s26], $0x4000  }
0x81: {  	[sflag:s26] =	ssyncset.done $0x0  }
0x82: {  	s19 =	rddreg [dreg:$0xb];
	[sflag:s26] =	ssyncadd.s32 $0xFFFFC000  }
0x83: {  	[tilespmem:s6], [sflag:$0x1] =	stream.indirect.gather [hbm4b:s1+s23], $0x80, s19, s23, $0xb8;
	[tilespmem:$0x1F580] =	vst v63  }
0x84: {  	_ =	swait.ge [sflag:s11], $0x4000  }
0x85: {  	[sflag:s11] =	ssyncset.done $0x0  }
0x86: {  	[sflag:s11] =	ssyncadd.s32 $0xFFFFC000  }
0x87: {  	[spmem:s4] =	stream.indirect.scatter.add.f32 [tilespmem:s24], [sflag:$0x4], $0x80, s2, s23, $0xb8;
	[tilespmem:$0x1F580] =	vst v63  }
0x88: {  	_ = 	snop  }
0x89: {  	[spmem:s5] =	stream.indirect.scatter.add.f32 [tilespmem:s20], [sflag:$0x5], $0x10, s2, s23, $0xb8;
	[tilespmem:$0x1F580] =	vst v63  }
0x8a: {  	_ =	swait.ge [sflag:s18], $0x800  }
0x8b: {  	[sflag:s18] =	ssyncset.done $0x0  }
0x8c: {  	[sflag:s18] =	ssyncadd.s32 $0xFFFFF800  }
0x8d: {  	_ =	swait.ge [sflag:s29], $0x4000  }
0x8e: {  	[sflag:s29] =	ssyncset.done $0x0  }
0x8f: {  	s19 =	rddreg [dreg:$0xc];
	[sflag:s29] =	ssyncadd.s32 $0xFFFFC000  }
0x90: {  	[tilespmem:s24], [sflag:$0x2] =	stream.indirect.gather [hbm4b:s1+s23], $0x80, s19, s23, $0xb8;
	[tilespmem:$0x1F580] =	vst v63  }
0x91: {  	_ =	swait.ge [sflag:s25], $0x4000  }
0x92: {  	[sflag:s25] =	ssyncset.done $0x0  }
0x93: {  	[sflag:s25] =	ssyncadd.s32 $0xFFFFC000  }
0x94: {  	[spmem:s4] =	stream.indirect.scatter.add.f32 [tilespmem:s6], [sflag:$0x3], $0x80, s3, s23, $0xb8;
	[tilespmem:$0x1F580] =	vst v63  }
0x95: {  	_ = 	snop  }
0x96: {  	[spmem:s5] =	stream.indirect.scatter.add.f32 [tilespmem:s20], [sflag:$0x5], $0x10, s3, s23, $0xb8;
	[tilespmem:$0x1F580] =	vst v63  }
0x97: {  	_ =	swait.ge [sflag:s18], $0x800  }
0x98: {  	[sflag:s18] =	ssyncset.done $0x0  }
0x99: {  	[sflag:s18] =	ssyncadd.s32 $0xFFFFF800  }
0x9a: {  	_ =	swait.ge [sflag:s26], $0x4000  }
0x9b: {  	[sflag:s26] =	ssyncset.done $0x0  }
0x9c: {  	s19 =	rddreg [dreg:$0xd];
	[sflag:s26] =	ssyncadd.s32 $0xFFFFC000  }
0x9d: {  	[tilespmem:s6], [sflag:$0x1] =	stream.indirect.gather [hbm4b:s1+s23], $0x80, s19, s23, $0xb8;
	[tilespmem:$0x1F580] =	vst v63  }
0x9e: {  	_ =	swait.ge [sflag:s11], $0x4000  }
0x9f: {  	[sflag:s11] =	ssyncset.done $0x0  }
0xa0: {  	[sflag:s11] =	ssyncadd.s32 $0xFFFFC000  }
0xa1: {  	[spmem:s4] =	stream.indirect.scatter.add.f32 [tilespmem:s24], [sflag:$0x4], $0x80, s8, s23, $0xb8;
	[tilespmem:$0x1F580] =	vst v63  }
0xa2: {  	_ = 	snop  }
0xa3: {  	[spmem:s5] =	stream.indirect.scatter.add.f32 [tilespmem:s20], [sflag:$0x5], $0x10, s8, s23, $0xb8;
	[tilespmem:$0x1F580] =	vst v63  }
0xa4: {  	_ =	swait.ge [sflag:s18], $0x800  }
0xa5: {  	[sflag:s18] =	ssyncset.done $0x0  }
0xa6: {  	[sflag:s18] =	ssyncadd.s32 $0xFFFFF800  }
0xa7: {  	_ =	swait.ge [sflag:s29], $0x4000  }
0xa8: {  	[sflag:s29] =	ssyncset.done $0x0  }
0xa9: {  	s19 =	rddreg [dreg:$0xe];
	[sflag:s29] =	ssyncadd.s32 $0xFFFFC000  }
0xaa: {  	[tilespmem:s24], [sflag:$0x2] =	stream.indirect.gather [hbm4b:s1+s23], $0x80, s19, s23, $0xb8;
	[tilespmem:$0x1F580] =	vst v63  }
0xab: {  	_ =	swait.ge [sflag:s25], $0x4000  }
0xac: {  	[sflag:s25] =	ssyncset.done $0x0  }
0xad: {  	[sflag:s25] =	ssyncadd.s32 $0xFFFFC000  }
0xae: {  	[spmem:s4] =	stream.indirect.scatter.add.f32 [tilespmem:s6], [sflag:$0x3], $0x80, s10, s23, $0xb8;
	[tilespmem:$0x1F580] =	vst v63  }
0xaf: {  	_ = 	snop  }
0xb0: {  	[spmem:s5] =	stream.indirect.scatter.add.f32 [tilespmem:s20], [sflag:$0x5], $0x10, s10, s23, $0xb8;
	[tilespmem:$0x1F580] =	vst v63  }
0xb1: {  	_ =	swait.ge [sflag:s18], $0x800  }
0xb2: {  	[sflag:s18] =	ssyncset.done $0x0  }
0xb3: {  	[sflag:s18] =	ssyncadd.s32 $0xFFFFF800  }
0xb4: {  	_ =	swait.ge [sflag:s11], $0x4000  }
0xb5: {  	[sflag:s11] =	ssyncset.done $0x0  }
0xb6: {  	[sflag:s11] =	ssyncadd.s32 $0xFFFFC000  }
0xb7: {  	[spmem:s4] =	stream.indirect.scatter.add.f32 [tilespmem:s24], [sflag:$0x4], $0x80, s13, s23, $0xb8;
	[tilespmem:$0x1F580] =	vst v63  }
0xb8: {  	_ = 	snop  }
0xb9: {  	[spmem:s5] =	stream.indirect.scatter.add.f32 [tilespmem:s20], [sflag:$0x5], $0x10, s13, s23, $0xb8;
	[tilespmem:$0x1F580] =	vst v63  }
0xba: {  	_ =	swait.ge [sflag:s18], $0x800  }
0xbb: {  	[sflag:s18] =	ssyncset.done $0x0  }
0xbc: {  	p1 =	sne.s32 s17, $0x1;
	[sflag:s18] =	ssyncadd.s32 $0xFFFFF800  }
.Ltmp1:
0xbd: {  	_ =	swait.ge [sflag:s26], $0x4000;
	(pc) =	sbr.rel @!p1 .LBB2_5-.Ltmp1, $4  }
0xbe: {  	[sflag:s26] =	ssyncset.done $0x0  }
0xbf: {  	s16 =	sadd.s32 $0x500, s15;
	[sflag:s26] =	ssyncadd.s32 $0xFFFFC000  }
0xc0: {  	s17 =	sadd.s32 $0xFFFFFFFF, s17;
	s19 =	sadd.s32 $0xFFFB0000, s16;
	_ =	swait.ge [sflag:s29], $0x4000  }
0xc1: {  	p0 =	por $0x1, $0x1;
	s19 =	sshrl.u32 s19, $0x3;
	[sflag:s29] =	ssyncset.done $0x0  }
.LBB2_4:
0xc2: {  	s19 =	sadd.s32 s7, s19;
	[sflag:s29] =	ssyncadd.s32 $0xFFFFC000  }
0xc3: {  	[tilespmem:s21], [sflag:$0x5] =	stream.linear.gather [hbm4b:s19+s6], $0x500, $0x38;
	[tilespmem:$0x1F580] =	vst v63  }
0xc4: {  	_ =	swait.ge [sflag:s18], $0x500  }
0xc5: {  	s19 =	sshrl.u32 s16, $0x3;
	[sflag:s18] =	ssyncset.done $0x0  }
0xc6: {  	s19 =	sadd.s32 s7, s19;
	[sflag:s18] =	ssyncadd.s32 $0xFFFFFB00  }
0xc7: {  	[tilespmem:s22], [sflag:$0x5] =	stream.linear.gather [hbm4b:s19+s6], $0x500, $0x38;
	[tilespmem:$0x1F580] =	vst v63  }
0xc8: {  	_ =	swait.ge [sflag:s18], $0x500  }
0xc9: {  	[sflag:s18] =	ssyncset.done $0x0  }
0xca: {  	[sflag:s18] =	ssyncadd.s32 $0xFFFFFB00  }
0xcb: {  	[tilespmem:s6], [sflag:$0x1] =	stream.indirect.gather [hbm4b:s1+s23], $0x80, s21, s23, $0xb8;
	[tilespmem:$0x1F580] =	vst v63  }
0xcc: {  	s19 =	rddreg [dreg:$0x6]  }
0xcd: {  	[tilespmem:s24], [sflag:$0x2] =	stream.indirect.gather [hbm4b:s1+s23], $0x80, s19, s23, $0xb8;
	[tilespmem:$0x1F580] =	vst v63  }
0xce: {  	_ =	swait.ge [sflag:s25], $0x4000  }
0xcf: {  	[sflag:s25] =	ssyncset.done $0x0  }
0xd0: {  	[sflag:s25] =	ssyncadd.s32 $0xFFFFC000  }
0xd1: {  	[spmem:s4] =	stream.indirect.scatter.add.f32 [tilespmem:s6], [sflag:$0x3], $0x80, s22, s23, $0xb8;
	[tilespmem:$0x1F580] =	vst v63  }
0xd2: {  	_ = 	snop  }
0xd3: {  	[spmem:s5] =	stream.indirect.scatter.add.f32 [tilespmem:s20], [sflag:$0x5], $0x10, s22, s23, $0xb8;
	[tilespmem:$0x1F580] =	vst v63  }
0xd4: {  	_ =	swait.ge [sflag:s18], $0x800  }
0xd5: {  	[sflag:s18] =	ssyncset.done $0x0  }
0xd6: {  	[sflag:s18] =	ssyncadd.s32 $0xFFFFF800  }
0xd7: {  	_ =	swait.ge [sflag:s26], $0x4000  }
0xd8: {  	[sflag:s26] =	ssyncset.done $0x0  }
0xd9: {  	s19 =	rddreg [dreg:$0x7];
	[sflag:s26] =	ssyncadd.s32 $0xFFFFC000  }
0xda: {  	[tilespmem:s6], [sflag:$0x1] =	stream.indirect.gather [hbm4b:s1+s23], $0x80, s19, s23, $0xb8;
	[tilespmem:$0x1F580] =	vst v63  }
0xdb: {  	_ =	swait.ge [sflag:s11], $0x4000  }
0xdc: {  	[sflag:s11] =	ssyncset.done $0x0  }
0xdd: {  	[sflag:s11] =	ssyncadd.s32 $0xFFFFC000  }
0xde: {  	[spmem:s4] =	stream.indirect.scatter.add.f32 [tilespmem:s24], [sflag:$0x4], $0x80, s28, s23, $0xb8;
	[tilespmem:$0x1F580] =	vst v63  }
0xdf: {  	_ = 	snop  }
0xe0: {  	[spmem:s5] =	stream.indirect.scatter.add.f32 [tilespmem:s20], [sflag:$0x5], $0x10, s28, s23, $0xb8;
	[tilespmem:$0x1F580] =	vst v63  }
0xe1: {  	_ =	swait.ge [sflag:s18], $0x800  }
0xe2: {  	[sflag:s18] =	ssyncset.done $0x0  }
0xe3: {  	[sflag:s18] =	ssyncadd.s32 $0xFFFFF800  }
0xe4: {  	_ =	swait.ge [sflag:s29], $0x4000  }
0xe5: {  	[sflag:s29] =	ssyncset.done $0x0  }
0xe6: {  	s19 =	rddreg [dreg:$0x8];
	[sflag:s29] =	ssyncadd.s32 $0xFFFFC000  }
0xe7: {  	[tilespmem:s24], [sflag:$0x2] =	stream.indirect.gather [hbm4b:s1+s23], $0x80, s19, s23, $0xb8;
	[tilespmem:$0x1F580] =	vst v63  }
0xe8: {  	_ =	swait.ge [sflag:s25], $0x4000  }
0xe9: {  	[sflag:s25] =	ssyncset.done $0x0  }
0xea: {  	[sflag:s25] =	ssyncadd.s32 $0xFFFFC000  }
0xeb: {  	[spmem:s4] =	stream.indirect.scatter.add.f32 [tilespmem:s6], [sflag:$0x3], $0x80, s30, s23, $0xb8;
	[tilespmem:$0x1F580] =	vst v63  }
0xec: {  	_ = 	snop  }
0xed: {  	[spmem:s5] =	stream.indirect.scatter.add.f32 [tilespmem:s20], [sflag:$0x5], $0x10, s30, s23, $0xb8;
	[tilespmem:$0x1F580] =	vst v63  }
0xee: {  	_ =	swait.ge [sflag:s18], $0x800  }
0xef: {  	[sflag:s18] =	ssyncset.done $0x0  }
0xf0: {  	[sflag:s18] =	ssyncadd.s32 $0xFFFFF800  }
0xf1: {  	_ =	swait.ge [sflag:s26], $0x4000  }
0xf2: {  	[sflag:s26] =	ssyncset.done $0x0  }
0xf3: {  	s19 =	rddreg [dreg:$0x9];
	[sflag:s26] =	ssyncadd.s32 $0xFFFFC000  }
0xf4: {  	[tilespmem:s6], [sflag:$0x1] =	stream.indirect.gather [hbm4b:s1+s23], $0x80, s19, s23, $0xb8;
	[tilespmem:$0x1F580] =	vst v63  }
0xf5: {  	_ =	swait.ge [sflag:s11], $0x4000  }
0xf6: {  	[sflag:s11] =	ssyncset.done $0x0  }
0xf7: {  	[sflag:s11] =	ssyncadd.s32 $0xFFFFC000  }
0xf8: {  	[spmem:s4] =	stream.indirect.scatter.add.f32 [tilespmem:s24], [sflag:$0x4], $0x80, s31, s23, $0xb8;
	[tilespmem:$0x1F580] =	vst v63  }
0xf9: {  	_ = 	snop  }
0xfa: {  	[spmem:s5] =	stream.indirect.scatter.add.f32 [tilespmem:s20], [sflag:$0x5], $0x10, s31, s23, $0xb8;
	[tilespmem:$0x1F580] =	vst v63  }
0xfb: {  	_ =	swait.ge [sflag:s18], $0x800  }
0xfc: {  	[sflag:s18] =	ssyncset.done $0x0  }
0xfd: {  	[sflag:s18] =	ssyncadd.s32 $0xFFFFF800  }
0xfe: {  	_ =	swait.ge [sflag:s29], $0x4000  }
0xff: {  	[sflag:s29] =	ssyncset.done $0x0  }
0x100: {  	s19 =	rddreg [dreg:$0xa];
	[sflag:s29] =	ssyncadd.s32 $0xFFFFC000  }
0x101: {  	[tilespmem:s24], [sflag:$0x2] =	stream.indirect.gather [hbm4b:s1+s23], $0x80, s19, s23, $0xb8;
	[tilespmem:$0x1F580] =	vst v63  }
0x102: {  	_ =	swait.ge [sflag:s25], $0x4000  }
0x103: {  	[sflag:s25] =	ssyncset.done $0x0  }
0x104: {  	[sflag:s25] =	ssyncadd.s32 $0xFFFFC000  }
0x105: {  	[spmem:s4] =	stream.indirect.scatter.add.f32 [tilespmem:s6], [sflag:$0x3], $0x80, s0, s23, $0xb8;
	[tilespmem:$0x1F580] =	vst v63  }
0x106: {  	_ = 	snop  }
0x107: {  	[spmem:s5] =	stream.indirect.scatter.add.f32 [tilespmem:s20], [sflag:$0x5], $0x10, s0, s23, $0xb8;
	[tilespmem:$0x1F580] =	vst v63  }
0x108: {  	_ =	swait.ge [sflag:s18], $0x800  }
0x109: {  	[sflag:s18] =	ssyncset.done $0x0  }
0x10a: {  	[sflag:s18] =	ssyncadd.s32 $0xFFFFF800  }
0x10b: {  	_ =	swait.ge [sflag:s26], $0x4000  }
0x10c: {  	[sflag:s26] =	ssyncset.done $0x0  }
0x10d: {  	s19 =	rddreg [dreg:$0xb];
	[sflag:s26] =	ssyncadd.s32 $0xFFFFC000  }
0x10e: {  	[tilespmem:s6], [sflag:$0x1] =	stream.indirect.gather [hbm4b:s1+s23], $0x80, s19, s23, $0xb8;
	[tilespmem:$0x1F580] =	vst v63  }
0x10f: {  	_ =	swait.ge [sflag:s11], $0x4000  }
0x110: {  	[sflag:s11] =	ssyncset.done $0x0  }
0x111: {  	[sflag:s11] =	ssyncadd.s32 $0xFFFFC000  }
0x112: {  	[spmem:s4] =	stream.indirect.scatter.add.f32 [tilespmem:s24], [sflag:$0x4], $0x80, s2, s23, $0xb8;
	[tilespmem:$0x1F580] =	vst v63  }
0x113: {  	_ = 	snop  }
0x114: {  	[spmem:s5] =	stream.indirect.scatter.add.f32 [tilespmem:s20], [sflag:$0x5], $0x10, s2, s23, $0xb8;
	[tilespmem:$0x1F580] =	vst v63  }
0x115: {  	_ =	swait.ge [sflag:s18], $0x800  }
0x116: {  	[sflag:s18] =	ssyncset.done $0x0  }
0x117: {  	[sflag:s18] =	ssyncadd.s32 $0xFFFFF800  }
0x118: {  	_ =	swait.ge [sflag:s29], $0x4000  }
0x119: {  	[sflag:s29] =	ssyncset.done $0x0  }
0x11a: {  	s19 =	rddreg [dreg:$0xc];
	[sflag:s29] =	ssyncadd.s32 $0xFFFFC000  }
0x11b: {  	[tilespmem:s24], [sflag:$0x2] =	stream.indirect.gather [hbm4b:s1+s23], $0x80, s19, s23, $0xb8;
	[tilespmem:$0x1F580] =	vst v63  }
0x11c: {  	_ =	swait.ge [sflag:s25], $0x4000  }
0x11d: {  	[sflag:s25] =	ssyncset.done $0x0  }
0x11e: {  	[sflag:s25] =	ssyncadd.s32 $0xFFFFC000  }
0x11f: {  	[spmem:s4] =	stream.indirect.scatter.add.f32 [tilespmem:s6], [sflag:$0x3], $0x80, s3, s23, $0xb8;
	[tilespmem:$0x1F580] =	vst v63  }
0x120: {  	_ = 	snop  }
0x121: {  	[spmem:s5] =	stream.indirect.scatter.add.f32 [tilespmem:s20], [sflag:$0x5], $0x10, s3, s23, $0xb8;
	[tilespmem:$0x1F580] =	vst v63  }
0x122: {  	_ =	swait.ge [sflag:s18], $0x800  }
0x123: {  	[sflag:s18] =	ssyncset.done $0x0  }
0x124: {  	[sflag:s18] =	ssyncadd.s32 $0xFFFFF800  }
0x125: {  	_ =	swait.ge [sflag:s26], $0x4000  }
0x126: {  	[sflag:s26] =	ssyncset.done $0x0  }
0x127: {  	s19 =	rddreg [dreg:$0xd];
	[sflag:s26] =	ssyncadd.s32 $0xFFFFC000  }
0x128: {  	[tilespmem:s6], [sflag:$0x1] =	stream.indirect.gather [hbm4b:s1+s23], $0x80, s19, s23, $0xb8;
	[tilespmem:$0x1F580] =	vst v63  }
0x129: {  	_ =	swait.ge [sflag:s11], $0x4000  }
0x12a: {  	[sflag:s11] =	ssyncset.done $0x0  }
0x12b: {  	[sflag:s11] =	ssyncadd.s32 $0xFFFFC000  }
0x12c: {  	[spmem:s4] =	stream.indirect.scatter.add.f32 [tilespmem:s24], [sflag:$0x4], $0x80, s8, s23, $0xb8;
	[tilespmem:$0x1F580] =	vst v63  }
0x12d: {  	_ = 	snop  }
0x12e: {  	[spmem:s5] =	stream.indirect.scatter.add.f32 [tilespmem:s20], [sflag:$0x5], $0x10, s8, s23, $0xb8;
	[tilespmem:$0x1F580] =	vst v63  }
0x12f: {  	_ =	swait.ge [sflag:s18], $0x800  }
0x130: {  	[sflag:s18] =	ssyncset.done $0x0  }
0x131: {  	[sflag:s18] =	ssyncadd.s32 $0xFFFFF800  }
0x132: {  	_ =	swait.ge [sflag:s29], $0x4000  }
0x133: {  	[sflag:s29] =	ssyncset.done $0x0  }
0x134: {  	s19 =	rddreg [dreg:$0xe];
	[sflag:s29] =	ssyncadd.s32 $0xFFFFC000  }
0x135: {  	[tilespmem:s24], [sflag:$0x2] =	stream.indirect.gather [hbm4b:s1+s23], $0x80, s19, s23, $0xb8;
	[tilespmem:$0x1F580] =	vst v63  }
0x136: {  	_ =	swait.ge [sflag:s25], $0x4000  }
0x137: {  	[sflag:s25] =	ssyncset.done $0x0  }
0x138: {  	[sflag:s25] =	ssyncadd.s32 $0xFFFFC000  }
0x139: {  	[spmem:s4] =	stream.indirect.scatter.add.f32 [tilespmem:s6], [sflag:$0x3], $0x80, s10, s23, $0xb8;
	[tilespmem:$0x1F580] =	vst v63  }
0x13a: {  	_ = 	snop  }
0x13b: {  	[spmem:s5] =	stream.indirect.scatter.add.f32 [tilespmem:s20], [sflag:$0x5], $0x10, s10, s23, $0xb8;
	[tilespmem:$0x1F580] =	vst v63  }
0x13c: {  	_ =	swait.ge [sflag:s18], $0x800  }
0x13d: {  	[sflag:s18] =	ssyncset.done $0x0  }
0x13e: {  	[sflag:s18] =	ssyncadd.s32 $0xFFFFF800  }
0x13f: {  	_ =	swait.ge [sflag:s11], $0x4000  }
0x140: {  	[sflag:s11] =	ssyncset.done $0x0  }
0x141: {  	[sflag:s11] =	ssyncadd.s32 $0xFFFFC000  }
0x142: {  	[spmem:s4] =	stream.indirect.scatter.add.f32 [tilespmem:s24], [sflag:$0x4], $0x80, s13, s23, $0xb8;
	[tilespmem:$0x1F580] =	vst v63  }
0x143: {  	_ = 	snop  }
0x144: {  	[spmem:s5] =	stream.indirect.scatter.add.f32 [tilespmem:s20], [sflag:$0x5], $0x10, s13, s23, $0xb8;
	[tilespmem:$0x1F580] =	vst v63  }
0x145: {  	_ =	swait.ge [sflag:s18], $0x800  }
0x146: {  	[sflag:s18] =	ssyncset.done $0x0  }
0x147: {  	p1 =	sne.s32 s17, $0x1;
	[sflag:s18] =	ssyncadd.s32 $0xFFFFF800  }
.Ltmp2:
0x148: {  	_ =	swait.ge [sflag:s26], $0x4000;
	(pc) =	sbr.rel @p1 .LBB2_4-.Ltmp2, $4  }
0x149: {  	[sflag:s26] =	ssyncset.done $0x0  }
0x14a: {  	s16 =	sadd.s32 $0x500, s16;
	[sflag:s26] =	ssyncadd.s32 $0xFFFFC000  }
0x14b: {  	s19 =	sadd.s32 $0xFFFB0000, s16;
	_ =	swait.ge [sflag:s29], $0x4000  }
0x14c: {  	s17 =	sadd.s32 $0xFFFFFFFF, s17;
	s19 =	sshrl.u32 s19, $0x3;
	[sflag:s29] =	ssyncset.done $0x0  }
.LBB2_5:
0x14d: {  	s17 =	sadd.s32 s7, s19;
	[sflag:s29] =	ssyncadd.s32 @p0 $0xFFFFC000  }
0x14e: {  	[tilespmem:s21], [sflag:$0x5] =	stream.linear.gather [hbm4b:s17+s6], $0x500, $0x38;
	[tilespmem:$0x1F580] =	vst v63  }
0x14f: {  	_ =	swait.ge [sflag:s18], $0x500  }
0x150: {  	s16 =	sshrl.u32 s16, $0x3;
	[sflag:s18] =	ssyncset.done $0x0  }
0x151: {  	s16 =	sadd.s32 s7, s16;
	[sflag:s18] =	ssyncadd.s32 $0xFFFFFB00  }
0x152: {  	[tilespmem:s22], [sflag:$0x5] =	stream.linear.gather [hbm4b:s16+s6], $0x500, $0x38;
	[tilespmem:$0x1F580] =	vst v63  }
0x153: {  	_ =	swait.ge [sflag:s18], $0x500  }
0x154: {  	[sflag:s18] =	ssyncset.done $0x0  }
0x155: {  	[sflag:s18] =	ssyncadd.s32 $0xFFFFFB00  }
0x156: {  	[tilespmem:s6], [sflag:$0x1] =	stream.indirect.gather [hbm4b:s1+s23], $0x80, s21, s23, $0xb8;
	[tilespmem:$0x1F580] =	vst v63  }
0x157: {  	s17 =	rddreg [dreg:$0x6]  }
0x158: {  	[tilespmem:s24], [sflag:$0x2] =	stream.indirect.gather [hbm4b:s1+s23], $0x80, s17, s23, $0xb8;
	[tilespmem:$0x1F580] =	vst v63  }
0x159: {  	_ =	swait.ge [sflag:s25], $0x4000  }
0x15a: {  	[sflag:s25] =	ssyncset.done $0x0  }
0x15b: {  	[sflag:s25] =	ssyncadd.s32 $0xFFFFC000  }
0x15c: {  	[spmem:s4] =	stream.indirect.scatter.add.f32 [tilespmem:s6], [sflag:$0x3], $0x80, s22, s23, $0xb8;
	[tilespmem:$0x1F580] =	vst v63  }
0x15d: {  	_ = 	snop  }
0x15e: {  	[spmem:s5] =	stream.indirect.scatter.add.f32 [tilespmem:s20], [sflag:$0x5], $0x10, s22, s23, $0xb8;
	[tilespmem:$0x1F580] =	vst v63  }
0x15f: {  	_ =	swait.ge [sflag:s18], $0x800  }
0x160: {  	[sflag:s18] =	ssyncset.done $0x0  }
0x161: {  	[sflag:s18] =	ssyncadd.s32 $0xFFFFF800  }
0x162: {  	_ =	swait.ge [sflag:s26], $0x4000  }
0x163: {  	[sflag:s26] =	ssyncset.done $0x0  }
0x164: {  	s19 =	rddreg [dreg:$0x7];
	[sflag:s26] =	ssyncadd.s32 $0xFFFFC000  }
0x165: {  	[tilespmem:s6], [sflag:$0x1] =	stream.indirect.gather [hbm4b:s1+s23], $0x80, s19, s23, $0xb8;
	[tilespmem:$0x1F580] =	vst v63  }
0x166: {  	_ =	swait.ge [sflag:s11], $0x4000  }
0x167: {  	[sflag:s11] =	ssyncset.done $0x0  }
0x168: {  	[sflag:s11] =	ssyncadd.s32 $0xFFFFC000  }
0x169: {  	[spmem:s4] =	stream.indirect.scatter.add.f32 [tilespmem:s24], [sflag:$0x4], $0x80, s28, s23, $0xb8;
	[tilespmem:$0x1F580] =	vst v63  }
0x16a: {  	_ = 	snop  }
0x16b: {  	[spmem:s5] =	stream.indirect.scatter.add.f32 [tilespmem:s20], [sflag:$0x5], $0x10, s28, s23, $0xb8;
	[tilespmem:$0x1F580] =	vst v63  }
0x16c: {  	_ =	swait.ge [sflag:s18], $0x800  }
0x16d: {  	[sflag:s18] =	ssyncset.done $0x0  }
0x16e: {  	[sflag:s18] =	ssyncadd.s32 $0xFFFFF800  }
0x16f: {  	_ =	swait.ge [sflag:s29], $0x4000  }
0x170: {  	[sflag:s29] =	ssyncset.done $0x0  }
0x171: {  	s17 =	rddreg [dreg:$0x8];
	[sflag:s29] =	ssyncadd.s32 $0xFFFFC000  }
0x172: {  	[tilespmem:s24], [sflag:$0x2] =	stream.indirect.gather [hbm4b:s1+s23], $0x80, s17, s23, $0xb8;
	[tilespmem:$0x1F580] =	vst v63  }
0x173: {  	_ =	swait.ge [sflag:s25], $0x4000  }
0x174: {  	[sflag:s25] =	ssyncset.done $0x0  }
0x175: {  	[sflag:s25] =	ssyncadd.s32 $0xFFFFC000  }
0x176: {  	[spmem:s4] =	stream.indirect.scatter.add.f32 [tilespmem:s6], [sflag:$0x3], $0x80, s30, s23, $0xb8;
	[tilespmem:$0x1F580] =	vst v63  }
0x177: {  	_ = 	snop  }
0x178: {  	[spmem:s5] =	stream.indirect.scatter.add.f32 [tilespmem:s20], [sflag:$0x5], $0x10, s30, s23, $0xb8;
	[tilespmem:$0x1F580] =	vst v63  }
0x179: {  	_ =	swait.ge [sflag:s18], $0x800  }
0x17a: {  	[sflag:s18] =	ssyncset.done $0x0  }
0x17b: {  	[sflag:s18] =	ssyncadd.s32 $0xFFFFF800  }
0x17c: {  	_ =	swait.ge [sflag:s26], $0x4000  }
0x17d: {  	[sflag:s26] =	ssyncset.done $0x0  }
0x17e: {  	s19 =	rddreg [dreg:$0x9];
	[sflag:s26] =	ssyncadd.s32 $0xFFFFC000  }
0x17f: {  	[tilespmem:s6], [sflag:$0x1] =	stream.indirect.gather [hbm4b:s1+s23], $0x80, s19, s23, $0xb8;
	[tilespmem:$0x1F580] =	vst v63  }
0x180: {  	_ =	swait.ge [sflag:s11], $0x4000  }
0x181: {  	[sflag:s11] =	ssyncset.done $0x0  }
0x182: {  	[sflag:s11] =	ssyncadd.s32 $0xFFFFC000  }
0x183: {  	[spmem:s4] =	stream.indirect.scatter.add.f32 [tilespmem:s24], [sflag:$0x4], $0x80, s31, s23, $0xb8;
	[tilespmem:$0x1F580] =	vst v63  }
0x184: {  	_ = 	snop  }
0x185: {  	[spmem:s5] =	stream.indirect.scatter.add.f32 [tilespmem:s20], [sflag:$0x5], $0x10, s31, s23, $0xb8;
	[tilespmem:$0x1F580] =	vst v63  }
0x186: {  	_ =	swait.ge [sflag:s18], $0x800  }
0x187: {  	[sflag:s18] =	ssyncset.done $0x0  }
0x188: {  	[sflag:s18] =	ssyncadd.s32 $0xFFFFF800  }
0x189: {  	_ =	swait.ge [sflag:s29], $0x4000  }
0x18a: {  	[sflag:s29] =	ssyncset.done $0x0  }
0x18b: {  	s17 =	rddreg [dreg:$0xa];
	[sflag:s29] =	ssyncadd.s32 $0xFFFFC000  }
0x18c: {  	[tilespmem:s24], [sflag:$0x2] =	stream.indirect.gather [hbm4b:s1+s23], $0x80, s17, s23, $0xb8;
	[tilespmem:$0x1F580] =	vst v63  }
0x18d: {  	_ =	swait.ge [sflag:s25], $0x4000  }
0x18e: {  	[sflag:s25] =	ssyncset.done $0x0  }
0x18f: {  	[sflag:s25] =	ssyncadd.s32 $0xFFFFC000  }
0x190: {  	[spmem:s4] =	stream.indirect.scatter.add.f32 [tilespmem:s6], [sflag:$0x3], $0x80, s0, s23, $0xb8;
	[tilespmem:$0x1F580] =	vst v63  }
0x191: {  	_ = 	snop  }
0x192: {  	[spmem:s5] =	stream.indirect.scatter.add.f32 [tilespmem:s20], [sflag:$0x5], $0x10, s0, s23, $0xb8;
	[tilespmem:$0x1F580] =	vst v63  }
0x193: {  	_ =	swait.ge [sflag:s18], $0x800  }
0x194: {  	[sflag:s18] =	ssyncset.done $0x0  }
0x195: {  	[sflag:s18] =	ssyncadd.s32 $0xFFFFF800  }
0x196: {  	_ =	swait.ge [sflag:s26], $0x4000  }
0x197: {  	[sflag:s26] =	ssyncset.done $0x0  }
0x198: {  	s19 =	rddreg [dreg:$0xb];
	[sflag:s26] =	ssyncadd.s32 $0xFFFFC000  }
0x199: {  	[tilespmem:s6], [sflag:$0x1] =	stream.indirect.gather [hbm4b:s1+s23], $0x80, s19, s23, $0xb8;
	[tilespmem:$0x1F580] =	vst v63  }
0x19a: {  	_ =	swait.ge [sflag:s11], $0x4000  }
0x19b: {  	[sflag:s11] =	ssyncset.done $0x0  }
0x19c: {  	[sflag:s11] =	ssyncadd.s32 $0xFFFFC000  }
0x19d: {  	[spmem:s4] =	stream.indirect.scatter.add.f32 [tilespmem:s24], [sflag:$0x4], $0x80, s2, s23, $0xb8;
	[tilespmem:$0x1F580] =	vst v63  }
0x19e: {  	_ = 	snop  }
0x19f: {  	[spmem:s5] =	stream.indirect.scatter.add.f32 [tilespmem:s20], [sflag:$0x5], $0x10, s2, s23, $0xb8;
	[tilespmem:$0x1F580] =	vst v63  }
0x1a0: {  	_ =	swait.ge [sflag:s18], $0x800  }
0x1a1: {  	[sflag:s18] =	ssyncset.done $0x0  }
0x1a2: {  	[sflag:s18] =	ssyncadd.s32 $0xFFFFF800  }
0x1a3: {  	_ =	swait.ge [sflag:s29], $0x4000  }
0x1a4: {  	[sflag:s29] =	ssyncset.done $0x0  }
0x1a5: {  	s17 =	rddreg [dreg:$0xc];
	[sflag:s29] =	ssyncadd.s32 $0xFFFFC000  }
0x1a6: {  	[tilespmem:s24], [sflag:$0x2] =	stream.indirect.gather [hbm4b:s1+s23], $0x80, s17, s23, $0xb8;
	[tilespmem:$0x1F580] =	vst v63  }
0x1a7: {  	_ =	swait.ge [sflag:s25], $0x4000  }
0x1a8: {  	[sflag:s25] =	ssyncset.done $0x0  }
0x1a9: {  	[sflag:s25] =	ssyncadd.s32 $0xFFFFC000  }
0x1aa: {  	[spmem:s4] =	stream.indirect.scatter.add.f32 [tilespmem:s6], [sflag:$0x3], $0x80, s3, s23, $0xb8;
	[tilespmem:$0x1F580] =	vst v63  }
0x1ab: {  	_ = 	snop  }
0x1ac: {  	[spmem:s5] =	stream.indirect.scatter.add.f32 [tilespmem:s20], [sflag:$0x5], $0x10, s3, s23, $0xb8;
	[tilespmem:$0x1F580] =	vst v63  }
0x1ad: {  	_ =	swait.ge [sflag:s18], $0x800  }
0x1ae: {  	[sflag:s18] =	ssyncset.done $0x0  }
0x1af: {  	[sflag:s18] =	ssyncadd.s32 $0xFFFFF800  }
0x1b0: {  	_ =	swait.ge [sflag:s26], $0x4000  }
0x1b1: {  	[sflag:s26] =	ssyncset.done $0x0  }
0x1b2: {  	s19 =	rddreg [dreg:$0xd];
	[sflag:s26] =	ssyncadd.s32 $0xFFFFC000  }
0x1b3: {  	[tilespmem:s6], [sflag:$0x1] =	stream.indirect.gather [hbm4b:s1+s23], $0x80, s19, s23, $0xb8;
	[tilespmem:$0x1F580] =	vst v63  }
0x1b4: {  	_ =	swait.ge [sflag:s11], $0x4000  }
0x1b5: {  	[sflag:s11] =	ssyncset.done $0x0  }
0x1b6: {  	[sflag:s11] =	ssyncadd.s32 $0xFFFFC000  }
0x1b7: {  	[spmem:s4] =	stream.indirect.scatter.add.f32 [tilespmem:s24], [sflag:$0x4], $0x80, s8, s23, $0xb8;
	[tilespmem:$0x1F580] =	vst v63  }
0x1b8: {  	_ = 	snop  }
0x1b9: {  	[spmem:s5] =	stream.indirect.scatter.add.f32 [tilespmem:s20], [sflag:$0x5], $0x10, s8, s23, $0xb8;
	[tilespmem:$0x1F580] =	vst v63  }
0x1ba: {  	_ =	swait.ge [sflag:s18], $0x800  }
0x1bb: {  	[sflag:s18] =	ssyncset.done $0x0  }
0x1bc: {  	[sflag:s18] =	ssyncadd.s32 $0xFFFFF800  }
0x1bd: {  	_ =	swait.ge [sflag:s29], $0x4000  }
0x1be: {  	[sflag:s29] =	ssyncset.done $0x0  }
0x1bf: {  	s17 =	rddreg [dreg:$0xe];
	[sflag:s29] =	ssyncadd.s32 $0xFFFFC000  }
0x1c0: {  	[tilespmem:s24], [sflag:$0x2] =	stream.indirect.gather [hbm4b:s1+s23], $0x80, s17, s23, $0xb8;
	[tilespmem:$0x1F580] =	vst v63  }
0x1c1: {  	_ =	swait.ge [sflag:s25], $0x4000  }
0x1c2: {  	[sflag:s25] =	ssyncset.done $0x0  }
0x1c3: {  	[sflag:s25] =	ssyncadd.s32 $0xFFFFC000  }
0x1c4: {  	[spmem:s4] =	stream.indirect.scatter.add.f32 [tilespmem:s6], [sflag:$0x3], $0x80, s10, s23, $0xb8;
	[tilespmem:$0x1F580] =	vst v63  }
0x1c5: {  	_ = 	snop  }
0x1c6: {  	[spmem:s5] =	stream.indirect.scatter.add.f32 [tilespmem:s20], [sflag:$0x5], $0x10, s10, s23, $0xb8;
	[tilespmem:$0x1F580] =	vst v63  }
0x1c7: {  	_ =	swait.ge [sflag:s18], $0x800  }
0x1c8: {  	[sflag:s18] =	ssyncset.done $0x0  }
0x1c9: {  	[sflag:s18] =	ssyncadd.s32 $0xFFFFF800  }
0x1ca: {  	_ =	swait.ge [sflag:s11], $0x4000  }
0x1cb: {  	[sflag:s11] =	ssyncset.done $0x0  }
0x1cc: {  	[sflag:s11] =	ssyncadd.s32 $0xFFFFC000  }
0x1cd: {  	[spmem:s4] =	stream.indirect.scatter.add.f32 [tilespmem:s24], [sflag:$0x4], $0x80, s13, s23, $0xb8;
	[tilespmem:$0x1F580] =	vst v63  }
0x1ce: {  	_ = 	snop  }
0x1cf: {  	[spmem:s5] =	stream.indirect.scatter.add.f32 [tilespmem:s20], [sflag:$0x5], $0x10, s13, s23, $0xb8;
	[tilespmem:$0x1F580] =	vst v63  }
0x1d0: {  	_ =	swait.ge [sflag:s18], $0x800  }
0x1d1: {  	[sflag:s18] =	ssyncset.done $0x0  }
0x1d2: {  	[sflag:s18] =	ssyncadd.s32 $0xFFFFF800  }
0x1d3: {  	_ =	swait.ge [sflag:s26], $0x4000  }
0x1d4: {  	[sflag:s26] =	ssyncset.done $0x0  }
0x1d5: {  	[sflag:s26] =	ssyncadd.s32 $0xFFFFC000  }
0x1d6: {  	_ =	swait.ge [sflag:s29], $0x4000  }
0x1d7: {  	[sflag:s29] =	ssyncset.done $0x0  }
0x1d8: {  	[sflag:s29] =	ssyncadd.s32 $0xFFFFC000  }
0x1d9: {  	[bflag:$0x0] =	sbarrier.arrive $0xFFFF  }
0x1da: {  	s19 =	rddreg [dreg:$0x11]  }
0x1db: {  	[hbm:s19], [sflag:s9] =	dma.local [spmem:s12], $0x2780  }
0x1dc: {  	_ =	swait.ge [sflag:s18], $0x2780  }
0x1dd: {  	s17 =	smov.u32 s12;
	[sflag:s18] =	ssyncset.done $0x0;
	s12 =	rddreg [dreg:$0x12]  }
0x1de: {  	s19 =	rddreg [dreg:$0x15];
	[sflag:s18] =	ssyncadd.s32 $0xFFFFD880  }
0x1df: {  	[hbm:s12], [sflag:s9] =	dma.local [spmem:s19], $0x4F0  }
0x1e0: {  	_ =	swait.ge [sflag:s18], $0x4F0  }
0x1e1: {  	s14 =	sadd.s32 $0x1, s14;
	s12 =	rddreg [dreg:$0x13]  }
0x1e2: {  	p0 =	sne.s32 s14, s12  }
.Ltmp3:
0x1e3: {  	_ = 	snop;
	(pc) =	sbr.rel @p0 .LBB2_1-.Ltmp3, $4  }
.Ltmp4:
0x1e4: {  	_ = 	snop;
	(pc) =	sbr.rel @!p0 .LBB2_6-.Ltmp4, $4  }
0x1e5: {  	_ = 	snop  }
0x1e6: {  	[sflag:s18] =	ssyncset.done $0x0  }
0x1e7: {  	[sflag:s18] =	ssyncadd.s32 $0xFFFFFB10  }
0x1e8: {  	_ = 	snop  }
.LBB2_2:
.Ltmp5:
0x1e9: {  	(pc) =	sbr.rel .LBB2_5-.Ltmp5, $2  }
0x1ea: {  	_ =	sdelay $0x2  }
0x1eb: {  	s16 =	smov.u32 s15  }
.LBB2_6:
0x1ec: {  	_ =	sfence.sel $0x180000  }
0x1ed: {  	[bflag:$0x0] =	sbarrier.arrive $0xFFFF  }
0x1ee: {  	_ =	strace $0x90000047  }
0x1ef: {  	s0 =	stileid.u32;
	[bflag:$0x2] =	sbarrier.arrive $0xFFFF  }
0x1f0: {  	p0 =	sne.s32 s0, $0x0;
	s0 =	rddreg [dreg:$0x5]  }
0x1f1: {  	s0 =	sadd.s32 @!p0 $0x100000, s0  }
0x1f2: {  	[sflag:s0] =	ssyncadd.tile.s32 @!p0 $0x1;
	_ =	shalt  }
.Lfunc_end2:
_tile_overlayer_lowered:
.L_overlay_start_2:
0x1f3: {  	(tag) =	ssettag $0x2  }
0x1f4: {  	s0 =	rddreg [dreg:$0x0];
	s2 =	stileid.u32  }
0x1f5: {  	s1 =	rddreg [dreg:$0x1];
	p0 =	sne.s32 s2, $0x0  }
0x1f6: {  	s3 =	rddreg [dreg:$0x2];
	[bflag:$0x3] =	sbarrier.arrive $0xFFFF;
	s2 =	simm.s32 @!p0 $0x1C05  }
0x1f7: {  	[timem:s3], [sflag:s2] =	dma.local @!p0 [hbm:s0], s1  }
0x1f8: {  	s0 =	simm.s32 @!p0 $0x5  }
0x1f9: {  	_ =	swait.ge @!p0 [sflag:s0], s1  }
0x1fa: {  	s1 =	ssub.s32 @!p0 $0x0, s1;
	[sflag:s0] =	ssyncset.done @!p0 $0x0  }
0x1fb: {  	[sflag:s0] =	ssyncadd.s32 @!p0 s1  }
0x1fc: {  	[bflag:$0x3] =	sbarrier.arrive $0xFFFF  }
0x1fd: {  	_ =	shalt  }

</sc_bundles>
